<compile_context>
chip_gen: v7x
topology: tpu7x:2x2x1
jax: 0.10.2.dev20260603
libtpu: 0.0.44.dev20260713+nightly
codegen_flags: <defaults>
</compile_context>

<pallas_src>
import functools

import jax
import jax.numpy as jnp
from jax import lax
from jax.experimental import pallas as pl
from jax.experimental.pallas import tpu as pltpu
from jax.experimental.pallas import tpu_sc as plsc

_L = 16
_NC, _NS = 2, 16
_B1, _B2, _B3 = 11, 11, 10
_NB1, _NB2, _NB3 = 1 << _B1, 1 << _B2, 1 << _B3


def _sortable_key(x):
    b = lax.bitcast_convert_type(x, jnp.int32)
    return b ^ (lax.shift_right_arithmetic(b, 31) & jnp.int32(0x7FFFFFFF))


def _scan_level(hc, hs, nbins, target_rank):
    iot = lax.iota(jnp.int32, _L)
    zi = jnp.zeros((_L,), jnp.int32)
    zf = jnp.zeros((_L,), jnp.float32)
    bpsb = nbins // _L // _L

    def sb_tot(sb, st):
        sbt_c, sbt_s = st
        acc_c = zi
        acc_s = zf
        for u in range(bpsb):
            sl = pl.ds((sb * bpsb + u) * _L, _L)
            acc_c = acc_c + hc[sl]
            acc_s = acc_s + hs[sl]
        sel = iot == sb
        return (jnp.where(sel, jnp.sum(acc_c), sbt_c),
                jnp.where(sel, jnp.sum(acc_s), sbt_s))

    sbt_c, sbt_s = lax.fori_loop(0, _L, sb_tot, (zi, zf))

    cum_c = jnp.cumsum(sbt_c)
    cum_s = jnp.cumsum(sbt_s)
    hitv = cum_c >= target_rank
    sbl = jnp.min(jnp.where(hitv, iot, jnp.int32(64)))
    selm = iot == sbl
    rc0 = jnp.sum(jnp.where(selm, cum_c - sbt_c, 0))
    rs0 = jnp.sum(jnp.where(selm, cum_s - sbt_s, 0.0))
    totc = jnp.sum(sbt_c)
    tots = jnp.sum(sbt_s)

    def body(u, st):
        found, b_sel, c_incl, s_incl, binc, bins_, rc, rs = st
        i = sbl * bpsb + u
        sl = pl.ds(i * _L, _L)
        c = hc[sl]
        s = hs[sl]
        blk_c = jnp.sum(c)
        blk_s = jnp.sum(s)
        rc_new = rc + blk_c

        def take(_):
            cc = jnp.cumsum(c)
            ss = jnp.cumsum(s)
            tot = rc + cc
            hit = tot >= target_rank
            lane = jnp.min(jnp.where(hit, iot, jnp.int32(64)))
            selb = iot == lane
            return (jnp.int32(1),
                    i * _L + lane,
                    jnp.sum(jnp.where(selb, tot, 0)),
                    rs + jnp.sum(jnp.where(selb, ss, 0.0)),
                    jnp.sum(jnp.where(selb, c, 0)),
                    jnp.sum(jnp.where(selb, s, 0.0)))

        def skip(_):
            return (found, b_sel, c_incl, s_incl, binc, bins_)

        pick = jnp.logical_and(found == 0, rc_new >= target_rank)
        found, b_sel, c_incl, s_incl, binc, bins_ = lax.cond(pick, take, skip, 0)
        return (found, b_sel, c_incl, s_incl, binc, bins_, rc_new, rs + blk_s)

    st0 = (jnp.int32(0), jnp.int32(0), jnp.int32(0), jnp.float32(0),
           jnp.int32(0), jnp.float32(0), rc0, rs0)
    st = lax.fori_loop(0, bpsb, body, st0)

    @plsc.parallel_loop(0, nbins // _L, unroll=4)
    def zero(i):
        sl = pl.ds(i * _L, _L)
        hc[sl] = zi
        hs[sl] = zf

    return st[1], st[2], st[3], st[4], st[5], totc, tots


def _sc_body(x_hbm, out_hbm, row_a, row_b, h1c, h1s, h2c, h2s, h3c, h3s,
             res_v, sem_a, sem_b, *, n, k_above, dup_thresh, rows_per_w):
    wid = lax.axis_index("s") * _NC + lax.axis_index("c")
    iot = lax.iota(jnp.int32, _L)
    ones_i = jnp.full((_L,), 1, jnp.int32)
    zi = jnp.zeros((_L,), jnp.int32)
    zf = jnp.zeros((_L,), jnp.float32)
    res_s = jnp.zeros((_L,), jnp.float32)
    res_c = jnp.ones((_L,), jnp.float32)
    nchunks = n // _L
    row0 = wid * rows_per_w
    bufs = (row_a, row_b)
    sems = (sem_a, sem_b)

    @plsc.parallel_loop(0, _NB1 // _L, unroll=4)
    def z12(i):
        sl = pl.ds(i * _L, _L)
        h1c[sl] = zi
        h1s[sl] = zf
        h2c[sl] = zi
        h2s[sl] = zf

    @plsc.parallel_loop(0, _NB3 // _L, unroll=4)
    def z3(i):
        sl = pl.ds(i * _L, _L)
        h3c[sl] = zi
        h3s[sl] = zf

    copies = [pltpu.async_copy(x_hbm.at[row0], row_a, sem_a)]
    for j in range(rows_per_w):
        if j + 1 < rows_per_w:
            copies.append(pltpu.async_copy(
                x_hbm.at[row0 + j + 1], bufs[(j + 1) % 2], sems[(j + 1) % 2]))
        copies[j].wait()
        row_v = bufs[j % 2]

        @plsc.parallel_loop(0, nchunks, unroll=8)
        def p1(i):
            x = row_v[pl.ds(i * _L, _L)]
            key = _sortable_key(x)
            idx = lax.shift_right_arithmetic(key, 32 - _B1) + jnp.int32(_NB1 // 2)
            plsc.addupdate_scatter(h1c, [idx], ones_i)
            plsc.addupdate_scatter(h1s, [idx], x)

        a1 = n - k_above + 1
        b1, c1, s1, bc1, bs1, t1c, t1s = _scan_level(h1c, h1s, _NB1, a1)
        g_c = t1c - c1
        g_s = t1s - s1
        k2 = k_above - g_c
        top1 = b1 - jnp.int32(_NB1 // 2)

        @plsc.parallel_loop(0, nchunks, unroll=8)
        def p2(i):
            x = row_v[pl.ds(i * _L, _L)]
            key = _sortable_key(x)
            m = lax.shift_right_arithmetic(key, 32 - _B1) == top1
            idx = lax.shift_right_logical(key, 32 - _B1 - _B2) & jnp.int32(_NB2 - 1)
            plsc.addupdate_scatter(h2c, [idx], ones_i, mask=m)
            plsc.addupdate_scatter(h2s, [idx], x, mask=m)

        a2 = bc1 - k2 + 1
        b2, c2, s2, bc2, bs2, t2c, t2s = _scan_level(h2c, h2s, _NB2, a2)
        g_c = g_c + (t2c - c2)
        g_s = g_s + (t2s - s2)
        k3 = k2 - (t2c - c2)
        pref2 = (top1 << _B2) | b2

        @plsc.parallel_loop(0, nchunks, unroll=8)
        def p3(i):
            x = row_v[pl.ds(i * _L, _L)]
            key = _sortable_key(x)
            m = lax.shift_right_arithmetic(key, _B3) == pref2
            idx = key & jnp.int32(_NB3 - 1)
            plsc.addupdate_scatter(h3c, [idx], ones_i, mask=m)
            plsc.addupdate_scatter(h3s, [idx], x, mask=m)

        a3 = bc2 - k3 + 1
        b3, c3, s3, bc3, bs3, t3c, t3s = _scan_level(h3c, h3s, _NB3, a3)
        c_gt = g_c + (t3c - c3)
        s_gt = g_s + (t3s - s3)
        c_ge = c_gt + bc3
        s_ge = s_gt + bs3

        dup = c_ge >= dup_thresh
        cnt = jnp.where(dup, c_gt, c_ge).astype(jnp.float32)
        ssum = jnp.where(dup, s_gt, s_ge)
        res_s = jnp.where(iot == j, ssum, res_s)
        res_c = jnp.where(iot == j, cnt, res_c)

    res_v[...] = res_s / res_c
    pltpu.sync_copy(res_v, out_hbm.at[wid])


def _tc_body(x_ref, out_ref, *, k_above, n_above_lo):
    x = x_ref[...]
    bits = jax.lax.bitcast_convert_type(x, jnp.int32)
    key = bits ^ (lax.shift_right_arithmetic(bits, 31) & jnp.int32(0x7FFFFFFF))
    t0 = jnp.full((x.shape[0], 1), jnp.int32(-(2 ** 31)), dtype=jnp.int32)

    def step(i, t):
        cand = t + jnp.left_shift(jnp.int32(1), jnp.int32(31) - i)
        cnt = jnp.sum((key >= cand).astype(jnp.int32), axis=1, keepdims=True)
        return jnp.where(cnt >= k_above, cand, t)

    t = lax.fori_loop(0, 32, step, t0)
    ge = key >= t
    gt = key > t
    c_ge = jnp.sum(ge.astype(jnp.int32), axis=1, keepdims=True)
    c_gt = jnp.sum(gt.astype(jnp.int32), axis=1, keepdims=True)
    s_ge = jnp.sum(jnp.where(ge, x, 0.0), axis=1, keepdims=True)
    s_gt = jnp.sum(jnp.where(gt, x, 0.0), axis=1, keepdims=True)
    dup = c_ge >= n_above_lo
    cnt = jnp.where(dup, c_gt, c_ge).astype(jnp.float32)
    s = jnp.where(dup, s_gt, s_ge)
    out_ref[...] = s / cnt


_SC_ROWS = 64


@jax.jit
def kernel(patch_logits):
    b, n = patch_logits.shape
    q = (100 - 10) / 100.0
    i0 = int(q * (n - 1))
    k_above = n - i0 - 1
    nw = _NC * _NS
    rows_per_w = _SC_ROWS // nw

    body = functools.partial(
        _sc_body, n=n, k_above=k_above, dup_thresh=n - i0,
        rows_per_w=rows_per_w)
    out_sc = pl.kernel(
        body,
        out_type=jax.ShapeDtypeStruct((nw, _L), jnp.float32),
        mesh=plsc.VectorSubcoreMesh(core_axis_name="c", subcore_axis_name="s",
                                    num_cores=_NC, num_subcores=_NS),
        compiler_params=pltpu.CompilerParams(needs_layout_passes=False),
        scratch_types=[
            pltpu.VMEM((n,), jnp.float32),
            pltpu.VMEM((n,), jnp.float32),
            pltpu.VMEM((_NB1,), jnp.int32),
            pltpu.VMEM((_NB1,), jnp.float32),
            pltpu.VMEM((_NB2,), jnp.int32),
            pltpu.VMEM((_NB2,), jnp.float32),
            pltpu.VMEM((_NB3,), jnp.int32),
            pltpu.VMEM((_NB3,), jnp.float32),
            pltpu.VMEM((_L,), jnp.float32),
            pltpu.SemaphoreType.DMA,
            pltpu.SemaphoreType.DMA,
        ],
    )(patch_logits)
    out_sc = out_sc[:, :rows_per_w].reshape(_SC_ROWS, 1)

    tc_rows = b - _SC_ROWS
    rows_per_block = 16
    blk0 = _SC_ROWS // rows_per_block
    out_tc = pl.pallas_call(
        functools.partial(_tc_body, k_above=k_above, n_above_lo=n - i0),
        grid=(tc_rows // rows_per_block,),
        in_specs=[pl.BlockSpec((rows_per_block, n), lambda i: (i + blk0, 0))],
        out_specs=pl.BlockSpec((rows_per_block, 1), lambda i: (i, 0)),
        out_shape=jax.ShapeDtypeStruct((tc_rows, 1), jnp.float32),
    )(patch_logits)

    return jnp.concatenate([out_sc, out_tc], axis=0)

# --- scband reference (transcript-rebuilt; emitter-appended) ---
"""Pipeline reference for scband-percentile-pooling-50637664420181 (READ-ONLY COPY).

The authoritative reference and input builder live on the scoring server;
editing this copy changes nothing except your own understanding.
"""

import jax, jax.numpy as jnp
import numpy as np

PERCENTILE_K = 10

def setup_inputs(seed: int = 0) -> dict:
    key = jax.random.key(seed)
    patch_logits = jax.random.normal(key, (128, 32768), dtype=jnp.float32)
    return {"patch_logits": patch_logits}

def reference(patch_logits):
    # Faithful translation of PercentilePooling.forward for a 2-D input.
    # torch.quantile(dim=1, keepdim=True) with default linear interpolation
    # == jnp.quantile(axis=1, keepdims=True) (default 'linear').
    batch_size = patch_logits.shape[0]
    patch_logits_flat = patch_logits.reshape(batch_size, -1)
    percentile = 100 - PERCENTILE_K
    thresholds = jnp.quantile(patch_logits_flat, percentile / 100.0, axis=1, keepdims=True)
    # Torch does boolean masking then view(batch_size, -1) then mean(dim=1).
    # With continuous (a.s. distinct) values the count of elements strictly
    # above the interpolated quantile is identical per row, so this equals
    # the per-row mean over the selected elements.
    mask = patch_logits_flat > thresholds
    sel_sum = jnp.sum(jnp.where(mask, patch_logits_flat, 0.0), axis=1, keepdims=True)
    sel_cnt = jnp.sum(mask, axis=1, keepdims=True).astype(patch_logits_flat.dtype)
    image_logits = sel_sum / sel_cnt
    return image_logits

if __name__ == "__main__":
    import jax
    _d = setup_inputs()
    print(jax.jit(kernel)(*tuple(_d.values())))

</pallas_src>

<mosaic_0001>
#map = affine_map<(d0, d1) -> (0, 0)>
module attributes {stable_mosaic.version = 14 : i64} {
  func.func @_sc_body(%arg0: i32, %arg1: i32, %arg2: memref<128x32768xf32, #tpu.memory_space<hbm>>, %arg3: memref<32x16xf32, #tpu.memory_space<hbm>>, %arg4: memref<32768xf32, #tpu.memory_space<vmem>>, %arg5: memref<32768xf32, #tpu.memory_space<vmem>>, %arg6: memref<2048xi32, #tpu.memory_space<vmem>>, %arg7: memref<2048xf32, #tpu.memory_space<vmem>>, %arg8: memref<2048xi32, #tpu.memory_space<vmem>>, %arg9: memref<2048xf32, #tpu.memory_space<vmem>>, %arg10: memref<1024xi32, #tpu.memory_space<vmem>>, %arg11: memref<1024xf32, #tpu.memory_space<vmem>>, %arg12: memref<16xf32, #tpu.memory_space<vmem>>, %arg13: memref<!tpu.dma_semaphore, #tpu.memory_space<semaphore_mem>>, %arg14: memref<!tpu.dma_semaphore, #tpu.memory_space<semaphore_mem>>) attributes {dimension_semantics = [#tpu.dimension_semantics<core_parallel>, #tpu.dimension_semantics<subcore_parallel>], iteration_bounds = array<i64: 2, 16>, scalar_prefetch = 0 : i64, scratch_operands = 11 : i64, tpu.core_type = #tpu.core_type<sc_vector_subcore>, window_params = [{transform_indices = #map}, {transform_indices = #map}]} {
    %mul3A = arith.constant 2 : i32
    %mul3A_0 = arith.muli %arg1, %mul3A : i32
    %add3A = arith.addi %mul3A_0, %arg0 : i32
    %iota3A = tpu.iota {dimensions = array<i32: 0>} : vector<16xi32>
    %broadcast_in_dim3A = arith.constant 1 : i32
    %broadcast_in_dim3A_1 = vector.broadcast %broadcast_in_dim3A : i32 to vector<16xi32>
    %broadcast_in_dim3A_2 = arith.constant 0 : i32
    %broadcast_in_dim3A_3 = vector.broadcast %broadcast_in_dim3A_2 : i32 to vector<16xi32>
    %broadcast_in_dim3A_4 = arith.constant 0.000000e+00 : f32
    %broadcast_in_dim3A_5 = vector.broadcast %broadcast_in_dim3A_4 : f32 to vector<16xf32>
    %broadcast_in_dim3A_6 = arith.constant 0.000000e+00 : f32
    %broadcast_in_dim3A_7 = vector.broadcast %broadcast_in_dim3A_6 : f32 to vector<16xf32>
    %broadcast_in_dim3A_8 = arith.constant 1.000000e+00 : f32
    %broadcast_in_dim3A_9 = vector.broadcast %broadcast_in_dim3A_8 : f32 to vector<16xf32>
    %mul3A_10 = arith.constant 2 : i32
    %mul3A_11 = arith.muli %add3A, %mul3A_10 : i32
    %parallel_loop3A = arith.constant 0 : i32
    %parallel_loop3A_12 = arith.constant 128 : i32
    %parallel_loop3A_13 = arith.constant 1 : i32
    scf.for %parallel_loop3A_562 = %parallel_loop3A to %parallel_loop3A_12 step %parallel_loop3A_13  : i32 {
      %parallel_loop3A_563 = arith.constant 16 : i32
      %parallel_loop3A_564 = arith.muli %parallel_loop3A_562, %parallel_loop3A_563 : i32
      %parallel_loop3A_565 = arith.index_cast %parallel_loop3A_564 : i32 to index
      %parallel_loop3A_566 = tpu.vector_load %arg6[%parallel_loop3A_565] {strides = array<i32>} : memref<2048xi32, #tpu.memory_space<vmem>>, vector<16xi32>,
      tpu.vector_store %arg6[%parallel_loop3A_565], %broadcast_in_dim3A_3 {strides = array<i32>} : memref<2048xi32, #tpu.memory_space<vmem>>, vector<16xi32>,
      %parallel_loop3A_567 = arith.index_cast %parallel_loop3A_564 : i32 to index
      %parallel_loop3A_568 = tpu.vector_load %arg7[%parallel_loop3A_567] {strides = array<i32>} : memref<2048xf32, #tpu.memory_space<vmem>>, vector<16xf32>,
      tpu.vector_store %arg7[%parallel_loop3A_567], %broadcast_in_dim3A_5 {strides = array<i32>} : memref<2048xf32, #tpu.memory_space<vmem>>, vector<16xf32>,
      %parallel_loop3A_569 = arith.index_cast %parallel_loop3A_564 : i32 to index
      %parallel_loop3A_570 = tpu.vector_load %arg8[%parallel_loop3A_569] {strides = array<i32>} : memref<2048xi32, #tpu.memory_space<vmem>>, vector<16xi32>,
      tpu.vector_store %arg8[%parallel_loop3A_569], %broadcast_in_dim3A_3 {strides = array<i32>} : memref<2048xi32, #tpu.memory_space<vmem>>, vector<16xi32>,
      %parallel_loop3A_571 = arith.index_cast %parallel_loop3A_564 : i32 to index
      %parallel_loop3A_572 = tpu.vector_load %arg9[%parallel_loop3A_571] {strides = array<i32>} : memref<2048xf32, #tpu.memory_space<vmem>>, vector<16xf32>,
      tpu.vector_store %arg9[%parallel_loop3A_571], %broadcast_in_dim3A_5 {strides = array<i32>} : memref<2048xf32, #tpu.memory_space<vmem>>, vector<16xf32>,
    } {sc.loop_unroll_factor = 4 : i64, sc.parallel_access}
    %parallel_loop3A_14 = arith.constant 0 : i32
    %parallel_loop3A_15 = arith.constant 64 : i32
    %parallel_loop3A_16 = arith.constant 1 : i32
    scf.for %parallel_loop3A_562 = %parallel_loop3A_14 to %parallel_loop3A_15 step %parallel_loop3A_16  : i32 {
      %parallel_loop3A_563 = arith.constant 16 : i32
      %parallel_loop3A_564 = arith.muli %parallel_loop3A_562, %parallel_loop3A_563 : i32
      %parallel_loop3A_565 = arith.index_cast %parallel_loop3A_564 : i32 to index
      %parallel_loop3A_566 = tpu.vector_load %arg10[%parallel_loop3A_565] {strides = array<i32>} : memref<1024xi32, #tpu.memory_space<vmem>>, vector<16xi32>,
      tpu.vector_store %arg10[%parallel_loop3A_565], %broadcast_in_dim3A_3 {strides = array<i32>} : memref<1024xi32, #tpu.memory_space<vmem>>, vector<16xi32>,
      %parallel_loop3A_567 = arith.index_cast %parallel_loop3A_564 : i32 to index
      %parallel_loop3A_568 = tpu.vector_load %arg11[%parallel_loop3A_567] {strides = array<i32>} : memref<1024xf32, #tpu.memory_space<vmem>>, vector<16xf32>,
      tpu.vector_store %arg11[%parallel_loop3A_567], %broadcast_in_dim3A_5 {strides = array<i32>} : memref<1024xf32, #tpu.memory_space<vmem>>, vector<16xf32>,
    } {sc.loop_unroll_factor = 4 : i64, sc.parallel_access}
    %dma_start3A = arith.constant 0 : i32
    %dma_start3A_17 = tpu.memref_slice %arg2[%mul3A_11, %dma_start3A] : memref<128x32768xf32, #tpu.memory_space<hbm>> -> memref<1x32768xf32, #tpu.memory_space<hbm>>
    %dma_start3A_18 = tpu.memref_squeeze %dma_start3A_17 : memref<1x32768xf32, #tpu.memory_space<hbm>> -> memref<32768xf32, #tpu.memory_space<hbm>>
    %dma_start3A_19 = arith.constant 0 : i32
    %dma_start3A_20 = tpu.memref_slice %arg2[%mul3A_11, %dma_start3A_19] : memref<128x32768xf32, #tpu.memory_space<hbm>> -> memref<1x32768xf32, #tpu.memory_space<hbm>>
    %dma_start3A_21 = tpu.memref_squeeze %dma_start3A_20 : memref<1x32768xf32, #tpu.memory_space<hbm>> -> memref<32768xf32, #tpu.memory_space<hbm>>
    tpu.enqueue_dma source(%dma_start3A_21 : memref<32768xf32, #tpu.memory_space<hbm>>) target(%arg4 : memref<32768xf32, #tpu.memory_space<vmem>>) target_semaphore(%arg13 : memref<!tpu.dma_semaphore, #tpu.memory_space<semaphore_mem>>)
    %add3A_22 = arith.constant 0 : i32
    %add3A_23 = arith.addi %mul3A_11, %add3A_22 : i32
    %add3A_24 = arith.constant 1 : i32
    %add3A_25 = arith.addi %add3A_23, %add3A_24 : i32
    %dma_start3A_26 = arith.constant 0 : i32
    %dma_start3A_27 = tpu.memref_slice %arg2[%add3A_25, %dma_start3A_26] : memref<128x32768xf32, #tpu.memory_space<hbm>> -> memref<1x32768xf32, #tpu.memory_space<hbm>>
    %dma_start3A_28 = tpu.memref_squeeze %dma_start3A_27 : memref<1x32768xf32, #tpu.memory_space<hbm>> -> memref<32768xf32, #tpu.memory_space<hbm>>
    %dma_start3A_29 = arith.constant 0 : i32
    %dma_start3A_30 = tpu.memref_slice %arg2[%add3A_25, %dma_start3A_29] : memref<128x32768xf32, #tpu.memory_space<hbm>> -> memref<1x32768xf32, #tpu.memory_space<hbm>>
    %dma_start3A_31 = tpu.memref_squeeze %dma_start3A_30 : memref<1x32768xf32, #tpu.memory_space<hbm>> -> memref<32768xf32, #tpu.memory_space<hbm>>
    tpu.enqueue_dma source(%dma_start3A_31 : memref<32768xf32, #tpu.memory_space<hbm>>) target(%arg5 : memref<32768xf32, #tpu.memory_space<vmem>>) target_semaphore(%arg14 : memref<!tpu.dma_semaphore, #tpu.memory_space<semaphore_mem>>)
    %dma_wait3A = arith.constant 0 : i32
    %dma_wait3A_32 = tpu.memref_slice %arg2[%mul3A_11, %dma_wait3A] : memref<128x32768xf32, #tpu.memory_space<hbm>> -> memref<1x32768xf32, #tpu.memory_space<hbm>>
    %dma_wait3A_33 = tpu.memref_squeeze %dma_wait3A_32 : memref<1x32768xf32, #tpu.memory_space<hbm>> -> memref<32768xf32, #tpu.memory_space<hbm>>
    %dma_wait3A_34 = arith.constant 0 : i32
    %dma_wait3A_35 = tpu.memref_slice %arg2[%mul3A_11, %dma_wait3A_34] : memref<128x32768xf32, #tpu.memory_space<hbm>> -> memref<1x32768xf32, #tpu.memory_space<hbm>>
    %dma_wait3A_36 = tpu.memref_squeeze %dma_wait3A_35 : memref<1x32768xf32, #tpu.memory_space<hbm>> -> memref<32768xf32, #tpu.memory_space<hbm>>
    tpu.wait_dma2 semaphore(%arg13 : memref<!tpu.dma_semaphore, #tpu.memory_space<semaphore_mem>>) src(%dma_wait3A_36 : memref<32768xf32, #tpu.memory_space<hbm>>) dst(%arg4 : memref<32768xf32, #tpu.memory_space<vmem>>)
    %parallel_loop3A_37 = arith.constant 0 : i32
    %parallel_loop3A_38 = arith.constant 2048 : i32
    %parallel_loop3A_39 = arith.constant 1 : i32
    scf.for %parallel_loop3A_562 = %parallel_loop3A_37 to %parallel_loop3A_38 step %parallel_loop3A_39  : i32 {
      %parallel_loop3A_563 = arith.constant 16 : i32
      %parallel_loop3A_564 = arith.muli %parallel_loop3A_562, %parallel_loop3A_563 : i32
      %parallel_loop3A_565 = arith.index_cast %parallel_loop3A_564 : i32 to index
      %parallel_loop3A_566 = tpu.vector_load %arg4[%parallel_loop3A_565] {strides = array<i32>} : memref<32768xf32, #tpu.memory_space<vmem>>, vector<16xf32>,
      %parallel_loop3A_567 = tpu.bitcast %parallel_loop3A_566 : vector<16xf32> -> vector<16xi32>
      %parallel_loop3A_568 = arith.constant 31 : i32
      %parallel_loop3A_569 = vector.broadcast %parallel_loop3A_568 : i32 to vector<16xi32>
      %parallel_loop3A_570 = arith.shrsi %parallel_loop3A_567, %parallel_loop3A_569 : vector<16xi32>
      %parallel_loop3A_571 = arith.constant 2147483647 : i32
      %parallel_loop3A_572 = vector.broadcast %parallel_loop3A_571 : i32 to vector<16xi32>
      %parallel_loop3A_573 = arith.andi %parallel_loop3A_570, %parallel_loop3A_572 : vector<16xi32>
      %parallel_loop3A_574 = arith.xori %parallel_loop3A_567, %parallel_loop3A_573 : vector<16xi32>
      %parallel_loop3A_575 = arith.constant 21 : i32
      %parallel_loop3A_576 = vector.broadcast %parallel_loop3A_575 : i32 to vector<16xi32>
      %parallel_loop3A_577 = arith.shrsi %parallel_loop3A_574, %parallel_loop3A_576 : vector<16xi32>
      %parallel_loop3A_578 = arith.constant 1024 : i32
      %parallel_loop3A_579 = vector.broadcast %parallel_loop3A_578 : i32 to vector<16xi32>
      %parallel_loop3A_580 = arith.addi %parallel_loop3A_577, %parallel_loop3A_579 : vector<16xi32>
      tpu.vector_store_idx %arg6[%parallel_loop3A_580], %broadcast_in_dim3A_1 {add = true} : memref<2048xi32, #tpu.memory_space<vmem>>[vector<16xi32>], vector<16xi32>,
      tpu.vector_store_idx %arg7[%parallel_loop3A_580], %parallel_loop3A_566 {add = true} : memref<2048xf32, #tpu.memory_space<vmem>>[vector<16xi32>], vector<16xf32>,
    } {sc.loop_unroll_factor = 8 : i64, sc.parallel_access}
    %iota3A_40 = tpu.iota {dimensions = array<i32: 0>} : vector<16xi32>
    %broadcast_in_dim3A_41 = arith.constant 0 : i32
    %broadcast_in_dim3A_42 = vector.broadcast %broadcast_in_dim3A_41 : i32 to vector<16xi32>
    %broadcast_in_dim3A_43 = arith.constant 0.000000e+00 : f32
    %broadcast_in_dim3A_44 = vector.broadcast %broadcast_in_dim3A_43 : f32 to vector<16xf32>
    %scan3A = arith.constant 0 : i32
    %scan3A_45 = arith.constant 16 : i32
    %scan3A_46 = arith.addi %scan3A, %scan3A_45 : i32
    %scan3A_47 = arith.constant 1 : i32
    %scan3A_48:2 = scf.for %scan3A_562 = %scan3A to %scan3A_46 step %scan3A_47 iter_args(%scan3A_563 = %broadcast_in_dim3A_42, %scan3A_564 = %broadcast_in_dim3A_44) -> (vector<16xi32>, vector<16xf32>)  : i32 {
      %mul3A_565 = arith.constant 8 : i32
      %mul3A_566 = arith.muli %scan3A_562, %mul3A_565 : i32
      %add3A_567 = arith.constant 0 : i32
      %add3A_568 = arith.addi %mul3A_566, %add3A_567 : i32
      %mul3A_569 = arith.constant 16 : i32
      %mul3A_570 = arith.muli %add3A_568, %mul3A_569 : i32
      %get3A = arith.index_cast %mul3A_570 : i32 to index
      %get3A_571 = tpu.vector_load %arg6[%get3A] {strides = array<i32>} : memref<2048xi32, #tpu.memory_space<vmem>>, vector<16xi32>,
      %add3A_572 = arith.addi %broadcast_in_dim3A_42, %get3A_571 : vector<16xi32>
      %get3A_573 = arith.index_cast %mul3A_570 : i32 to index
      %get3A_574 = tpu.vector_load %arg7[%get3A_573] {strides = array<i32>} : memref<2048xf32, #tpu.memory_space<vmem>>, vector<16xf32>,
      %add3A_575 = arith.addf %broadcast_in_dim3A_44, %get3A_574 : vector<16xf32>
      %mul3A_576 = arith.constant 8 : i32
      %mul3A_577 = arith.muli %scan3A_562, %mul3A_576 : i32
      %add3A_578 = arith.constant 1 : i32
      %add3A_579 = arith.addi %mul3A_577, %add3A_578 : i32
      %mul3A_580 = arith.constant 16 : i32
      %mul3A_581 = arith.muli %add3A_579, %mul3A_580 : i32
      %get3A_582 = arith.index_cast %mul3A_581 : i32 to index
      %get3A_583 = tpu.vector_load %arg6[%get3A_582] {strides = array<i32>} : memref<2048xi32, #tpu.memory_space<vmem>>, vector<16xi32>,
      %add3A_584 = arith.addi %add3A_572, %get3A_583 : vector<16xi32>
      %get3A_585 = arith.index_cast %mul3A_581 : i32 to index
      %get3A_586 = tpu.vector_load %arg7[%get3A_585] {strides = array<i32>} : memref<2048xf32, #tpu.memory_space<vmem>>, vector<16xf32>,
      %add3A_587 = arith.addf %add3A_575, %get3A_586 : vector<16xf32>
      %mul3A_588 = arith.constant 8 : i32
      %mul3A_589 = arith.muli %scan3A_562, %mul3A_588 : i32
      %add3A_590 = arith.constant 2 : i32
      %add3A_591 = arith.addi %mul3A_589, %add3A_590 : i32
      %mul3A_592 = arith.constant 16 : i32
      %mul3A_593 = arith.muli %add3A_591, %mul3A_592 : i32
      %get3A_594 = arith.index_cast %mul3A_593 : i32 to index
      %get3A_595 = tpu.vector_load %arg6[%get3A_594] {strides = array<i32>} : memref<2048xi32, #tpu.memory_space<vmem>>, vector<16xi32>,
      %add3A_596 = arith.addi %add3A_584, %get3A_595 : vector<16xi32>
      %get3A_597 = arith.index_cast %mul3A_593 : i32 to index
      %get3A_598 = tpu.vector_load %arg7[%get3A_597] {strides = array<i32>} : memref<2048xf32, #tpu.memory_space<vmem>>, vector<16xf32>,
      %add3A_599 = arith.addf %add3A_587, %get3A_598 : vector<16xf32>
      %mul3A_600 = arith.constant 8 : i32
      %mul3A_601 = arith.muli %scan3A_562, %mul3A_600 : i32
      %add3A_602 = arith.constant 3 : i32
      %add3A_603 = arith.addi %mul3A_601, %add3A_602 : i32
      %mul3A_604 = arith.constant 16 : i32
      %mul3A_605 = arith.muli %add3A_603, %mul3A_604 : i32
      %get3A_606 = arith.index_cast %mul3A_605 : i32 to index
      %get3A_607 = tpu.vector_load %arg6[%get3A_606] {strides = array<i32>} : memref<2048xi32, #tpu.memory_space<vmem>>, vector<16xi32>,
      %add3A_608 = arith.addi %add3A_596, %get3A_607 : vector<16xi32>
      %get3A_609 = arith.index_cast %mul3A_605 : i32 to index
      %get3A_610 = tpu.vector_load %arg7[%get3A_609] {strides = array<i32>} : memref<2048xf32, #tpu.memory_space<vmem>>, vector<16xf32>,
      %add3A_611 = arith.addf %add3A_599, %get3A_610 : vector<16xf32>
      %mul3A_612 = arith.constant 8 : i32
      %mul3A_613 = arith.muli %scan3A_562, %mul3A_612 : i32
      %add3A_614 = arith.constant 4 : i32
      %add3A_615 = arith.addi %mul3A_613, %add3A_614 : i32
      %mul3A_616 = arith.constant 16 : i32
      %mul3A_617 = arith.muli %add3A_615, %mul3A_616 : i32
      %get3A_618 = arith.index_cast %mul3A_617 : i32 to index
      %get3A_619 = tpu.vector_load %arg6[%get3A_618] {strides = array<i32>} : memref<2048xi32, #tpu.memory_space<vmem>>, vector<16xi32>,
      %add3A_620 = arith.addi %add3A_608, %get3A_619 : vector<16xi32>
      %get3A_621 = arith.index_cast %mul3A_617 : i32 to index
      %get3A_622 = tpu.vector_load %arg7[%get3A_621] {strides = array<i32>} : memref<2048xf32, #tpu.memory_space<vmem>>, vector<16xf32>,
      %add3A_623 = arith.addf %add3A_611, %get3A_622 : vector<16xf32>
      %mul3A_624 = arith.constant 8 : i32
      %mul3A_625 = arith.muli %scan3A_562, %mul3A_624 : i32
      %add3A_626 = arith.constant 5 : i32
      %add3A_627 = arith.addi %mul3A_625, %add3A_626 : i32
      %mul3A_628 = arith.constant 16 : i32
      %mul3A_629 = arith.muli %add3A_627, %mul3A_628 : i32
      %get3A_630 = arith.index_cast %mul3A_629 : i32 to index
      %get3A_631 = tpu.vector_load %arg6[%get3A_630] {strides = array<i32>} : memref<2048xi32, #tpu.memory_space<vmem>>, vector<16xi32>,
      %add3A_632 = arith.addi %add3A_620, %get3A_631 : vector<16xi32>
      %get3A_633 = arith.index_cast %mul3A_629 : i32 to index
      %get3A_634 = tpu.vector_load %arg7[%get3A_633] {strides = array<i32>} : memref<2048xf32, #tpu.memory_space<vmem>>, vector<16xf32>,
      %add3A_635 = arith.addf %add3A_623, %get3A_634 : vector<16xf32>
      %mul3A_636 = arith.constant 8 : i32
      %mul3A_637 = arith.muli %scan3A_562, %mul3A_636 : i32
      %add3A_638 = arith.constant 6 : i32
      %add3A_639 = arith.addi %mul3A_637, %add3A_638 : i32
      %mul3A_640 = arith.constant 16 : i32
      %mul3A_641 = arith.muli %add3A_639, %mul3A_640 : i32
      %get3A_642 = arith.index_cast %mul3A_641 : i32 to index
      %get3A_643 = tpu.vector_load %arg6[%get3A_642] {strides = array<i32>} : memref<2048xi32, #tpu.memory_space<vmem>>, vector<16xi32>,
      %add3A_644 = arith.addi %add3A_632, %get3A_643 : vector<16xi32>
      %get3A_645 = arith.index_cast %mul3A_641 : i32 to index
      %get3A_646 = tpu.vector_load %arg7[%get3A_645] {strides = array<i32>} : memref<2048xf32, #tpu.memory_space<vmem>>, vector<16xf32>,
      %add3A_647 = arith.addf %add3A_635, %get3A_646 : vector<16xf32>
      %mul3A_648 = arith.constant 8 : i32
      %mul3A_649 = arith.muli %scan3A_562, %mul3A_648 : i32
      %add3A_650 = arith.constant 7 : i32
      %add3A_651 = arith.addi %mul3A_649, %add3A_650 : i32
      %mul3A_652 = arith.constant 16 : i32
      %mul3A_653 = arith.muli %add3A_651, %mul3A_652 : i32
      %get3A_654 = arith.index_cast %mul3A_653 : i32 to index
      %get3A_655 = tpu.vector_load %arg6[%get3A_654] {strides = array<i32>} : memref<2048xi32, #tpu.memory_space<vmem>>, vector<16xi32>,
      %add3A_656 = arith.addi %add3A_644, %get3A_655 : vector<16xi32>
      %get3A_657 = arith.index_cast %mul3A_653 : i32 to index
      %get3A_658 = tpu.vector_load %arg7[%get3A_657] {strides = array<i32>} : memref<2048xf32, #tpu.memory_space<vmem>>, vector<16xf32>,
      %add3A_659 = arith.addf %add3A_647, %get3A_658 : vector<16xf32>
      %eq3A_660 = vector.broadcast %scan3A_562 : i32 to vector<16xi32>
      %eq3A_661 = arith.cmpi eq, %iota3A_40, %eq3A_660 : vector<16xi32>
      %reduce_sum3A_662 = arith.constant true
      %reduce_sum3A_663 = vector.broadcast %reduce_sum3A_662 : i1 to vector<16xi1>
      %reduce_sum3A_664 = tpu.scan <sum>, %add3A_656 masked %reduce_sum3A_663 : vector<16xi32>, vector<16xi1> -> vector<16xi32>
      %reduce_sum3A_665 = vector.extract %reduce_sum3A_664[15] : i32 from vector<16xi32>
      %broadcast_in_dim3A_666 = vector.broadcast %reduce_sum3A_665 : i32 to vector<16xi32>
      %select_n3A_667 = arith.select %eq3A_661, %broadcast_in_dim3A_666, %scan3A_563 : vector<16xi1>, vector<16xi32>
      %reduce_sum3A_668 = arith.constant true
      %reduce_sum3A_669 = vector.broadcast %reduce_sum3A_668 : i1 to vector<16xi1>
      %reduce_sum3A_670 = tpu.scan <sum>, %add3A_659 masked %reduce_sum3A_669 : vector<16xf32>, vector<16xi1> -> vector<16xf32>
      %reduce_sum3A_671 = vector.extract %reduce_sum3A_670[15] : f32 from vector<16xf32>
      %broadcast_in_dim3A_672 = vector.broadcast %reduce_sum3A_671 : f32 to vector<16xf32>
      %select_n3A_673 = arith.select %eq3A_661, %broadcast_in_dim3A_672, %scan3A_564 : vector<16xi1>, vector<16xf32>
      scf.yield %select_n3A_667, %select_n3A_673 : vector<16xi32>, vector<16xf32>
    }
    %scan3A_49 = arith.constant 16 : i32
    %cumsum3A = arith.constant true
    %cumsum3A_50 = vector.broadcast %cumsum3A : i1 to vector<16xi1>
    %cumsum3A_51 = tpu.scan <sum>, %scan3A_48#0 masked %cumsum3A_50 : vector<16xi32>, vector<16xi1> -> vector<16xi32>
    %cumsum3A_52 = arith.constant true
    %cumsum3A_53 = vector.broadcast %cumsum3A_52 : i1 to vector<16xi1>
    %cumsum3A_54 = tpu.scan <sum>, %scan3A_48#1 masked %cumsum3A_53 : vector<16xf32>, vector<16xi1> -> vector<16xf32>
    %ge3A = arith.constant 29492 : i32
    %ge3A_55 = vector.broadcast %ge3A : i32 to vector<16xi32>
    %ge3A_56 = arith.cmpi sge, %cumsum3A_51, %ge3A_55 : vector<16xi32>
    %jit3A = arith.constant 64 : i32
    %broadcast_in_dim3A_57 = vector.broadcast %jit3A : i32 to vector<16xi32>
    %select_n3A = arith.select %ge3A_56, %iota3A_40, %broadcast_in_dim3A_57 : vector<16xi1>, vector<16xi32>
    %reduce_min3A = arith.constant true
    %reduce_min3A_58 = vector.broadcast %reduce_min3A : i1 to vector<16xi1>
    %reduce_min3A_59 = arith.constant -2147483648 : i32
    %reduce_min3A_60 = vector.broadcast %reduce_min3A_59 : i32 to vector<16xi32>
    %reduce_min3A_61 = arith.xori %select_n3A, %reduce_min3A_60 : vector<16xi32>
    %reduce_min3A_62 = tpu.scan <min>, %reduce_min3A_61 masked %reduce_min3A_58 : vector<16xi32>, vector<16xi1> -> vector<16xi32>
    %reduce_min3A_63 = arith.xori %reduce_min3A_62, %reduce_min3A_60 : vector<16xi32>
    %reduce_min3A_64 = vector.extract %reduce_min3A_63[15] : i32 from vector<16xi32>
    %eq3A = vector.broadcast %reduce_min3A_64 : i32 to vector<16xi32>
    %eq3A_65 = arith.cmpi eq, %iota3A_40, %eq3A : vector<16xi32>
    %sub3A = arith.subi %cumsum3A_51, %scan3A_48#0 : vector<16xi32>
    %jit3A_66 = arith.constant 0 : i32
    %broadcast_in_dim3A_67 = vector.broadcast %jit3A_66 : i32 to vector<16xi32>
    %select_n3A_68 = arith.select %eq3A_65, %sub3A, %broadcast_in_dim3A_67 : vector<16xi1>, vector<16xi32>
    %reduce_sum3A = arith.constant true
    %reduce_sum3A_69 = vector.broadcast %reduce_sum3A : i1 to vector<16xi1>
    %reduce_sum3A_70 = tpu.scan <sum>, %select_n3A_68 masked %reduce_sum3A_69 : vector<16xi32>, vector<16xi1> -> vector<16xi32>
    %reduce_sum3A_71 = vector.extract %reduce_sum3A_70[15] : i32 from vector<16xi32>
    %sub3A_72 = arith.subf %cumsum3A_54, %scan3A_48#1 : vector<16xf32>
    %jit3A_73 = arith.constant 0.000000e+00 : f32
    %broadcast_in_dim3A_74 = vector.broadcast %jit3A_73 : f32 to vector<16xf32>
    %select_n3A_75 = arith.select %eq3A_65, %sub3A_72, %broadcast_in_dim3A_74 : vector<16xi1>, vector<16xf32>
    %reduce_sum3A_76 = arith.constant true
    %reduce_sum3A_77 = vector.broadcast %reduce_sum3A_76 : i1 to vector<16xi1>
    %reduce_sum3A_78 = tpu.scan <sum>, %select_n3A_75 masked %reduce_sum3A_77 : vector<16xf32>, vector<16xi1> -> vector<16xf32>
    %reduce_sum3A_79 = vector.extract %reduce_sum3A_78[15] : f32 from vector<16xf32>
    %reduce_sum3A_80 = arith.constant true
    %reduce_sum3A_81 = vector.broadcast %reduce_sum3A_80 : i1 to vector<16xi1>
    %reduce_sum3A_82 = tpu.scan <sum>, %scan3A_48#0 masked %reduce_sum3A_81 : vector<16xi32>, vector<16xi1> -> vector<16xi32>
    %reduce_sum3A_83 = vector.extract %reduce_sum3A_82[15] : i32 from vector<16xi32>
    %reduce_sum3A_84 = arith.constant true
    %reduce_sum3A_85 = vector.broadcast %reduce_sum3A_84 : i1 to vector<16xi1>
    %reduce_sum3A_86 = tpu.scan <sum>, %scan3A_48#1 masked %reduce_sum3A_85 : vector<16xf32>, vector<16xi1> -> vector<16xf32>
    %reduce_sum3A_87 = vector.extract %reduce_sum3A_86[15] : f32 from vector<16xf32>
    %scan3A_88 = arith.constant 0 : i32
    %scan3A_89 = arith.constant 0 : i32
    %scan3A_90 = arith.constant 0 : i32
    %scan3A_91 = arith.constant 0.000000e+00 : f32
    %scan3A_92 = arith.constant 0 : i32
    %scan3A_93 = arith.constant 0.000000e+00 : f32
    %scan3A_94 = arith.constant 0 : i32
    %scan3A_95 = arith.constant 8 : i32
    %scan3A_96 = arith.addi %scan3A_94, %scan3A_95 : i32
    %scan3A_97 = arith.constant 1 : i32
    %scan3A_98:8 = scf.for %scan3A_562 = %scan3A_94 to %scan3A_96 step %scan3A_97 iter_args(%scan3A_563 = %scan3A_88, %scan3A_564 = %scan3A_89, %scan3A_565 = %scan3A_90, %scan3A_566 = %scan3A_91, %scan3A_567 = %scan3A_92, %scan3A_568 = %scan3A_93, %scan3A_569 = %reduce_sum3A_71, %scan3A_570 = %reduce_sum3A_79) -> (i32, i32, i32, f32, i32, f32, i32, f32)  : i32 {
      %mul3A_571 = arith.constant 8 : i32
      %mul3A_572 = arith.muli %reduce_min3A_64, %mul3A_571 : i32
      %add3A_573 = arith.addi %mul3A_572, %scan3A_562 : i32
      %mul3A_574 = arith.constant 16 : i32
      %mul3A_575 = arith.muli %add3A_573, %mul3A_574 : i32
      %get3A = arith.index_cast %mul3A_575 : i32 to index
      %get3A_576 = tpu.vector_load %arg6[%get3A] {strides = array<i32>} : memref<2048xi32, #tpu.memory_space<vmem>>, vector<16xi32>,
      %get3A_577 = arith.index_cast %mul3A_575 : i32 to index
      %get3A_578 = tpu.vector_load %arg7[%get3A_577] {strides = array<i32>} : memref<2048xf32, #tpu.memory_space<vmem>>, vector<16xf32>,
      %reduce_sum3A_579 = arith.constant true
      %reduce_sum3A_580 = vector.broadcast %reduce_sum3A_579 : i1 to vector<16xi1>
      %reduce_sum3A_581 = tpu.scan <sum>, %get3A_576 masked %reduce_sum3A_580 : vector<16xi32>, vector<16xi1> -> vector<16xi32>
      %reduce_sum3A_582 = vector.extract %reduce_sum3A_581[15] : i32 from vector<16xi32>
      %reduce_sum3A_583 = arith.constant true
      %reduce_sum3A_584 = vector.broadcast %reduce_sum3A_583 : i1 to vector<16xi1>
      %reduce_sum3A_585 = tpu.scan <sum>, %get3A_578 masked %reduce_sum3A_584 : vector<16xf32>, vector<16xi1> -> vector<16xf32>
      %reduce_sum3A_586 = vector.extract %reduce_sum3A_585[15] : f32 from vector<16xf32>
      %add3A_587 = arith.addi %scan3A_569, %reduce_sum3A_582 : i32
      %eq3A_588 = arith.constant 0 : i32
      %eq3A_589 = arith.cmpi eq, %scan3A_563, %eq3A_588 : i32
      %ge3A_590 = arith.constant 29492 : i32
      %ge3A_591 = arith.cmpi sge, %add3A_587, %ge3A_590 : i32
      %and3A = arith.andi %eq3A_589, %ge3A_591 : i1
      %convert_element_type3A_592 = arith.extui %and3A : i1 to i32
      %cond3A = arith.constant 0 : i32
      %cond3A_593 = arith.constant 0 : i32
      %cond3A_594 = arith.cmpi ne, %convert_element_type3A_592, %cond3A_593 : i32
      %cond3A_595:6 = scf.if %cond3A_594 -> (i32, i32, i32, f32, i32, f32) {
        %cumsum3A_597 = arith.constant true
        %cumsum3A_598 = vector.broadcast %cumsum3A_597 : i1 to vector<16xi1>
        %cumsum3A_599 = tpu.scan <sum>, %get3A_576 masked %cumsum3A_598 : vector<16xi32>, vector<16xi1> -> vector<16xi32>
        %cumsum3A_600 = arith.constant true
        %cumsum3A_601 = vector.broadcast %cumsum3A_600 : i1 to vector<16xi1>
        %cumsum3A_602 = tpu.scan <sum>, %get3A_578 masked %cumsum3A_601 : vector<16xf32>, vector<16xi1> -> vector<16xf32>
        %add3A_603 = vector.broadcast %scan3A_569 : i32 to vector<16xi32>
        %add3A_604 = arith.addi %add3A_603, %cumsum3A_599 : vector<16xi32>
        %ge3A_605 = arith.constant 29492 : i32
        %ge3A_606 = vector.broadcast %ge3A_605 : i32 to vector<16xi32>
        %ge3A_607 = arith.cmpi sge, %add3A_604, %ge3A_606 : vector<16xi32>
        %jit3A_608 = arith.constant 64 : i32
        %broadcast_in_dim3A_609 = vector.broadcast %jit3A_608 : i32 to vector<16xi32>
        %select_n3A_610 = arith.select %ge3A_607, %iota3A_40, %broadcast_in_dim3A_609 : vector<16xi1>, vector<16xi32>
        %reduce_min3A_611 = arith.constant true
        %reduce_min3A_612 = vector.broadcast %reduce_min3A_611 : i1 to vector<16xi1>
        %reduce_min3A_613 = arith.constant -2147483648 : i32
        %reduce_min3A_614 = vector.broadcast %reduce_min3A_613 : i32 to vector<16xi32>
        %reduce_min3A_615 = arith.xori %select_n3A_610, %reduce_min3A_614 : vector<16xi32>
        %reduce_min3A_616 = tpu.scan <min>, %reduce_min3A_615 masked %reduce_min3A_612 : vector<16xi32>, vector<16xi1> -> vector<16xi32>
        %reduce_min3A_617 = arith.xori %reduce_min3A_616, %reduce_min3A_614 : vector<16xi32>
        %reduce_min3A_618 = vector.extract %reduce_min3A_617[15] : i32 from vector<16xi32>
        %eq3A_619 = vector.broadcast %reduce_min3A_618 : i32 to vector<16xi32>
        %eq3A_620 = arith.cmpi eq, %iota3A_40, %eq3A_619 : vector<16xi32>
        %mul3A_621 = arith.constant 16 : i32
        %mul3A_622 = arith.muli %add3A_573, %mul3A_621 : i32
        %add3A_623 = arith.addi %mul3A_622, %reduce_min3A_618 : i32
        %jit3A_624 = arith.constant 0 : i32
        %broadcast_in_dim3A_625 = vector.broadcast %jit3A_624 : i32 to vector<16xi32>
        %select_n3A_626 = arith.select %eq3A_620, %add3A_604, %broadcast_in_dim3A_625 : vector<16xi1>, vector<16xi32>
        %reduce_sum3A_627 = arith.constant true
        %reduce_sum3A_628 = vector.broadcast %reduce_sum3A_627 : i1 to vector<16xi1>
        %reduce_sum3A_629 = tpu.scan <sum>, %select_n3A_626 masked %reduce_sum3A_628 : vector<16xi32>, vector<16xi1> -> vector<16xi32>
        %reduce_sum3A_630 = vector.extract %reduce_sum3A_629[15] : i32 from vector<16xi32>
        %jit3A_631 = arith.constant 0.000000e+00 : f32
        %broadcast_in_dim3A_632 = vector.broadcast %jit3A_631 : f32 to vector<16xf32>
        %select_n3A_633 = arith.select %eq3A_620, %cumsum3A_602, %broadcast_in_dim3A_632 : vector<16xi1>, vector<16xf32>
        %reduce_sum3A_634 = arith.constant true
        %reduce_sum3A_635 = vector.broadcast %reduce_sum3A_634 : i1 to vector<16xi1>
        %reduce_sum3A_636 = tpu.scan <sum>, %select_n3A_633 masked %reduce_sum3A_635 : vector<16xf32>, vector<16xi1> -> vector<16xf32>
        %reduce_sum3A_637 = vector.extract %reduce_sum3A_636[15] : f32 from vector<16xf32>
        %add3A_638 = arith.addf %scan3A_570, %reduce_sum3A_637 : f32
        %jit3A_639 = arith.constant 0 : i32
        %broadcast_in_dim3A_640 = vector.broadcast %jit3A_639 : i32 to vector<16xi32>
        %select_n3A_641 = arith.select %eq3A_620, %get3A_576, %broadcast_in_dim3A_640 : vector<16xi1>, vector<16xi32>
        %reduce_sum3A_642 = arith.constant true
        %reduce_sum3A_643 = vector.broadcast %reduce_sum3A_642 : i1 to vector<16xi1>
        %reduce_sum3A_644 = tpu.scan <sum>, %select_n3A_641 masked %reduce_sum3A_643 : vector<16xi32>, vector<16xi1> -> vector<16xi32>
        %reduce_sum3A_645 = vector.extract %reduce_sum3A_644[15] : i32 from vector<16xi32>
        %jit3A_646 = arith.constant 0.000000e+00 : f32
        %broadcast_in_dim3A_647 = vector.broadcast %jit3A_646 : f32 to vector<16xf32>
        %select_n3A_648 = arith.select %eq3A_620, %get3A_578, %broadcast_in_dim3A_647 : vector<16xi1>, vector<16xf32>
        %reduce_sum3A_649 = arith.constant true
        %reduce_sum3A_650 = vector.broadcast %reduce_sum3A_649 : i1 to vector<16xi1>
        %reduce_sum3A_651 = tpu.scan <sum>, %select_n3A_648 masked %reduce_sum3A_650 : vector<16xf32>, vector<16xi1> -> vector<16xf32>
        %reduce_sum3A_652 = vector.extract %reduce_sum3A_651[15] : f32 from vector<16xf32>
        %cond3A_653 = arith.constant 1 : i32
        scf.yield %cond3A_653, %add3A_623, %reduce_sum3A_630, %add3A_638, %reduce_sum3A_645, %reduce_sum3A_652 : i32, i32, i32, f32, i32, f32
      } else {
        scf.yield %scan3A_563, %scan3A_564, %scan3A_565, %scan3A_566, %scan3A_567, %scan3A_568 : i32, i32, i32, f32, i32, f32
      }
      %add3A_596 = arith.addf %scan3A_570, %reduce_sum3A_586 : f32
      scf.yield %cond3A_595#0, %cond3A_595#1, %cond3A_595#2, %cond3A_595#3, %cond3A_595#4, %cond3A_595#5, %add3A_587, %add3A_596 : i32, i32, i32, f32, i32, f32, i32, f32
    }
    %scan3A_99 = arith.constant 8 : i32
    %parallel_loop3A_100 = arith.constant 0 : i32
    %parallel_loop3A_101 = arith.constant 128 : i32
    %parallel_loop3A_102 = arith.constant 1 : i32
    scf.for %parallel_loop3A_562 = %parallel_loop3A_100 to %parallel_loop3A_101 step %parallel_loop3A_102  : i32 {
      %parallel_loop3A_563 = arith.constant 16 : i32
      %parallel_loop3A_564 = arith.muli %parallel_loop3A_562, %parallel_loop3A_563 : i32
      %parallel_loop3A_565 = arith.index_cast %parallel_loop3A_564 : i32 to index
      %parallel_loop3A_566 = tpu.vector_load %arg6[%parallel_loop3A_565] {strides = array<i32>} : memref<2048xi32, #tpu.memory_space<vmem>>, vector<16xi32>,
      tpu.vector_store %arg6[%parallel_loop3A_565], %broadcast_in_dim3A_42 {strides = array<i32>} : memref<2048xi32, #tpu.memory_space<vmem>>, vector<16xi32>,
      %parallel_loop3A_567 = arith.index_cast %parallel_loop3A_564 : i32 to index
      %parallel_loop3A_568 = tpu.vector_load %arg7[%parallel_loop3A_567] {strides = array<i32>} : memref<2048xf32, #tpu.memory_space<vmem>>, vector<16xf32>,
      tpu.vector_store %arg7[%parallel_loop3A_567], %broadcast_in_dim3A_44 {strides = array<i32>} : memref<2048xf32, #tpu.memory_space<vmem>>, vector<16xf32>,
    } {sc.loop_unroll_factor = 4 : i64, sc.parallel_access}
    %sub3A_103 = arith.subi %reduce_sum3A_83, %scan3A_98#2 : i32
    %sub3A_104 = arith.subf %reduce_sum3A_87, %scan3A_98#3 : f32
    %sub3A_105 = arith.constant 3277 : i32
    %sub3A_106 = arith.subi %sub3A_105, %sub3A_103 : i32
    %sub3A_107 = arith.constant 1024 : i32
    %sub3A_108 = arith.subi %scan3A_98#1, %sub3A_107 : i32
    %parallel_loop3A_109 = arith.constant 0 : i32
    %parallel_loop3A_110 = arith.constant 2048 : i32
    %parallel_loop3A_111 = arith.constant 1 : i32
    scf.for %parallel_loop3A_562 = %parallel_loop3A_109 to %parallel_loop3A_110 step %parallel_loop3A_111  : i32 {
      %parallel_loop3A_563 = arith.constant 16 : i32
      %parallel_loop3A_564 = arith.muli %parallel_loop3A_562, %parallel_loop3A_563 : i32
      %parallel_loop3A_565 = arith.index_cast %parallel_loop3A_564 : i32 to index
      %parallel_loop3A_566 = tpu.vector_load %arg4[%parallel_loop3A_565] {strides = array<i32>} : memref<32768xf32, #tpu.memory_space<vmem>>, vector<16xf32>,
      %parallel_loop3A_567 = tpu.bitcast %parallel_loop3A_566 : vector<16xf32> -> vector<16xi32>
      %parallel_loop3A_568 = arith.constant 31 : i32
      %parallel_loop3A_569 = vector.broadcast %parallel_loop3A_568 : i32 to vector<16xi32>
      %parallel_loop3A_570 = arith.shrsi %parallel_loop3A_567, %parallel_loop3A_569 : vector<16xi32>
      %parallel_loop3A_571 = arith.constant 2147483647 : i32
      %parallel_loop3A_572 = vector.broadcast %parallel_loop3A_571 : i32 to vector<16xi32>
      %parallel_loop3A_573 = arith.andi %parallel_loop3A_570, %parallel_loop3A_572 : vector<16xi32>
      %parallel_loop3A_574 = arith.xori %parallel_loop3A_567, %parallel_loop3A_573 : vector<16xi32>
      %parallel_loop3A_575 = arith.constant 21 : i32
      %parallel_loop3A_576 = vector.broadcast %parallel_loop3A_575 : i32 to vector<16xi32>
      %parallel_loop3A_577 = arith.shrsi %parallel_loop3A_574, %parallel_loop3A_576 : vector<16xi32>
      %parallel_loop3A_578 = vector.broadcast %sub3A_108 : i32 to vector<16xi32>
      %parallel_loop3A_579 = arith.cmpi eq, %parallel_loop3A_577, %parallel_loop3A_578 : vector<16xi32>
      %parallel_loop3A_580 = arith.constant 10 : i32
      %parallel_loop3A_581 = vector.broadcast %parallel_loop3A_580 : i32 to vector<16xi32>
      %parallel_loop3A_582 = arith.shrui %parallel_loop3A_574, %parallel_loop3A_581 : vector<16xi32>
      %parallel_loop3A_583 = arith.constant 2047 : i32
      %parallel_loop3A_584 = vector.broadcast %parallel_loop3A_583 : i32 to vector<16xi32>
      %parallel_loop3A_585 = arith.andi %parallel_loop3A_582, %parallel_loop3A_584 : vector<16xi32>
      tpu.vector_store_idx %arg8[%parallel_loop3A_585], %broadcast_in_dim3A_1 masked %parallel_loop3A_579 {add = true} : memref<2048xi32, #tpu.memory_space<vmem>>[vector<16xi32>], vector<16xi32>, vector<16xi1>
      tpu.vector_store_idx %arg9[%parallel_loop3A_585], %parallel_loop3A_566 masked %parallel_loop3A_579 {add = true} : memref<2048xf32, #tpu.memory_space<vmem>>[vector<16xi32>], vector<16xf32>, vector<16xi1>
    } {sc.loop_unroll_factor = 8 : i64, sc.parallel_access}
    %sub3A_112 = arith.subi %scan3A_98#4, %sub3A_106 : i32
    %add3A_113 = arith.constant 1 : i32
    %add3A_114 = arith.addi %sub3A_112, %add3A_113 : i32
    %iota3A_115 = tpu.iota {dimensions = array<i32: 0>} : vector<16xi32>
    %broadcast_in_dim3A_116 = arith.constant 0 : i32
    %broadcast_in_dim3A_117 = vector.broadcast %broadcast_in_dim3A_116 : i32 to vector<16xi32>
    %broadcast_in_dim3A_118 = arith.constant 0.000000e+00 : f32
    %broadcast_in_dim3A_119 = vector.broadcast %broadcast_in_dim3A_118 : f32 to vector<16xf32>
    %scan3A_120 = arith.constant 0 : i32
    %scan3A_121 = arith.constant 16 : i32
    %scan3A_122 = arith.addi %scan3A_120, %scan3A_121 : i32
    %scan3A_123 = arith.constant 1 : i32
    %scan3A_124:2 = scf.for %scan3A_562 = %scan3A_120 to %scan3A_122 step %scan3A_123 iter_args(%scan3A_563 = %broadcast_in_dim3A_117, %scan3A_564 = %broadcast_in_dim3A_119) -> (vector<16xi32>, vector<16xf32>)  : i32 {
      %mul3A_565 = arith.constant 8 : i32
      %mul3A_566 = arith.muli %scan3A_562, %mul3A_565 : i32
      %add3A_567 = arith.constant 0 : i32
      %add3A_568 = arith.addi %mul3A_566, %add3A_567 : i32
      %mul3A_569 = arith.constant 16 : i32
      %mul3A_570 = arith.muli %add3A_568, %mul3A_569 : i32
      %get3A = arith.index_cast %mul3A_570 : i32 to index
      %get3A_571 = tpu.vector_load %arg8[%get3A] {strides = array<i32>} : memref<2048xi32, #tpu.memory_space<vmem>>, vector<16xi32>,
      %add3A_572 = arith.addi %broadcast_in_dim3A_117, %get3A_571 : vector<16xi32>
      %get3A_573 = arith.index_cast %mul3A_570 : i32 to index
      %get3A_574 = tpu.vector_load %arg9[%get3A_573] {strides = array<i32>} : memref<2048xf32, #tpu.memory_space<vmem>>, vector<16xf32>,
      %add3A_575 = arith.addf %broadcast_in_dim3A_119, %get3A_574 : vector<16xf32>
      %mul3A_576 = arith.constant 8 : i32
      %mul3A_577 = arith.muli %scan3A_562, %mul3A_576 : i32
      %add3A_578 = arith.constant 1 : i32
      %add3A_579 = arith.addi %mul3A_577, %add3A_578 : i32
      %mul3A_580 = arith.constant 16 : i32
      %mul3A_581 = arith.muli %add3A_579, %mul3A_580 : i32
      %get3A_582 = arith.index_cast %mul3A_581 : i32 to index
      %get3A_583 = tpu.vector_load %arg8[%get3A_582] {strides = array<i32>} : memref<2048xi32, #tpu.memory_space<vmem>>, vector<16xi32>,
      %add3A_584 = arith.addi %add3A_572, %get3A_583 : vector<16xi32>
      %get3A_585 = arith.index_cast %mul3A_581 : i32 to index
      %get3A_586 = tpu.vector_load %arg9[%get3A_585] {strides = array<i32>} : memref<2048xf32, #tpu.memory_space<vmem>>, vector<16xf32>,
      %add3A_587 = arith.addf %add3A_575, %get3A_586 : vector<16xf32>
      %mul3A_588 = arith.constant 8 : i32
      %mul3A_589 = arith.muli %scan3A_562, %mul3A_588 : i32
      %add3A_590 = arith.constant 2 : i32
      %add3A_591 = arith.addi %mul3A_589, %add3A_590 : i32
      %mul3A_592 = arith.constant 16 : i32
      %mul3A_593 = arith.muli %add3A_591, %mul3A_592 : i32
      %get3A_594 = arith.index_cast %mul3A_593 : i32 to index
      %get3A_595 = tpu.vector_load %arg8[%get3A_594] {strides = array<i32>} : memref<2048xi32, #tpu.memory_space<vmem>>, vector<16xi32>,
      %add3A_596 = arith.addi %add3A_584, %get3A_595 : vector<16xi32>
      %get3A_597 = arith.index_cast %mul3A_593 : i32 to index
      %get3A_598 = tpu.vector_load %arg9[%get3A_597] {strides = array<i32>} : memref<2048xf32, #tpu.memory_space<vmem>>, vector<16xf32>,
      %add3A_599 = arith.addf %add3A_587, %get3A_598 : vector<16xf32>
      %mul3A_600 = arith.constant 8 : i32
      %mul3A_601 = arith.muli %scan3A_562, %mul3A_600 : i32
      %add3A_602 = arith.constant 3 : i32
      %add3A_603 = arith.addi %mul3A_601, %add3A_602 : i32
      %mul3A_604 = arith.constant 16 : i32
      %mul3A_605 = arith.muli %add3A_603, %mul3A_604 : i32
      %get3A_606 = arith.index_cast %mul3A_605 : i32 to index
      %get3A_607 = tpu.vector_load %arg8[%get3A_606] {strides = array<i32>} : memref<2048xi32, #tpu.memory_space<vmem>>, vector<16xi32>,
      %add3A_608 = arith.addi %add3A_596, %get3A_607 : vector<16xi32>
      %get3A_609 = arith.index_cast %mul3A_605 : i32 to index
      %get3A_610 = tpu.vector_load %arg9[%get3A_609] {strides = array<i32>} : memref<2048xf32, #tpu.memory_space<vmem>>, vector<16xf32>,
      %add3A_611 = arith.addf %add3A_599, %get3A_610 : vector<16xf32>
      %mul3A_612 = arith.constant 8 : i32
      %mul3A_613 = arith.muli %scan3A_562, %mul3A_612 : i32
      %add3A_614 = arith.constant 4 : i32
      %add3A_615 = arith.addi %mul3A_613, %add3A_614 : i32
      %mul3A_616 = arith.constant 16 : i32
      %mul3A_617 = arith.muli %add3A_615, %mul3A_616 : i32
      %get3A_618 = arith.index_cast %mul3A_617 : i32 to index
      %get3A_619 = tpu.vector_load %arg8[%get3A_618] {strides = array<i32>} : memref<2048xi32, #tpu.memory_space<vmem>>, vector<16xi32>,
      %add3A_620 = arith.addi %add3A_608, %get3A_619 : vector<16xi32>
      %get3A_621 = arith.index_cast %mul3A_617 : i32 to index
      %get3A_622 = tpu.vector_load %arg9[%get3A_621] {strides = array<i32>} : memref<2048xf32, #tpu.memory_space<vmem>>, vector<16xf32>,
      %add3A_623 = arith.addf %add3A_611, %get3A_622 : vector<16xf32>
      %mul3A_624 = arith.constant 8 : i32
      %mul3A_625 = arith.muli %scan3A_562, %mul3A_624 : i32
      %add3A_626 = arith.constant 5 : i32
      %add3A_627 = arith.addi %mul3A_625, %add3A_626 : i32
      %mul3A_628 = arith.constant 16 : i32
      %mul3A_629 = arith.muli %add3A_627, %mul3A_628 : i32
      %get3A_630 = arith.index_cast %mul3A_629 : i32 to index
      %get3A_631 = tpu.vector_load %arg8[%get3A_630] {strides = array<i32>} : memref<2048xi32, #tpu.memory_space<vmem>>, vector<16xi32>,
      %add3A_632 = arith.addi %add3A_620, %get3A_631 : vector<16xi32>
      %get3A_633 = arith.index_cast %mul3A_629 : i32 to index
      %get3A_634 = tpu.vector_load %arg9[%get3A_633] {strides = array<i32>} : memref<2048xf32, #tpu.memory_space<vmem>>, vector<16xf32>,
      %add3A_635 = arith.addf %add3A_623, %get3A_634 : vector<16xf32>
      %mul3A_636 = arith.constant 8 : i32
      %mul3A_637 = arith.muli %scan3A_562, %mul3A_636 : i32
      %add3A_638 = arith.constant 6 : i32
      %add3A_639 = arith.addi %mul3A_637, %add3A_638 : i32
      %mul3A_640 = arith.constant 16 : i32
      %mul3A_641 = arith.muli %add3A_639, %mul3A_640 : i32
      %get3A_642 = arith.index_cast %mul3A_641 : i32 to index
      %get3A_643 = tpu.vector_load %arg8[%get3A_642] {strides = array<i32>} : memref<2048xi32, #tpu.memory_space<vmem>>, vector<16xi32>,
      %add3A_644 = arith.addi %add3A_632, %get3A_643 : vector<16xi32>
      %get3A_645 = arith.index_cast %mul3A_641 : i32 to index
      %get3A_646 = tpu.vector_load %arg9[%get3A_645] {strides = array<i32>} : memref<2048xf32, #tpu.memory_space<vmem>>, vector<16xf32>,
      %add3A_647 = arith.addf %add3A_635, %get3A_646 : vector<16xf32>
      %mul3A_648 = arith.constant 8 : i32
      %mul3A_649 = arith.muli %scan3A_562, %mul3A_648 : i32
      %add3A_650 = arith.constant 7 : i32
      %add3A_651 = arith.addi %mul3A_649, %add3A_650 : i32
      %mul3A_652 = arith.constant 16 : i32
      %mul3A_653 = arith.muli %add3A_651, %mul3A_652 : i32
      %get3A_654 = arith.index_cast %mul3A_653 : i32 to index
      %get3A_655 = tpu.vector_load %arg8[%get3A_654] {strides = array<i32>} : memref<2048xi32, #tpu.memory_space<vmem>>, vector<16xi32>,
      %add3A_656 = arith.addi %add3A_644, %get3A_655 : vector<16xi32>
      %get3A_657 = arith.index_cast %mul3A_653 : i32 to index
      %get3A_658 = tpu.vector_load %arg9[%get3A_657] {strides = array<i32>} : memref<2048xf32, #tpu.memory_space<vmem>>, vector<16xf32>,
      %add3A_659 = arith.addf %add3A_647, %get3A_658 : vector<16xf32>
      %eq3A_660 = vector.broadcast %scan3A_562 : i32 to vector<16xi32>
      %eq3A_661 = arith.cmpi eq, %iota3A_115, %eq3A_660 : vector<16xi32>
      %reduce_sum3A_662 = arith.constant true
      %reduce_sum3A_663 = vector.broadcast %reduce_sum3A_662 : i1 to vector<16xi1>
      %reduce_sum3A_664 = tpu.scan <sum>, %add3A_656 masked %reduce_sum3A_663 : vector<16xi32>, vector<16xi1> -> vector<16xi32>
      %reduce_sum3A_665 = vector.extract %reduce_sum3A_664[15] : i32 from vector<16xi32>
      %broadcast_in_dim3A_666 = vector.broadcast %reduce_sum3A_665 : i32 to vector<16xi32>
      %select_n3A_667 = arith.select %eq3A_661, %broadcast_in_dim3A_666, %scan3A_563 : vector<16xi1>, vector<16xi32>
      %reduce_sum3A_668 = arith.constant true
      %reduce_sum3A_669 = vector.broadcast %reduce_sum3A_668 : i1 to vector<16xi1>
      %reduce_sum3A_670 = tpu.scan <sum>, %add3A_659 masked %reduce_sum3A_669 : vector<16xf32>, vector<16xi1> -> vector<16xf32>
      %reduce_sum3A_671 = vector.extract %reduce_sum3A_670[15] : f32 from vector<16xf32>
      %broadcast_in_dim3A_672 = vector.broadcast %reduce_sum3A_671 : f32 to vector<16xf32>
      %select_n3A_673 = arith.select %eq3A_661, %broadcast_in_dim3A_672, %scan3A_564 : vector<16xi1>, vector<16xf32>
      scf.yield %select_n3A_667, %select_n3A_673 : vector<16xi32>, vector<16xf32>
    }
    %scan3A_125 = arith.constant 16 : i32
    %cumsum3A_126 = arith.constant true
    %cumsum3A_127 = vector.broadcast %cumsum3A_126 : i1 to vector<16xi1>
    %cumsum3A_128 = tpu.scan <sum>, %scan3A_124#0 masked %cumsum3A_127 : vector<16xi32>, vector<16xi1> -> vector<16xi32>
    %cumsum3A_129 = arith.constant true
    %cumsum3A_130 = vector.broadcast %cumsum3A_129 : i1 to vector<16xi1>
    %cumsum3A_131 = tpu.scan <sum>, %scan3A_124#1 masked %cumsum3A_130 : vector<16xf32>, vector<16xi1> -> vector<16xf32>
    %ge3A_132 = vector.broadcast %add3A_114 : i32 to vector<16xi32>
    %ge3A_133 = arith.cmpi sge, %cumsum3A_128, %ge3A_132 : vector<16xi32>
    %jit3A_134 = arith.constant 64 : i32
    %broadcast_in_dim3A_135 = vector.broadcast %jit3A_134 : i32 to vector<16xi32>
    %select_n3A_136 = arith.select %ge3A_133, %iota3A_115, %broadcast_in_dim3A_135 : vector<16xi1>, vector<16xi32>
    %reduce_min3A_137 = arith.constant true
    %reduce_min3A_138 = vector.broadcast %reduce_min3A_137 : i1 to vector<16xi1>
    %reduce_min3A_139 = arith.constant -2147483648 : i32
    %reduce_min3A_140 = vector.broadcast %reduce_min3A_139 : i32 to vector<16xi32>
    %reduce_min3A_141 = arith.xori %select_n3A_136, %reduce_min3A_140 : vector<16xi32>
    %reduce_min3A_142 = tpu.scan <min>, %reduce_min3A_141 masked %reduce_min3A_138 : vector<16xi32>, vector<16xi1> -> vector<16xi32>
    %reduce_min3A_143 = arith.xori %reduce_min3A_142, %reduce_min3A_140 : vector<16xi32>
    %reduce_min3A_144 = vector.extract %reduce_min3A_143[15] : i32 from vector<16xi32>
    %eq3A_145 = vector.broadcast %reduce_min3A_144 : i32 to vector<16xi32>
    %eq3A_146 = arith.cmpi eq, %iota3A_115, %eq3A_145 : vector<16xi32>
    %sub3A_147 = arith.subi %cumsum3A_128, %scan3A_124#0 : vector<16xi32>
    %jit3A_148 = arith.constant 0 : i32
    %broadcast_in_dim3A_149 = vector.broadcast %jit3A_148 : i32 to vector<16xi32>
    %select_n3A_150 = arith.select %eq3A_146, %sub3A_147, %broadcast_in_dim3A_149 : vector<16xi1>, vector<16xi32>
    %reduce_sum3A_151 = arith.constant true
    %reduce_sum3A_152 = vector.broadcast %reduce_sum3A_151 : i1 to vector<16xi1>
    %reduce_sum3A_153 = tpu.scan <sum>, %select_n3A_150 masked %reduce_sum3A_152 : vector<16xi32>, vector<16xi1> -> vector<16xi32>
    %reduce_sum3A_154 = vector.extract %reduce_sum3A_153[15] : i32 from vector<16xi32>
    %sub3A_155 = arith.subf %cumsum3A_131, %scan3A_124#1 : vector<16xf32>
    %jit3A_156 = arith.constant 0.000000e+00 : f32
    %broadcast_in_dim3A_157 = vector.broadcast %jit3A_156 : f32 to vector<16xf32>
    %select_n3A_158 = arith.select %eq3A_146, %sub3A_155, %broadcast_in_dim3A_157 : vector<16xi1>, vector<16xf32>
    %reduce_sum3A_159 = arith.constant true
    %reduce_sum3A_160 = vector.broadcast %reduce_sum3A_159 : i1 to vector<16xi1>
    %reduce_sum3A_161 = tpu.scan <sum>, %select_n3A_158 masked %reduce_sum3A_160 : vector<16xf32>, vector<16xi1> -> vector<16xf32>
    %reduce_sum3A_162 = vector.extract %reduce_sum3A_161[15] : f32 from vector<16xf32>
    %reduce_sum3A_163 = arith.constant true
    %reduce_sum3A_164 = vector.broadcast %reduce_sum3A_163 : i1 to vector<16xi1>
    %reduce_sum3A_165 = tpu.scan <sum>, %scan3A_124#0 masked %reduce_sum3A_164 : vector<16xi32>, vector<16xi1> -> vector<16xi32>
    %reduce_sum3A_166 = vector.extract %reduce_sum3A_165[15] : i32 from vector<16xi32>
    %reduce_sum3A_167 = arith.constant true
    %reduce_sum3A_168 = vector.broadcast %reduce_sum3A_167 : i1 to vector<16xi1>
    %reduce_sum3A_169 = tpu.scan <sum>, %scan3A_124#1 masked %reduce_sum3A_168 : vector<16xf32>, vector<16xi1> -> vector<16xf32>
    %reduce_sum3A_170 = vector.extract %reduce_sum3A_169[15] : f32 from vector<16xf32>
    %scan3A_171 = arith.constant 0 : i32
    %scan3A_172 = arith.constant 0 : i32
    %scan3A_173 = arith.constant 0 : i32
    %scan3A_174 = arith.constant 0.000000e+00 : f32
    %scan3A_175 = arith.constant 0 : i32
    %scan3A_176 = arith.constant 0.000000e+00 : f32
    %scan3A_177 = arith.constant 0 : i32
    %scan3A_178 = arith.constant 8 : i32
    %scan3A_179 = arith.addi %scan3A_177, %scan3A_178 : i32
    %scan3A_180 = arith.constant 1 : i32
    %scan3A_181:8 = scf.for %scan3A_562 = %scan3A_177 to %scan3A_179 step %scan3A_180 iter_args(%scan3A_563 = %scan3A_171, %scan3A_564 = %scan3A_172, %scan3A_565 = %scan3A_173, %scan3A_566 = %scan3A_174, %scan3A_567 = %scan3A_175, %scan3A_568 = %scan3A_176, %scan3A_569 = %reduce_sum3A_154, %scan3A_570 = %reduce_sum3A_162) -> (i32, i32, i32, f32, i32, f32, i32, f32)  : i32 {
      %mul3A_571 = arith.constant 8 : i32
      %mul3A_572 = arith.muli %reduce_min3A_144, %mul3A_571 : i32
      %add3A_573 = arith.addi %mul3A_572, %scan3A_562 : i32
      %mul3A_574 = arith.constant 16 : i32
      %mul3A_575 = arith.muli %add3A_573, %mul3A_574 : i32
      %get3A = arith.index_cast %mul3A_575 : i32 to index
      %get3A_576 = tpu.vector_load %arg8[%get3A] {strides = array<i32>} : memref<2048xi32, #tpu.memory_space<vmem>>, vector<16xi32>,
      %get3A_577 = arith.index_cast %mul3A_575 : i32 to index
      %get3A_578 = tpu.vector_load %arg9[%get3A_577] {strides = array<i32>} : memref<2048xf32, #tpu.memory_space<vmem>>, vector<16xf32>,
      %reduce_sum3A_579 = arith.constant true
      %reduce_sum3A_580 = vector.broadcast %reduce_sum3A_579 : i1 to vector<16xi1>
      %reduce_sum3A_581 = tpu.scan <sum>, %get3A_576 masked %reduce_sum3A_580 : vector<16xi32>, vector<16xi1> -> vector<16xi32>
      %reduce_sum3A_582 = vector.extract %reduce_sum3A_581[15] : i32 from vector<16xi32>
      %reduce_sum3A_583 = arith.constant true
      %reduce_sum3A_584 = vector.broadcast %reduce_sum3A_583 : i1 to vector<16xi1>
      %reduce_sum3A_585 = tpu.scan <sum>, %get3A_578 masked %reduce_sum3A_584 : vector<16xf32>, vector<16xi1> -> vector<16xf32>
      %reduce_sum3A_586 = vector.extract %reduce_sum3A_585[15] : f32 from vector<16xf32>
      %add3A_587 = arith.addi %scan3A_569, %reduce_sum3A_582 : i32
      %eq3A_588 = arith.constant 0 : i32
      %eq3A_589 = arith.cmpi eq, %scan3A_563, %eq3A_588 : i32
      %ge3A_590 = arith.cmpi sge, %add3A_587, %add3A_114 : i32
      %and3A = arith.andi %eq3A_589, %ge3A_590 : i1
      %convert_element_type3A_591 = arith.extui %and3A : i1 to i32
      %cond3A = arith.constant 0 : i32
      %cond3A_592 = arith.constant 0 : i32
      %cond3A_593 = arith.cmpi ne, %convert_element_type3A_591, %cond3A_592 : i32
      %cond3A_594:6 = scf.if %cond3A_593 -> (i32, i32, i32, f32, i32, f32) {
        %cumsum3A_596 = arith.constant true
        %cumsum3A_597 = vector.broadcast %cumsum3A_596 : i1 to vector<16xi1>
        %cumsum3A_598 = tpu.scan <sum>, %get3A_576 masked %cumsum3A_597 : vector<16xi32>, vector<16xi1> -> vector<16xi32>
        %cumsum3A_599 = arith.constant true
        %cumsum3A_600 = vector.broadcast %cumsum3A_599 : i1 to vector<16xi1>
        %cumsum3A_601 = tpu.scan <sum>, %get3A_578 masked %cumsum3A_600 : vector<16xf32>, vector<16xi1> -> vector<16xf32>
        %add3A_602 = vector.broadcast %scan3A_569 : i32 to vector<16xi32>
        %add3A_603 = arith.addi %add3A_602, %cumsum3A_598 : vector<16xi32>
        %ge3A_604 = vector.broadcast %add3A_114 : i32 to vector<16xi32>
        %ge3A_605 = arith.cmpi sge, %add3A_603, %ge3A_604 : vector<16xi32>
        %jit3A_606 = arith.constant 64 : i32
        %broadcast_in_dim3A_607 = vector.broadcast %jit3A_606 : i32 to vector<16xi32>
        %select_n3A_608 = arith.select %ge3A_605, %iota3A_115, %broadcast_in_dim3A_607 : vector<16xi1>, vector<16xi32>
        %reduce_min3A_609 = arith.constant true
        %reduce_min3A_610 = vector.broadcast %reduce_min3A_609 : i1 to vector<16xi1>
        %reduce_min3A_611 = arith.constant -2147483648 : i32
        %reduce_min3A_612 = vector.broadcast %reduce_min3A_611 : i32 to vector<16xi32>
        %reduce_min3A_613 = arith.xori %select_n3A_608, %reduce_min3A_612 : vector<16xi32>
        %reduce_min3A_614 = tpu.scan <min>, %reduce_min3A_613 masked %reduce_min3A_610 : vector<16xi32>, vector<16xi1> -> vector<16xi32>
        %reduce_min3A_615 = arith.xori %reduce_min3A_614, %reduce_min3A_612 : vector<16xi32>
        %reduce_min3A_616 = vector.extract %reduce_min3A_615[15] : i32 from vector<16xi32>
        %eq3A_617 = vector.broadcast %reduce_min3A_616 : i32 to vector<16xi32>
        %eq3A_618 = arith.cmpi eq, %iota3A_115, %eq3A_617 : vector<16xi32>
        %mul3A_619 = arith.constant 16 : i32
        %mul3A_620 = arith.muli %add3A_573, %mul3A_619 : i32
        %add3A_621 = arith.addi %mul3A_620, %reduce_min3A_616 : i32
        %jit3A_622 = arith.constant 0 : i32
        %broadcast_in_dim3A_623 = vector.broadcast %jit3A_622 : i32 to vector<16xi32>
        %select_n3A_624 = arith.select %eq3A_618, %add3A_603, %broadcast_in_dim3A_623 : vector<16xi1>, vector<16xi32>
        %reduce_sum3A_625 = arith.constant true
        %reduce_sum3A_626 = vector.broadcast %reduce_sum3A_625 : i1 to vector<16xi1>
        %reduce_sum3A_627 = tpu.scan <sum>, %select_n3A_624 masked %reduce_sum3A_626 : vector<16xi32>, vector<16xi1> -> vector<16xi32>
        %reduce_sum3A_628 = vector.extract %reduce_sum3A_627[15] : i32 from vector<16xi32>
        %jit3A_629 = arith.constant 0.000000e+00 : f32
        %broadcast_in_dim3A_630 = vector.broadcast %jit3A_629 : f32 to vector<16xf32>
        %select_n3A_631 = arith.select %eq3A_618, %cumsum3A_601, %broadcast_in_dim3A_630 : vector<16xi1>, vector<16xf32>
        %reduce_sum3A_632 = arith.constant true
        %reduce_sum3A_633 = vector.broadcast %reduce_sum3A_632 : i1 to vector<16xi1>
        %reduce_sum3A_634 = tpu.scan <sum>, %select_n3A_631 masked %reduce_sum3A_633 : vector<16xf32>, vector<16xi1> -> vector<16xf32>
        %reduce_sum3A_635 = vector.extract %reduce_sum3A_634[15] : f32 from vector<16xf32>
        %add3A_636 = arith.addf %scan3A_570, %reduce_sum3A_635 : f32
        %jit3A_637 = arith.constant 0 : i32
        %broadcast_in_dim3A_638 = vector.broadcast %jit3A_637 : i32 to vector<16xi32>
        %select_n3A_639 = arith.select %eq3A_618, %get3A_576, %broadcast_in_dim3A_638 : vector<16xi1>, vector<16xi32>
        %reduce_sum3A_640 = arith.constant true
        %reduce_sum3A_641 = vector.broadcast %reduce_sum3A_640 : i1 to vector<16xi1>
        %reduce_sum3A_642 = tpu.scan <sum>, %select_n3A_639 masked %reduce_sum3A_641 : vector<16xi32>, vector<16xi1> -> vector<16xi32>
        %reduce_sum3A_643 = vector.extract %reduce_sum3A_642[15] : i32 from vector<16xi32>
        %jit3A_644 = arith.constant 0.000000e+00 : f32
        %broadcast_in_dim3A_645 = vector.broadcast %jit3A_644 : f32 to vector<16xf32>
        %select_n3A_646 = arith.select %eq3A_618, %get3A_578, %broadcast_in_dim3A_645 : vector<16xi1>, vector<16xf32>
        %reduce_sum3A_647 = arith.constant true
        %reduce_sum3A_648 = vector.broadcast %reduce_sum3A_647 : i1 to vector<16xi1>
        %reduce_sum3A_649 = tpu.scan <sum>, %select_n3A_646 masked %reduce_sum3A_648 : vector<16xf32>, vector<16xi1> -> vector<16xf32>
        %reduce_sum3A_650 = vector.extract %reduce_sum3A_649[15] : f32 from vector<16xf32>
        %cond3A_651 = arith.constant 1 : i32
        scf.yield %cond3A_651, %add3A_621, %reduce_sum3A_628, %add3A_636, %reduce_sum3A_643, %reduce_sum3A_650 : i32, i32, i32, f32, i32, f32
      } else {
        scf.yield %scan3A_563, %scan3A_564, %scan3A_565, %scan3A_566, %scan3A_567, %scan3A_568 : i32, i32, i32, f32, i32, f32
      }
      %add3A_595 = arith.addf %scan3A_570, %reduce_sum3A_586 : f32
      scf.yield %cond3A_594#0, %cond3A_594#1, %cond3A_594#2, %cond3A_594#3, %cond3A_594#4, %cond3A_594#5, %add3A_587, %add3A_595 : i32, i32, i32, f32, i32, f32, i32, f32
    }
    %scan3A_182 = arith.constant 8 : i32
    %parallel_loop3A_183 = arith.constant 0 : i32
    %parallel_loop3A_184 = arith.constant 128 : i32
    %parallel_loop3A_185 = arith.constant 1 : i32
    scf.for %parallel_loop3A_562 = %parallel_loop3A_183 to %parallel_loop3A_184 step %parallel_loop3A_185  : i32 {
      %parallel_loop3A_563 = arith.constant 16 : i32
      %parallel_loop3A_564 = arith.muli %parallel_loop3A_562, %parallel_loop3A_563 : i32
      %parallel_loop3A_565 = arith.index_cast %parallel_loop3A_564 : i32 to index
      %parallel_loop3A_566 = tpu.vector_load %arg8[%parallel_loop3A_565] {strides = array<i32>} : memref<2048xi32, #tpu.memory_space<vmem>>, vector<16xi32>,
      tpu.vector_store %arg8[%parallel_loop3A_565], %broadcast_in_dim3A_117 {strides = array<i32>} : memref<2048xi32, #tpu.memory_space<vmem>>, vector<16xi32>,
      %parallel_loop3A_567 = arith.index_cast %parallel_loop3A_564 : i32 to index
      %parallel_loop3A_568 = tpu.vector_load %arg9[%parallel_loop3A_567] {strides = array<i32>} : memref<2048xf32, #tpu.memory_space<vmem>>, vector<16xf32>,
      tpu.vector_store %arg9[%parallel_loop3A_567], %broadcast_in_dim3A_119 {strides = array<i32>} : memref<2048xf32, #tpu.memory_space<vmem>>, vector<16xf32>,
    } {sc.loop_unroll_factor = 4 : i64, sc.parallel_access}
    %sub3A_186 = arith.subi %reduce_sum3A_166, %scan3A_181#2 : i32
    %add3A_187 = arith.addi %sub3A_103, %sub3A_186 : i32
    %sub3A_188 = arith.subf %reduce_sum3A_170, %scan3A_181#3 : f32
    %add3A_189 = arith.addf %sub3A_104, %sub3A_188 : f32
    %sub3A_190 = arith.subi %reduce_sum3A_166, %scan3A_181#2 : i32
    %sub3A_191 = arith.subi %sub3A_106, %sub3A_190 : i32
    %shift_left3A = arith.constant 11 : i32
    %shift_left3A_192 = arith.shli %sub3A_108, %shift_left3A : i32
    %or3A = arith.ori %shift_left3A_192, %scan3A_181#1 : i32
    %parallel_loop3A_193 = arith.constant 0 : i32
    %parallel_loop3A_194 = arith.constant 2048 : i32
    %parallel_loop3A_195 = arith.constant 1 : i32
    scf.for %parallel_loop3A_562 = %parallel_loop3A_193 to %parallel_loop3A_194 step %parallel_loop3A_195  : i32 {
      %parallel_loop3A_563 = arith.constant 16 : i32
      %parallel_loop3A_564 = arith.muli %parallel_loop3A_562, %parallel_loop3A_563 : i32
      %parallel_loop3A_565 = arith.index_cast %parallel_loop3A_564 : i32 to index
      %parallel_loop3A_566 = tpu.vector_load %arg4[%parallel_loop3A_565] {strides = array<i32>} : memref<32768xf32, #tpu.memory_space<vmem>>, vector<16xf32>,
      %parallel_loop3A_567 = tpu.bitcast %parallel_loop3A_566 : vector<16xf32> -> vector<16xi32>
      %parallel_loop3A_568 = arith.constant 31 : i32
      %parallel_loop3A_569 = vector.broadcast %parallel_loop3A_568 : i32 to vector<16xi32>
      %parallel_loop3A_570 = arith.shrsi %parallel_loop3A_567, %parallel_loop3A_569 : vector<16xi32>
      %parallel_loop3A_571 = arith.constant 2147483647 : i32
      %parallel_loop3A_572 = vector.broadcast %parallel_loop3A_571 : i32 to vector<16xi32>
      %parallel_loop3A_573 = arith.andi %parallel_loop3A_570, %parallel_loop3A_572 : vector<16xi32>
      %parallel_loop3A_574 = arith.xori %parallel_loop3A_567, %parallel_loop3A_573 : vector<16xi32>
      %parallel_loop3A_575 = arith.constant 10 : i32
      %parallel_loop3A_576 = vector.broadcast %parallel_loop3A_575 : i32 to vector<16xi32>
      %parallel_loop3A_577 = arith.shrsi %parallel_loop3A_574, %parallel_loop3A_576 : vector<16xi32>
      %parallel_loop3A_578 = vector.broadcast %or3A : i32 to vector<16xi32>
      %parallel_loop3A_579 = arith.cmpi eq, %parallel_loop3A_577, %parallel_loop3A_578 : vector<16xi32>
      %parallel_loop3A_580 = arith.constant 1023 : i32
      %parallel_loop3A_581 = vector.broadcast %parallel_loop3A_580 : i32 to vector<16xi32>
      %parallel_loop3A_582 = arith.andi %parallel_loop3A_574, %parallel_loop3A_581 : vector<16xi32>
      tpu.vector_store_idx %arg10[%parallel_loop3A_582], %broadcast_in_dim3A_1 masked %parallel_loop3A_579 {add = true} : memref<1024xi32, #tpu.memory_space<vmem>>[vector<16xi32>], vector<16xi32>, vector<16xi1>
      tpu.vector_store_idx %arg11[%parallel_loop3A_582], %parallel_loop3A_566 masked %parallel_loop3A_579 {add = true} : memref<1024xf32, #tpu.memory_space<vmem>>[vector<16xi32>], vector<16xf32>, vector<16xi1>
    } {sc.loop_unroll_factor = 8 : i64, sc.parallel_access}
    %sub3A_196 = arith.subi %scan3A_181#4, %sub3A_191 : i32
    %add3A_197 = arith.constant 1 : i32
    %add3A_198 = arith.addi %sub3A_196, %add3A_197 : i32
    %iota3A_199 = tpu.iota {dimensions = array<i32: 0>} : vector<16xi32>
    %broadcast_in_dim3A_200 = arith.constant 0 : i32
    %broadcast_in_dim3A_201 = vector.broadcast %broadcast_in_dim3A_200 : i32 to vector<16xi32>
    %broadcast_in_dim3A_202 = arith.constant 0.000000e+00 : f32
    %broadcast_in_dim3A_203 = vector.broadcast %broadcast_in_dim3A_202 : f32 to vector<16xf32>
    %scan3A_204 = arith.constant 0 : i32
    %scan3A_205 = arith.constant 16 : i32
    %scan3A_206 = arith.addi %scan3A_204, %scan3A_205 : i32
    %scan3A_207 = arith.constant 1 : i32
    %scan3A_208:2 = scf.for %scan3A_562 = %scan3A_204 to %scan3A_206 step %scan3A_207 iter_args(%scan3A_563 = %broadcast_in_dim3A_201, %scan3A_564 = %broadcast_in_dim3A_203) -> (vector<16xi32>, vector<16xf32>)  : i32 {
      %mul3A_565 = arith.constant 4 : i32
      %mul3A_566 = arith.muli %scan3A_562, %mul3A_565 : i32
      %add3A_567 = arith.constant 0 : i32
      %add3A_568 = arith.addi %mul3A_566, %add3A_567 : i32
      %mul3A_569 = arith.constant 16 : i32
      %mul3A_570 = arith.muli %add3A_568, %mul3A_569 : i32
      %get3A = arith.index_cast %mul3A_570 : i32 to index
      %get3A_571 = tpu.vector_load %arg10[%get3A] {strides = array<i32>} : memref<1024xi32, #tpu.memory_space<vmem>>, vector<16xi32>,
      %add3A_572 = arith.addi %broadcast_in_dim3A_201, %get3A_571 : vector<16xi32>
      %get3A_573 = arith.index_cast %mul3A_570 : i32 to index
      %get3A_574 = tpu.vector_load %arg11[%get3A_573] {strides = array<i32>} : memref<1024xf32, #tpu.memory_space<vmem>>, vector<16xf32>,
      %add3A_575 = arith.addf %broadcast_in_dim3A_203, %get3A_574 : vector<16xf32>
      %mul3A_576 = arith.constant 4 : i32
      %mul3A_577 = arith.muli %scan3A_562, %mul3A_576 : i32
      %add3A_578 = arith.constant 1 : i32
      %add3A_579 = arith.addi %mul3A_577, %add3A_578 : i32
      %mul3A_580 = arith.constant 16 : i32
      %mul3A_581 = arith.muli %add3A_579, %mul3A_580 : i32
      %get3A_582 = arith.index_cast %mul3A_581 : i32 to index
      %get3A_583 = tpu.vector_load %arg10[%get3A_582] {strides = array<i32>} : memref<1024xi32, #tpu.memory_space<vmem>>, vector<16xi32>,
      %add3A_584 = arith.addi %add3A_572, %get3A_583 : vector<16xi32>
      %get3A_585 = arith.index_cast %mul3A_581 : i32 to index
      %get3A_586 = tpu.vector_load %arg11[%get3A_585] {strides = array<i32>} : memref<1024xf32, #tpu.memory_space<vmem>>, vector<16xf32>,
      %add3A_587 = arith.addf %add3A_575, %get3A_586 : vector<16xf32>
      %mul3A_588 = arith.constant 4 : i32
      %mul3A_589 = arith.muli %scan3A_562, %mul3A_588 : i32
      %add3A_590 = arith.constant 2 : i32
      %add3A_591 = arith.addi %mul3A_589, %add3A_590 : i32
      %mul3A_592 = arith.constant 16 : i32
      %mul3A_593 = arith.muli %add3A_591, %mul3A_592 : i32
      %get3A_594 = arith.index_cast %mul3A_593 : i32 to index
      %get3A_595 = tpu.vector_load %arg10[%get3A_594] {strides = array<i32>} : memref<1024xi32, #tpu.memory_space<vmem>>, vector<16xi32>,
      %add3A_596 = arith.addi %add3A_584, %get3A_595 : vector<16xi32>
      %get3A_597 = arith.index_cast %mul3A_593 : i32 to index
      %get3A_598 = tpu.vector_load %arg11[%get3A_597] {strides = array<i32>} : memref<1024xf32, #tpu.memory_space<vmem>>, vector<16xf32>,
      %add3A_599 = arith.addf %add3A_587, %get3A_598 : vector<16xf32>
      %mul3A_600 = arith.constant 4 : i32
      %mul3A_601 = arith.muli %scan3A_562, %mul3A_600 : i32
      %add3A_602 = arith.constant 3 : i32
      %add3A_603 = arith.addi %mul3A_601, %add3A_602 : i32
      %mul3A_604 = arith.constant 16 : i32
      %mul3A_605 = arith.muli %add3A_603, %mul3A_604 : i32
      %get3A_606 = arith.index_cast %mul3A_605 : i32 to index
      %get3A_607 = tpu.vector_load %arg10[%get3A_606] {strides = array<i32>} : memref<1024xi32, #tpu.memory_space<vmem>>, vector<16xi32>,
      %add3A_608 = arith.addi %add3A_596, %get3A_607 : vector<16xi32>
      %get3A_609 = arith.index_cast %mul3A_605 : i32 to index
      %get3A_610 = tpu.vector_load %arg11[%get3A_609] {strides = array<i32>} : memref<1024xf32, #tpu.memory_space<vmem>>, vector<16xf32>,
      %add3A_611 = arith.addf %add3A_599, %get3A_610 : vector<16xf32>
      %eq3A_612 = vector.broadcast %scan3A_562 : i32 to vector<16xi32>
      %eq3A_613 = arith.cmpi eq, %iota3A_199, %eq3A_612 : vector<16xi32>
      %reduce_sum3A_614 = arith.constant true
      %reduce_sum3A_615 = vector.broadcast %reduce_sum3A_614 : i1 to vector<16xi1>
      %reduce_sum3A_616 = tpu.scan <sum>, %add3A_608 masked %reduce_sum3A_615 : vector<16xi32>, vector<16xi1> -> vector<16xi32>
      %reduce_sum3A_617 = vector.extract %reduce_sum3A_616[15] : i32 from vector<16xi32>
      %broadcast_in_dim3A_618 = vector.broadcast %reduce_sum3A_617 : i32 to vector<16xi32>
      %select_n3A_619 = arith.select %eq3A_613, %broadcast_in_dim3A_618, %scan3A_563 : vector<16xi1>, vector<16xi32>
      %reduce_sum3A_620 = arith.constant true
      %reduce_sum3A_621 = vector.broadcast %reduce_sum3A_620 : i1 to vector<16xi1>
      %reduce_sum3A_622 = tpu.scan <sum>, %add3A_611 masked %reduce_sum3A_621 : vector<16xf32>, vector<16xi1> -> vector<16xf32>
      %reduce_sum3A_623 = vector.extract %reduce_sum3A_622[15] : f32 from vector<16xf32>
      %broadcast_in_dim3A_624 = vector.broadcast %reduce_sum3A_623 : f32 to vector<16xf32>
      %select_n3A_625 = arith.select %eq3A_613, %broadcast_in_dim3A_624, %scan3A_564 : vector<16xi1>, vector<16xf32>
      scf.yield %select_n3A_619, %select_n3A_625 : vector<16xi32>, vector<16xf32>
    }
    %scan3A_209 = arith.constant 16 : i32
    %cumsum3A_210 = arith.constant true
    %cumsum3A_211 = vector.broadcast %cumsum3A_210 : i1 to vector<16xi1>
    %cumsum3A_212 = tpu.scan <sum>, %scan3A_208#0 masked %cumsum3A_211 : vector<16xi32>, vector<16xi1> -> vector<16xi32>
    %cumsum3A_213 = arith.constant true
    %cumsum3A_214 = vector.broadcast %cumsum3A_213 : i1 to vector<16xi1>
    %cumsum3A_215 = tpu.scan <sum>, %scan3A_208#1 masked %cumsum3A_214 : vector<16xf32>, vector<16xi1> -> vector<16xf32>
    %ge3A_216 = vector.broadcast %add3A_198 : i32 to vector<16xi32>
    %ge3A_217 = arith.cmpi sge, %cumsum3A_212, %ge3A_216 : vector<16xi32>
    %jit3A_218 = arith.constant 64 : i32
    %broadcast_in_dim3A_219 = vector.broadcast %jit3A_218 : i32 to vector<16xi32>
    %select_n3A_220 = arith.select %ge3A_217, %iota3A_199, %broadcast_in_dim3A_219 : vector<16xi1>, vector<16xi32>
    %reduce_min3A_221 = arith.constant true
    %reduce_min3A_222 = vector.broadcast %reduce_min3A_221 : i1 to vector<16xi1>
    %reduce_min3A_223 = arith.constant -2147483648 : i32
    %reduce_min3A_224 = vector.broadcast %reduce_min3A_223 : i32 to vector<16xi32>
    %reduce_min3A_225 = arith.xori %select_n3A_220, %reduce_min3A_224 : vector<16xi32>
    %reduce_min3A_226 = tpu.scan <min>, %reduce_min3A_225 masked %reduce_min3A_222 : vector<16xi32>, vector<16xi1> -> vector<16xi32>
    %reduce_min3A_227 = arith.xori %reduce_min3A_226, %reduce_min3A_224 : vector<16xi32>
    %reduce_min3A_228 = vector.extract %reduce_min3A_227[15] : i32 from vector<16xi32>
    %eq3A_229 = vector.broadcast %reduce_min3A_228 : i32 to vector<16xi32>
    %eq3A_230 = arith.cmpi eq, %iota3A_199, %eq3A_229 : vector<16xi32>
    %sub3A_231 = arith.subi %cumsum3A_212, %scan3A_208#0 : vector<16xi32>
    %jit3A_232 = arith.constant 0 : i32
    %broadcast_in_dim3A_233 = vector.broadcast %jit3A_232 : i32 to vector<16xi32>
    %select_n3A_234 = arith.select %eq3A_230, %sub3A_231, %broadcast_in_dim3A_233 : vector<16xi1>, vector<16xi32>
    %reduce_sum3A_235 = arith.constant true
    %reduce_sum3A_236 = vector.broadcast %reduce_sum3A_235 : i1 to vector<16xi1>
    %reduce_sum3A_237 = tpu.scan <sum>, %select_n3A_234 masked %reduce_sum3A_236 : vector<16xi32>, vector<16xi1> -> vector<16xi32>
    %reduce_sum3A_238 = vector.extract %reduce_sum3A_237[15] : i32 from vector<16xi32>
    %sub3A_239 = arith.subf %cumsum3A_215, %scan3A_208#1 : vector<16xf32>
    %jit3A_240 = arith.constant 0.000000e+00 : f32
    %broadcast_in_dim3A_241 = vector.broadcast %jit3A_240 : f32 to vector<16xf32>
    %select_n3A_242 = arith.select %eq3A_230, %sub3A_239, %broadcast_in_dim3A_241 : vector<16xi1>, vector<16xf32>
    %reduce_sum3A_243 = arith.constant true
    %reduce_sum3A_244 = vector.broadcast %reduce_sum3A_243 : i1 to vector<16xi1>
    %reduce_sum3A_245 = tpu.scan <sum>, %select_n3A_242 masked %reduce_sum3A_244 : vector<16xf32>, vector<16xi1> -> vector<16xf32>
    %reduce_sum3A_246 = vector.extract %reduce_sum3A_245[15] : f32 from vector<16xf32>
    %reduce_sum3A_247 = arith.constant true
    %reduce_sum3A_248 = vector.broadcast %reduce_sum3A_247 : i1 to vector<16xi1>
    %reduce_sum3A_249 = tpu.scan <sum>, %scan3A_208#0 masked %reduce_sum3A_248 : vector<16xi32>, vector<16xi1> -> vector<16xi32>
    %reduce_sum3A_250 = vector.extract %reduce_sum3A_249[15] : i32 from vector<16xi32>
    %reduce_sum3A_251 = arith.constant true
    %reduce_sum3A_252 = vector.broadcast %reduce_sum3A_251 : i1 to vector<16xi1>
    %reduce_sum3A_253 = tpu.scan <sum>, %scan3A_208#1 masked %reduce_sum3A_252 : vector<16xf32>, vector<16xi1> -> vector<16xf32>
    %reduce_sum3A_254 = vector.extract %reduce_sum3A_253[15] : f32 from vector<16xf32>
    %scan3A_255 = arith.constant 0 : i32
    %scan3A_256 = arith.constant 0 : i32
    %scan3A_257 = arith.constant 0 : i32
    %scan3A_258 = arith.constant 0.000000e+00 : f32
    %scan3A_259 = arith.constant 0 : i32
    %scan3A_260 = arith.constant 0.000000e+00 : f32
    %scan3A_261 = arith.constant 0 : i32
    %scan3A_262 = arith.constant 4 : i32
    %scan3A_263 = arith.addi %scan3A_261, %scan3A_262 : i32
    %scan3A_264 = arith.constant 1 : i32
    %scan3A_265:8 = scf.for %scan3A_562 = %scan3A_261 to %scan3A_263 step %scan3A_264 iter_args(%scan3A_563 = %scan3A_255, %scan3A_564 = %scan3A_256, %scan3A_565 = %scan3A_257, %scan3A_566 = %scan3A_258, %scan3A_567 = %scan3A_259, %scan3A_568 = %scan3A_260, %scan3A_569 = %reduce_sum3A_238, %scan3A_570 = %reduce_sum3A_246) -> (i32, i32, i32, f32, i32, f32, i32, f32)  : i32 {
      %mul3A_571 = arith.constant 4 : i32
      %mul3A_572 = arith.muli %reduce_min3A_228, %mul3A_571 : i32
      %add3A_573 = arith.addi %mul3A_572, %scan3A_562 : i32
      %mul3A_574 = arith.constant 16 : i32
      %mul3A_575 = arith.muli %add3A_573, %mul3A_574 : i32
      %get3A = arith.index_cast %mul3A_575 : i32 to index
      %get3A_576 = tpu.vector_load %arg10[%get3A] {strides = array<i32>} : memref<1024xi32, #tpu.memory_space<vmem>>, vector<16xi32>,
      %get3A_577 = arith.index_cast %mul3A_575 : i32 to index
      %get3A_578 = tpu.vector_load %arg11[%get3A_577] {strides = array<i32>} : memref<1024xf32, #tpu.memory_space<vmem>>, vector<16xf32>,
      %reduce_sum3A_579 = arith.constant true
      %reduce_sum3A_580 = vector.broadcast %reduce_sum3A_579 : i1 to vector<16xi1>
      %reduce_sum3A_581 = tpu.scan <sum>, %get3A_576 masked %reduce_sum3A_580 : vector<16xi32>, vector<16xi1> -> vector<16xi32>
      %reduce_sum3A_582 = vector.extract %reduce_sum3A_581[15] : i32 from vector<16xi32>
      %reduce_sum3A_583 = arith.constant true
      %reduce_sum3A_584 = vector.broadcast %reduce_sum3A_583 : i1 to vector<16xi1>
      %reduce_sum3A_585 = tpu.scan <sum>, %get3A_578 masked %reduce_sum3A_584 : vector<16xf32>, vector<16xi1> -> vector<16xf32>
      %reduce_sum3A_586 = vector.extract %reduce_sum3A_585[15] : f32 from vector<16xf32>
      %add3A_587 = arith.addi %scan3A_569, %reduce_sum3A_582 : i32
      %eq3A_588 = arith.constant 0 : i32
      %eq3A_589 = arith.cmpi eq, %scan3A_563, %eq3A_588 : i32
      %ge3A_590 = arith.cmpi sge, %add3A_587, %add3A_198 : i32
      %and3A = arith.andi %eq3A_589, %ge3A_590 : i1
      %convert_element_type3A_591 = arith.extui %and3A : i1 to i32
      %cond3A = arith.constant 0 : i32
      %cond3A_592 = arith.constant 0 : i32
      %cond3A_593 = arith.cmpi ne, %convert_element_type3A_591, %cond3A_592 : i32
      %cond3A_594:6 = scf.if %cond3A_593 -> (i32, i32, i32, f32, i32, f32) {
        %cumsum3A_596 = arith.constant true
        %cumsum3A_597 = vector.broadcast %cumsum3A_596 : i1 to vector<16xi1>
        %cumsum3A_598 = tpu.scan <sum>, %get3A_576 masked %cumsum3A_597 : vector<16xi32>, vector<16xi1> -> vector<16xi32>
        %cumsum3A_599 = arith.constant true
        %cumsum3A_600 = vector.broadcast %cumsum3A_599 : i1 to vector<16xi1>
        %cumsum3A_601 = tpu.scan <sum>, %get3A_578 masked %cumsum3A_600 : vector<16xf32>, vector<16xi1> -> vector<16xf32>
        %add3A_602 = vector.broadcast %scan3A_569 : i32 to vector<16xi32>
        %add3A_603 = arith.addi %add3A_602, %cumsum3A_598 : vector<16xi32>
        %ge3A_604 = vector.broadcast %add3A_198 : i32 to vector<16xi32>
        %ge3A_605 = arith.cmpi sge, %add3A_603, %ge3A_604 : vector<16xi32>
        %jit3A_606 = arith.constant 64 : i32
        %broadcast_in_dim3A_607 = vector.broadcast %jit3A_606 : i32 to vector<16xi32>
        %select_n3A_608 = arith.select %ge3A_605, %iota3A_199, %broadcast_in_dim3A_607 : vector<16xi1>, vector<16xi32>
        %reduce_min3A_609 = arith.constant true
        %reduce_min3A_610 = vector.broadcast %reduce_min3A_609 : i1 to vector<16xi1>
        %reduce_min3A_611 = arith.constant -2147483648 : i32
        %reduce_min3A_612 = vector.broadcast %reduce_min3A_611 : i32 to vector<16xi32>
        %reduce_min3A_613 = arith.xori %select_n3A_608, %reduce_min3A_612 : vector<16xi32>
        %reduce_min3A_614 = tpu.scan <min>, %reduce_min3A_613 masked %reduce_min3A_610 : vector<16xi32>, vector<16xi1> -> vector<16xi32>
        %reduce_min3A_615 = arith.xori %reduce_min3A_614, %reduce_min3A_612 : vector<16xi32>
        %reduce_min3A_616 = vector.extract %reduce_min3A_615[15] : i32 from vector<16xi32>
        %eq3A_617 = vector.broadcast %reduce_min3A_616 : i32 to vector<16xi32>
        %eq3A_618 = arith.cmpi eq, %iota3A_199, %eq3A_617 : vector<16xi32>
        %mul3A_619 = arith.constant 16 : i32
        %mul3A_620 = arith.muli %add3A_573, %mul3A_619 : i32
        %add3A_621 = arith.addi %mul3A_620, %reduce_min3A_616 : i32
        %jit3A_622 = arith.constant 0 : i32
        %broadcast_in_dim3A_623 = vector.broadcast %jit3A_622 : i32 to vector<16xi32>
        %select_n3A_624 = arith.select %eq3A_618, %add3A_603, %broadcast_in_dim3A_623 : vector<16xi1>, vector<16xi32>
        %reduce_sum3A_625 = arith.constant true
        %reduce_sum3A_626 = vector.broadcast %reduce_sum3A_625 : i1 to vector<16xi1>
        %reduce_sum3A_627 = tpu.scan <sum>, %select_n3A_624 masked %reduce_sum3A_626 : vector<16xi32>, vector<16xi1> -> vector<16xi32>
        %reduce_sum3A_628 = vector.extract %reduce_sum3A_627[15] : i32 from vector<16xi32>
        %jit3A_629 = arith.constant 0.000000e+00 : f32
        %broadcast_in_dim3A_630 = vector.broadcast %jit3A_629 : f32 to vector<16xf32>
        %select_n3A_631 = arith.select %eq3A_618, %cumsum3A_601, %broadcast_in_dim3A_630 : vector<16xi1>, vector<16xf32>
        %reduce_sum3A_632 = arith.constant true
        %reduce_sum3A_633 = vector.broadcast %reduce_sum3A_632 : i1 to vector<16xi1>
        %reduce_sum3A_634 = tpu.scan <sum>, %select_n3A_631 masked %reduce_sum3A_633 : vector<16xf32>, vector<16xi1> -> vector<16xf32>
        %reduce_sum3A_635 = vector.extract %reduce_sum3A_634[15] : f32 from vector<16xf32>
        %add3A_636 = arith.addf %scan3A_570, %reduce_sum3A_635 : f32
        %jit3A_637 = arith.constant 0 : i32
        %broadcast_in_dim3A_638 = vector.broadcast %jit3A_637 : i32 to vector<16xi32>
        %select_n3A_639 = arith.select %eq3A_618, %get3A_576, %broadcast_in_dim3A_638 : vector<16xi1>, vector<16xi32>
        %reduce_sum3A_640 = arith.constant true
        %reduce_sum3A_641 = vector.broadcast %reduce_sum3A_640 : i1 to vector<16xi1>
        %reduce_sum3A_642 = tpu.scan <sum>, %select_n3A_639 masked %reduce_sum3A_641 : vector<16xi32>, vector<16xi1> -> vector<16xi32>
        %reduce_sum3A_643 = vector.extract %reduce_sum3A_642[15] : i32 from vector<16xi32>
        %jit3A_644 = arith.constant 0.000000e+00 : f32
        %broadcast_in_dim3A_645 = vector.broadcast %jit3A_644 : f32 to vector<16xf32>
        %select_n3A_646 = arith.select %eq3A_618, %get3A_578, %broadcast_in_dim3A_645 : vector<16xi1>, vector<16xf32>
        %reduce_sum3A_647 = arith.constant true
        %reduce_sum3A_648 = vector.broadcast %reduce_sum3A_647 : i1 to vector<16xi1>
        %reduce_sum3A_649 = tpu.scan <sum>, %select_n3A_646 masked %reduce_sum3A_648 : vector<16xf32>, vector<16xi1> -> vector<16xf32>
        %reduce_sum3A_650 = vector.extract %reduce_sum3A_649[15] : f32 from vector<16xf32>
        %cond3A_651 = arith.constant 1 : i32
        scf.yield %cond3A_651, %add3A_621, %reduce_sum3A_628, %add3A_636, %reduce_sum3A_643, %reduce_sum3A_650 : i32, i32, i32, f32, i32, f32
      } else {
        scf.yield %scan3A_563, %scan3A_564, %scan3A_565, %scan3A_566, %scan3A_567, %scan3A_568 : i32, i32, i32, f32, i32, f32
      }
      %add3A_595 = arith.addf %scan3A_570, %reduce_sum3A_586 : f32
      scf.yield %cond3A_594#0, %cond3A_594#1, %cond3A_594#2, %cond3A_594#3, %cond3A_594#4, %cond3A_594#5, %add3A_587, %add3A_595 : i32, i32, i32, f32, i32, f32, i32, f32
    }
    %scan3A_266 = arith.constant 4 : i32
    %parallel_loop3A_267 = arith.constant 0 : i32
    %parallel_loop3A_268 = arith.constant 64 : i32
    %parallel_loop3A_269 = arith.constant 1 : i32
    scf.for %parallel_loop3A_562 = %parallel_loop3A_267 to %parallel_loop3A_268 step %parallel_loop3A_269  : i32 {
      %parallel_loop3A_563 = arith.constant 16 : i32
      %parallel_loop3A_564 = arith.muli %parallel_loop3A_562, %parallel_loop3A_563 : i32
      %parallel_loop3A_565 = arith.index_cast %parallel_loop3A_564 : i32 to index
      %parallel_loop3A_566 = tpu.vector_load %arg10[%parallel_loop3A_565] {strides = array<i32>} : memref<1024xi32, #tpu.memory_space<vmem>>, vector<16xi32>,
      tpu.vector_store %arg10[%parallel_loop3A_565], %broadcast_in_dim3A_201 {strides = array<i32>} : memref<1024xi32, #tpu.memory_space<vmem>>, vector<16xi32>,
      %parallel_loop3A_567 = arith.index_cast %parallel_loop3A_564 : i32 to index
      %parallel_loop3A_568 = tpu.vector_load %arg11[%parallel_loop3A_567] {strides = array<i32>} : memref<1024xf32, #tpu.memory_space<vmem>>, vector<16xf32>,
      tpu.vector_store %arg11[%parallel_loop3A_567], %broadcast_in_dim3A_203 {strides = array<i32>} : memref<1024xf32, #tpu.memory_space<vmem>>, vector<16xf32>,
    } {sc.loop_unroll_factor = 4 : i64, sc.parallel_access}
    %sub3A_270 = arith.subi %reduce_sum3A_250, %scan3A_265#2 : i32
    %add3A_271 = arith.addi %add3A_187, %sub3A_270 : i32
    %sub3A_272 = arith.subf %reduce_sum3A_254, %scan3A_265#3 : f32
    %add3A_273 = arith.addf %add3A_189, %sub3A_272 : f32
    %add3A_274 = arith.addi %add3A_271, %scan3A_265#4 : i32
    %add3A_275 = arith.addf %add3A_273, %scan3A_265#5 : f32
    %ge3A_276 = arith.constant 3278 : i32
    %ge3A_277 = arith.cmpi sge, %add3A_274, %ge3A_276 : i32
    %select_n3A_278 = arith.select %ge3A_277, %add3A_271, %add3A_274 : i32
    %convert_element_type3A = arith.sitofp %select_n3A_278 : i32 to f32
    %select_n3A_279 = arith.select %ge3A_277, %add3A_273, %add3A_275 : f32
    %eq3A_280 = arith.constant 0 : i32
    %eq3A_281 = vector.broadcast %eq3A_280 : i32 to vector<16xi32>
    %eq3A_282 = arith.cmpi eq, %iota3A, %eq3A_281 : vector<16xi32>
    %broadcast_in_dim3A_283 = vector.broadcast %select_n3A_279 : f32 to vector<16xf32>
    %select_n3A_284 = arith.select %eq3A_282, %broadcast_in_dim3A_283, %broadcast_in_dim3A_7 : vector<16xi1>, vector<16xf32>
    %eq3A_285 = arith.constant 0 : i32
    %eq3A_286 = vector.broadcast %eq3A_285 : i32 to vector<16xi32>
    %eq3A_287 = arith.cmpi eq, %iota3A, %eq3A_286 : vector<16xi32>
    %broadcast_in_dim3A_288 = vector.broadcast %convert_element_type3A : f32 to vector<16xf32>
    %select_n3A_289 = arith.select %eq3A_287, %broadcast_in_dim3A_288, %broadcast_in_dim3A_9 : vector<16xi1>, vector<16xf32>
    %dma_wait3A_290 = arith.constant 0 : i32
    %dma_wait3A_291 = tpu.memref_slice %arg2[%add3A_25, %dma_wait3A_290] : memref<128x32768xf32, #tpu.memory_space<hbm>> -> memref<1x32768xf32, #tpu.memory_space<hbm>>
    %dma_wait3A_292 = tpu.memref_squeeze %dma_wait3A_291 : memref<1x32768xf32, #tpu.memory_space<hbm>> -> memref<32768xf32, #tpu.memory_space<hbm>>
    %dma_wait3A_293 = arith.constant 0 : i32
    %dma_wait3A_294 = tpu.memref_slice %arg2[%add3A_25, %dma_wait3A_293] : memref<128x32768xf32, #tpu.memory_space<hbm>> -> memref<1x32768xf32, #tpu.memory_space<hbm>>
    %dma_wait3A_295 = tpu.memref_squeeze %dma_wait3A_294 : memref<1x32768xf32, #tpu.memory_space<hbm>> -> memref<32768xf32, #tpu.memory_space<hbm>>
    tpu.wait_dma2 semaphore(%arg14 : memref<!tpu.dma_semaphore, #tpu.memory_space<semaphore_mem>>) src(%dma_wait3A_295 : memref<32768xf32, #tpu.memory_space<hbm>>) dst(%arg5 : memref<32768xf32, #tpu.memory_space<vmem>>)
    %parallel_loop3A_296 = arith.constant 0 : i32
    %parallel_loop3A_297 = arith.constant 2048 : i32
    %parallel_loop3A_298 = arith.constant 1 : i32
    scf.for %parallel_loop3A_562 = %parallel_loop3A_296 to %parallel_loop3A_297 step %parallel_loop3A_298  : i32 {
      %parallel_loop3A_563 = arith.constant 16 : i32
      %parallel_loop3A_564 = arith.muli %parallel_loop3A_562, %parallel_loop3A_563 : i32
      %parallel_loop3A_565 = arith.index_cast %parallel_loop3A_564 : i32 to index
      %parallel_loop3A_566 = tpu.vector_load %arg5[%parallel_loop3A_565] {strides = array<i32>} : memref<32768xf32, #tpu.memory_space<vmem>>, vector<16xf32>,
      %parallel_loop3A_567 = tpu.bitcast %parallel_loop3A_566 : vector<16xf32> -> vector<16xi32>
      %parallel_loop3A_568 = arith.constant 31 : i32
      %parallel_loop3A_569 = vector.broadcast %parallel_loop3A_568 : i32 to vector<16xi32>
      %parallel_loop3A_570 = arith.shrsi %parallel_loop3A_567, %parallel_loop3A_569 : vector<16xi32>
      %parallel_loop3A_571 = arith.constant 2147483647 : i32
      %parallel_loop3A_572 = vector.broadcast %parallel_loop3A_571 : i32 to vector<16xi32>
      %parallel_loop3A_573 = arith.andi %parallel_loop3A_570, %parallel_loop3A_572 : vector<16xi32>
      %parallel_loop3A_574 = arith.xori %parallel_loop3A_567, %parallel_loop3A_573 : vector<16xi32>
      %parallel_loop3A_575 = arith.constant 21 : i32
      %parallel_loop3A_576 = vector.broadcast %parallel_loop3A_575 : i32 to vector<16xi32>
      %parallel_loop3A_577 = arith.shrsi %parallel_loop3A_574, %parallel_loop3A_576 : vector<16xi32>
      %parallel_loop3A_578 = arith.constant 1024 : i32
      %parallel_loop3A_579 = vector.broadcast %parallel_loop3A_578 : i32 to vector<16xi32>
      %parallel_loop3A_580 = arith.addi %parallel_loop3A_577, %parallel_loop3A_579 : vector<16xi32>
      tpu.vector_store_idx %arg6[%parallel_loop3A_580], %broadcast_in_dim3A_1 {add = true} : memref<2048xi32, #tpu.memory_space<vmem>>[vector<16xi32>], vector<16xi32>,
      tpu.vector_store_idx %arg7[%parallel_loop3A_580], %parallel_loop3A_566 {add = true} : memref<2048xf32, #tpu.memory_space<vmem>>[vector<16xi32>], vector<16xf32>,
    } {sc.loop_unroll_factor = 8 : i64, sc.parallel_access}
    %iota3A_299 = tpu.iota {dimensions = array<i32: 0>} : vector<16xi32>
    %broadcast_in_dim3A_300 = arith.constant 0 : i32
    %broadcast_in_dim3A_301 = vector.broadcast %broadcast_in_dim3A_300 : i32 to vector<16xi32>
    %broadcast_in_dim3A_302 = arith.constant 0.000000e+00 : f32
    %broadcast_in_dim3A_303 = vector.broadcast %broadcast_in_dim3A_302 : f32 to vector<16xf32>
    %scan3A_304 = arith.constant 0 : i32
    %scan3A_305 = arith.constant 16 : i32
    %scan3A_306 = arith.addi %scan3A_304, %scan3A_305 : i32
    %scan3A_307 = arith.constant 1 : i32
    %scan3A_308:2 = scf.for %scan3A_562 = %scan3A_304 to %scan3A_306 step %scan3A_307 iter_args(%scan3A_563 = %broadcast_in_dim3A_301, %scan3A_564 = %broadcast_in_dim3A_303) -> (vector<16xi32>, vector<16xf32>)  : i32 {
      %mul3A_565 = arith.constant 8 : i32
      %mul3A_566 = arith.muli %scan3A_562, %mul3A_565 : i32
      %add3A_567 = arith.constant 0 : i32
      %add3A_568 = arith.addi %mul3A_566, %add3A_567 : i32
      %mul3A_569 = arith.constant 16 : i32
      %mul3A_570 = arith.muli %add3A_568, %mul3A_569 : i32
      %get3A = arith.index_cast %mul3A_570 : i32 to index
      %get3A_571 = tpu.vector_load %arg6[%get3A] {strides = array<i32>} : memref<2048xi32, #tpu.memory_space<vmem>>, vector<16xi32>,
      %add3A_572 = arith.addi %broadcast_in_dim3A_301, %get3A_571 : vector<16xi32>
      %get3A_573 = arith.index_cast %mul3A_570 : i32 to index
      %get3A_574 = tpu.vector_load %arg7[%get3A_573] {strides = array<i32>} : memref<2048xf32, #tpu.memory_space<vmem>>, vector<16xf32>,
      %add3A_575 = arith.addf %broadcast_in_dim3A_303, %get3A_574 : vector<16xf32>
      %mul3A_576 = arith.constant 8 : i32
      %mul3A_577 = arith.muli %scan3A_562, %mul3A_576 : i32
      %add3A_578 = arith.constant 1 : i32
      %add3A_579 = arith.addi %mul3A_577, %add3A_578 : i32
      %mul3A_580 = arith.constant 16 : i32
      %mul3A_581 = arith.muli %add3A_579, %mul3A_580 : i32
      %get3A_582 = arith.index_cast %mul3A_581 : i32 to index
      %get3A_583 = tpu.vector_load %arg6[%get3A_582] {strides = array<i32>} : memref<2048xi32, #tpu.memory_space<vmem>>, vector<16xi32>,
      %add3A_584 = arith.addi %add3A_572, %get3A_583 : vector<16xi32>
      %get3A_585 = arith.index_cast %mul3A_581 : i32 to index
      %get3A_586 = tpu.vector_load %arg7[%get3A_585] {strides = array<i32>} : memref<2048xf32, #tpu.memory_space<vmem>>, vector<16xf32>,
      %add3A_587 = arith.addf %add3A_575, %get3A_586 : vector<16xf32>
      %mul3A_588 = arith.constant 8 : i32
      %mul3A_589 = arith.muli %scan3A_562, %mul3A_588 : i32
      %add3A_590 = arith.constant 2 : i32
      %add3A_591 = arith.addi %mul3A_589, %add3A_590 : i32
      %mul3A_592 = arith.constant 16 : i32
      %mul3A_593 = arith.muli %add3A_591, %mul3A_592 : i32
      %get3A_594 = arith.index_cast %mul3A_593 : i32 to index
      %get3A_595 = tpu.vector_load %arg6[%get3A_594] {strides = array<i32>} : memref<2048xi32, #tpu.memory_space<vmem>>, vector<16xi32>,
      %add3A_596 = arith.addi %add3A_584, %get3A_595 : vector<16xi32>
      %get3A_597 = arith.index_cast %mul3A_593 : i32 to index
      %get3A_598 = tpu.vector_load %arg7[%get3A_597] {strides = array<i32>} : memref<2048xf32, #tpu.memory_space<vmem>>, vector<16xf32>,
      %add3A_599 = arith.addf %add3A_587, %get3A_598 : vector<16xf32>
      %mul3A_600 = arith.constant 8 : i32
      %mul3A_601 = arith.muli %scan3A_562, %mul3A_600 : i32
      %add3A_602 = arith.constant 3 : i32
      %add3A_603 = arith.addi %mul3A_601, %add3A_602 : i32
      %mul3A_604 = arith.constant 16 : i32
      %mul3A_605 = arith.muli %add3A_603, %mul3A_604 : i32
      %get3A_606 = arith.index_cast %mul3A_605 : i32 to index
      %get3A_607 = tpu.vector_load %arg6[%get3A_606] {strides = array<i32>} : memref<2048xi32, #tpu.memory_space<vmem>>, vector<16xi32>,
      %add3A_608 = arith.addi %add3A_596, %get3A_607 : vector<16xi32>
      %get3A_609 = arith.index_cast %mul3A_605 : i32 to index
      %get3A_610 = tpu.vector_load %arg7[%get3A_609] {strides = array<i32>} : memref<2048xf32, #tpu.memory_space<vmem>>, vector<16xf32>,
      %add3A_611 = arith.addf %add3A_599, %get3A_610 : vector<16xf32>
      %mul3A_612 = arith.constant 8 : i32
      %mul3A_613 = arith.muli %scan3A_562, %mul3A_612 : i32
      %add3A_614 = arith.constant 4 : i32
      %add3A_615 = arith.addi %mul3A_613, %add3A_614 : i32
      %mul3A_616 = arith.constant 16 : i32
      %mul3A_617 = arith.muli %add3A_615, %mul3A_616 : i32
      %get3A_618 = arith.index_cast %mul3A_617 : i32 to index
      %get3A_619 = tpu.vector_load %arg6[%get3A_618] {strides = array<i32>} : memref<2048xi32, #tpu.memory_space<vmem>>, vector<16xi32>,
      %add3A_620 = arith.addi %add3A_608, %get3A_619 : vector<16xi32>
      %get3A_621 = arith.index_cast %mul3A_617 : i32 to index
      %get3A_622 = tpu.vector_load %arg7[%get3A_621] {strides = array<i32>} : memref<2048xf32, #tpu.memory_space<vmem>>, vector<16xf32>,
      %add3A_623 = arith.addf %add3A_611, %get3A_622 : vector<16xf32>
      %mul3A_624 = arith.constant 8 : i32
      %mul3A_625 = arith.muli %scan3A_562, %mul3A_624 : i32
      %add3A_626 = arith.constant 5 : i32
      %add3A_627 = arith.addi %mul3A_625, %add3A_626 : i32
      %mul3A_628 = arith.constant 16 : i32
      %mul3A_629 = arith.muli %add3A_627, %mul3A_628 : i32
      %get3A_630 = arith.index_cast %mul3A_629 : i32 to index
      %get3A_631 = tpu.vector_load %arg6[%get3A_630] {strides = array<i32>} : memref<2048xi32, #tpu.memory_space<vmem>>, vector<16xi32>,
      %add3A_632 = arith.addi %add3A_620, %get3A_631 : vector<16xi32>
      %get3A_633 = arith.index_cast %mul3A_629 : i32 to index
      %get3A_634 = tpu.vector_load %arg7[%get3A_633] {strides = array<i32>} : memref<2048xf32, #tpu.memory_space<vmem>>, vector<16xf32>,
      %add3A_635 = arith.addf %add3A_623, %get3A_634 : vector<16xf32>
      %mul3A_636 = arith.constant 8 : i32
      %mul3A_637 = arith.muli %scan3A_562, %mul3A_636 : i32
      %add3A_638 = arith.constant 6 : i32
      %add3A_639 = arith.addi %mul3A_637, %add3A_638 : i32
      %mul3A_640 = arith.constant 16 : i32
      %mul3A_641 = arith.muli %add3A_639, %mul3A_640 : i32
      %get3A_642 = arith.index_cast %mul3A_641 : i32 to index
      %get3A_643 = tpu.vector_load %arg6[%get3A_642] {strides = array<i32>} : memref<2048xi32, #tpu.memory_space<vmem>>, vector<16xi32>,
      %add3A_644 = arith.addi %add3A_632, %get3A_643 : vector<16xi32>
      %get3A_645 = arith.index_cast %mul3A_641 : i32 to index
      %get3A_646 = tpu.vector_load %arg7[%get3A_645] {strides = array<i32>} : memref<2048xf32, #tpu.memory_space<vmem>>, vector<16xf32>,
      %add3A_647 = arith.addf %add3A_635, %get3A_646 : vector<16xf32>
      %mul3A_648 = arith.constant 8 : i32
      %mul3A_649 = arith.muli %scan3A_562, %mul3A_648 : i32
      %add3A_650 = arith.constant 7 : i32
      %add3A_651 = arith.addi %mul3A_649, %add3A_650 : i32
      %mul3A_652 = arith.constant 16 : i32
      %mul3A_653 = arith.muli %add3A_651, %mul3A_652 : i32
      %get3A_654 = arith.index_cast %mul3A_653 : i32 to index
      %get3A_655 = tpu.vector_load %arg6[%get3A_654] {strides = array<i32>} : memref<2048xi32, #tpu.memory_space<vmem>>, vector<16xi32>,
      %add3A_656 = arith.addi %add3A_644, %get3A_655 : vector<16xi32>
      %get3A_657 = arith.index_cast %mul3A_653 : i32 to index
      %get3A_658 = tpu.vector_load %arg7[%get3A_657] {strides = array<i32>} : memref<2048xf32, #tpu.memory_space<vmem>>, vector<16xf32>,
      %add3A_659 = arith.addf %add3A_647, %get3A_658 : vector<16xf32>
      %eq3A_660 = vector.broadcast %scan3A_562 : i32 to vector<16xi32>
      %eq3A_661 = arith.cmpi eq, %iota3A_299, %eq3A_660 : vector<16xi32>
      %reduce_sum3A_662 = arith.constant true
      %reduce_sum3A_663 = vector.broadcast %reduce_sum3A_662 : i1 to vector<16xi1>
      %reduce_sum3A_664 = tpu.scan <sum>, %add3A_656 masked %reduce_sum3A_663 : vector<16xi32>, vector<16xi1> -> vector<16xi32>
      %reduce_sum3A_665 = vector.extract %reduce_sum3A_664[15] : i32 from vector<16xi32>
      %broadcast_in_dim3A_666 = vector.broadcast %reduce_sum3A_665 : i32 to vector<16xi32>
      %select_n3A_667 = arith.select %eq3A_661, %broadcast_in_dim3A_666, %scan3A_563 : vector<16xi1>, vector<16xi32>
      %reduce_sum3A_668 = arith.constant true
      %reduce_sum3A_669 = vector.broadcast %reduce_sum3A_668 : i1 to vector<16xi1>
      %reduce_sum3A_670 = tpu.scan <sum>, %add3A_659 masked %reduce_sum3A_669 : vector<16xf32>, vector<16xi1> -> vector<16xf32>
      %reduce_sum3A_671 = vector.extract %reduce_sum3A_670[15] : f32 from vector<16xf32>
      %broadcast_in_dim3A_672 = vector.broadcast %reduce_sum3A_671 : f32 to vector<16xf32>
      %select_n3A_673 = arith.select %eq3A_661, %broadcast_in_dim3A_672, %scan3A_564 : vector<16xi1>, vector<16xf32>
      scf.yield %select_n3A_667, %select_n3A_673 : vector<16xi32>, vector<16xf32>
    }
    %scan3A_309 = arith.constant 16 : i32
    %cumsum3A_310 = arith.constant true
    %cumsum3A_311 = vector.broadcast %cumsum3A_310 : i1 to vector<16xi1>
    %cumsum3A_312 = tpu.scan <sum>, %scan3A_308#0 masked %cumsum3A_311 : vector<16xi32>, vector<16xi1> -> vector<16xi32>
    %cumsum3A_313 = arith.constant true
    %cumsum3A_314 = vector.broadcast %cumsum3A_313 : i1 to vector<16xi1>
    %cumsum3A_315 = tpu.scan <sum>, %scan3A_308#1 masked %cumsum3A_314 : vector<16xf32>, vector<16xi1> -> vector<16xf32>
    %ge3A_316 = arith.constant 29492 : i32
    %ge3A_317 = vector.broadcast %ge3A_316 : i32 to vector<16xi32>
    %ge3A_318 = arith.cmpi sge, %cumsum3A_312, %ge3A_317 : vector<16xi32>
    %jit3A_319 = arith.constant 64 : i32
    %broadcast_in_dim3A_320 = vector.broadcast %jit3A_319 : i32 to vector<16xi32>
    %select_n3A_321 = arith.select %ge3A_318, %iota3A_299, %broadcast_in_dim3A_320 : vector<16xi1>, vector<16xi32>
    %reduce_min3A_322 = arith.constant true
    %reduce_min3A_323 = vector.broadcast %reduce_min3A_322 : i1 to vector<16xi1>
    %reduce_min3A_324 = arith.constant -2147483648 : i32
    %reduce_min3A_325 = vector.broadcast %reduce_min3A_324 : i32 to vector<16xi32>
    %reduce_min3A_326 = arith.xori %select_n3A_321, %reduce_min3A_325 : vector<16xi32>
    %reduce_min3A_327 = tpu.scan <min>, %reduce_min3A_326 masked %reduce_min3A_323 : vector<16xi32>, vector<16xi1> -> vector<16xi32>
    %reduce_min3A_328 = arith.xori %reduce_min3A_327, %reduce_min3A_325 : vector<16xi32>
    %reduce_min3A_329 = vector.extract %reduce_min3A_328[15] : i32 from vector<16xi32>
    %eq3A_330 = vector.broadcast %reduce_min3A_329 : i32 to vector<16xi32>
    %eq3A_331 = arith.cmpi eq, %iota3A_299, %eq3A_330 : vector<16xi32>
    %sub3A_332 = arith.subi %cumsum3A_312, %scan3A_308#0 : vector<16xi32>
    %jit3A_333 = arith.constant 0 : i32
    %broadcast_in_dim3A_334 = vector.broadcast %jit3A_333 : i32 to vector<16xi32>
    %select_n3A_335 = arith.select %eq3A_331, %sub3A_332, %broadcast_in_dim3A_334 : vector<16xi1>, vector<16xi32>
    %reduce_sum3A_336 = arith.constant true
    %reduce_sum3A_337 = vector.broadcast %reduce_sum3A_336 : i1 to vector<16xi1>
    %reduce_sum3A_338 = tpu.scan <sum>, %select_n3A_335 masked %reduce_sum3A_337 : vector<16xi32>, vector<16xi1> -> vector<16xi32>
    %reduce_sum3A_339 = vector.extract %reduce_sum3A_338[15] : i32 from vector<16xi32>
    %sub3A_340 = arith.subf %cumsum3A_315, %scan3A_308#1 : vector<16xf32>
    %jit3A_341 = arith.constant 0.000000e+00 : f32
    %broadcast_in_dim3A_342 = vector.broadcast %jit3A_341 : f32 to vector<16xf32>
    %select_n3A_343 = arith.select %eq3A_331, %sub3A_340, %broadcast_in_dim3A_342 : vector<16xi1>, vector<16xf32>
    %reduce_sum3A_344 = arith.constant true
    %reduce_sum3A_345 = vector.broadcast %reduce_sum3A_344 : i1 to vector<16xi1>
    %reduce_sum3A_346 = tpu.scan <sum>, %select_n3A_343 masked %reduce_sum3A_345 : vector<16xf32>, vector<16xi1> -> vector<16xf32>
    %reduce_sum3A_347 = vector.extract %reduce_sum3A_346[15] : f32 from vector<16xf32>
    %reduce_sum3A_348 = arith.constant true
    %reduce_sum3A_349 = vector.broadcast %reduce_sum3A_348 : i1 to vector<16xi1>
    %reduce_sum3A_350 = tpu.scan <sum>, %scan3A_308#0 masked %reduce_sum3A_349 : vector<16xi32>, vector<16xi1> -> vector<16xi32>
    %reduce_sum3A_351 = vector.extract %reduce_sum3A_350[15] : i32 from vector<16xi32>
    %reduce_sum3A_352 = arith.constant true
    %reduce_sum3A_353 = vector.broadcast %reduce_sum3A_352 : i1 to vector<16xi1>
    %reduce_sum3A_354 = tpu.scan <sum>, %scan3A_308#1 masked %reduce_sum3A_353 : vector<16xf32>, vector<16xi1> -> vector<16xf32>
    %reduce_sum3A_355 = vector.extract %reduce_sum3A_354[15] : f32 from vector<16xf32>
    %scan3A_356 = arith.constant 0 : i32
    %scan3A_357 = arith.constant 0 : i32
    %scan3A_358 = arith.constant 0 : i32
    %scan3A_359 = arith.constant 0.000000e+00 : f32
    %scan3A_360 = arith.constant 0 : i32
    %scan3A_361 = arith.constant 0.000000e+00 : f32
    %scan3A_362 = arith.constant 0 : i32
    %scan3A_363 = arith.constant 8 : i32
    %scan3A_364 = arith.addi %scan3A_362, %scan3A_363 : i32
    %scan3A_365 = arith.constant 1 : i32
    %scan3A_366:8 = scf.for %scan3A_562 = %scan3A_362 to %scan3A_364 step %scan3A_365 iter_args(%scan3A_563 = %scan3A_356, %scan3A_564 = %scan3A_357, %scan3A_565 = %scan3A_358, %scan3A_566 = %scan3A_359, %scan3A_567 = %scan3A_360, %scan3A_568 = %scan3A_361, %scan3A_569 = %reduce_sum3A_339, %scan3A_570 = %reduce_sum3A_347) -> (i32, i32, i32, f32, i32, f32, i32, f32)  : i32 {
      %mul3A_571 = arith.constant 8 : i32
      %mul3A_572 = arith.muli %reduce_min3A_329, %mul3A_571 : i32
      %add3A_573 = arith.addi %mul3A_572, %scan3A_562 : i32
      %mul3A_574 = arith.constant 16 : i32
      %mul3A_575 = arith.muli %add3A_573, %mul3A_574 : i32
      %get3A = arith.index_cast %mul3A_575 : i32 to index
      %get3A_576 = tpu.vector_load %arg6[%get3A] {strides = array<i32>} : memref<2048xi32, #tpu.memory_space<vmem>>, vector<16xi32>,
      %get3A_577 = arith.index_cast %mul3A_575 : i32 to index
      %get3A_578 = tpu.vector_load %arg7[%get3A_577] {strides = array<i32>} : memref<2048xf32, #tpu.memory_space<vmem>>, vector<16xf32>,
      %reduce_sum3A_579 = arith.constant true
      %reduce_sum3A_580 = vector.broadcast %reduce_sum3A_579 : i1 to vector<16xi1>
      %reduce_sum3A_581 = tpu.scan <sum>, %get3A_576 masked %reduce_sum3A_580 : vector<16xi32>, vector<16xi1> -> vector<16xi32>
      %reduce_sum3A_582 = vector.extract %reduce_sum3A_581[15] : i32 from vector<16xi32>
      %reduce_sum3A_583 = arith.constant true
      %reduce_sum3A_584 = vector.broadcast %reduce_sum3A_583 : i1 to vector<16xi1>
      %reduce_sum3A_585 = tpu.scan <sum>, %get3A_578 masked %reduce_sum3A_584 : vector<16xf32>, vector<16xi1> -> vector<16xf32>
      %reduce_sum3A_586 = vector.extract %reduce_sum3A_585[15] : f32 from vector<16xf32>
      %add3A_587 = arith.addi %scan3A_569, %reduce_sum3A_582 : i32
      %eq3A_588 = arith.constant 0 : i32
      %eq3A_589 = arith.cmpi eq, %scan3A_563, %eq3A_588 : i32
      %ge3A_590 = arith.constant 29492 : i32
      %ge3A_591 = arith.cmpi sge, %add3A_587, %ge3A_590 : i32
      %and3A = arith.andi %eq3A_589, %ge3A_591 : i1
      %convert_element_type3A_592 = arith.extui %and3A : i1 to i32
      %cond3A = arith.constant 0 : i32
      %cond3A_593 = arith.constant 0 : i32
      %cond3A_594 = arith.cmpi ne, %convert_element_type3A_592, %cond3A_593 : i32
      %cond3A_595:6 = scf.if %cond3A_594 -> (i32, i32, i32, f32, i32, f32) {
        %cumsum3A_597 = arith.constant true
        %cumsum3A_598 = vector.broadcast %cumsum3A_597 : i1 to vector<16xi1>
        %cumsum3A_599 = tpu.scan <sum>, %get3A_576 masked %cumsum3A_598 : vector<16xi32>, vector<16xi1> -> vector<16xi32>
        %cumsum3A_600 = arith.constant true
        %cumsum3A_601 = vector.broadcast %cumsum3A_600 : i1 to vector<16xi1>
        %cumsum3A_602 = tpu.scan <sum>, %get3A_578 masked %cumsum3A_601 : vector<16xf32>, vector<16xi1> -> vector<16xf32>
        %add3A_603 = vector.broadcast %scan3A_569 : i32 to vector<16xi32>
        %add3A_604 = arith.addi %add3A_603, %cumsum3A_599 : vector<16xi32>
        %ge3A_605 = arith.constant 29492 : i32
        %ge3A_606 = vector.broadcast %ge3A_605 : i32 to vector<16xi32>
        %ge3A_607 = arith.cmpi sge, %add3A_604, %ge3A_606 : vector<16xi32>
        %jit3A_608 = arith.constant 64 : i32
        %broadcast_in_dim3A_609 = vector.broadcast %jit3A_608 : i32 to vector<16xi32>
        %select_n3A_610 = arith.select %ge3A_607, %iota3A_299, %broadcast_in_dim3A_609 : vector<16xi1>, vector<16xi32>
        %reduce_min3A_611 = arith.constant true
        %reduce_min3A_612 = vector.broadcast %reduce_min3A_611 : i1 to vector<16xi1>
        %reduce_min3A_613 = arith.constant -2147483648 : i32
        %reduce_min3A_614 = vector.broadcast %reduce_min3A_613 : i32 to vector<16xi32>
        %reduce_min3A_615 = arith.xori %select_n3A_610, %reduce_min3A_614 : vector<16xi32>
        %reduce_min3A_616 = tpu.scan <min>, %reduce_min3A_615 masked %reduce_min3A_612 : vector<16xi32>, vector<16xi1> -> vector<16xi32>
        %reduce_min3A_617 = arith.xori %reduce_min3A_616, %reduce_min3A_614 : vector<16xi32>
        %reduce_min3A_618 = vector.extract %reduce_min3A_617[15] : i32 from vector<16xi32>
        %eq3A_619 = vector.broadcast %reduce_min3A_618 : i32 to vector<16xi32>
        %eq3A_620 = arith.cmpi eq, %iota3A_299, %eq3A_619 : vector<16xi32>
        %mul3A_621 = arith.constant 16 : i32
        %mul3A_622 = arith.muli %add3A_573, %mul3A_621 : i32
        %add3A_623 = arith.addi %mul3A_622, %reduce_min3A_618 : i32
        %jit3A_624 = arith.constant 0 : i32
        %broadcast_in_dim3A_625 = vector.broadcast %jit3A_624 : i32 to vector<16xi32>
        %select_n3A_626 = arith.select %eq3A_620, %add3A_604, %broadcast_in_dim3A_625 : vector<16xi1>, vector<16xi32>
        %reduce_sum3A_627 = arith.constant true
        %reduce_sum3A_628 = vector.broadcast %reduce_sum3A_627 : i1 to vector<16xi1>
        %reduce_sum3A_629 = tpu.scan <sum>, %select_n3A_626 masked %reduce_sum3A_628 : vector<16xi32>, vector<16xi1> -> vector<16xi32>
        %reduce_sum3A_630 = vector.extract %reduce_sum3A_629[15] : i32 from vector<16xi32>
        %jit3A_631 = arith.constant 0.000000e+00 : f32
        %broadcast_in_dim3A_632 = vector.broadcast %jit3A_631 : f32 to vector<16xf32>
        %select_n3A_633 = arith.select %eq3A_620, %cumsum3A_602, %broadcast_in_dim3A_632 : vector<16xi1>, vector<16xf32>
        %reduce_sum3A_634 = arith.constant true
        %reduce_sum3A_635 = vector.broadcast %reduce_sum3A_634 : i1 to vector<16xi1>
        %reduce_sum3A_636 = tpu.scan <sum>, %select_n3A_633 masked %reduce_sum3A_635 : vector<16xf32>, vector<16xi1> -> vector<16xf32>
        %reduce_sum3A_637 = vector.extract %reduce_sum3A_636[15] : f32 from vector<16xf32>
        %add3A_638 = arith.addf %scan3A_570, %reduce_sum3A_637 : f32
        %jit3A_639 = arith.constant 0 : i32
        %broadcast_in_dim3A_640 = vector.broadcast %jit3A_639 : i32 to vector<16xi32>
        %select_n3A_641 = arith.select %eq3A_620, %get3A_576, %broadcast_in_dim3A_640 : vector<16xi1>, vector<16xi32>
        %reduce_sum3A_642 = arith.constant true
        %reduce_sum3A_643 = vector.broadcast %reduce_sum3A_642 : i1 to vector<16xi1>
        %reduce_sum3A_644 = tpu.scan <sum>, %select_n3A_641 masked %reduce_sum3A_643 : vector<16xi32>, vector<16xi1> -> vector<16xi32>
        %reduce_sum3A_645 = vector.extract %reduce_sum3A_644[15] : i32 from vector<16xi32>
        %jit3A_646 = arith.constant 0.000000e+00 : f32
        %broadcast_in_dim3A_647 = vector.broadcast %jit3A_646 : f32 to vector<16xf32>
        %select_n3A_648 = arith.select %eq3A_620, %get3A_578, %broadcast_in_dim3A_647 : vector<16xi1>, vector<16xf32>
        %reduce_sum3A_649 = arith.constant true
        %reduce_sum3A_650 = vector.broadcast %reduce_sum3A_649 : i1 to vector<16xi1>
        %reduce_sum3A_651 = tpu.scan <sum>, %select_n3A_648 masked %reduce_sum3A_650 : vector<16xf32>, vector<16xi1> -> vector<16xf32>
        %reduce_sum3A_652 = vector.extract %reduce_sum3A_651[15] : f32 from vector<16xf32>
        %cond3A_653 = arith.constant 1 : i32
        scf.yield %cond3A_653, %add3A_623, %reduce_sum3A_630, %add3A_638, %reduce_sum3A_645, %reduce_sum3A_652 : i32, i32, i32, f32, i32, f32
      } else {
        scf.yield %scan3A_563, %scan3A_564, %scan3A_565, %scan3A_566, %scan3A_567, %scan3A_568 : i32, i32, i32, f32, i32, f32
      }
      %add3A_596 = arith.addf %scan3A_570, %reduce_sum3A_586 : f32
      scf.yield %cond3A_595#0, %cond3A_595#1, %cond3A_595#2, %cond3A_595#3, %cond3A_595#4, %cond3A_595#5, %add3A_587, %add3A_596 : i32, i32, i32, f32, i32, f32, i32, f32
    }
    %scan3A_367 = arith.constant 8 : i32
    %parallel_loop3A_368 = arith.constant 0 : i32
    %parallel_loop3A_369 = arith.constant 128 : i32
    %parallel_loop3A_370 = arith.constant 1 : i32
    scf.for %parallel_loop3A_562 = %parallel_loop3A_368 to %parallel_loop3A_369 step %parallel_loop3A_370  : i32 {
      %parallel_loop3A_563 = arith.constant 16 : i32
      %parallel_loop3A_564 = arith.muli %parallel_loop3A_562, %parallel_loop3A_563 : i32
      %parallel_loop3A_565 = arith.index_cast %parallel_loop3A_564 : i32 to index
      %parallel_loop3A_566 = tpu.vector_load %arg6[%parallel_loop3A_565] {strides = array<i32>} : memref<2048xi32, #tpu.memory_space<vmem>>, vector<16xi32>,
      tpu.vector_store %arg6[%parallel_loop3A_565], %broadcast_in_dim3A_301 {strides = array<i32>} : memref<2048xi32, #tpu.memory_space<vmem>>, vector<16xi32>,
      %parallel_loop3A_567 = arith.index_cast %parallel_loop3A_564 : i32 to index
      %parallel_loop3A_568 = tpu.vector_load %arg7[%parallel_loop3A_567] {strides = array<i32>} : memref<2048xf32, #tpu.memory_space<vmem>>, vector<16xf32>,
      tpu.vector_store %arg7[%parallel_loop3A_567], %broadcast_in_dim3A_303 {strides = array<i32>} : memref<2048xf32, #tpu.memory_space<vmem>>, vector<16xf32>,
    } {sc.loop_unroll_factor = 4 : i64, sc.parallel_access}
    %sub3A_371 = arith.subi %reduce_sum3A_351, %scan3A_366#2 : i32
    %sub3A_372 = arith.subf %reduce_sum3A_355, %scan3A_366#3 : f32
    %sub3A_373 = arith.constant 3277 : i32
    %sub3A_374 = arith.subi %sub3A_373, %sub3A_371 : i32
    %sub3A_375 = arith.constant 1024 : i32
    %sub3A_376 = arith.subi %scan3A_366#1, %sub3A_375 : i32
    %parallel_loop3A_377 = arith.constant 0 : i32
    %parallel_loop3A_378 = arith.constant 2048 : i32
    %parallel_loop3A_379 = arith.constant 1 : i32
    scf.for %parallel_loop3A_562 = %parallel_loop3A_377 to %parallel_loop3A_378 step %parallel_loop3A_379  : i32 {
      %parallel_loop3A_563 = arith.constant 16 : i32
      %parallel_loop3A_564 = arith.muli %parallel_loop3A_562, %parallel_loop3A_563 : i32
      %parallel_loop3A_565 = arith.index_cast %parallel_loop3A_564 : i32 to index
      %parallel_loop3A_566 = tpu.vector_load %arg5[%parallel_loop3A_565] {strides = array<i32>} : memref<32768xf32, #tpu.memory_space<vmem>>, vector<16xf32>,
      %parallel_loop3A_567 = tpu.bitcast %parallel_loop3A_566 : vector<16xf32> -> vector<16xi32>
      %parallel_loop3A_568 = arith.constant 31 : i32
      %parallel_loop3A_569 = vector.broadcast %parallel_loop3A_568 : i32 to vector<16xi32>
      %parallel_loop3A_570 = arith.shrsi %parallel_loop3A_567, %parallel_loop3A_569 : vector<16xi32>
      %parallel_loop3A_571 = arith.constant 2147483647 : i32
      %parallel_loop3A_572 = vector.broadcast %parallel_loop3A_571 : i32 to vector<16xi32>
      %parallel_loop3A_573 = arith.andi %parallel_loop3A_570, %parallel_loop3A_572 : vector<16xi32>
      %parallel_loop3A_574 = arith.xori %parallel_loop3A_567, %parallel_loop3A_573 : vector<16xi32>
      %parallel_loop3A_575 = arith.constant 21 : i32
      %parallel_loop3A_576 = vector.broadcast %parallel_loop3A_575 : i32 to vector<16xi32>
      %parallel_loop3A_577 = arith.shrsi %parallel_loop3A_574, %parallel_loop3A_576 : vector<16xi32>
      %parallel_loop3A_578 = vector.broadcast %sub3A_376 : i32 to vector<16xi32>
      %parallel_loop3A_579 = arith.cmpi eq, %parallel_loop3A_577, %parallel_loop3A_578 : vector<16xi32>
      %parallel_loop3A_580 = arith.constant 10 : i32
      %parallel_loop3A_581 = vector.broadcast %parallel_loop3A_580 : i32 to vector<16xi32>
      %parallel_loop3A_582 = arith.shrui %parallel_loop3A_574, %parallel_loop3A_581 : vector<16xi32>
      %parallel_loop3A_583 = arith.constant 2047 : i32
      %parallel_loop3A_584 = vector.broadcast %parallel_loop3A_583 : i32 to vector<16xi32>
      %parallel_loop3A_585 = arith.andi %parallel_loop3A_582, %parallel_loop3A_584 : vector<16xi32>
      tpu.vector_store_idx %arg8[%parallel_loop3A_585], %broadcast_in_dim3A_1 masked %parallel_loop3A_579 {add = true} : memref<2048xi32, #tpu.memory_space<vmem>>[vector<16xi32>], vector<16xi32>, vector<16xi1>
      tpu.vector_store_idx %arg9[%parallel_loop3A_585], %parallel_loop3A_566 masked %parallel_loop3A_579 {add = true} : memref<2048xf32, #tpu.memory_space<vmem>>[vector<16xi32>], vector<16xf32>, vector<16xi1>
    } {sc.loop_unroll_factor = 8 : i64, sc.parallel_access}
    %sub3A_380 = arith.subi %scan3A_366#4, %sub3A_374 : i32
    %add3A_381 = arith.constant 1 : i32
    %add3A_382 = arith.addi %sub3A_380, %add3A_381 : i32
    %iota3A_383 = tpu.iota {dimensions = array<i32: 0>} : vector<16xi32>
    %broadcast_in_dim3A_384 = arith.constant 0 : i32
    %broadcast_in_dim3A_385 = vector.broadcast %broadcast_in_dim3A_384 : i32 to vector<16xi32>
    %broadcast_in_dim3A_386 = arith.constant 0.000000e+00 : f32
    %broadcast_in_dim3A_387 = vector.broadcast %broadcast_in_dim3A_386 : f32 to vector<16xf32>
    %scan3A_388 = arith.constant 0 : i32
    %scan3A_389 = arith.constant 16 : i32
    %scan3A_390 = arith.addi %scan3A_388, %scan3A_389 : i32
    %scan3A_391 = arith.constant 1 : i32
    %scan3A_392:2 = scf.for %scan3A_562 = %scan3A_388 to %scan3A_390 step %scan3A_391 iter_args(%scan3A_563 = %broadcast_in_dim3A_385, %scan3A_564 = %broadcast_in_dim3A_387) -> (vector<16xi32>, vector<16xf32>)  : i32 {
      %mul3A_565 = arith.constant 8 : i32
      %mul3A_566 = arith.muli %scan3A_562, %mul3A_565 : i32
      %add3A_567 = arith.constant 0 : i32
      %add3A_568 = arith.addi %mul3A_566, %add3A_567 : i32
      %mul3A_569 = arith.constant 16 : i32
      %mul3A_570 = arith.muli %add3A_568, %mul3A_569 : i32
      %get3A = arith.index_cast %mul3A_570 : i32 to index
      %get3A_571 = tpu.vector_load %arg8[%get3A] {strides = array<i32>} : memref<2048xi32, #tpu.memory_space<vmem>>, vector<16xi32>,
      %add3A_572 = arith.addi %broadcast_in_dim3A_385, %get3A_571 : vector<16xi32>
      %get3A_573 = arith.index_cast %mul3A_570 : i32 to index
      %get3A_574 = tpu.vector_load %arg9[%get3A_573] {strides = array<i32>} : memref<2048xf32, #tpu.memory_space<vmem>>, vector<16xf32>,
      %add3A_575 = arith.addf %broadcast_in_dim3A_387, %get3A_574 : vector<16xf32>
      %mul3A_576 = arith.constant 8 : i32
      %mul3A_577 = arith.muli %scan3A_562, %mul3A_576 : i32
      %add3A_578 = arith.constant 1 : i32
      %add3A_579 = arith.addi %mul3A_577, %add3A_578 : i32
      %mul3A_580 = arith.constant 16 : i32
      %mul3A_581 = arith.muli %add3A_579, %mul3A_580 : i32
      %get3A_582 = arith.index_cast %mul3A_581 : i32 to index
      %get3A_583 = tpu.vector_load %arg8[%get3A_582] {strides = array<i32>} : memref<2048xi32, #tpu.memory_space<vmem>>, vector<16xi32>,
      %add3A_584 = arith.addi %add3A_572, %get3A_583 : vector<16xi32>
      %get3A_585 = arith.index_cast %mul3A_581 : i32 to index
      %get3A_586 = tpu.vector_load %arg9[%get3A_585] {strides = array<i32>} : memref<2048xf32, #tpu.memory_space<vmem>>, vector<16xf32>,
      %add3A_587 = arith.addf %add3A_575, %get3A_586 : vector<16xf32>
      %mul3A_588 = arith.constant 8 : i32
      %mul3A_589 = arith.muli %scan3A_562, %mul3A_588 : i32
      %add3A_590 = arith.constant 2 : i32
      %add3A_591 = arith.addi %mul3A_589, %add3A_590 : i32
      %mul3A_592 = arith.constant 16 : i32
      %mul3A_593 = arith.muli %add3A_591, %mul3A_592 : i32
      %get3A_594 = arith.index_cast %mul3A_593 : i32 to index
      %get3A_595 = tpu.vector_load %arg8[%get3A_594] {strides = array<i32>} : memref<2048xi32, #tpu.memory_space<vmem>>, vector<16xi32>,
      %add3A_596 = arith.addi %add3A_584, %get3A_595 : vector<16xi32>
      %get3A_597 = arith.index_cast %mul3A_593 : i32 to index
      %get3A_598 = tpu.vector_load %arg9[%get3A_597] {strides = array<i32>} : memref<2048xf32, #tpu.memory_space<vmem>>, vector<16xf32>,
      %add3A_599 = arith.addf %add3A_587, %get3A_598 : vector<16xf32>
      %mul3A_600 = arith.constant 8 : i32
      %mul3A_601 = arith.muli %scan3A_562, %mul3A_600 : i32
      %add3A_602 = arith.constant 3 : i32
      %add3A_603 = arith.addi %mul3A_601, %add3A_602 : i32
      %mul3A_604 = arith.constant 16 : i32
      %mul3A_605 = arith.muli %add3A_603, %mul3A_604 : i32
      %get3A_606 = arith.index_cast %mul3A_605 : i32 to index
      %get3A_607 = tpu.vector_load %arg8[%get3A_606] {strides = array<i32>} : memref<2048xi32, #tpu.memory_space<vmem>>, vector<16xi32>,
      %add3A_608 = arith.addi %add3A_596, %get3A_607 : vector<16xi32>
      %get3A_609 = arith.index_cast %mul3A_605 : i32 to index
      %get3A_610 = tpu.vector_load %arg9[%get3A_609] {strides = array<i32>} : memref<2048xf32, #tpu.memory_space<vmem>>, vector<16xf32>,
      %add3A_611 = arith.addf %add3A_599, %get3A_610 : vector<16xf32>
      %mul3A_612 = arith.constant 8 : i32
      %mul3A_613 = arith.muli %scan3A_562, %mul3A_612 : i32
      %add3A_614 = arith.constant 4 : i32
      %add3A_615 = arith.addi %mul3A_613, %add3A_614 : i32
      %mul3A_616 = arith.constant 16 : i32
      %mul3A_617 = arith.muli %add3A_615, %mul3A_616 : i32
      %get3A_618 = arith.index_cast %mul3A_617 : i32 to index
      %get3A_619 = tpu.vector_load %arg8[%get3A_618] {strides = array<i32>} : memref<2048xi32, #tpu.memory_space<vmem>>, vector<16xi32>,
      %add3A_620 = arith.addi %add3A_608, %get3A_619 : vector<16xi32>
      %get3A_621 = arith.index_cast %mul3A_617 : i32 to index
      %get3A_622 = tpu.vector_load %arg9[%get3A_621] {strides = array<i32>} : memref<2048xf32, #tpu.memory_space<vmem>>, vector<16xf32>,
      %add3A_623 = arith.addf %add3A_611, %get3A_622 : vector<16xf32>
      %mul3A_624 = arith.constant 8 : i32
      %mul3A_625 = arith.muli %scan3A_562, %mul3A_624 : i32
      %add3A_626 = arith.constant 5 : i32
      %add3A_627 = arith.addi %mul3A_625, %add3A_626 : i32
      %mul3A_628 = arith.constant 16 : i32
      %mul3A_629 = arith.muli %add3A_627, %mul3A_628 : i32
      %get3A_630 = arith.index_cast %mul3A_629 : i32 to index
      %get3A_631 = tpu.vector_load %arg8[%get3A_630] {strides = array<i32>} : memref<2048xi32, #tpu.memory_space<vmem>>, vector<16xi32>,
      %add3A_632 = arith.addi %add3A_620, %get3A_631 : vector<16xi32>
      %get3A_633 = arith.index_cast %mul3A_629 : i32 to index
      %get3A_634 = tpu.vector_load %arg9[%get3A_633] {strides = array<i32>} : memref<2048xf32, #tpu.memory_space<vmem>>, vector<16xf32>,
      %add3A_635 = arith.addf %add3A_623, %get3A_634 : vector<16xf32>
      %mul3A_636 = arith.constant 8 : i32
      %mul3A_637 = arith.muli %scan3A_562, %mul3A_636 : i32
      %add3A_638 = arith.constant 6 : i32
      %add3A_639 = arith.addi %mul3A_637, %add3A_638 : i32
      %mul3A_640 = arith.constant 16 : i32
      %mul3A_641 = arith.muli %add3A_639, %mul3A_640 : i32
      %get3A_642 = arith.index_cast %mul3A_641 : i32 to index
      %get3A_643 = tpu.vector_load %arg8[%get3A_642] {strides = array<i32>} : memref<2048xi32, #tpu.memory_space<vmem>>, vector<16xi32>,
      %add3A_644 = arith.addi %add3A_632, %get3A_643 : vector<16xi32>
      %get3A_645 = arith.index_cast %mul3A_641 : i32 to index
      %get3A_646 = tpu.vector_load %arg9[%get3A_645] {strides = array<i32>} : memref<2048xf32, #tpu.memory_space<vmem>>, vector<16xf32>,
      %add3A_647 = arith.addf %add3A_635, %get3A_646 : vector<16xf32>
      %mul3A_648 = arith.constant 8 : i32
      %mul3A_649 = arith.muli %scan3A_562, %mul3A_648 : i32
      %add3A_650 = arith.constant 7 : i32
      %add3A_651 = arith.addi %mul3A_649, %add3A_650 : i32
      %mul3A_652 = arith.constant 16 : i32
      %mul3A_653 = arith.muli %add3A_651, %mul3A_652 : i32
      %get3A_654 = arith.index_cast %mul3A_653 : i32 to index
      %get3A_655 = tpu.vector_load %arg8[%get3A_654] {strides = array<i32>} : memref<2048xi32, #tpu.memory_space<vmem>>, vector<16xi32>,
      %add3A_656 = arith.addi %add3A_644, %get3A_655 : vector<16xi32>
      %get3A_657 = arith.index_cast %mul3A_653 : i32 to index
      %get3A_658 = tpu.vector_load %arg9[%get3A_657] {strides = array<i32>} : memref<2048xf32, #tpu.memory_space<vmem>>, vector<16xf32>,
      %add3A_659 = arith.addf %add3A_647, %get3A_658 : vector<16xf32>
      %eq3A_660 = vector.broadcast %scan3A_562 : i32 to vector<16xi32>
      %eq3A_661 = arith.cmpi eq, %iota3A_383, %eq3A_660 : vector<16xi32>
      %reduce_sum3A_662 = arith.constant true
      %reduce_sum3A_663 = vector.broadcast %reduce_sum3A_662 : i1 to vector<16xi1>
      %reduce_sum3A_664 = tpu.scan <sum>, %add3A_656 masked %reduce_sum3A_663 : vector<16xi32>, vector<16xi1> -> vector<16xi32>
      %reduce_sum3A_665 = vector.extract %reduce_sum3A_664[15] : i32 from vector<16xi32>
      %broadcast_in_dim3A_666 = vector.broadcast %reduce_sum3A_665 : i32 to vector<16xi32>
      %select_n3A_667 = arith.select %eq3A_661, %broadcast_in_dim3A_666, %scan3A_563 : vector<16xi1>, vector<16xi32>
      %reduce_sum3A_668 = arith.constant true
      %reduce_sum3A_669 = vector.broadcast %reduce_sum3A_668 : i1 to vector<16xi1>
      %reduce_sum3A_670 = tpu.scan <sum>, %add3A_659 masked %reduce_sum3A_669 : vector<16xf32>, vector<16xi1> -> vector<16xf32>
      %reduce_sum3A_671 = vector.extract %reduce_sum3A_670[15] : f32 from vector<16xf32>
      %broadcast_in_dim3A_672 = vector.broadcast %reduce_sum3A_671 : f32 to vector<16xf32>
      %select_n3A_673 = arith.select %eq3A_661, %broadcast_in_dim3A_672, %scan3A_564 : vector<16xi1>, vector<16xf32>
      scf.yield %select_n3A_667, %select_n3A_673 : vector<16xi32>, vector<16xf32>
    }
    %scan3A_393 = arith.constant 16 : i32
    %cumsum3A_394 = arith.constant true
    %cumsum3A_395 = vector.broadcast %cumsum3A_394 : i1 to vector<16xi1>
    %cumsum3A_396 = tpu.scan <sum>, %scan3A_392#0 masked %cumsum3A_395 : vector<16xi32>, vector<16xi1> -> vector<16xi32>
    %cumsum3A_397 = arith.constant true
    %cumsum3A_398 = vector.broadcast %cumsum3A_397 : i1 to vector<16xi1>
    %cumsum3A_399 = tpu.scan <sum>, %scan3A_392#1 masked %cumsum3A_398 : vector<16xf32>, vector<16xi1> -> vector<16xf32>
    %ge3A_400 = vector.broadcast %add3A_382 : i32 to vector<16xi32>
    %ge3A_401 = arith.cmpi sge, %cumsum3A_396, %ge3A_400 : vector<16xi32>
    %jit3A_402 = arith.constant 64 : i32
    %broadcast_in_dim3A_403 = vector.broadcast %jit3A_402 : i32 to vector<16xi32>
    %select_n3A_404 = arith.select %ge3A_401, %iota3A_383, %broadcast_in_dim3A_403 : vector<16xi1>, vector<16xi32>
    %reduce_min3A_405 = arith.constant true
    %reduce_min3A_406 = vector.broadcast %reduce_min3A_405 : i1 to vector<16xi1>
    %reduce_min3A_407 = arith.constant -2147483648 : i32
    %reduce_min3A_408 = vector.broadcast %reduce_min3A_407 : i32 to vector<16xi32>
    %reduce_min3A_409 = arith.xori %select_n3A_404, %reduce_min3A_408 : vector<16xi32>
    %reduce_min3A_410 = tpu.scan <min>, %reduce_min3A_409 masked %reduce_min3A_406 : vector<16xi32>, vector<16xi1> -> vector<16xi32>
    %reduce_min3A_411 = arith.xori %reduce_min3A_410, %reduce_min3A_408 : vector<16xi32>
    %reduce_min3A_412 = vector.extract %reduce_min3A_411[15] : i32 from vector<16xi32>
    %eq3A_413 = vector.broadcast %reduce_min3A_412 : i32 to vector<16xi32>
    %eq3A_414 = arith.cmpi eq, %iota3A_383, %eq3A_413 : vector<16xi32>
    %sub3A_415 = arith.subi %cumsum3A_396, %scan3A_392#0 : vector<16xi32>
    %jit3A_416 = arith.constant 0 : i32
    %broadcast_in_dim3A_417 = vector.broadcast %jit3A_416 : i32 to vector<16xi32>
    %select_n3A_418 = arith.select %eq3A_414, %sub3A_415, %broadcast_in_dim3A_417 : vector<16xi1>, vector<16xi32>
    %reduce_sum3A_419 = arith.constant true
    %reduce_sum3A_420 = vector.broadcast %reduce_sum3A_419 : i1 to vector<16xi1>
    %reduce_sum3A_421 = tpu.scan <sum>, %select_n3A_418 masked %reduce_sum3A_420 : vector<16xi32>, vector<16xi1> -> vector<16xi32>
    %reduce_sum3A_422 = vector.extract %reduce_sum3A_421[15] : i32 from vector<16xi32>
    %sub3A_423 = arith.subf %cumsum3A_399, %scan3A_392#1 : vector<16xf32>
    %jit3A_424 = arith.constant 0.000000e+00 : f32
    %broadcast_in_dim3A_425 = vector.broadcast %jit3A_424 : f32 to vector<16xf32>
    %select_n3A_426 = arith.select %eq3A_414, %sub3A_423, %broadcast_in_dim3A_425 : vector<16xi1>, vector<16xf32>
    %reduce_sum3A_427 = arith.constant true
    %reduce_sum3A_428 = vector.broadcast %reduce_sum3A_427 : i1 to vector<16xi1>
    %reduce_sum3A_429 = tpu.scan <sum>, %select_n3A_426 masked %reduce_sum3A_428 : vector<16xf32>, vector<16xi1> -> vector<16xf32>
    %reduce_sum3A_430 = vector.extract %reduce_sum3A_429[15] : f32 from vector<16xf32>
    %reduce_sum3A_431 = arith.constant true
    %reduce_sum3A_432 = vector.broadcast %reduce_sum3A_431 : i1 to vector<16xi1>
    %reduce_sum3A_433 = tpu.scan <sum>, %scan3A_392#0 masked %reduce_sum3A_432 : vector<16xi32>, vector<16xi1> -> vector<16xi32>
    %reduce_sum3A_434 = vector.extract %reduce_sum3A_433[15] : i32 from vector<16xi32>
    %reduce_sum3A_435 = arith.constant true
    %reduce_sum3A_436 = vector.broadcast %reduce_sum3A_435 : i1 to vector<16xi1>
    %reduce_sum3A_437 = tpu.scan <sum>, %scan3A_392#1 masked %reduce_sum3A_436 : vector<16xf32>, vector<16xi1> -> vector<16xf32>
    %reduce_sum3A_438 = vector.extract %reduce_sum3A_437[15] : f32 from vector<16xf32>
    %scan3A_439 = arith.constant 0 : i32
    %scan3A_440 = arith.constant 0 : i32
    %scan3A_441 = arith.constant 0 : i32
    %scan3A_442 = arith.constant 0.000000e+00 : f32
    %scan3A_443 = arith.constant 0 : i32
    %scan3A_444 = arith.constant 0.000000e+00 : f32
    %scan3A_445 = arith.constant 0 : i32
    %scan3A_446 = arith.constant 8 : i32
    %scan3A_447 = arith.addi %scan3A_445, %scan3A_446 : i32
    %scan3A_448 = arith.constant 1 : i32
    %scan3A_449:8 = scf.for %scan3A_562 = %scan3A_445 to %scan3A_447 step %scan3A_448 iter_args(%scan3A_563 = %scan3A_439, %scan3A_564 = %scan3A_440, %scan3A_565 = %scan3A_441, %scan3A_566 = %scan3A_442, %scan3A_567 = %scan3A_443, %scan3A_568 = %scan3A_444, %scan3A_569 = %reduce_sum3A_422, %scan3A_570 = %reduce_sum3A_430) -> (i32, i32, i32, f32, i32, f32, i32, f32)  : i32 {
      %mul3A_571 = arith.constant 8 : i32
      %mul3A_572 = arith.muli %reduce_min3A_412, %mul3A_571 : i32
      %add3A_573 = arith.addi %mul3A_572, %scan3A_562 : i32
      %mul3A_574 = arith.constant 16 : i32
      %mul3A_575 = arith.muli %add3A_573, %mul3A_574 : i32
      %get3A = arith.index_cast %mul3A_575 : i32 to index
      %get3A_576 = tpu.vector_load %arg8[%get3A] {strides = array<i32>} : memref<2048xi32, #tpu.memory_space<vmem>>, vector<16xi32>,
      %get3A_577 = arith.index_cast %mul3A_575 : i32 to index
      %get3A_578 = tpu.vector_load %arg9[%get3A_577] {strides = array<i32>} : memref<2048xf32, #tpu.memory_space<vmem>>, vector<16xf32>,
      %reduce_sum3A_579 = arith.constant true
      %reduce_sum3A_580 = vector.broadcast %reduce_sum3A_579 : i1 to vector<16xi1>
      %reduce_sum3A_581 = tpu.scan <sum>, %get3A_576 masked %reduce_sum3A_580 : vector<16xi32>, vector<16xi1> -> vector<16xi32>
      %reduce_sum3A_582 = vector.extract %reduce_sum3A_581[15] : i32 from vector<16xi32>
      %reduce_sum3A_583 = arith.constant true
      %reduce_sum3A_584 = vector.broadcast %reduce_sum3A_583 : i1 to vector<16xi1>
      %reduce_sum3A_585 = tpu.scan <sum>, %get3A_578 masked %reduce_sum3A_584 : vector<16xf32>, vector<16xi1> -> vector<16xf32>
      %reduce_sum3A_586 = vector.extract %reduce_sum3A_585[15] : f32 from vector<16xf32>
      %add3A_587 = arith.addi %scan3A_569, %reduce_sum3A_582 : i32
      %eq3A_588 = arith.constant 0 : i32
      %eq3A_589 = arith.cmpi eq, %scan3A_563, %eq3A_588 : i32
      %ge3A_590 = arith.cmpi sge, %add3A_587, %add3A_382 : i32
      %and3A = arith.andi %eq3A_589, %ge3A_590 : i1
      %convert_element_type3A_591 = arith.extui %and3A : i1 to i32
      %cond3A = arith.constant 0 : i32
      %cond3A_592 = arith.constant 0 : i32
      %cond3A_593 = arith.cmpi ne, %convert_element_type3A_591, %cond3A_592 : i32
      %cond3A_594:6 = scf.if %cond3A_593 -> (i32, i32, i32, f32, i32, f32) {
        %cumsum3A_596 = arith.constant true
        %cumsum3A_597 = vector.broadcast %cumsum3A_596 : i1 to vector<16xi1>
        %cumsum3A_598 = tpu.scan <sum>, %get3A_576 masked %cumsum3A_597 : vector<16xi32>, vector<16xi1> -> vector<16xi32>
        %cumsum3A_599 = arith.constant true
        %cumsum3A_600 = vector.broadcast %cumsum3A_599 : i1 to vector<16xi1>
        %cumsum3A_601 = tpu.scan <sum>, %get3A_578 masked %cumsum3A_600 : vector<16xf32>, vector<16xi1> -> vector<16xf32>
        %add3A_602 = vector.broadcast %scan3A_569 : i32 to vector<16xi32>
        %add3A_603 = arith.addi %add3A_602, %cumsum3A_598 : vector<16xi32>
        %ge3A_604 = vector.broadcast %add3A_382 : i32 to vector<16xi32>
        %ge3A_605 = arith.cmpi sge, %add3A_603, %ge3A_604 : vector<16xi32>
        %jit3A_606 = arith.constant 64 : i32
        %broadcast_in_dim3A_607 = vector.broadcast %jit3A_606 : i32 to vector<16xi32>
        %select_n3A_608 = arith.select %ge3A_605, %iota3A_383, %broadcast_in_dim3A_607 : vector<16xi1>, vector<16xi32>
        %reduce_min3A_609 = arith.constant true
        %reduce_min3A_610 = vector.broadcast %reduce_min3A_609 : i1 to vector<16xi1>
        %reduce_min3A_611 = arith.constant -2147483648 : i32
        %reduce_min3A_612 = vector.broadcast %reduce_min3A_611 : i32 to vector<16xi32>
        %reduce_min3A_613 = arith.xori %select_n3A_608, %reduce_min3A_612 : vector<16xi32>
        %reduce_min3A_614 = tpu.scan <min>, %reduce_min3A_613 masked %reduce_min3A_610 : vector<16xi32>, vector<16xi1> -> vector<16xi32>
        %reduce_min3A_615 = arith.xori %reduce_min3A_614, %reduce_min3A_612 : vector<16xi32>
        %reduce_min3A_616 = vector.extract %reduce_min3A_615[15] : i32 from vector<16xi32>
        %eq3A_617 = vector.broadcast %reduce_min3A_616 : i32 to vector<16xi32>
        %eq3A_618 = arith.cmpi eq, %iota3A_383, %eq3A_617 : vector<16xi32>
        %mul3A_619 = arith.constant 16 : i32
        %mul3A_620 = arith.muli %add3A_573, %mul3A_619 : i32
        %add3A_621 = arith.addi %mul3A_620, %reduce_min3A_616 : i32
        %jit3A_622 = arith.constant 0 : i32
        %broadcast_in_dim3A_623 = vector.broadcast %jit3A_622 : i32 to vector<16xi32>
        %select_n3A_624 = arith.select %eq3A_618, %add3A_603, %broadcast_in_dim3A_623 : vector<16xi1>, vector<16xi32>
        %reduce_sum3A_625 = arith.constant true
        %reduce_sum3A_626 = vector.broadcast %reduce_sum3A_625 : i1 to vector<16xi1>
        %reduce_sum3A_627 = tpu.scan <sum>, %select_n3A_624 masked %reduce_sum3A_626 : vector<16xi32>, vector<16xi1> -> vector<16xi32>
        %reduce_sum3A_628 = vector.extract %reduce_sum3A_627[15] : i32 from vector<16xi32>
        %jit3A_629 = arith.constant 0.000000e+00 : f32
        %broadcast_in_dim3A_630 = vector.broadcast %jit3A_629 : f32 to vector<16xf32>
        %select_n3A_631 = arith.select %eq3A_618, %cumsum3A_601, %broadcast_in_dim3A_630 : vector<16xi1>, vector<16xf32>
        %reduce_sum3A_632 = arith.constant true
        %reduce_sum3A_633 = vector.broadcast %reduce_sum3A_632 : i1 to vector<16xi1>
        %reduce_sum3A_634 = tpu.scan <sum>, %select_n3A_631 masked %reduce_sum3A_633 : vector<16xf32>, vector<16xi1> -> vector<16xf32>
        %reduce_sum3A_635 = vector.extract %reduce_sum3A_634[15] : f32 from vector<16xf32>
        %add3A_636 = arith.addf %scan3A_570, %reduce_sum3A_635 : f32
        %jit3A_637 = arith.constant 0 : i32
        %broadcast_in_dim3A_638 = vector.broadcast %jit3A_637 : i32 to vector<16xi32>
        %select_n3A_639 = arith.select %eq3A_618, %get3A_576, %broadcast_in_dim3A_638 : vector<16xi1>, vector<16xi32>
        %reduce_sum3A_640 = arith.constant true
        %reduce_sum3A_641 = vector.broadcast %reduce_sum3A_640 : i1 to vector<16xi1>
        %reduce_sum3A_642 = tpu.scan <sum>, %select_n3A_639 masked %reduce_sum3A_641 : vector<16xi32>, vector<16xi1> -> vector<16xi32>
        %reduce_sum3A_643 = vector.extract %reduce_sum3A_642[15] : i32 from vector<16xi32>
        %jit3A_644 = arith.constant 0.000000e+00 : f32
        %broadcast_in_dim3A_645 = vector.broadcast %jit3A_644 : f32 to vector<16xf32>
        %select_n3A_646 = arith.select %eq3A_618, %get3A_578, %broadcast_in_dim3A_645 : vector<16xi1>, vector<16xf32>
        %reduce_sum3A_647 = arith.constant true
        %reduce_sum3A_648 = vector.broadcast %reduce_sum3A_647 : i1 to vector<16xi1>
        %reduce_sum3A_649 = tpu.scan <sum>, %select_n3A_646 masked %reduce_sum3A_648 : vector<16xf32>, vector<16xi1> -> vector<16xf32>
        %reduce_sum3A_650 = vector.extract %reduce_sum3A_649[15] : f32 from vector<16xf32>
        %cond3A_651 = arith.constant 1 : i32
        scf.yield %cond3A_651, %add3A_621, %reduce_sum3A_628, %add3A_636, %reduce_sum3A_643, %reduce_sum3A_650 : i32, i32, i32, f32, i32, f32
      } else {
        scf.yield %scan3A_563, %scan3A_564, %scan3A_565, %scan3A_566, %scan3A_567, %scan3A_568 : i32, i32, i32, f32, i32, f32
      }
      %add3A_595 = arith.addf %scan3A_570, %reduce_sum3A_586 : f32
      scf.yield %cond3A_594#0, %cond3A_594#1, %cond3A_594#2, %cond3A_594#3, %cond3A_594#4, %cond3A_594#5, %add3A_587, %add3A_595 : i32, i32, i32, f32, i32, f32, i32, f32
    }
    %scan3A_450 = arith.constant 8 : i32
    %parallel_loop3A_451 = arith.constant 0 : i32
    %parallel_loop3A_452 = arith.constant 128 : i32
    %parallel_loop3A_453 = arith.constant 1 : i32
    scf.for %parallel_loop3A_562 = %parallel_loop3A_451 to %parallel_loop3A_452 step %parallel_loop3A_453  : i32 {
      %parallel_loop3A_563 = arith.constant 16 : i32
      %parallel_loop3A_564 = arith.muli %parallel_loop3A_562, %parallel_loop3A_563 : i32
      %parallel_loop3A_565 = arith.index_cast %parallel_loop3A_564 : i32 to index
      %parallel_loop3A_566 = tpu.vector_load %arg8[%parallel_loop3A_565] {strides = array<i32>} : memref<2048xi32, #tpu.memory_space<vmem>>, vector<16xi32>,
      tpu.vector_store %arg8[%parallel_loop3A_565], %broadcast_in_dim3A_385 {strides = array<i32>} : memref<2048xi32, #tpu.memory_space<vmem>>, vector<16xi32>,
      %parallel_loop3A_567 = arith.index_cast %parallel_loop3A_564 : i32 to index
      %parallel_loop3A_568 = tpu.vector_load %arg9[%parallel_loop3A_567] {strides = array<i32>} : memref<2048xf32, #tpu.memory_space<vmem>>, vector<16xf32>,
      tpu.vector_store %arg9[%parallel_loop3A_567], %broadcast_in_dim3A_387 {strides = array<i32>} : memref<2048xf32, #tpu.memory_space<vmem>>, vector<16xf32>,
    } {sc.loop_unroll_factor = 4 : i64, sc.parallel_access}
    %sub3A_454 = arith.subi %reduce_sum3A_434, %scan3A_449#2 : i32
    %add3A_455 = arith.addi %sub3A_371, %sub3A_454 : i32
    %sub3A_456 = arith.subf %reduce_sum3A_438, %scan3A_449#3 : f32
    %add3A_457 = arith.addf %sub3A_372, %sub3A_456 : f32
    %sub3A_458 = arith.subi %reduce_sum3A_434, %scan3A_449#2 : i32
    %sub3A_459 = arith.subi %sub3A_374, %sub3A_458 : i32
    %shift_left3A_460 = arith.constant 11 : i32
    %shift_left3A_461 = arith.shli %sub3A_376, %shift_left3A_460 : i32
    %or3A_462 = arith.ori %shift_left3A_461, %scan3A_449#1 : i32
    %parallel_loop3A_463 = arith.constant 0 : i32
    %parallel_loop3A_464 = arith.constant 2048 : i32
    %parallel_loop3A_465 = arith.constant 1 : i32
    scf.for %parallel_loop3A_562 = %parallel_loop3A_463 to %parallel_loop3A_464 step %parallel_loop3A_465  : i32 {
      %parallel_loop3A_563 = arith.constant 16 : i32
      %parallel_loop3A_564 = arith.muli %parallel_loop3A_562, %parallel_loop3A_563 : i32
      %parallel_loop3A_565 = arith.index_cast %parallel_loop3A_564 : i32 to index
      %parallel_loop3A_566 = tpu.vector_load %arg5[%parallel_loop3A_565] {strides = array<i32>} : memref<32768xf32, #tpu.memory_space<vmem>>, vector<16xf32>,
      %parallel_loop3A_567 = tpu.bitcast %parallel_loop3A_566 : vector<16xf32> -> vector<16xi32>
      %parallel_loop3A_568 = arith.constant 31 : i32
      %parallel_loop3A_569 = vector.broadcast %parallel_loop3A_568 : i32 to vector<16xi32>
      %parallel_loop3A_570 = arith.shrsi %parallel_loop3A_567, %parallel_loop3A_569 : vector<16xi32>
      %parallel_loop3A_571 = arith.constant 2147483647 : i32
      %parallel_loop3A_572 = vector.broadcast %parallel_loop3A_571 : i32 to vector<16xi32>
      %parallel_loop3A_573 = arith.andi %parallel_loop3A_570, %parallel_loop3A_572 : vector<16xi32>
      %parallel_loop3A_574 = arith.xori %parallel_loop3A_567, %parallel_loop3A_573 : vector<16xi32>
      %parallel_loop3A_575 = arith.constant 10 : i32
      %parallel_loop3A_576 = vector.broadcast %parallel_loop3A_575 : i32 to vector<16xi32>
      %parallel_loop3A_577 = arith.shrsi %parallel_loop3A_574, %parallel_loop3A_576 : vector<16xi32>
      %parallel_loop3A_578 = vector.broadcast %or3A_462 : i32 to vector<16xi32>
      %parallel_loop3A_579 = arith.cmpi eq, %parallel_loop3A_577, %parallel_loop3A_578 : vector<16xi32>
      %parallel_loop3A_580 = arith.constant 1023 : i32
      %parallel_loop3A_581 = vector.broadcast %parallel_loop3A_580 : i32 to vector<16xi32>
      %parallel_loop3A_582 = arith.andi %parallel_loop3A_574, %parallel_loop3A_581 : vector<16xi32>
      tpu.vector_store_idx %arg10[%parallel_loop3A_582], %broadcast_in_dim3A_1 masked %parallel_loop3A_579 {add = true} : memref<1024xi32, #tpu.memory_space<vmem>>[vector<16xi32>], vector<16xi32>, vector<16xi1>
      tpu.vector_store_idx %arg11[%parallel_loop3A_582], %parallel_loop3A_566 masked %parallel_loop3A_579 {add = true} : memref<1024xf32, #tpu.memory_space<vmem>>[vector<16xi32>], vector<16xf32>, vector<16xi1>
    } {sc.loop_unroll_factor = 8 : i64, sc.parallel_access}
    %sub3A_466 = arith.subi %scan3A_449#4, %sub3A_459 : i32
    %add3A_467 = arith.constant 1 : i32
    %add3A_468 = arith.addi %sub3A_466, %add3A_467 : i32
    %iota3A_469 = tpu.iota {dimensions = array<i32: 0>} : vector<16xi32>
    %broadcast_in_dim3A_470 = arith.constant 0 : i32
    %broadcast_in_dim3A_471 = vector.broadcast %broadcast_in_dim3A_470 : i32 to vector<16xi32>
    %broadcast_in_dim3A_472 = arith.constant 0.000000e+00 : f32
    %broadcast_in_dim3A_473 = vector.broadcast %broadcast_in_dim3A_472 : f32 to vector<16xf32>
    %scan3A_474 = arith.constant 0 : i32
    %scan3A_475 = arith.constant 16 : i32
    %scan3A_476 = arith.addi %scan3A_474, %scan3A_475 : i32
    %scan3A_477 = arith.constant 1 : i32
    %scan3A_478:2 = scf.for %scan3A_562 = %scan3A_474 to %scan3A_476 step %scan3A_477 iter_args(%scan3A_563 = %broadcast_in_dim3A_471, %scan3A_564 = %broadcast_in_dim3A_473) -> (vector<16xi32>, vector<16xf32>)  : i32 {
      %mul3A_565 = arith.constant 4 : i32
      %mul3A_566 = arith.muli %scan3A_562, %mul3A_565 : i32
      %add3A_567 = arith.constant 0 : i32
      %add3A_568 = arith.addi %mul3A_566, %add3A_567 : i32
      %mul3A_569 = arith.constant 16 : i32
      %mul3A_570 = arith.muli %add3A_568, %mul3A_569 : i32
      %get3A = arith.index_cast %mul3A_570 : i32 to index
      %get3A_571 = tpu.vector_load %arg10[%get3A] {strides = array<i32>} : memref<1024xi32, #tpu.memory_space<vmem>>, vector<16xi32>,
      %add3A_572 = arith.addi %broadcast_in_dim3A_471, %get3A_571 : vector<16xi32>
      %get3A_573 = arith.index_cast %mul3A_570 : i32 to index
      %get3A_574 = tpu.vector_load %arg11[%get3A_573] {strides = array<i32>} : memref<1024xf32, #tpu.memory_space<vmem>>, vector<16xf32>,
      %add3A_575 = arith.addf %broadcast_in_dim3A_473, %get3A_574 : vector<16xf32>
      %mul3A_576 = arith.constant 4 : i32
      %mul3A_577 = arith.muli %scan3A_562, %mul3A_576 : i32
      %add3A_578 = arith.constant 1 : i32
      %add3A_579 = arith.addi %mul3A_577, %add3A_578 : i32
      %mul3A_580 = arith.constant 16 : i32
      %mul3A_581 = arith.muli %add3A_579, %mul3A_580 : i32
      %get3A_582 = arith.index_cast %mul3A_581 : i32 to index
      %get3A_583 = tpu.vector_load %arg10[%get3A_582] {strides = array<i32>} : memref<1024xi32, #tpu.memory_space<vmem>>, vector<16xi32>,
      %add3A_584 = arith.addi %add3A_572, %get3A_583 : vector<16xi32>
      %get3A_585 = arith.index_cast %mul3A_581 : i32 to index
      %get3A_586 = tpu.vector_load %arg11[%get3A_585] {strides = array<i32>} : memref<1024xf32, #tpu.memory_space<vmem>>, vector<16xf32>,
      %add3A_587 = arith.addf %add3A_575, %get3A_586 : vector<16xf32>
      %mul3A_588 = arith.constant 4 : i32
      %mul3A_589 = arith.muli %scan3A_562, %mul3A_588 : i32
      %add3A_590 = arith.constant 2 : i32
      %add3A_591 = arith.addi %mul3A_589, %add3A_590 : i32
      %mul3A_592 = arith.constant 16 : i32
      %mul3A_593 = arith.muli %add3A_591, %mul3A_592 : i32
      %get3A_594 = arith.index_cast %mul3A_593 : i32 to index
      %get3A_595 = tpu.vector_load %arg10[%get3A_594] {strides = array<i32>} : memref<1024xi32, #tpu.memory_space<vmem>>, vector<16xi32>,
      %add3A_596 = arith.addi %add3A_584, %get3A_595 : vector<16xi32>
      %get3A_597 = arith.index_cast %mul3A_593 : i32 to index
      %get3A_598 = tpu.vector_load %arg11[%get3A_597] {strides = array<i32>} : memref<1024xf32, #tpu.memory_space<vmem>>, vector<16xf32>,
      %add3A_599 = arith.addf %add3A_587, %get3A_598 : vector<16xf32>
      %mul3A_600 = arith.constant 4 : i32
      %mul3A_601 = arith.muli %scan3A_562, %mul3A_600 : i32
      %add3A_602 = arith.constant 3 : i32
      %add3A_603 = arith.addi %mul3A_601, %add3A_602 : i32
      %mul3A_604 = arith.constant 16 : i32
      %mul3A_605 = arith.muli %add3A_603, %mul3A_604 : i32
      %get3A_606 = arith.index_cast %mul3A_605 : i32 to index
      %get3A_607 = tpu.vector_load %arg10[%get3A_606] {strides = array<i32>} : memref<1024xi32, #tpu.memory_space<vmem>>, vector<16xi32>,
      %add3A_608 = arith.addi %add3A_596, %get3A_607 : vector<16xi32>
      %get3A_609 = arith.index_cast %mul3A_605 : i32 to index
      %get3A_610 = tpu.vector_load %arg11[%get3A_609] {strides = array<i32>} : memref<1024xf32, #tpu.memory_space<vmem>>, vector<16xf32>,
      %add3A_611 = arith.addf %add3A_599, %get3A_610 : vector<16xf32>
      %eq3A_612 = vector.broadcast %scan3A_562 : i32 to vector<16xi32>
      %eq3A_613 = arith.cmpi eq, %iota3A_469, %eq3A_612 : vector<16xi32>
      %reduce_sum3A_614 = arith.constant true
      %reduce_sum3A_615 = vector.broadcast %reduce_sum3A_614 : i1 to vector<16xi1>
      %reduce_sum3A_616 = tpu.scan <sum>, %add3A_608 masked %reduce_sum3A_615 : vector<16xi32>, vector<16xi1> -> vector<16xi32>
      %reduce_sum3A_617 = vector.extract %reduce_sum3A_616[15] : i32 from vector<16xi32>
      %broadcast_in_dim3A_618 = vector.broadcast %reduce_sum3A_617 : i32 to vector<16xi32>
      %select_n3A_619 = arith.select %eq3A_613, %broadcast_in_dim3A_618, %scan3A_563 : vector<16xi1>, vector<16xi32>
      %reduce_sum3A_620 = arith.constant true
      %reduce_sum3A_621 = vector.broadcast %reduce_sum3A_620 : i1 to vector<16xi1>
      %reduce_sum3A_622 = tpu.scan <sum>, %add3A_611 masked %reduce_sum3A_621 : vector<16xf32>, vector<16xi1> -> vector<16xf32>
      %reduce_sum3A_623 = vector.extract %reduce_sum3A_622[15] : f32 from vector<16xf32>
      %broadcast_in_dim3A_624 = vector.broadcast %reduce_sum3A_623 : f32 to vector<16xf32>
      %select_n3A_625 = arith.select %eq3A_613, %broadcast_in_dim3A_624, %scan3A_564 : vector<16xi1>, vector<16xf32>
      scf.yield %select_n3A_619, %select_n3A_625 : vector<16xi32>, vector<16xf32>
    }
    %scan3A_479 = arith.constant 16 : i32
    %cumsum3A_480 = arith.constant true
    %cumsum3A_481 = vector.broadcast %cumsum3A_480 : i1 to vector<16xi1>
    %cumsum3A_482 = tpu.scan <sum>, %scan3A_478#0 masked %cumsum3A_481 : vector<16xi32>, vector<16xi1> -> vector<16xi32>
    %cumsum3A_483 = arith.constant true
    %cumsum3A_484 = vector.broadcast %cumsum3A_483 : i1 to vector<16xi1>
    %cumsum3A_485 = tpu.scan <sum>, %scan3A_478#1 masked %cumsum3A_484 : vector<16xf32>, vector<16xi1> -> vector<16xf32>
    %ge3A_486 = vector.broadcast %add3A_468 : i32 to vector<16xi32>
    %ge3A_487 = arith.cmpi sge, %cumsum3A_482, %ge3A_486 : vector<16xi32>
    %jit3A_488 = arith.constant 64 : i32
    %broadcast_in_dim3A_489 = vector.broadcast %jit3A_488 : i32 to vector<16xi32>
    %select_n3A_490 = arith.select %ge3A_487, %iota3A_469, %broadcast_in_dim3A_489 : vector<16xi1>, vector<16xi32>
    %reduce_min3A_491 = arith.constant true
    %reduce_min3A_492 = vector.broadcast %reduce_min3A_491 : i1 to vector<16xi1>
    %reduce_min3A_493 = arith.constant -2147483648 : i32
    %reduce_min3A_494 = vector.broadcast %reduce_min3A_493 : i32 to vector<16xi32>
    %reduce_min3A_495 = arith.xori %select_n3A_490, %reduce_min3A_494 : vector<16xi32>
    %reduce_min3A_496 = tpu.scan <min>, %reduce_min3A_495 masked %reduce_min3A_492 : vector<16xi32>, vector<16xi1> -> vector<16xi32>
    %reduce_min3A_497 = arith.xori %reduce_min3A_496, %reduce_min3A_494 : vector<16xi32>
    %reduce_min3A_498 = vector.extract %reduce_min3A_497[15] : i32 from vector<16xi32>
    %eq3A_499 = vector.broadcast %reduce_min3A_498 : i32 to vector<16xi32>
    %eq3A_500 = arith.cmpi eq, %iota3A_469, %eq3A_499 : vector<16xi32>
    %sub3A_501 = arith.subi %cumsum3A_482, %scan3A_478#0 : vector<16xi32>
    %jit3A_502 = arith.constant 0 : i32
    %broadcast_in_dim3A_503 = vector.broadcast %jit3A_502 : i32 to vector<16xi32>
    %select_n3A_504 = arith.select %eq3A_500, %sub3A_501, %broadcast_in_dim3A_503 : vector<16xi1>, vector<16xi32>
    %reduce_sum3A_505 = arith.constant true
    %reduce_sum3A_506 = vector.broadcast %reduce_sum3A_505 : i1 to vector<16xi1>
    %reduce_sum3A_507 = tpu.scan <sum>, %select_n3A_504 masked %reduce_sum3A_506 : vector<16xi32>, vector<16xi1> -> vector<16xi32>
    %reduce_sum3A_508 = vector.extract %reduce_sum3A_507[15] : i32 from vector<16xi32>
    %sub3A_509 = arith.subf %cumsum3A_485, %scan3A_478#1 : vector<16xf32>
    %jit3A_510 = arith.constant 0.000000e+00 : f32
    %broadcast_in_dim3A_511 = vector.broadcast %jit3A_510 : f32 to vector<16xf32>
    %select_n3A_512 = arith.select %eq3A_500, %sub3A_509, %broadcast_in_dim3A_511 : vector<16xi1>, vector<16xf32>
    %reduce_sum3A_513 = arith.constant true
    %reduce_sum3A_514 = vector.broadcast %reduce_sum3A_513 : i1 to vector<16xi1>
    %reduce_sum3A_515 = tpu.scan <sum>, %select_n3A_512 masked %reduce_sum3A_514 : vector<16xf32>, vector<16xi1> -> vector<16xf32>
    %reduce_sum3A_516 = vector.extract %reduce_sum3A_515[15] : f32 from vector<16xf32>
    %reduce_sum3A_517 = arith.constant true
    %reduce_sum3A_518 = vector.broadcast %reduce_sum3A_517 : i1 to vector<16xi1>
    %reduce_sum3A_519 = tpu.scan <sum>, %scan3A_478#0 masked %reduce_sum3A_518 : vector<16xi32>, vector<16xi1> -> vector<16xi32>
    %reduce_sum3A_520 = vector.extract %reduce_sum3A_519[15] : i32 from vector<16xi32>
    %reduce_sum3A_521 = arith.constant true
    %reduce_sum3A_522 = vector.broadcast %reduce_sum3A_521 : i1 to vector<16xi1>
    %reduce_sum3A_523 = tpu.scan <sum>, %scan3A_478#1 masked %reduce_sum3A_522 : vector<16xf32>, vector<16xi1> -> vector<16xf32>
    %reduce_sum3A_524 = vector.extract %reduce_sum3A_523[15] : f32 from vector<16xf32>
    %scan3A_525 = arith.constant 0 : i32
    %scan3A_526 = arith.constant 0 : i32
    %scan3A_527 = arith.constant 0 : i32
    %scan3A_528 = arith.constant 0.000000e+00 : f32
    %scan3A_529 = arith.constant 0 : i32
    %scan3A_530 = arith.constant 0.000000e+00 : f32
    %scan3A_531 = arith.constant 0 : i32
    %scan3A_532 = arith.constant 4 : i32
    %scan3A_533 = arith.addi %scan3A_531, %scan3A_532 : i32
    %scan3A_534 = arith.constant 1 : i32
    %scan3A_535:8 = scf.for %scan3A_562 = %scan3A_531 to %scan3A_533 step %scan3A_534 iter_args(%scan3A_563 = %scan3A_525, %scan3A_564 = %scan3A_526, %scan3A_565 = %scan3A_527, %scan3A_566 = %scan3A_528, %scan3A_567 = %scan3A_529, %scan3A_568 = %scan3A_530, %scan3A_569 = %reduce_sum3A_508, %scan3A_570 = %reduce_sum3A_516) -> (i32, i32, i32, f32, i32, f32, i32, f32)  : i32 {
      %mul3A_571 = arith.constant 4 : i32
      %mul3A_572 = arith.muli %reduce_min3A_498, %mul3A_571 : i32
      %add3A_573 = arith.addi %mul3A_572, %scan3A_562 : i32
      %mul3A_574 = arith.constant 16 : i32
      %mul3A_575 = arith.muli %add3A_573, %mul3A_574 : i32
      %get3A = arith.index_cast %mul3A_575 : i32 to index
      %get3A_576 = tpu.vector_load %arg10[%get3A] {strides = array<i32>} : memref<1024xi32, #tpu.memory_space<vmem>>, vector<16xi32>,
      %get3A_577 = arith.index_cast %mul3A_575 : i32 to index
      %get3A_578 = tpu.vector_load %arg11[%get3A_577] {strides = array<i32>} : memref<1024xf32, #tpu.memory_space<vmem>>, vector<16xf32>,
      %reduce_sum3A_579 = arith.constant true
      %reduce_sum3A_580 = vector.broadcast %reduce_sum3A_579 : i1 to vector<16xi1>
      %reduce_sum3A_581 = tpu.scan <sum>, %get3A_576 masked %reduce_sum3A_580 : vector<16xi32>, vector<16xi1> -> vector<16xi32>
      %reduce_sum3A_582 = vector.extract %reduce_sum3A_581[15] : i32 from vector<16xi32>
      %reduce_sum3A_583 = arith.constant true
      %reduce_sum3A_584 = vector.broadcast %reduce_sum3A_583 : i1 to vector<16xi1>
      %reduce_sum3A_585 = tpu.scan <sum>, %get3A_578 masked %reduce_sum3A_584 : vector<16xf32>, vector<16xi1> -> vector<16xf32>
      %reduce_sum3A_586 = vector.extract %reduce_sum3A_585[15] : f32 from vector<16xf32>
      %add3A_587 = arith.addi %scan3A_569, %reduce_sum3A_582 : i32
      %eq3A_588 = arith.constant 0 : i32
      %eq3A_589 = arith.cmpi eq, %scan3A_563, %eq3A_588 : i32
      %ge3A_590 = arith.cmpi sge, %add3A_587, %add3A_468 : i32
      %and3A = arith.andi %eq3A_589, %ge3A_590 : i1
      %convert_element_type3A_591 = arith.extui %and3A : i1 to i32
      %cond3A = arith.constant 0 : i32
      %cond3A_592 = arith.constant 0 : i32
      %cond3A_593 = arith.cmpi ne, %convert_element_type3A_591, %cond3A_592 : i32
      %cond3A_594:6 = scf.if %cond3A_593 -> (i32, i32, i32, f32, i32, f32) {
        %cumsum3A_596 = arith.constant true
        %cumsum3A_597 = vector.broadcast %cumsum3A_596 : i1 to vector<16xi1>
        %cumsum3A_598 = tpu.scan <sum>, %get3A_576 masked %cumsum3A_597 : vector<16xi32>, vector<16xi1> -> vector<16xi32>
        %cumsum3A_599 = arith.constant true
        %cumsum3A_600 = vector.broadcast %cumsum3A_599 : i1 to vector<16xi1>
        %cumsum3A_601 = tpu.scan <sum>, %get3A_578 masked %cumsum3A_600 : vector<16xf32>, vector<16xi1> -> vector<16xf32>
        %add3A_602 = vector.broadcast %scan3A_569 : i32 to vector<16xi32>
        %add3A_603 = arith.addi %add3A_602, %cumsum3A_598 : vector<16xi32>
        %ge3A_604 = vector.broadcast %add3A_468 : i32 to vector<16xi32>
        %ge3A_605 = arith.cmpi sge, %add3A_603, %ge3A_604 : vector<16xi32>
        %jit3A_606 = arith.constant 64 : i32
        %broadcast_in_dim3A_607 = vector.broadcast %jit3A_606 : i32 to vector<16xi32>
        %select_n3A_608 = arith.select %ge3A_605, %iota3A_469, %broadcast_in_dim3A_607 : vector<16xi1>, vector<16xi32>
        %reduce_min3A_609 = arith.constant true
        %reduce_min3A_610 = vector.broadcast %reduce_min3A_609 : i1 to vector<16xi1>
        %reduce_min3A_611 = arith.constant -2147483648 : i32
        %reduce_min3A_612 = vector.broadcast %reduce_min3A_611 : i32 to vector<16xi32>
        %reduce_min3A_613 = arith.xori %select_n3A_608, %reduce_min3A_612 : vector<16xi32>
        %reduce_min3A_614 = tpu.scan <min>, %reduce_min3A_613 masked %reduce_min3A_610 : vector<16xi32>, vector<16xi1> -> vector<16xi32>
        %reduce_min3A_615 = arith.xori %reduce_min3A_614, %reduce_min3A_612 : vector<16xi32>
        %reduce_min3A_616 = vector.extract %reduce_min3A_615[15] : i32 from vector<16xi32>
        %eq3A_617 = vector.broadcast %reduce_min3A_616 : i32 to vector<16xi32>
        %eq3A_618 = arith.cmpi eq, %iota3A_469, %eq3A_617 : vector<16xi32>
        %mul3A_619 = arith.constant 16 : i32
        %mul3A_620 = arith.muli %add3A_573, %mul3A_619 : i32
        %add3A_621 = arith.addi %mul3A_620, %reduce_min3A_616 : i32
        %jit3A_622 = arith.constant 0 : i32
        %broadcast_in_dim3A_623 = vector.broadcast %jit3A_622 : i32 to vector<16xi32>
        %select_n3A_624 = arith.select %eq3A_618, %add3A_603, %broadcast_in_dim3A_623 : vector<16xi1>, vector<16xi32>
        %reduce_sum3A_625 = arith.constant true
        %reduce_sum3A_626 = vector.broadcast %reduce_sum3A_625 : i1 to vector<16xi1>
        %reduce_sum3A_627 = tpu.scan <sum>, %select_n3A_624 masked %reduce_sum3A_626 : vector<16xi32>, vector<16xi1> -> vector<16xi32>
        %reduce_sum3A_628 = vector.extract %reduce_sum3A_627[15] : i32 from vector<16xi32>
        %jit3A_629 = arith.constant 0.000000e+00 : f32
        %broadcast_in_dim3A_630 = vector.broadcast %jit3A_629 : f32 to vector<16xf32>
        %select_n3A_631 = arith.select %eq3A_618, %cumsum3A_601, %broadcast_in_dim3A_630 : vector<16xi1>, vector<16xf32>
        %reduce_sum3A_632 = arith.constant true
        %reduce_sum3A_633 = vector.broadcast %reduce_sum3A_632 : i1 to vector<16xi1>
        %reduce_sum3A_634 = tpu.scan <sum>, %select_n3A_631 masked %reduce_sum3A_633 : vector<16xf32>, vector<16xi1> -> vector<16xf32>
        %reduce_sum3A_635 = vector.extract %reduce_sum3A_634[15] : f32 from vector<16xf32>
        %add3A_636 = arith.addf %scan3A_570, %reduce_sum3A_635 : f32
        %jit3A_637 = arith.constant 0 : i32
        %broadcast_in_dim3A_638 = vector.broadcast %jit3A_637 : i32 to vector<16xi32>
        %select_n3A_639 = arith.select %eq3A_618, %get3A_576, %broadcast_in_dim3A_638 : vector<16xi1>, vector<16xi32>
        %reduce_sum3A_640 = arith.constant true
        %reduce_sum3A_641 = vector.broadcast %reduce_sum3A_640 : i1 to vector<16xi1>
        %reduce_sum3A_642 = tpu.scan <sum>, %select_n3A_639 masked %reduce_sum3A_641 : vector<16xi32>, vector<16xi1> -> vector<16xi32>
        %reduce_sum3A_643 = vector.extract %reduce_sum3A_642[15] : i32 from vector<16xi32>
        %jit3A_644 = arith.constant 0.000000e+00 : f32
        %broadcast_in_dim3A_645 = vector.broadcast %jit3A_644 : f32 to vector<16xf32>
        %select_n3A_646 = arith.select %eq3A_618, %get3A_578, %broadcast_in_dim3A_645 : vector<16xi1>, vector<16xf32>
        %reduce_sum3A_647 = arith.constant true
        %reduce_sum3A_648 = vector.broadcast %reduce_sum3A_647 : i1 to vector<16xi1>
        %reduce_sum3A_649 = tpu.scan <sum>, %select_n3A_646 masked %reduce_sum3A_648 : vector<16xf32>, vector<16xi1> -> vector<16xf32>
        %reduce_sum3A_650 = vector.extract %reduce_sum3A_649[15] : f32 from vector<16xf32>
        %cond3A_651 = arith.constant 1 : i32
        scf.yield %cond3A_651, %add3A_621, %reduce_sum3A_628, %add3A_636, %reduce_sum3A_643, %reduce_sum3A_650 : i32, i32, i32, f32, i32, f32
      } else {
        scf.yield %scan3A_563, %scan3A_564, %scan3A_565, %scan3A_566, %scan3A_567, %scan3A_568 : i32, i32, i32, f32, i32, f32
      }
      %add3A_595 = arith.addf %scan3A_570, %reduce_sum3A_586 : f32
      scf.yield %cond3A_594#0, %cond3A_594#1, %cond3A_594#2, %cond3A_594#3, %cond3A_594#4, %cond3A_594#5, %add3A_587, %add3A_595 : i32, i32, i32, f32, i32, f32, i32, f32
    }
    %scan3A_536 = arith.constant 4 : i32
    %parallel_loop3A_537 = arith.constant 0 : i32
    %parallel_loop3A_538 = arith.constant 64 : i32
    %parallel_loop3A_539 = arith.constant 1 : i32
    scf.for %parallel_loop3A_562 = %parallel_loop3A_537 to %parallel_loop3A_538 step %parallel_loop3A_539  : i32 {
      %parallel_loop3A_563 = arith.constant 16 : i32
      %parallel_loop3A_564 = arith.muli %parallel_loop3A_562, %parallel_loop3A_563 : i32
      %parallel_loop3A_565 = arith.index_cast %parallel_loop3A_564 : i32 to index
      %parallel_loop3A_566 = tpu.vector_load %arg10[%parallel_loop3A_565] {strides = array<i32>} : memref<1024xi32, #tpu.memory_space<vmem>>, vector<16xi32>,
      tpu.vector_store %arg10[%parallel_loop3A_565], %broadcast_in_dim3A_471 {strides = array<i32>} : memref<1024xi32, #tpu.memory_space<vmem>>, vector<16xi32>,
      %parallel_loop3A_567 = arith.index_cast %parallel_loop3A_564 : i32 to index
      %parallel_loop3A_568 = tpu.vector_load %arg11[%parallel_loop3A_567] {strides = array<i32>} : memref<1024xf32, #tpu.memory_space<vmem>>, vector<16xf32>,
      tpu.vector_store %arg11[%parallel_loop3A_567], %broadcast_in_dim3A_473 {strides = array<i32>} : memref<1024xf32, #tpu.memory_space<vmem>>, vector<16xf32>,
    } {sc.loop_unroll_factor = 4 : i64, sc.parallel_access}
    %sub3A_540 = arith.subi %reduce_sum3A_520, %scan3A_535#2 : i32
    %add3A_541 = arith.addi %add3A_455, %sub3A_540 : i32
    %sub3A_542 = arith.subf %reduce_sum3A_524, %scan3A_535#3 : f32
    %add3A_543 = arith.addf %add3A_457, %sub3A_542 : f32
    %add3A_544 = arith.addi %add3A_541, %scan3A_535#4 : i32
    %add3A_545 = arith.addf %add3A_543, %scan3A_535#5 : f32
    %ge3A_546 = arith.constant 3278 : i32
    %ge3A_547 = arith.cmpi sge, %add3A_544, %ge3A_546 : i32
    %select_n3A_548 = arith.select %ge3A_547, %add3A_541, %add3A_544 : i32
    %convert_element_type3A_549 = arith.sitofp %select_n3A_548 : i32 to f32
    %select_n3A_550 = arith.select %ge3A_547, %add3A_543, %add3A_545 : f32
    %eq3A_551 = arith.constant 1 : i32
    %eq3A_552 = vector.broadcast %eq3A_551 : i32 to vector<16xi32>
    %eq3A_553 = arith.cmpi eq, %iota3A, %eq3A_552 : vector<16xi32>
    %broadcast_in_dim3A_554 = vector.broadcast %select_n3A_550 : f32 to vector<16xf32>
    %select_n3A_555 = arith.select %eq3A_553, %broadcast_in_dim3A_554, %select_n3A_284 : vector<16xi1>, vector<16xf32>
    %eq3A_556 = arith.constant 1 : i32
    %eq3A_557 = vector.broadcast %eq3A_556 : i32 to vector<16xi32>
    %eq3A_558 = arith.cmpi eq, %iota3A, %eq3A_557 : vector<16xi32>
    %broadcast_in_dim3A_559 = vector.broadcast %convert_element_type3A_549 : f32 to vector<16xf32>
    %select_n3A_560 = arith.select %eq3A_558, %broadcast_in_dim3A_559, %select_n3A_289 : vector<16xi1>, vector<16xf32>
    %div3A = arith.divf %select_n3A_555, %select_n3A_560 : vector<16xf32>
    %swap3A = arith.constant 0 : index
    %swap3A_561 = tpu.vector_load %arg12[%swap3A] {strides = array<i32>} : memref<16xf32, #tpu.memory_space<vmem>>, vector<16xf32>,
    tpu.vector_store %arg12[%swap3A], %div3A {strides = array<i32>} : memref<16xf32, #tpu.memory_space<vmem>>, vector<16xf32>,
    "tpu.region"() ({
      %run_scoped3A = tpu.sem_alloc : memref<!tpu.dma_semaphore, #tpu.memory_space<semaphore_mem>>
      %dma_start3A_562 = arith.constant 0 : i32
      %dma_start3A_563 = tpu.memref_slice %arg3[%add3A, %dma_start3A_562] : memref<32x16xf32, #tpu.memory_space<hbm>> -> memref<1x16xf32, #tpu.memory_space<hbm>>
      %dma_start3A_564 = tpu.memref_squeeze %dma_start3A_563 : memref<1x16xf32, #tpu.memory_space<hbm>> -> memref<16xf32, #tpu.memory_space<hbm>>
      %dma_start3A_565 = arith.constant 0 : i32
      %dma_start3A_566 = tpu.memref_slice %arg3[%add3A, %dma_start3A_565] : memref<32x16xf32, #tpu.memory_space<hbm>> -> memref<1x16xf32, #tpu.memory_space<hbm>>
      %dma_start3A_567 = tpu.memref_squeeze %dma_start3A_566 : memref<1x16xf32, #tpu.memory_space<hbm>> -> memref<16xf32, #tpu.memory_space<hbm>>
      tpu.enqueue_dma source(%arg12 : memref<16xf32, #tpu.memory_space<vmem>>) target(%dma_start3A_567 : memref<16xf32, #tpu.memory_space<hbm>>) target_semaphore(%run_scoped3A : memref<!tpu.dma_semaphore, #tpu.memory_space<semaphore_mem>>)
      %dma_wait3A_568 = arith.constant 0 : i32
      %dma_wait3A_569 = tpu.memref_slice %arg3[%add3A, %dma_wait3A_568] : memref<32x16xf32, #tpu.memory_space<hbm>> -> memref<1x16xf32, #tpu.memory_space<hbm>>
      %dma_wait3A_570 = tpu.memref_squeeze %dma_wait3A_569 : memref<1x16xf32, #tpu.memory_space<hbm>> -> memref<16xf32, #tpu.memory_space<hbm>>
      %dma_wait3A_571 = arith.constant 0 : i32
      %dma_wait3A_572 = tpu.memref_slice %arg3[%add3A, %dma_wait3A_571] : memref<32x16xf32, #tpu.memory_space<hbm>> -> memref<1x16xf32, #tpu.memory_space<hbm>>
      %dma_wait3A_573 = tpu.memref_squeeze %dma_wait3A_572 : memref<1x16xf32, #tpu.memory_space<hbm>> -> memref<16xf32, #tpu.memory_space<hbm>>
      tpu.wait_dma2 semaphore(%run_scoped3A : memref<!tpu.dma_semaphore, #tpu.memory_space<semaphore_mem>>) src(%arg12 : memref<16xf32, #tpu.memory_space<vmem>>) dst(%dma_wait3A_573 : memref<16xf32, #tpu.memory_space<hbm>>)
      tpu.yield
    }) : () -> ()
    return
  }
}

module attributes {stable_mosaic.version = 14 : i64} {
  func.func @_tc_body(%arg0: i32, %arg1: memref<16x32768xf32, #tpu.memory_space<vmem>>, %arg2: memref<16x1xf32, #tpu.memory_space<vmem>>) attributes {dimension_semantics = [#tpu.dimension_semantics<arbitrary>], iteration_bounds = array<i64: 4>, scalar_prefetch = 0 : i64, scratch_operands = 0 : i64, tpu.core_type = #tpu.core_type<tc>, window_params = [{transform_indices = @transform_0, window_bounds = array<i64: 16, 32768>}, {transform_indices = @transform_1, window_bounds = array<i64: 16, 1>}]} {
    %get3A = arith.constant 0 : index
    %get3A_0 = arith.constant 0 : index
    %get3A_1 = vector.load %arg1[%get3A, %get3A_0] : memref<16x32768xf32, #tpu.memory_space<vmem>>, vector<16x32768xf32>
    %bitcast_convert_type3A = tpu.bitcast %get3A_1 : vector<16x32768xf32> -> vector<16x32768xi32>
    %shift_right_arithmetic3A = arith.constant 31 : i32
    %shift_right_arithmetic3A_2 = vector.broadcast %shift_right_arithmetic3A : i32 to vector<16x32768xi32>
    %shift_right_arithmetic3A_3 = arith.shrsi %bitcast_convert_type3A, %shift_right_arithmetic3A_2 : vector<16x32768xi32>
    %and3A = arith.constant 2147483647 : i32
    %and3A_4 = vector.broadcast %and3A : i32 to vector<16x32768xi32>
    %and3A_5 = arith.andi %shift_right_arithmetic3A_3, %and3A_4 : vector<16x32768xi32>
    %xor3A = arith.xori %bitcast_convert_type3A, %and3A_5 : vector<16x32768xi32>
    %broadcast_in_dim3A = arith.constant -2147483648 : i32
    %broadcast_in_dim3A_6 = vector.broadcast %broadcast_in_dim3A : i32 to vector<16x1xi32>
    %scan3A = arith.constant 0 : i32
    %scan3A_7 = arith.constant 32 : i32
    %scan3A_8 = arith.addi %scan3A, %scan3A_7 : i32
    %scan3A_9 = arith.constant 1 : i32
    %scan3A_10 = scf.for %scan3A_38 = %scan3A to %scan3A_8 step %scan3A_9 iter_args(%scan3A_39 = %broadcast_in_dim3A_6) -> (vector<16x1xi32>)  : i32 {
      %sub3A = arith.constant 31 : i32
      %sub3A_40 = arith.subi %sub3A, %scan3A_38 : i32
      %shift_left3A = arith.constant 1 : i32
      %shift_left3A_41 = arith.shli %shift_left3A, %sub3A_40 : i32
      %add3A = vector.broadcast %shift_left3A_41 : i32 to vector<16x1xi32>
      %add3A_42 = arith.addi %scan3A_39, %add3A : vector<16x1xi32>
      %ge3A_43 = vector.broadcast %add3A_42 : vector<16x1xi32> to vector<16x32768xi32>
      %ge3A_44 = arith.cmpi sge, %xor3A, %ge3A_43 : vector<16x32768xi32>
      %convert_element_type3A_45 = arith.extui %ge3A_44 : vector<16x32768xi1> to vector<16x32768xi32>
      %reduce_sum3A_46 = arith.constant dense<0> : vector<16xi32>
      %reduce_sum3A_47 = vector.multi_reduction <add>, %convert_element_type3A_45, %reduce_sum3A_46 [1] : vector<16x32768xi32> to vector<16xi32>
      %broadcast_in_dim3A_48 = vector.shape_cast %reduce_sum3A_47 : vector<16xi32> to vector<16x1xi32>
      %ge3A_49 = arith.constant 3277 : i32
      %ge3A_50 = vector.broadcast %ge3A_49 : i32 to vector<16x1xi32>
      %ge3A_51 = arith.cmpi sge, %broadcast_in_dim3A_48, %ge3A_50 : vector<16x1xi32>
      %select_n3A_52 = arith.select %ge3A_51, %add3A_42, %scan3A_39 : vector<16x1xi1>, vector<16x1xi32>
      scf.yield %select_n3A_52 : vector<16x1xi32>
    }
    %scan3A_11 = arith.constant 32 : i32
    %ge3A = vector.broadcast %scan3A_10 : vector<16x1xi32> to vector<16x32768xi32>
    %ge3A_12 = arith.cmpi sge, %xor3A, %ge3A : vector<16x32768xi32>
    %gt3A = vector.broadcast %scan3A_10 : vector<16x1xi32> to vector<16x32768xi32>
    %gt3A_13 = arith.cmpi sgt, %xor3A, %gt3A : vector<16x32768xi32>
    %convert_element_type3A = arith.extui %ge3A_12 : vector<16x32768xi1> to vector<16x32768xi32>
    %reduce_sum3A = arith.constant dense<0> : vector<16xi32>
    %reduce_sum3A_14 = vector.multi_reduction <add>, %convert_element_type3A, %reduce_sum3A [1] : vector<16x32768xi32> to vector<16xi32>
    %broadcast_in_dim3A_15 = vector.shape_cast %reduce_sum3A_14 : vector<16xi32> to vector<16x1xi32>
    %convert_element_type3A_16 = arith.extui %gt3A_13 : vector<16x32768xi1> to vector<16x32768xi32>
    %reduce_sum3A_17 = arith.constant dense<0> : vector<16xi32>
    %reduce_sum3A_18 = vector.multi_reduction <add>, %convert_element_type3A_16, %reduce_sum3A_17 [1] : vector<16x32768xi32> to vector<16xi32>
    %broadcast_in_dim3A_19 = vector.shape_cast %reduce_sum3A_18 : vector<16xi32> to vector<16x1xi32>
    %jit3A = arith.constant 0.000000e+00 : f32
    %broadcast_in_dim3A_20 = vector.broadcast %jit3A : f32 to vector<16x32768xf32>
    %select_n3A = arith.select %ge3A_12, %get3A_1, %broadcast_in_dim3A_20 : vector<16x32768xi1>, vector<16x32768xf32>
    %reduce_sum3A_21 = arith.constant dense<0.000000e+00> : vector<16xf32>
    %reduce_sum3A_22 = vector.multi_reduction <add>, %select_n3A, %reduce_sum3A_21 [1] : vector<16x32768xf32> to vector<16xf32>
    %broadcast_in_dim3A_23 = vector.shape_cast %reduce_sum3A_22 : vector<16xf32> to vector<16x1xf32>
    %jit3A_24 = arith.constant 0.000000e+00 : f32
    %broadcast_in_dim3A_25 = vector.broadcast %jit3A_24 : f32 to vector<16x32768xf32>
    %select_n3A_26 = arith.select %gt3A_13, %get3A_1, %broadcast_in_dim3A_25 : vector<16x32768xi1>, vector<16x32768xf32>
    %reduce_sum3A_27 = arith.constant dense<0.000000e+00> : vector<16xf32>
    %reduce_sum3A_28 = vector.multi_reduction <add>, %select_n3A_26, %reduce_sum3A_27 [1] : vector<16x32768xf32> to vector<16xf32>
    %broadcast_in_dim3A_29 = vector.shape_cast %reduce_sum3A_28 : vector<16xf32> to vector<16x1xf32>
    %ge3A_30 = arith.constant 3278 : i32
    %ge3A_31 = vector.broadcast %ge3A_30 : i32 to vector<16x1xi32>
    %ge3A_32 = arith.cmpi sge, %broadcast_in_dim3A_15, %ge3A_31 : vector<16x1xi32>
    %select_n3A_33 = arith.select %ge3A_32, %broadcast_in_dim3A_19, %broadcast_in_dim3A_15 : vector<16x1xi1>, vector<16x1xi32>
    %convert_element_type3A_34 = arith.sitofp %select_n3A_33 : vector<16x1xi32> to vector<16x1xf32>
    %select_n3A_35 = arith.select %ge3A_32, %broadcast_in_dim3A_29, %broadcast_in_dim3A_23 : vector<16x1xi1>, vector<16x1xf32>
    %div3A = arith.divf %select_n3A_35, %convert_element_type3A_34 : vector<16x1xf32>
    %swap3A = arith.constant 0 : index
    %swap3A_36 = arith.constant 0 : index
    %swap3A_37 = vector.load %arg2[%swap3A, %swap3A_36] : memref<16x1xf32, #tpu.memory_space<vmem>>, vector<16x1xf32>
    tpu.vector_store %arg2[%swap3A, %swap3A_36], %div3A {strides = array<i32>} : memref<16x1xf32, #tpu.memory_space<vmem>>, vector<16x1xf32>,
    return
  }
  func.func @transform_0(%arg0: i32) -> (i32, i32) {
    %add3A = arith.constant 4 : i32
    %add3A_0 = arith.addi %arg0, %add3A : i32
    %c0_i32 = arith.constant 0 : i32
    %c0_i32_1 = arith.constant 0 : i32
    return %add3A_0, %c0_i32 : i32, i32
  }
  func.func @transform_1(%arg0: i32) -> (i32, i32) {
    %c0_i32 = arith.constant 0 : i32
    %c0_i32_0 = arith.constant 0 : i32
    return %arg0, %c0_i32 : i32, i32
  }
}

</mosaic_0001>

<sc_bundles>
// kernel: kernel.4.cloned.1.call-start
scs
__scs_entry_jumppad:
0x0: {  	(pc) =	sbr.rel $0x88, $3  }
0x1: {  	(tag) =	ssettag $0x0;
	lr =	simm.s32 $0x1  }
0x2: {  	[smem:$0x3FA0] =	sst lr;
	_ =	strace $0xD0000000  }
0x3: {  	_ = 	snop  }
0x4: {  	_ = 	snop  }
0x5: {  	_ = 	snop  }
0x6: {  	_ = 	snop  }
0x7: {  	_ = 	snop  }
__scs_overlays_trampoline_lowered:
0x8: {  	[smem:$0x3FAF] =	sst s0  }
0x9: {  	[smem:$0x3FB0] =	sst s1  }
0xa: {  	[smem:$0x3FB1] =	sst s2  }
0xb: {  	[smem:$0x3FB2] =	sst s3  }
0xc: {  	[smem:$0x3FB3] =	sst s4  }
0xd: {  	[smem:$0x3FB4] =	sst s5  }
0xe: {  	[smem:$0x3FB5] =	sst s6  }
0xf: {  	[smem:$0x3FB6] =	sst s7  }
0x10: {  	[smem:$0x3FB7] =	sst s8  }
0x11: {  	[smem:$0x3FB8] =	sst s9;
	s0 =	simm.s32 @!p0 $0x0  }
0x12: {  	s1 =	sld [smem:$0x3F9E];
	s0 =	simm.s32 @p0 $0x1  }
0x13: {  	[smem:$0x3FB9] =	sst s0;
	s0 =	simm.s32 @!p1 $0x0  }
0x14: {  	s2 =	sld [smem:$0x3F9D];
	s0 =	simm.s32 @p1 $0x1  }
0x15: {  	[smem:$0x3FBA] =	sst s0;
	s0 =	simm.s32 @!p2 $0x0  }
0x16: {  	s3 =	sld [smem:$0x3FDB];
	s0 =	simm.s32 @p2 $0x1  }
0x17: {  	s4 =	simm.s32 $0x1BF5;
	[smem:$0x3FBC] =	sst s0  }
0x18: {  	s0 =	sld [smem:$0x3F9F];
	_ =	swait.ge [sflag:s4], $0x0  }
0x19: {  	s7 =	sld [smem:$0x3FA0]  }
0x1a: {  	s8 =	sadd.s32 $0xFFFFE003, lr  }
0x1b: {  	s9 =	sadd.s32 $0xFFFFFEF7, lr;
	s5 =	simm.s32 $0xFFFFFFFF;
	p2 =	slt.u32 s8, $0xFFFFF086  }
0x1c: {  	p1 =	slt.u32 s9, $0xF7A;
	s5 =	simm.s32 @!p2 $0x0  }
0x1d: {  	s5 =	simm.s32 @p1 $0x1;
	p0 =	seq.s32 s7, s2  }
0x1e: {  	s7 =	smul.u32 @!p0 $0xF7A, s2;
	p2 =	seq.s32 @!p0 s5, $0x0  }
0x1f: {  	s9 =	smul.u32 $0xF7A, s1;
	s8 =	simm.s32 @!p0 $0x1BF5;
	p2 =	por !p2, p0  }
0x20: {  	[sflag:s8] =	ssyncset.s32 @!p0 $0xFFFFF086;
	s6 =	sadd.s32 @!p0 s3, s7;
	s7 =	simm.s32 @!p0 $0x108  }
0x21: {  	s3 =	sadd.s32 s3, s9;
	s6 =	sadd.s32 @!p0 $0x88, s6;
	s7 =	simm.s32 @p2 $0x1082  }
0x22: {  	[simem:s7], [sflag:s8] =	dma.local @!p0 [hbm:s6], $0xF7A  }
0x23: {  	s9 =	sor.u32 $0xD0000000, s2;
	s6 =	simm.s32 $0x108;
	_ =	swait.ge @!p0 [sflag:s8], $0x0  }
0x24: {  	s3 =	sadd.s32 $0x88, s3;
	s6 =	simm.s32 @!p1 $0x1082;
	[sflag:s4] =	ssyncset.s32 $0xFFFFF086  }
0x25: {  	[simem:s6], [sflag:s4] =	dma.local [hbm:s3], $0xF7A  }
0x26: {  	[smem:$0x3FA0] =	sst s1;
	(tag) =	ssettag s2;
	_ =	strace s9  }
0x27: {  	s1 =	sld [smem:$0x3FB0]  }
0x28: {  	s2 =	sld [smem:$0x3FB1]  }
0x29: {  	s4 =	sld [smem:$0x3FB3]  }
0x2a: {  	p0 =	seq.s32 s5, $0x0;
	s5 =	sld [smem:$0x3FB4]  }
0x2b: {  	s6 =	sld [smem:$0x3FB5]  }
0x2c: {  	s7 =	sld [smem:$0x3FB6]  }
0x2d: {  	s3 =	simm.s32 $0x108;
	s8 =	sld [smem:$0x3FB7]  }
0x2e: {  	s3 =	simm.s32 @!p0 $0x1082;
	s9 =	sld [smem:$0x3FB8]  }
0x2f: {  	lr =	sadd.s32 s0, s3;
	s0 =	sld [smem:$0x3FAF]  }
0x30: {  	s3 =	sld [smem:$0x3FB2]  }
0x31: {  	[smem:$0x3FBB] =	sst s10  }
0x32: {  	s10 =	sld [smem:$0x3FB9];
	_ =	sdelay $0x3  }
0x33: {  	p0 =	seq.s32 s10, $0x1;
	s10 =	sld [smem:$0x3FBB];
	_ =	sdelay $0x3  }
0x34: {  	[smem:$0x3FBB] =	sst s10  }
0x35: {  	s10 =	sld [smem:$0x3FBA];
	_ =	sdelay $0x3  }
0x36: {  	p1 =	seq.s32 s10, $0x1;
	s10 =	sld [smem:$0x3FBB];
	_ =	sdelay $0x3  }
0x37: {  	[smem:$0x3FBB] =	sst s10  }
0x38: {  	s10 =	sld [smem:$0x3FBC]  }
0x39: {  	_ = 	snop;
	(pc) =	sbr.ind lr, $3  }
0x3a: {  	_ = 	snop  }
0x3b: {  	_ = 	snop  }
0x3c: {  	p2 =	seq.s32 s10, $0x1;
	s10 =	sld [smem:$0x3FBB]  }
0x3d: {  	_ =	shalt  }
0x3e: {  	_ =	shalt  }
0x3f: {  	_ =	shalt  }
0x40: {  	_ =	shalt  }
0x41: {  	_ =	shalt  }
0x42: {  	_ =	shalt  }
0x43: {  	_ =	shalt  }
0x44: {  	_ =	shalt  }
0x45: {  	_ =	shalt  }
0x46: {  	_ =	shalt  }
0x47: {  	_ =	shalt  }
0x48: {  	_ =	shalt  }
0x49: {  	_ =	shalt  }
0x4a: {  	_ =	shalt  }
0x4b: {  	_ =	shalt  }
0x4c: {  	_ =	shalt  }
0x4d: {  	_ =	shalt  }
0x4e: {  	_ =	shalt  }
0x4f: {  	_ =	shalt  }
0x50: {  	_ =	shalt  }
0x51: {  	_ =	shalt  }
0x52: {  	_ =	shalt  }
0x53: {  	_ =	shalt  }
0x54: {  	_ =	shalt  }
0x55: {  	_ =	shalt  }
0x56: {  	_ =	shalt  }
0x57: {  	_ =	shalt  }
0x58: {  	_ =	shalt  }
0x59: {  	_ =	shalt  }
0x5a: {  	_ =	shalt  }
0x5b: {  	_ =	shalt  }
0x5c: {  	_ =	shalt  }
0x5d: {  	_ =	shalt  }
0x5e: {  	_ =	shalt  }
0x5f: {  	_ =	shalt  }
0x60: {  	_ =	shalt  }
0x61: {  	_ =	shalt  }
0x62: {  	_ =	shalt  }
0x63: {  	_ =	shalt  }
0x64: {  	_ =	shalt  }
0x65: {  	_ =	shalt  }
0x66: {  	_ =	shalt  }
0x67: {  	_ =	shalt  }
0x68: {  	_ =	shalt  }
0x69: {  	_ =	shalt  }
0x6a: {  	_ =	shalt  }
0x6b: {  	_ =	shalt  }
0x6c: {  	_ =	shalt  }
0x6d: {  	_ =	shalt  }
0x6e: {  	_ =	shalt  }
0x6f: {  	_ =	shalt  }
0x70: {  	_ =	shalt  }
0x71: {  	_ =	shalt  }
0x72: {  	_ =	shalt  }
0x73: {  	_ =	shalt  }
0x74: {  	_ =	shalt  }
0x75: {  	_ =	shalt  }
0x76: {  	_ =	shalt  }
0x77: {  	_ =	shalt  }
0x78: {  	_ =	shalt  }
0x79: {  	_ =	shalt  }
0x7a: {  	_ =	shalt  }
0x7b: {  	_ =	shalt  }
0x7c: {  	_ =	shalt  }
0x7d: {  	_ =	shalt  }
0x7e: {  	_ =	shalt  }
0x7f: {  	_ =	shalt  }
0x80: {  	_ =	shalt  }
0x81: {  	_ =	shalt  }
0x82: {  	_ =	shalt  }
0x83: {  	_ =	shalt  }
0x84: {  	_ =	shalt  }
0x85: {  	_ =	shalt  }
0x86: {  	_ =	shalt  }
0x87: {  	_ =	shalt  }
.Lfunc_end0:
.L_simem_size_0:
called_computation_lowered:
.L_overlay_start_0:
0x88: {  	s2 =	sld [smem:$0x3FD9]  }
0x89: {  	s3 =	sld [smem:$0x3FFE];
	_ =	sdelay $0x1  }
0x8a: {  	s1 =	srdreg.scid  }
0x8b: {  	s0 =	sand.u32 $0x1, s1  }
0x8c: {  	s17 =	sshll.u32 s0, $0xA;
	s2 =	sadd.s32 s3, s2  }
0x8d: {  	s2 =	sadd.s32 s2, s17  }
0x8e: {  	[smem:$0x3FC7] =	sst s2  }
0x8f: {  	_ = 	snop  }
0x90: {  	s2 =	sld [smem:$0x3FC9];
	(tm) =	ssettm $0x1  }
0x91: {  	s18 =	sld [smem:$0x3FFB];
	_ =	sdelay $0x3  }
0x92: {  	_ =	strace s18  }
0x93: {  	s3 =	sld [smem:$0x3FFC];
	_ =	sdelay $0x3  }
0x94: {  	_ =	strace s3  }
0x95: {  	s3 =	sld [smem:$0x3FFD];
	_ =	sdelay $0x3  }
0x96: {  	_ =	strace s3  }
0x97: {  	_ =	strace $0x8FFFFFFF  }
0x98: {  	s19 =	sld [smem:$0x3FDB];
	_ =	sdelay $0x1  }
0x99: {  	s4 =	simm.s32 $_scs_section_size  }
0x9a: {  	s5 =	simm.s32 $_size__tile_overlayer_lowered;
	s6 =	simm.s32 $_tile_overlayer_lowered  }
0x9b: {  	s22 =	simm.s32 $0x1BFF;
	s21 =	sshll.u32 s6, $0x1;
	s3 =	sadd.s32 s4, s19  }
0x9c: {  	s7 =	simm.s32 $0x0;
	s20 =	sshll.u32 s5, $0x1;
	s5 =	sadd.s32 s21, s3  }
0x9d: {  	[timem:s7], [sflag:s22] =	dma.local [hbm:s5], s20  }
0x9e: {  	_ =	swait.ge [sflag:s22], s20  }
0x9f: {  	s4 =	ssub.s32 $0x0, s20;
	[sflag:s22] =	ssyncset.done $0x0  }
0xa0: {  	[sflag:s22] =	ssyncadd.s32 s4;
	_ =	sdelay $0x1  }
0xa1: {  	s23 =	simm.s32 $0x1B8B  }
0xa2: {  	_ =	swait.ge [sflag:s23], $0x1  }
0xa3: {  	[sflag:s23] =	ssyncset.done $0x0  }
0xa4: {  	s25 =	simm.s32 $0x1B8E;
	s24 =	sld [smem:$0x3FFE];
	[sflag:s23] =	ssyncadd.s32 $0xFFFFFFFF  }
0xa5: {  	s26 =	simm.s32 $execute0_lowered;
	[smem:$0x3FD2] =	sst s25  }
0xa6: {  	s5 =	sshll.u32 s26, $0x1;
	_ =	strace $0x80000046;
	[dreg:$0x1] =	wrdreg $0xFFFFFFFF  }
0xa7: {  	s28 =	simm.s32 $_size_execute0_lowered;
	s3 =	sadd.s32 s3, s5;
	[dreg:$0x0] =	wrdreg $0x0  }
0xa8: {  	s5 =	sshll.u32 s28, $0x1;
	[dreg:$0x2] =	wrdreg s3  }
0xa9: {  	[dreg:$0x3] =	wrdreg s5  }
0xaa: {  	[dreg:$0x4] =	wrdreg $0xC0  }
0xab: {  	_ =	task [dreg:s7], $0x5FFFF  }
0xac: {  	[dreg:$0x1] =	wrdreg $0xFFFFFFFF  }
0xad: {  	[dreg:$0x0] =	wrdreg $0x60  }
0xae: {  	[dreg:$0x2] =	wrdreg s2  }
0xaf: {  	[dreg:$0x3] =	wrdreg s24  }
0xb0: {  	[dreg:$0x4] =	wrdreg $0x9  }
0xb1: {  	_ =	task.clear_ibuf [dreg:s7], $0x5FFFF;
	_ =	strace $0x90000046  }
0xb2: {  	s29 =	simm.s32 $0x9;
	_ =	strace $0x80000048  }
0xb3: {  	_ =	swait.ge [sflag:s29], $0x1  }
0xb4: {  	[sflag:s29] =	ssyncadd.s32 $0xFFFFFFFF  }
0xb5: {  	_ =	strace $0x90000048  }
0xb6: {  	_ =	sfence  }
0xb7: {  	s30 =	sld [smem:$0x0];
	_ =	sdelay $0x2  }
0xb8: {  	s31 =	sshll.u32 s1, $0xD;
	s1 =	sshrl.u32 s1, $0x2  }
0xb9: {  	s3 =	sand.u32 $0x4000, s31;
	s1 =	sadd.s32 s1, s30  }
0xba: {  	s0 =	sor.u32 s3, s0;
	s1 =	sshll.u32 s1, $0x11  }
0xbb: {  	s0 =	sor.u32 s1, s0  }
0xbc: {  	s0 =	sadd.s32 $0x8F2B, s0  }
0xbd: {  	[sflag:s0] =	ssyncadd.remote.s32 $0x1  }
0xbe: {  	_ =	sfence.sel $0xFFFF  }
0xbf: {  	[dreg:$0x0] =	wrdreg $0xFFFFFFFF;
	(pc) =	sbr.abs _section_cstart, $3  }
0xc0: {  	[dreg:$0x1] =	wrdreg $0xFFFFFFFF  }
0xc1: {  	_ =	task.clear_ibuf [dreg:s7], $0x2FFFF;
	_ =	strace $0x9FFFFFFF  }
0xc2: {  	(tm) =	ssettm $0x7FFFFFFF  }
0xc3: {  	_ =	shalt  }
tec
execute0_lowered:
.L_overlay_start_1:
0x0: {  	(tag) =	ssettag $0x1  }
0x1: {  	s0 =	rddreg [dreg:$0x0];
	s1 =	srdreg.scid  }
0x2: {  	s5 =	stileid.u32;
	s2 =	rddreg [dreg:$0x1]  }
0x3: {  	s7 =	simm.s32 $0x0;
	s11 =	simm.s32 $0x10000;
	s12 =	simm.s32 $0x10800  }
0x4: {  	s13 =	simm.s32 $0x11000;
	s1 =	sand.u32 $0x1, s1;
	s3 =	sshll.u32 s5, $0x1  }
0x5: {  	[smem:$0x7FF] =	sst s7;
	s5 =	sshll.u32 s5, $0xE;
	s3 =	sor.u32 s1, s3  }
0x6: {  	_ =	strace $0x80000047;
	s4 =	sshll.u32 s3, $0x5;
	s3 =	sshll.u32 s3, $0x4  }
0x7: {  	s1 =	ssub.s32 $0x2, s1;
	s4 =	sor.u32 s5, s4;
	s2 =	sadd.s32 s3, s2  }
0x8: {  	s28 =	sshrl.u32 s1, $0x1;
	s4 =	sand.u32 $0x38060, s4;
	s31 =	sadd.s32 $0x600, s2  }
0x9: {  	s29 =	ssub.s32 s1, s28;
	s4 =	sadd.s32 s0, s4;
	[dreg:$0x5] =	wrdreg s31  }
0xa: {  	v0 =	vimm.s32 $0x0;
	s14 =	simm.s32 $0x11800;
	s0 =	smax.u32 s29, $0x1;
	[dreg:$0x3] =	wrdreg s4  }
0xb: {  	v1 =	vimm.f32 $0.0e+00;
	v2 =	vimm.s32 $0x1;
	v3 =	vlaneseq.u32;
	s15 =	simm.s32 $0x12000;
	s30 =	sadd.s32 $0x10, s4;
	[dreg:$0x6] =	wrdreg s0  }
0xc: {  	s16 =	simm.s32 $0x12400;
	vm0 =	vcmask $0x300;
	vm1 =	vcmask $0x704;
	v4 =	vor.u32 $0x80000000, v3;
	s2 =	simm.s32 $0x0;
	[dreg:$0x4] =	wrdreg s30  }
.LBB2_1:
0xd: {  	[dreg:$0x7] =	wrdreg s2;
	s0 =	simm.s32 $0x10020  }
0xe: {  	[tilespmem:s0+$0xFFFFFFF0] =	vst v0  }
0xf: {  	[tilespmem:s0+$0x0] =	vst v0  }
0x10: {  	[tilespmem:s0+$0x10] =	vst v0  }
0x11: {  	s1 =	simm.s32 $0x10820;
	[tilespmem:s0+$0xFFFFFFE0] =	vst v0  }
0x12: {  	[tilespmem:s1+$0xFFFFFFF0] =	vst v1  }
0x13: {  	[tilespmem:s1+$0x0] =	vst v1  }
0x14: {  	[tilespmem:s1+$0x10] =	vst v1  }
0x15: {  	s2 =	simm.s32 $0x11020;
	[tilespmem:s1+$0xFFFFFFE0] =	vst v1  }
0x16: {  	[tilespmem:s2+$0xFFFFFFF0] =	vst v0  }
0x17: {  	[tilespmem:s2+$0x0] =	vst v0  }
0x18: {  	[tilespmem:s2+$0x10] =	vst v0  }
0x19: {  	s3 =	simm.s32 $0x11820;
	[tilespmem:s2+$0xFFFFFFE0] =	vst v0  }
0x1a: {  	[tilespmem:s3+$0xFFFFFFF0] =	vst v1  }
0x1b: {  	[tilespmem:s3+$0x0] =	vst v1  }
0x1c: {  	s5 =	simm.s32 $0x0;
	[tilespmem:s3+$0x10] =	vst v1  }
0x1d: {  	s4 =	simm.s32 $0x12020;
	s6 =	simm.s32 $0x10060;
	s0 =	simm.s32 $0x12420;
	[tilespmem:s3+$0xFFFFFFE0] =	vst v1  }
.LBB2_2:
0x1e: {  	[tilespmem:s6+$0xFFFFFFF0] =	vst v0;
	s1 =	sadd.s32 $0x40, s1  }
0x1f: {  	s2 =	sadd.s32 $0x40, s2;
	[tilespmem:s1+$0xFFFFFFF0] =	vst v1  }
0x20: {  	s3 =	sadd.s32 $0x40, s3;
	[tilespmem:s2+$0xFFFFFFF0] =	vst v0  }
0x21: {  	[tilespmem:s3+$0xFFFFFFF0] =	vst v1  }
0x22: {  	[tilespmem:s6+$0x0] =	vst v0  }
0x23: {  	[tilespmem:s1+$0x0] =	vst v1  }
0x24: {  	[tilespmem:s2+$0x0] =	vst v0  }
0x25: {  	[tilespmem:s3+$0x0] =	vst v1  }
0x26: {  	[tilespmem:s6+$0x10] =	vst v0  }
0x27: {  	s5 =	sadd.s32 $0x4, s5;
	[tilespmem:s1+$0x10] =	vst v1  }
0x28: {  	p0 =	slt.u32 s5, $0x7C;
	[tilespmem:s2+$0x10] =	vst v0  }
.Ltmp0:
0x29: {  	[tilespmem:s3+$0x10] =	vst v1;
	(pc) =	sbr.rel @p0 .LBB2_2-.Ltmp0, $4  }
0x2a: {  	[tilespmem:s6+$0xFFFFFFE0] =	vst v0  }
0x2b: {  	[tilespmem:s1+$0xFFFFFFE0] =	vst v1  }
0x2c: {  	[tilespmem:s2+$0xFFFFFFE0] =	vst v0  }
0x2d: {  	s6 =	sadd.s32 $0x40, s6;
	[tilespmem:s3+$0xFFFFFFE0] =	vst v1  }
0x2e: {  	[tilespmem:s4+$0xFFFFFFF0] =	vst v0  }
0x2f: {  	[tilespmem:s4+$0x0] =	vst v0  }
0x30: {  	[tilespmem:s4+$0x10] =	vst v0  }
0x31: {  	[tilespmem:s4+$0xFFFFFFE0] =	vst v0  }
0x32: {  	[tilespmem:s0+$0xFFFFFFF0] =	vst v1  }
0x33: {  	[tilespmem:s0+$0x0] =	vst v1  }
0x34: {  	[tilespmem:s0+$0x10] =	vst v1  }
0x35: {  	s1 =	simm.s32 $0x0;
	s2 =	simm.s32 $0x12060;
	[tilespmem:s0+$0xFFFFFFE0] =	vst v1  }
.LBB2_4:
0x36: {  	[tilespmem:s2+$0xFFFFFFF0] =	vst v0;
	s0 =	sadd.s32 $0x40, s0  }
0x37: {  	s1 =	sadd.s32 $0x4, s1;
	[tilespmem:s0+$0xFFFFFFF0] =	vst v1  }
0x38: {  	p0 =	slt.u32 s1, $0x3C;
	[tilespmem:s2+$0x0] =	vst v0  }
.Ltmp1:
0x39: {  	[tilespmem:s0+$0x0] =	vst v1;
	(pc) =	sbr.rel @p0 .LBB2_4-.Ltmp1, $4  }
0x3a: {  	[tilespmem:s2+$0x10] =	vst v0  }
0x3b: {  	[tilespmem:s0+$0x10] =	vst v1  }
0x3c: {  	[tilespmem:s2+$0xFFFFFFE0] =	vst v0  }
0x3d: {  	s2 =	sadd.s32 $0x40, s2;
	[tilespmem:s0+$0xFFFFFFE0] =	vst v1  }
0x3e: {  	s0 =	rddreg [dreg:$0x3];
	s1 =	simm.s32 $0x80;
	s2 =	simm.s32 $0x400  }
0x3f: {  	[tilespmem:s7], [sflag:$0x1] =	stream.strided.gather [hbm4b:s0+s1], $0x8000, s2, s1, $0x38;
	[tilespmem:$0x12880] =	vst v63  }
0x40: {  	s29 =	rddreg [dreg:$0x4];
	s3 =	simm.s32 $0x8000;
	s30 =	simm.s32 $0x1  }
0x41: {  	[tilespmem:s3], [sflag:$0x2] =	stream.strided.gather [hbm4b:s29+s1], $0x8000, s2, s1, $0x38;
	[tilespmem:$0x12880] =	vst v63  }
0x42: {  	_ =	swait.ge [sflag:s30], $0x8000  }
0x43: {  	[sflag:s30] =	ssyncset.done $0x0  }
0x44: {  	s31 =	simm.s32 $0x40;
	[sflag:s30] =	ssyncadd.s32 $0xFFFF8000  }
0x45: {  	v5 =	vld [tilespmem:s31+$0x30]  }
0x46: {  	v10 =	vld [tilespmem:s31+$0xFFFFFFD0]  }
0x47: {  	v9 =	vld [tilespmem:s31+$0xFFFFFFE0]  }
0x48: {  	v12 =	vld [tilespmem:s31+$0xFFFFFFF0]  }
0x49: {  	v6 =	vld [tilespmem:s31+$0xFFFFFFC0]  }
0x4a: {  	v7 =	vld [tilespmem:s31+$0x0]  }
0x4b: {  	v8 =	vld [tilespmem:s31+$0x10];
	_ =	sdelay $0x1  }
0x4c: {  	v11 =	vshra.s32 v5, $0x1F  }
0x4d: {  	v13 =	vshra.s32 v10, $0x1F;
	v15 =	vshra.s32 v9, $0x1F;
	v16 =	vshra.s32 v12, $0x1F  }
0x4e: {  	v17 =	vshra.s32 v6, $0x1F;
	v18 =	vshra.s32 v7, $0x1F;
	v14 =	vand.u32 $0x7FE00000, v11  }
0x4f: {  	v19 =	vshra.s32 v8, $0x1F;
	v11 =	vld [tilespmem:s31+$0x20];
	v13 =	vand.u32 $0x7FE00000, v13;
	v14 =	vxor.u32 v5, v14  }
0x50: {  	v15 =	vand.u32 $0x7FE00000, v15;
	v17 =	vand.u32 $0x7FE00000, v17;
	v14 =	vshra.s32 v14, $0x15  }
0x51: {  	v16 =	vand.u32 $0x7FE00000, v16;
	v17 =	vxor.u32 v6, v17;
	v14 =	vadd.s32 $0x400, v14  }
0x52: {  	v18 =	vand.u32 $0x7FE00000, v18;
	v13 =	vxor.u32 v10, v13;
	v17 =	vshra.s32 v17, $0x15  }
0x53: {  	v15 =	vxor.u32 v9, v15;
	v16 =	vxor.u32 v12, v16;
	v21 =	vadd.s32 $0x400, v17  }
0x54: {  	v18 =	vxor.u32 v7, v18;
	v13 =	vshra.s32 v13, $0x15;
	v20 =	vshra.s32 v11, $0x1F  }
0x55: {  	v16 =	vshra.s32 v16, $0x15;
	v17 =	vand.u32 $0x7FE00000, v19;
	v19 =	vand.u32 $0x7FE00000, v20  }
0x56: {  	v15 =	vshra.s32 v15, $0x15;
	v16 =	vadd.s32 $0x400, v16;
	v19 =	vxor.u32 v11, v19;
	[tilespmem:v14+s11+$0x0] =	vst.idx.add.s32.msk $0xffff, v2  }
0x57: {  	v17 =	vxor.u32 v8, v17;
	v19 =	vshra.s32 v19, $0x15;
	[tilespmem:v14+s12+$0x0] =	vst.idx.add.f32.msk $0xffff, v5;
	v5 =	vshra.s32 v18, $0x15  }
0x58: {  	s4 =	simm.s32 $0xC0;
	[tilespmem:v21+s11+$0x0] =	vst.idx.add.s32.msk $0xffff, v2;
	v14 =	vshra.s32 v17, $0x15;
	v18 =	vadd.s32 $0x400, v13;
	v17 =	vadd.s32 $0x400, v15  }
0x59: {  	s0 =	simm.s32 $0x10040;
	s2 =	simm.s32 $0x0;
	s1 =	simm.s32 $0x10840;
	v13 =	vadd.s32 $0x400, v19;
	[tilespmem:v21+s12+$0x0] =	vst.idx.add.f32.msk $0xffff, v6;
	v15 =	vadd.s32 $0x400, v5;
	v14 =	vadd.s32 $0x400, v14  }
.LBB2_6:
0x5a: {  	v19 =	vld [tilespmem:s4+$0x30]  }
0x5b: {  	s2 =	sadd.s32 $0x8, s2;
	v20 =	vld [tilespmem:s4+$0xFFFFFFD0]  }
0x5c: {  	p0 =	slt.u32 s2, $0x7F8;
	v21 =	vld [tilespmem:s4+$0xFFFFFFE0]  }
0x5d: {  	v22 =	vld [tilespmem:s4+$0xFFFFFFF0]  }
0x5e: {  	v23 =	vld [tilespmem:s4+$0x0]  }
0x5f: {  	v5 =	vimm.f32 $0.0e+00;
	v24 =	vld [tilespmem:s4+$0x10];
	v25 =	vshra.s32 v19, $0x1F  }
0x60: {  	v6 =	vimm.s32 $0x0;
	v26 =	vshra.s32 v20, $0x1F;
	v27 =	vld [tilespmem:s4+$0x20];
	v25 =	vand.u32 $0x7FE00000, v25  }
0x61: {  	v28 =	vld [tilespmem:s4+$0xFFFFFFC0];
	v26 =	vand.u32 $0x7FE00000, v26;
	v29 =	vshra.s32 v21, $0x1F;
	v25 =	vxor.u32 v19, v25  }
0x62: {  	v29 =	vand.u32 $0x7FE00000, v29;
	v30 =	vshra.s32 v22, $0x1F;
	v25 =	vshra.s32 v25, $0x15;
	[tilespmem:v18+s11+$0x0] =	vst.idx.add.s32.msk $0xffff, v2  }
0x63: {  	v30 =	vand.u32 $0x7FE00000, v30;
	v31 =	vshra.s32 v23, $0x1F;
	v25 =	vadd.s32 $0x400, v25;
	[tilespmem:v18+s12+$0x0] =	vst.idx.add.f32.msk $0xffff, v10;
	v10 =	vmovc v20  }
0x64: {  	v18 =	vxor.u32 v10, v26;
	v20 =	vand.u32 $0x7FE00000, v31;
	v26 =	vshra.s32 v24, $0x1F;
	[tilespmem:v17+s11+$0x0] =	vst.idx.add.s32.msk $0xffff, v2  }
0x65: {  	v29 =	vxor.u32 v21, v29;
	v26 =	vand.u32 $0x7FE00000, v26;
	v31 =	vshra.s32 v27, $0x1F;
	[tilespmem:v17+s12+$0x0] =	vst.idx.add.f32.msk $0xffff, v9;
	v9 =	vmovc v21  }
0x66: {  	v21 =	vxor.u32 v22, v30;
	v17 =	vshra.s32 v28, $0x1F;
	v30 =	vand.u32 $0x7FE00000, v31;
	[tilespmem:v16+s11+$0x0] =	vst.idx.add.s32.msk $0xffff, v2  }
0x67: {  	v20 =	vxor.u32 v23, v20;
	v26 =	vxor.u32 v24, v26;
	v17 =	vand.u32 $0x7FE00000, v17;
	[tilespmem:v16+s12+$0x0] =	vst.idx.add.f32.msk $0xffff, v12  }
0x68: {  	v16 =	vshra.s32 v18, $0x15;
	v31 =	vxor.u32 v28, v17;
	v17 =	vxor.u32 v27, v30;
	[tilespmem:v25+s11+$0x0] =	vst.idx.add.s32.msk $0xffff, v2  }
0x69: {  	s3 =	simm.s32 $0x0;
	v29 =	vshra.s32 v29, $0x15;
	v21 =	vshra.s32 v21, $0x15;
	v12 =	vmovc v22;
	v18 =	vshra.s32 v31, $0x15;
	[tilespmem:v25+s12+$0x0] =	vst.idx.add.f32.msk $0xffff, v19  }
0x6a: {  	v19 =	vshra.s32 v20, $0x15;
	v20 =	vshra.s32 v26, $0x15;
	v22 =	vshra.s32 v17, $0x15;
	[tilespmem:v15+s11+$0x0] =	vst.idx.add.s32.msk $0xffff, v2  }
0x6b: {  	v17 =	vadd.s32 $0x400, v29;
	v25 =	vadd.s32 $0x400, v18;
	v18 =	vadd.s32 $0x400, v16;
	[tilespmem:v15+s12+$0x0] =	vst.idx.add.f32.msk $0xffff, v7;
	v7 =	vmovc v23  }
0x6c: {  	v16 =	vadd.s32 $0x400, v21;
	v15 =	vadd.s32 $0x400, v19;
	v19 =	vadd.s32 $0x400, v20;
	[tilespmem:v14+s11+$0x0] =	vst.idx.add.s32.msk $0xffff, v2  }
.Ltmp2:
0x6d: {  	v20 =	vadd.s32 $0x400, v22;
	[tilespmem:v14+s12+$0x0] =	vst.idx.add.f32.msk $0xffff, v8;
	v8 =	vmov v24;
	v14 =	vmov v19;
	(pc) =	sbr.rel @p0 .LBB2_6-.Ltmp2, $4  }
0x6e: {  	[tilespmem:v13+s11+$0x0] =	vst.idx.add.s32.msk $0xffff, v2  }
0x6f: {  	[tilespmem:v13+s12+$0x0] =	vst.idx.add.f32.msk $0xffff, v11;
	v11 =	vmov v27;
	v13 =	vmov v20  }
0x70: {  	[tilespmem:v25+s11+$0x0] =	vst.idx.add.s32.msk $0xffff, v2  }
0x71: {  	s4 =	sadd.s32 $0x80, s4;
	[tilespmem:v25+s12+$0x0] =	vst.idx.add.f32.msk $0xffff, v28  }
0x72: {  	_ =	sdelay $0x3  }
0x73: {  	[tilespmem:v18+s11+$0x0] =	vst.idx.add.s32.msk $0xffff, v2  }
0x74: {  	[tilespmem:v17+s11+$0x0] =	vst.idx.add.s32.msk $0xffff, v2  }
0x75: {  	[tilespmem:v16+s11+$0x0] =	vst.idx.add.s32.msk $0xffff, v2  }
0x76: {  	[tilespmem:v15+s11+$0x0] =	vst.idx.add.s32.msk $0xffff, v2  }
0x77: {  	[tilespmem:v14+s11+$0x0] =	vst.idx.add.s32.msk $0xffff, v2  }
0x78: {  	[tilespmem:v13+s11+$0x0] =	vst.idx.add.s32.msk $0xffff, v2  }
0x79: {  	[tilespmem:v18+s12+$0x0] =	vst.idx.add.f32.msk $0xffff, v10  }
0x7a: {  	[tilespmem:v17+s12+$0x0] =	vst.idx.add.f32.msk $0xffff, v9  }
0x7b: {  	[tilespmem:v16+s12+$0x0] =	vst.idx.add.f32.msk $0xffff, v12  }
0x7c: {  	[tilespmem:v15+s12+$0x0] =	vst.idx.add.f32.msk $0xffff, v7  }
0x7d: {  	[tilespmem:v14+s12+$0x0] =	vst.idx.add.f32.msk $0xffff, v8  }
0x7e: {  	[tilespmem:v13+s12+$0x0] =	vst.idx.add.f32.msk $0xffff, v11  }
0x7f: {  	v7 =	vld [tilespmem:s1+$0xFFFFFFC0];
	_ =	sdelay $0x1  }
0x80: {  	v8 =	vld [tilespmem:s1+$0xFFFFFFD0]  }
0x81: {  	v10 =	vld [tilespmem:s1+$0xFFFFFFE0]  }
0x82: {  	v11 =	vld [tilespmem:s0+$0x10]  }
0x83: {  	v12 =	vld [tilespmem:s1+$0xFFFFFFF0];
	v7 =	vadd.f32 $0.0e+00, v7  }
0x84: {  	v13 =	vld [tilespmem:s1+$0x0]  }
0x85: {  	v14 =	vld [tilespmem:s0+$0xFFFFFFC0];
	v7 =	vadd.f32 v8, v7  }
0x86: {  	v15 =	vld [tilespmem:s0+$0xFFFFFFD0]  }
0x87: {  	v16 =	vld [tilespmem:s0+$0xFFFFFFE0];
	v7 =	vadd.f32 v10, v7  }
0x88: {  	v10 =	vld [tilespmem:s1+$0x10]  }
0x89: {  	v17 =	vld [tilespmem:s0+$0x0];
	v7 =	vadd.f32 v12, v7  }
0x8a: {  	v12 =	vld [tilespmem:s1+$0x20]  }
0x8b: {  	v8 =	vld [tilespmem:s0+$0xFFFFFFF0];
	v7 =	vadd.f32 v13, v7  }
0x8c: {  	s31 =	simm.s32 $0x108C0;
	v13 =	vld [tilespmem:s1+$0x30]  }
0x8d: {  	v7 =	vadd.f32 v10, v7;
	v10 =	vld [tilespmem:s31+$0xFFFFFFC0]  }
0x8e: {  	v18 =	vld [tilespmem:s31+$0xFFFFFFD0]  }
0x8f: {  	v14 =	vadd.s32 v14, v15;
	v15 =	vld [tilespmem:s0+$0x20];
	v12 =	vadd.f32 v12, v7  }
0x90: {  	v9 =	vld [tilespmem:s0+$0x30];
	v14 =	vadd.s32 v16, v14  }
0x91: {  	v8 =	vadd.s32 v8, v14;
	v12 =	vadd.f32 v13, v12;
	v13 =	vld [tilespmem:s31+$0xFFFFFFE0]  }
0x92: {  	v14 =	vadd.s32 v17, v8;
	v10 =	vadd.f32 $0.0e+00, v10  }
0x93: {  	s2 =	simm.s32 $0x100C0;
	v11 =	vadd.s32 v11, v14;
	(xrf2) =	vadd.scan.msk.f32 $0xffff, v12;
	v12 =	vld [tilespmem:s31+$0xFFFFFFF0]  }
0x94: {  	v16 =	vld [tilespmem:s2+$0x0];
	v14 =	vadd.s32 v15, v11;
	v10 =	vadd.f32 v18, v10  }
0x95: {  	v9 =	vadd.s32 v9, v14;
	v14 =	vld [tilespmem:s31+$0x0]  }
0x96: {  	v8 =	vld [tilespmem:s2+$0x10];
	(xrf0) =	vadd.scan.msk.s32 $0xffff, v9;
	v9 =	vadd.f32 v13, v10  }
0x97: {  	v17 =	vld [tilespmem:s2+$0xFFFFFFD0]  }
0x98: {  	v11 =	vld [tilespmem:s2+$0xFFFFFFF0];
	v9 =	vadd.f32 v12, v9  }
0x99: {  	v13 =	vld [tilespmem:s31+$0x10]  }
0x9a: {  	v15 =	vld [tilespmem:s2+$0xFFFFFFC0];
	v12 =	vadd.f32 v14, v9  }
0x9b: {  	v10 =	vld [tilespmem:s31+$0x20]  }
0x9c: {  	v18 =	vld [tilespmem:s2+$0xFFFFFFE0]  }
0x9d: {  	v19, _, _ =	vpop (xrf0);
	v9 =	vld [tilespmem:s31+$0x30]  }
0x9e: {  	s0 =	simm.s32 $0x10940;
	v7 =	vld [tilespmem:s2+$0x30];
	v13 =	vadd.f32 v13, v12;
	v12, _, _ =	vpop (xrf2)  }
0x9f: {  	s4 =	simm.s32 $0x1;
	s5 =	simm.s32 $0x3;
	v20 =	vmov s3;
	s1 =	simm.s32 $0x2;
	v19 =	vbroadcast v19, $0xF;
	v14 =	vld [tilespmem:s0+$0xFFFFFFC0];
	v12 =	vbroadcast v12, $0xF  }
.LBB2_8:
0xa0: {  	p0 =	sne.s32 s5, $0xF;
	v15 =	vadd.s32 v15, v17;
	v17 =	vld [tilespmem:s2+$0x20];
	v10 =	vadd.f32 v10, v13;
	vm2 =	veq.s32 v20, v3  }
0xa1: {  	s2 =	sadd.s32 $0x80, s2;
	v13 =	vld [tilespmem:s0+$0xFFFFFFD0];
	v15 =	vadd.s32 v18, v15;
	v6 =	vsel vm2, v19, v6;
	v5 =	vsel vm2, v12, v5  }
0xa2: {  	v12 =	vld [tilespmem:s2+$0x30];
	v11 =	vadd.s32 v11, v15;
	v9 =	vadd.f32 v9, v10  }
0xa3: {  	v10 =	vld [tilespmem:s0+$0xFFFFFFE0];
	v11 =	vadd.s32 v16, v11  }
0xa4: {  	v14 =	vadd.f32 $0.0e+00, v14;
	v11 =	vadd.s32 v8, v11;
	v8 =	vld [tilespmem:s2+$0x10];
	(xrf2) =	vadd.scan.msk.f32 $0xffff, v9  }
0xa5: {  	v9 =	vld [tilespmem:s0+$0xFFFFFFF0];
	v15 =	vadd.s32 v17, v11  }
0xa6: {  	v13 =	vadd.f32 v13, v14;
	v11 =	vld [tilespmem:s2+$0xFFFFFFF0];
	v15 =	vadd.s32 v7, v15  }
0xa7: {  	v14 =	vld [tilespmem:s0+$0x0];
	(xrf0) =	vadd.scan.msk.s32 $0xffff, v15;
	v7 =	vmov v12  }
0xa8: {  	v15 =	vld [tilespmem:s2+$0xFFFFFFC0];
	v10 =	vadd.f32 v10, v13  }
0xa9: {  	v12 =	vld [tilespmem:s0+$0x10]  }
0xaa: {  	v17 =	vld [tilespmem:s2+$0xFFFFFFD0];
	v9 =	vadd.f32 v9, v10  }
.Ltmp3:
0xab: {  	v10 =	vld [tilespmem:s0+$0x20];
	(pc) =	sbr.rel @p0 .LBB2_8-.Ltmp3, $4  }
0xac: {  	v18 =	vld [tilespmem:s2+$0xFFFFFFE0];
	v13 =	vadd.f32 v14, v9  }
0xad: {  	v9 =	vld [tilespmem:s0+$0x30];
	v19, _, _ =	vpop (xrf0)  }
0xae: {  	s0 =	sadd.s32 $0x80, s0;
	v16 =	vld [tilespmem:s2+$0x0];
	v13 =	vadd.f32 v12, v13;
	v12, _, _ =	vpop (xrf2)  }
0xaf: {  	v20 =	vmov s4;
	s4 =	smov.u32 s1;
	s1 =	smov.u32 s5;
	s5 =	sadd.s32 $0x1, s5;
	v19 =	vbroadcast v19, $0xF;
	v14 =	vld [tilespmem:s0+$0xFFFFFFC0];
	v12 =	vbroadcast v12, $0xF  }
0xb0: {  	v21 =	vld [tilespmem:s2+$0x20];
	s19 =	sadd.s32 $0x80, s2  }
0xb1: {  	v22 =	vld [tilespmem:s19+$0xFFFFFFC0]  }
0xb2: {  	v23 =	vld [tilespmem:s19+$0xFFFFFFD0]  }
0xb3: {  	v24 =	vld [tilespmem:s19+$0xFFFFFFE0]  }
0xb4: {  	v25 =	vld [tilespmem:s19+$0xFFFFFFF0]  }
0xb5: {  	v26 =	vld [tilespmem:s19+$0x0]  }
0xb6: {  	v15 =	vadd.s32 v15, v17;
	v17 =	vld [tilespmem:s19+$0x10]  }
0xb7: {  	v15 =	vadd.s32 v18, v15;
	v18 =	vadd.s32 v22, v23;
	v22 =	vld [tilespmem:s19+$0x20]  }
0xb8: {  	v11 =	vadd.s32 v11, v15;
	v15 =	vld [tilespmem:s19+$0x30];
	v18 =	vadd.s32 v24, v18  }
0xb9: {  	v11 =	vadd.s32 v16, v11;
	v16 =	vadd.s32 v25, v18  }
0xba: {  	v8 =	vadd.s32 v8, v11;
	v11 =	vadd.s32 v26, v16  }
0xbb: {  	v8 =	vadd.s32 v21, v8;
	v11 =	vadd.s32 v17, v11  }
0xbc: {  	v7 =	vadd.s32 v7, v8;
	v8 =	vadd.s32 v22, v11  }
0xbd: {  	(xrf0) =	vadd.scan.msk.s32 $0xffff, v7;
	v7 =	vadd.s32 v15, v8  }
0xbe: {  	(xrf0) =	vadd.scan.msk.s32 $0xffff, v7;
	_ =	sdelay $0x1  }
0xbf: {  	v7 =	vld [tilespmem:s0+$0xFFFFFFD0];
	_ =	sdelay $0x1  }
0xc0: {  	v8 =	vld [tilespmem:s0+$0xFFFFFFE0]  }
0xc1: {  	vm2 =	veq.s32 v20, v3;
	v14 =	vadd.f32 $0.0e+00, v14;
	v15 =	vmov s4;
	v11, _, _ =	vpop (xrf0)  }
0xc2: {  	v6 =	vsel vm2, v19, v6;
	v17 =	vld [tilespmem:s0+$0xFFFFFFF0];
	vm3 =	veq.s32 v15, v3;
	v11 =	vbroadcast v11, $0xF;
	v16, _, _ =	vpop (xrf0)  }
0xc3: {  	v15 =	vmov s1;
	v7 =	vadd.f32 v7, v14;
	v16 =	vbroadcast v16, $0xF  }
0xc4: {  	vm4 =	veq.s32 v15, v3;
	v6 =	vsel vm3, v11, v6;
	v11 =	vld [tilespmem:s0+$0x0]  }
0xc5: {  	v14 =	vsel vm4, v16, v6;
	v6 =	vadd.f32 v8, v7;
	_ =	sdelay $0x1  }
0xc6: {  	(xrf0) =	vadd.scan.msk.s32 $0xffff, v14;
	v6 =	vadd.f32 v17, v6  }
0xc7: {  	v7 =	vld [tilespmem:s0+$0x10]  }
0xc8: {  	v6 =	vadd.f32 v11, v6  }
0xc9: {  	v8 =	vld [tilespmem:s0+$0x20];
	_ =	sdelay $0x1  }
0xca: {  	v11 =	vld [tilespmem:s0+$0x30]  }
0xcb: {  	v7 =	vadd.f32 v7, v6;
	v6, _, _ =	vpop (xrf0)  }
0xcc: {  	v10 =	vadd.f32 v10, v13;
	vm5 =	vgt.s32 v6, $0x7333  }
0xcd: {  	v7 =	vadd.f32 v8, v7;
	v13 =	vnsel vm5, $0x80000040, v4  }
0xce: {  	v8 =	vadd.f32 v9, v10;
	(xrf0) =	vmin.scan.msk.u32 $0xffff, v13  }
0xcf: {  	v7 =	vadd.f32 v11, v7  }
0xd0: {  	(xrf2) =	vadd.scan.msk.f32 $0xffff, v8  }
0xd1: {  	(xrf2) =	vadd.scan.msk.f32 $0xffff, v7;
	_ =	sdelay $0x2  }
0xd2: {  	v7, _, _ =	vpop (xrf0)  }
0xd3: {  	(v2sf) =	vpush v7, $0xF;
	_ =	sdelay $0x4  }
0xd4: {  	v7, _, _ =	vpop (xrf2)  }
0xd5: {  	v7 =	vbroadcast v7, $0xF;
	v8, _, _ =	vpop (xrf2)  }
0xd6: {  	v5 =	vsel vm2, v12, v5;
	v8 =	vbroadcast v8, $0xF  }
0xd7: {  	v5 =	vsel vm3, v7, v5  }
0xd8: {  	v7 =	vsel vm4, v8, v5  }
0xd9: {  	(xrf2) =	vadd.scan.msk.f32 $0xffff, v7;
	_ =	sdelay $0x4  }
0xda: {  	s20 =	spop (v2sf)  }
0xdb: {  	s23 =	sshll.u32 s20, $0x9  }
0xdc: {  	s24 =	sshra.s32 s23, $0x2  }
0xdd: {  	s1 =	sadd.s32 $0x10000, s24  }
0xde: {  	v8 =	vmov s1  }
0xdf: {  	s25 =	sxor.u32 $0x80000000, s20;
	v5, _, _ =	vpop (xrf2)  }
0xe0: {  	v9 =	vmov s25;
	v7 =	vsub.f32 v5, v7  }
0xe1: {  	vm2 =	veq.s32 v9, v3  }
0xe2: {  	s3 =	simm.s32 $0x0;
	v7 =	vnsel vm2, $0x0, v7  }
0xe3: {  	(xrf2) =	vadd.scan.msk.f32 $0xffff, v7;
	v9 =	vld.idx.msk [tilespmem:v8+s3+$0x0 ss:$0x1], $0xffff  }
0xe4: {  	v7 =	vsub.s32 v6, v14  }
0xe5: {  	v7 =	vnsel vm2, $0x0, v7  }
0xe6: {  	(xrf0) =	vadd.scan.msk.s32 $0xffff, v7;
	_ =	sdelay $0x1  }
0xe7: {  	(xrf0) =	vadd.scan.msk.s32 $0xffff, v9;
	_ =	sdelay $0x3  }
0xe8: {  	v7, _, _ =	vpop (xrf0)  }
0xe9: {  	(v2sf) =	vpush v7, $0xF;
	v7, _, _ =	vpop (xrf2)  }
0xea: {  	(v2sf) =	vpush v7, $0xF;
	v7, _, _ =	vpop (xrf0)  }
0xeb: {  	(v2sf) =	vpush v7, $0xF;
	_ =	sdelay $0x1  }
0xec: {  	s26 =	simm.s32 $0x10  }
0xed: {  	v13 =	vld.idx.msk [tilespmem:v8+s26+$0x0 ss:$0x1], $0xffff;
	_ =	sdelay $0x4  }
0xee: {  	(xrf0) =	vadd.scan.msk.s32 $0xffff, v13;
	_ =	sdelay $0x4  }
0xef: {  	s6 =	spop (v2sf)  }
0xf0: {  	s28 =	simm.s32 $0x20;
	v14, _, _ =	vpop (xrf0);
	s5 =	spop (v2sf)  }
0xf1: {  	v11 =	vld.idx.msk [tilespmem:v8+s28+$0x0 ss:$0x1], $0xffff;
	(v2sf) =	vpush v14, $0xF;
	s7 =	spop (v2sf)  }
0xf2: {  	s8 =	sadd.s32 s6, s7  }
0xf3: {  	p0 =	por $0x1, $0x1;
	p1 =	sgt.s32 s8, $0x7333  }
0xf4: {  	p0 =	por !p0, !p1  }
0xf5: {  	p4 =	por !p0, !p0  }
0xf6: {  	(xrf0) =	vadd.scan.msk.s32 $0xffff, v11;
	v15 =	vadd.s32 @p4 s6, v7;
	v16 =	vlaneseq.u32 @p4  }
0xf7: {  	vm2 =	vgt.s32 @p4 v15, $0x7333;
	v7 =	vor.u32 @p4 $0x80000000, v16  }
0xf8: {  	s2 =	sadd.s32 $0x10800, s24;
	v7 =	vnsel @p4 vm2, $0x80000040, v7  }
0xf9: {  	v12 =	vmov s2;
	(xrf0) =	vmin.scan.msk.u32 @p4 $0xffff, v7;
	_ =	sdelay $0x2  }
0xfa: {  	v17, _, _ =	vpop (xrf0)  }
0xfb: {  	(v2sf) =	vpush v17, $0xF  }
0xfc: {  	v7 =	vld.idx.msk [tilespmem:v12+s3+$0x0 ss:$0x1], $0xffff  }
0xfd: {  	p0 =	por p4, p4;
	v10, _, _ =	vpop @p4 (xrf0)  }
0xfe: {  	s29 =	simm.s32 $0x30;
	s7 =	simm.s32 $0x0;
	s30 =	spop (v2sf);
	(v2sf) =	vpush @p0 v10, $0xF  }
0xff: {  	s7 =	simm.s32 @p4 $0x1;
	s3 =	sadd.s32 s8, s30;
	v10 =	vld.idx.msk [tilespmem:v8+s29+$0x0 ss:$0x1], $0xffff  }
0x100: {  	p5 =	seq.s32 s7, $0x0;
	p2 =	sgt.s32 s3, $0x7333  }
0x101: {  	p1 =	por !p5, !p2;
	(xrf2) =	vadd.scan.msk.f32 $0xffff, v7  }
0x102: {  	p5 =	por !p1, !p1  }
0x103: {  	v18 =	vadd.s32 @p5 s8, v14;
	v14 =	vlaneseq.u32 @p5  }
0x104: {  	vm2 =	vgt.s32 @p5 v18, $0x7333;
	v7 =	vor.u32 @p5 $0x80000000, v14;
	(xrf0) =	vadd.scan.msk.s32 $0xffff, v10  }
0x105: {  	v7 =	vnsel @p5 vm2, $0x80000040, v7  }
0x106: {  	(xrf0) =	vmin.scan.msk.u32 @p5 $0xffff, v7;
	_ =	sdelay $0x1  }
0x107: {  	v19 =	vld.idx.msk [tilespmem:v12+s26+$0x0 ss:$0x1], $0xffff  }
0x108: {  	s31 =	simm.s32 $0x40  }
0x109: {  	s21 =	spop (v2sf);
	v7 =	vld.idx.msk [tilespmem:v8+s31+$0x0 ss:$0x1], $0xffff;
	v20, _, _ =	vpop (xrf0)  }
0x10a: {  	s9 =	sadd.s32 s3, s21;
	v21, _, _ =	vpop (xrf2);
	(v2sf) =	vpush v20, $0xF  }
0x10b: {  	p3 =	sgt.s32 s9, $0x7333;
	s7 =	simm.s32 @p5 $0x1;
	p1 =	por p5, p5;
	v22, _, _ =	vpop @p5 (xrf0);
	(v2sf) =	vpush v21, $0xF  }
0x10c: {  	p6 =	seq.s32 s7, $0x0;
	(xrf2) =	vadd.scan.msk.f32 $0xffff, v19;
	p0 =	por p0, p0;
	(v2sf) =	vpush @p1 v22, $0xF;
	s10 =	spop @p4 (v2sf)  }
0x10d: {  	p2 =	por !p6, !p3;
	s6 =	sxor.u32 @p0 $0x80000000, s10  }
0x10e: {  	p2 =	por !p2, !p2;
	(xrf0) =	vadd.scan.msk.s32 $0xffff, v7;
	v19 =	vmov @p0 s6  }
0x10f: {  	v22 =	vadd.s32 @p2 s3, v17;
	v17 =	vlaneseq.u32 @p2;
	vm2 =	veq.s32 @p0 v19, v16  }
0x110: {  	vm3 =	vgt.s32 @p2 v22, $0x7333;
	v16 =	vor.u32 @p2 $0x80000000, v17;
	v19 =	vnsel @p0 vm2, $0x0, v21  }
0x111: {  	v16 =	vnsel @p2 vm3, $0x80000040, v16;
	(xrf2) =	vadd.scan.msk.f32 @p0 $0xffff, v19;
	_ =	sdelay $0x1  }
0x112: {  	v9 =	vnsel @p0 vm2, $0x0, v9;
	(xrf0) =	vmin.scan.msk.u32 @p2 $0xffff, v16  }
0x113: {  	s22 =	simm.s32 $0x50;
	s0 =	sshll.u32 s20, $0x7;
	s8 =	simm.s32 @!p5 $0x0;
	(xrf0) =	vadd.scan.msk.s32 @p0 $0xffff, v9;
	v16, _, _ =	vpop (xrf0)  }
0x114: {  	s0 =	sadd.s32 $0x80000000, s0;
	s26 =	simm.s32 $0x60;
	s8 =	simm.s32 @p5 $0x1;
	(v2sf) =	vpush v16, $0xF  }
0x115: {  	s21 =	simm.f32 $0.0e+00;
	[smem:$0x7FB] =	sst s8;
	p6 =	por p1, p1;
	v19, _, _ =	vpop (xrf2)  }
0x116: {  	s30 =	sld [smem:$0x7FB];
	p3 =	por p2, p2;
	s2 =	simm.s32 @!p2 $0x0;
	(v2sf) =	vpush v19, $0xF  }
0x117: {  	s7 =	simm.s32 @p2 $0x1;
	s1 =	simm.s32 @!p3 $0x0;
	s2 =	simm.s32 @p2 $0x1;
	v21 =	vld.idx.msk [tilespmem:v12+s28+$0x0 ss:$0x1], $0xffff  }
0x118: {  	s1 =	simm.s32 @p3 $0x1;
	[smem:$0x7F8] =	sst s2;
	v9, _, _ =	vpop @p2 (xrf0);
	s23 =	spop (v2sf)  }
0x119: {  	p1 =	seq.s32 s7, $0x0;
	(v2sf) =	vpush @p3 v9, $0xF;
	p3 =	por p0, p0;
	v23, _, _ =	vpop @p4 (xrf0);
	s17 =	spop (v2sf)  }
0x11a: {  	s8 =	sadd.s32 s9, s23;
	(v2sf) =	vpush @p3 v23, $0xF;
	s18 =	simm.s32 @!p3 $0x0;
	s3 =	spop @p5 (v2sf);
	v24, _, _ =	vpop @p4 (xrf2)  }
0x11b: {  	p5 =	por p3, p3;
	s18 =	simm.s32 @p3 $0x1;
	(v2sf) =	vpush @p3 v24, $0xF;
	p3 =	sgt.s32 s8, $0x7333  }
0x11c: {  	[smem:$0x7F7] =	sst s1;
	v15 =	vnsel @p0 vm2, $0x0, v15;
	(xrf2) =	vadd.scan.msk.f32 $0xffff, v21;
	s1 =	sxor.u32 @p6 $0x80000000, s3;
	p1 =	por !p1, !p3  }
0x11d: {  	s23 =	simm.s32 $0x0;
	[smem:$0x7F6] =	sst s18;
	(xrf0) =	vadd.scan.msk.s32 @p5 $0xffff, v15;
	v21 =	vmov @p6 s1;
	p5 =	por !p1, !p1  }
0x11e: {  	v9 =	vld.idx.msk [tilespmem:v8+s22+$0x0 ss:$0x1], $0xffff;
	s1 =	simm.s32 $0x0;
	s25 =	sld [smem:$0x7F6];
	vm2 =	veq.s32 @p6 v21, v14;
	v14 =	vadd.s32 @p5 s9, v20;
	v15 =	vlaneseq.u32 @p5;
	s9 =	sadd.s32 @p0 s0, s10  }
0x11f: {  	v19 =	vnsel @p6 vm2, $0x0, v19;
	s7 =	simm.s32 @p5 $0x1;
	s2 =	simm.s32 @!p5 $0x0;
	vm3 =	vgt.s32 @p5 v14, $0x7333;
	v20 =	vor.u32 @p5 $0x80000000, v15;
	s1 =	smov.u32 @p0 s9  }
0x120: {  	(xrf2) =	vadd.scan.msk.f32 @p6 $0xffff, v19;
	s9 =	sadd.s32 $0x10, s0;
	s2 =	simm.s32 @p5 $0x1;
	v19 =	vnsel @p5 vm3, $0x80000040, v20;
	v20 =	vld.idx.msk [tilespmem:v12+s29+$0x0 ss:$0x1], $0xffff;
	s29 =	sld [smem:$0x7F7]  }
0x121: {  	p0 =	por p6, p6;
	p3 =	seq.s32 s7, $0x0;
	[smem:$0x7F9] =	sst s2  }
0x122: {  	s10 =	sadd.s32 @p6 s9, s3;
	s0 =	simm.s32 @!p0 $0x0;
	s2 =	sadd.f32 s17, s5  }
0x123: {  	(xrf0) =	vadd.scan.msk.s32 $0xffff, v9;
	s4 =	sadd.s32 $0x10, s9;
	s0 =	simm.s32 @p0 $0x1;
	s24 =	spop (v2sf)  }
0x124: {  	v13 =	vnsel @p6 vm2, $0x0, v13;
	(xrf0) =	vmin.scan.msk.u32 @p5 $0xffff, v19;
	s1 =	smov.u32 @p6 s10;
	[smem:$0x7FD] =	sst s0;
	s3 =	sadd.s32 s8, s24  }
0x125: {  	s0 =	simm.s32 $0x0;
	s28 =	spop (v2sf);
	p1 =	sgt.s32 s3, $0x7333  }
0x126: {  	v18 =	vnsel @p6 vm2, $0x0, v18;
	(xrf0) =	vadd.scan.msk.s32 @p6 $0xffff, v13;
	s20 =	sld [smem:$0x7FD];
	p6 =	por !p3, !p1;
	p1 =	seq.s32 s29, $0x1  }
0x127: {  	v21 =	vld.idx.msk [tilespmem:v12+s31+$0x0 ss:$0x1], $0xffff;
	v13, _, _ =	vpop @p4 (xrf0);
	(xrf0) =	vadd.scan.msk.s32 @p0 $0xffff, v18;
	s31 =	sld [smem:$0x7FD];
	p3 =	seq.s32 s25, $0x1;
	p0 =	por p1, p1  }
0x128: {  	v23, _, _ =	vpop (xrf2);
	s19 =	spop @p2 (v2sf);
	p1 =	por p5, p5;
	p6 =	por !p6, !p6  }
0x129: {  	v19, _, _ =	vpop (xrf0);
	(v2sf) =	vpush @p3 v13, $0xF;
	p2 =	por p3, p3;
	p3 =	por p4, p4;
	s17 =	simm.s32 @!p1 $0x0  }
0x12a: {  	v13 =	vld.idx.msk [tilespmem:v8+s26+$0x0 ss:$0x1], $0xffff;
	(v2sf) =	vpush v19, $0xF;
	v18, _, _ =	vpop @p5 (xrf0);
	p5 =	seq.s32 s30, $0x1;
	s9 =	sadd.s32 @p0 s4, s19;
	s6 =	simm.s32 @!p2 $0x0  }
0x12b: {  	s7 =	simm.s32 @p6 $0x1;
	(v2sf) =	vpush v23, $0xF;
	s17 =	simm.s32 @p1 $0x1;
	s6 =	simm.s32 @p2 $0x1  }
0x12c: {  	[smem:$0x7FA] =	sst s17;
	(v2sf) =	vpush @p1 v18, $0xF;
	v18, _, _ =	vpop @p5 (xrf0);
	s17 =	sxor.u32 @p0 $0x80000000, s19;
	p1 =	seq.s32 s20, $0x1  }
0x12d: {  	v16 =	vadd.s32 @p6 s8, v16;
	s1 =	smov.u32 @p0 s9;
	[smem:$0x7FC] =	sst s6;
	(v2sf) =	vpush @p1 v18, $0xF;
	v18 =	vmov @p0 s17;
	s17 =	spop @p4 (v2sf)  }
0x12e: {  	(xrf2) =	vadd.scan.msk.f32 $0xffff, v20;
	v20 =	vlaneseq.u32 @p6;
	v24, _, _ =	vpop @p5 (xrf2);
	vm3 =	vgt.s32 @p6 v16, $0x7333;
	s6 =	simm.s32 $0x1C0;
	s19 =	smov.u32 s3;
	vm2 =	veq.s32 @p0 v18, v17;
	s8 =	spop @p4 (v2sf)  }
0x12f: {  	v25 =	vor.u32 @p6 $0x80000000, v20;
	(v2sf) =	vpush @p1 v24, $0xF;
	s23 =	smov.u32 @p2 s17;
	v18 =	vld.idx.msk [tilespmem:v12+s22+$0x0 ss:$0x1], $0xffff;
	v24, _, _ =	vpop @p5 (xrf0);
	(xrf0) =	vadd.scan.msk.s32 $0xffff, v13;
	v26 =	vnsel @p0 vm2, $0x0, v23;
	s5 =	sadd.f32 @p2 s8, s5;
	p2 =	seq.s32 s31, $0x1  }
0x130: {  	p1 =	por p5, p5;
	v17 =	vld.idx.msk [tilespmem:v12+s26+$0x0 ss:$0x1], $0xffff;
	p5 =	por p6, p6;
	v23 =	vnsel @p6 vm3, $0x80000040, v25;
	v22 =	vnsel @p0 vm2, $0x0, v22;
	s8 =	sadd.f32 s28, s2;
	(xrf2) =	vadd.scan.msk.f32 @p0 $0xffff, v26;
	(v2sf) =	vpush @p2 v24, $0xF  }
.LBB2_10:
0x131: {  	s10 =	sld [smem:$0x7F8]  }
0x132: {  	s17 =	sld [smem:$0x7F9]  }
0x133: {  	s18 =	sld [smem:$0x7FC]  }
0x134: {  	s9 =	simm.s32 @!p1 $0x0;
	s22 =	sld [smem:$0x7FD]  }
0x135: {  	s20 =	smov.u32 s6;
	s6 =	sadd.s32 $0x40, s6;
	s24 =	sld [smem:$0x7FA]  }
0x136: {  	s4 =	sadd.s32 $0x10, s4;
	s9 =	simm.s32 @p1 $0x1;
	p2 =	sne.s32 s6, $0x200  }
0x137: {  	s25 =	sshra.s32 s20, $0x2;
	[smem:$0x7F4] =	sst s9;
	p4 =	seq.s32 s10, $0x1  }
0x138: {  	p1 =	seq.s32 s17, $0x1;
	s10 =	simm.s32 @!p2 $0x0;
	p6 =	seq.s32 s24, $0x1  }
0x139: {  	s30 =	sld [smem:$0x7F4];
	s9 =	simm.s32 @!p1 $0x0;
	s10 =	simm.s32 @p2 $0x1  }
0x13a: {  	(xrf0) =	vmin.scan.msk.u32 @p5 $0xffff, v23;
	s9 =	simm.s32 @p1 $0x1;
	p1 =	seq.s32 s18, $0x1;
	[smem:$0x7F5] =	sst s10  }
0x13b: {  	s10 =	simm.s32 @!p5 $0x0;
	[smem:$0x7F8] =	sst s9;
	s21 =	smov.u32 @p1 s5  }
0x13c: {  	v23 =	vnsel @p0 vm2, $0x0, v11;
	s5 =	spop @p3 (v2sf);
	p3 =	seq.s32 s22, $0x1;
	s10 =	simm.s32 @p5 $0x1  }
0x13d: {  	s31 =	sld [smem:$0x7F5];
	s0 =	smov.u32 @p1 s5;
	p2 =	por p3, p3  }
0x13e: {  	(xrf0) =	vadd.scan.msk.s32 @p0 $0xffff, v23;
	p1 =	por p5, p5;
	s26 =	spop (v2sf);
	s5 =	simm.s32 @!p2 $0x0  }
0x13f: {  	v23, _, _ =	vpop (xrf0);
	[smem:$0x7F9] =	sst s10;
	s5 =	simm.s32 @p2 $0x1;
	p2 =	por p0, p0  }
0x140: {  	v24 =	vmov v14;
	v14 =	vmov v16;
	v16, _, _ =	vpop @p5 (xrf0);
	p3 =	seq.s32 s7, $0x0;
	s29 =	sld [smem:$0x7F8];
	p5 =	seq.s32 s30, $0x1;
	(xrf0) =	vadd.scan.msk.s32 @p2 $0xffff, v22  }
0x141: {  	v26, _, _ =	vpop (xrf2);
	(v2sf) =	vpush v23, $0xF;
	s3 =	sadd.s32 s3, s26;
	s28 =	spop (v2sf);
	p0 =	por p6, p6  }
0x142: {  	(v2sf) =	vpush v26, $0xF;
	p6 =	sgt.s32 s3, $0x7333;
	[smem:$0x7FC] =	sst s5;
	s5 =	simm.s32 @!p1 $0x0  }
0x143: {  	v11 =	vmov v10;
	v10 =	vmov v7;
	(v2sf) =	vpush @p1 v16, $0xF;
	s5 =	simm.s32 @p1 $0x1;
	p1 =	seq.s32 s29, $0x1;
	s17 =	sld [smem:$0x7FC]  }
0x144: {  	v7 =	vmov v9;
	v9 =	vmov v13;
	v25 =	vmov v15;
	v16, _, _ =	vpop @p4 (xrf0);
	s9 =	simm.s32 @!p2 $0x0;
	[smem:$0x7FA] =	sst s5;
	s5 =	spop @p1 (v2sf)  }
0x145: {  	v15 =	vmov v20;
	(xrf2) =	vadd.scan.msk.f32 $0xffff, v21;
	v21 =	vmov v18;
	v20, _, _ =	vpop @p4 (xrf2);
	s9 =	simm.s32 @p2 $0x1;
	(v2sf) =	vpush @p2 v16, $0xF;
	p1 =	por p4, p4;
	s10 =	sxor.u32 @p0 $0x80000000, s5  }
0x146: {  	v13 =	vld.idx.msk [tilespmem:v8+s25+$0x0 ss:$0x1], $0xffff;
	v18 =	vmov v17;
	(v2sf) =	vpush @p2 v20, $0xF;
	v22 =	vmov @p0 s10;
	s10 =	sadd.s32 @p0 s4, s5;
	s5 =	spop @p5 (v2sf);
	v17, _, _ =	vpop @p4 (xrf0);
	p4 =	seq.s32 s17, $0x1  }
0x147: {  	v27 =	vld.idx.msk [tilespmem:v12+s25+$0x0 ss:$0x1], $0xffff;
	s23 =	smov.u32 @p4 s5;
	s5 =	spop @p5 (v2sf);
	(v2sf) =	vpush @p2 v17, $0xF;
	p2 =	seq.s32 s31, $0x1  }
.Ltmp4:
0x148: {  	p3 =	por !p3, !p6;
	(pc) =	sbr.rel @p2 .LBB2_10-.Ltmp4, $4  }
0x149: {  	p6 =	por !p3, !p3  }
0x14a: {  	p3 =	por p5, p5;
	v16 =	vadd.s32 @p6 s19, v19;
	s19 =	smov.u32 s3;
	[smem:$0x7FD] =	sst s9;
	v20 =	vlaneseq.u32 @p6;
	vm2 =	veq.s32 @p0 v22, v25  }
0x14b: {  	s7 =	simm.s32 @p6 $0x1;
	vm3 =	vgt.s32 @p6 v16, $0x7333;
	v22 =	vor.u32 @p6 $0x80000000, v20;
	s1 =	smov.u32 @p0 s10;
	(xrf0) =	vadd.scan.msk.s32 $0xffff, v13;
	v25 =	vnsel @p0 vm2, $0x0, v26;
	s5 =	sadd.f32 @p4 s5, s2  }
0x14c: {  	v19 =	vmovc v23;
	v23 =	vnsel @p6 vm3, $0x80000040, v22;
	v22 =	vnsel @p0 vm2, $0x0, v24;
	p5 =	por p6, p6;
	(xrf2) =	vadd.scan.msk.f32 @p0 $0xffff, v25;
	v17 =	vmov v27;
	s2 =	smov.u32 s8;
	s8 =	sadd.f32 s28, s8  }
0x14d: {  	_ =	sdelay $0x3  }
0x14e: {  	v8, _, _ =	vpop (xrf0)  }
0x14f: {  	(v2sf) =	vpush v8, $0xF;
	_ =	sdelay $0x4  }
0x150: {  	s22 =	sld [smem:$0x7FA];
	_ =	sdelay $0x1  }
0x151: {  	s25 =	sld [smem:$0x7F9]  }
0x152: {  	s6 =	spop @p3 (v2sf);
	p3 =	seq.s32 s7, $0x0;
	p2 =	seq.s32 s22, $0x1  }
0x153: {  	s28 =	sld [smem:$0x7F8];
	s9 =	spop (v2sf);
	p4 =	por p2, p2  }
0x154: {  	s3 =	sadd.s32 s3, s9;
	s24 =	spop (v2sf);
	p2 =	seq.s32 s25, $0x1  }
0x155: {  	[dreg:$0x11] =	wrdreg s6;
	(xrf0) =	vmin.scan.msk.u32 @p5 $0xffff, v23;
	s9 =	spop @p2 (v2sf);
	p6 =	sgt.s32 s3, $0x7333  }
0x156: {  	v11 =	vnsel @p0 vm2, $0x0, v11;
	p2 =	por !p3, !p6;
	p6 =	por p1, p1;
	s10 =	spop @p1 (v2sf)  }
0x157: {  	(xrf2) =	vadd.scan.msk.f32 $0xffff, v21;
	s6 =	simm.s32 @!p5 $0x0;
	s17 =	sxor.u32 @p4 $0x80000000, s9;
	s18 =	spop @p6 (v2sf)  }
0x158: {  	s6 =	simm.s32 @p5 $0x1;
	(xrf0) =	vadd.scan.msk.s32 @p0 $0xffff, v11;
	p1 =	por !p2, !p2;
	v12 =	vmov @p4 s17;
	s17 =	spop @p6 (v2sf)  }
0x159: {  	[smem:$0x7F1] =	sst s6;
	v11, _, _ =	vpop (xrf2);
	p3 =	por p0, p0;
	v19 =	vadd.s32 @p1 s19, v19;
	vm2 =	veq.s32 @p4 v12, v15;
	v12 =	vlaneseq.u32 @p1;
	s26 =	spop (v2sf)  }
0x15a: {  	p0 =	por p5, p5;
	(xrf0) =	vadd.scan.msk.s32 @p3 $0xffff, v22;
	s7 =	simm.s32 @p1 $0x1;
	vm3 =	vgt.s32 @p1 v19, $0x7333;
	v15 =	vor.u32 @p1 $0x80000000, v12;
	v21 =	vnsel @p4 vm2, $0x0, v11;
	s19 =	sadd.s32 s3, s26  }
0x15b: {  	(v2sf) =	vpush v11, $0xF;
	s6 =	simm.s32 @!p0 $0x0;
	v10 =	vnsel @p4 vm2, $0x0, v10;
	v11, _, _ =	vpop @p5 (xrf0);
	v15 =	vnsel @p1 vm3, $0x80000040, v15;
	(xrf2) =	vadd.scan.msk.f32 @p4 $0xffff, v21;
	p5 =	seq.s32 s7, $0x0;
	p6 =	sgt.s32 s19, $0x7333  }
0x15c: {  	s6 =	simm.s32 @p0 $0x1;
	(v2sf) =	vpush @p0 v11, $0xF;
	(xrf0) =	vmin.scan.msk.u32 @p1 $0xffff, v15;
	p0 =	por !p5, !p6  }
0x15d: {  	(xrf2) =	vadd.scan.msk.f32 $0xffff, v18;
	p5 =	seq.s32 s28, $0x1;
	p6 =	por !p0, !p0  }
0x15e: {  	v11 =	vnsel @p4 vm2, $0x0, v14;
	(xrf0) =	vadd.scan.msk.s32 @p4 $0xffff, v10;
	v10, _, _ =	vpop @p5 (xrf0);
	v8 =	vadd.s32 @p6 s3, v8;
	v14 =	vlaneseq.u32 @p6  }
0x15f: {  	p0 =	por p4, p4;
	(v2sf) =	vpush @p3 v10, $0xF;
	vm2 =	vgt.s32 @p6 v8, $0x7333;
	v10 =	vor.u32 @p6 $0x80000000, v14  }
0x160: {  	s29 =	sld [smem:$0x7F9];
	v15, _, _ =	vpop @p5 (xrf2);
	s3 =	simm.s32 @!p3 $0x0;
	(xrf0) =	vadd.scan.msk.s32 @p0 $0xffff, v11;
	v10 =	vnsel @p6 vm2, $0x80000040, v10  }
0x161: {  	v11, _, _ =	vpop @p5 (xrf0);
	s3 =	simm.s32 @p3 $0x1;
	(v2sf) =	vpush @p3 v15, $0xF  }
0x162: {  	p2 =	por p1, p1;
	v15, _, _ =	vpop (xrf2);
	[smem:$0x7EF] =	sst s3;
	(v2sf) =	vpush @p3 v11, $0xF;
	s3 =	simm.s32 @!p1 $0x0;
	(xrf0) =	vmin.scan.msk.u32 @p6 $0xffff, v10  }
0x163: {  	p3 =	por p1, p1;
	(v2sf) =	vpush v15, $0xF;
	s3 =	simm.s32 @p1 $0x1;
	v10, _, _ =	vpop @p1 (xrf0);
	p1 =	seq.s32 s29, $0x1  }
0x164: {  	(v2sf) =	vpush @p3 v10, $0xF;
	v10, _, _ =	vpop @p1 (xrf0)  }
0x165: {  	v11, _, _ =	vpop @p1 (xrf2);
	(v2sf) =	vpush @p0 v10, $0xF  }
0x166: {  	v10, _, _ =	vpop @p1 (xrf0);
	(v2sf) =	vpush @p0 v11, $0xF  }
0x167: {  	[smem:$0x7F3] =	sst s3;
	s3 =	simm.s32 @!p0 $0x0;
	(v2sf) =	vpush @p0 v10, $0xF;
	v10, _, _ =	vpop (xrf2)  }
0x168: {  	s30 =	sld [smem:$0x7F1];
	s3 =	simm.s32 @p0 $0x1;
	v11, _, _ =	vpop @p6 (xrf0);
	p0 =	por p6, p6;
	(v2sf) =	vpush v10, $0xF  }
0x169: {  	[smem:$0x7EB] =	sst s6;
	(v2sf) =	vpush @p0 v11, $0xF  }
0x16a: {  	s6 =	simm.s32 @!p4 $0x0;
	s31 =	sld [smem:$0x7EB]  }
0x16b: {  	s6 =	simm.s32 @p4 $0x1;
	s7 =	spop (v2sf);
	p4 =	seq.s32 s30, $0x1  }
0x16c: {  	s26 =	spop @p4 (v2sf)  }
0x16d: {  	p4 =	seq.s32 s31, $0x1;
	[smem:$0x7F0] =	sst s3;
	s3 =	simm.s32 @!p6 $0x0  }
0x16e: {  	p4 =	por p4, p4;
	s3 =	simm.s32 @p6 $0x1  }
0x16f: {  	[smem:$0x7ED] =	sst s3;
	s3 =	sxor.u32 @p4 $0x80000000, s26;
	s28 =	spop @p5 (v2sf)  }
0x170: {  	v11 =	vmov @p4 s3;
	s3 =	spop @p5 (v2sf)  }
0x171: {  	s22 =	spop @p5 (v2sf)  }
0x172: {  	vm2 =	veq.s32 @p4 v11, v20;
	s20 =	spop (v2sf)  }
0x173: {  	v11 =	vnsel @p4 vm2, $0x0, v15;
	s29 =	spop @p2 (v2sf)  }
0x174: {  	(xrf2) =	vadd.scan.msk.f32 @p4 $0xffff, v11;
	s25 =	spop @p1 (v2sf)  }
0x175: {  	(xrf2) =	vadd.scan.msk.f32 $0xffff, v17;
	p2 =	por p3, p3;
	s31 =	spop @p1 (v2sf)  }
0x176: {  	[dreg:$0xd] =	wrdreg s24;
	s19 =	sxor.u32 @p2 $0x80000000, s29;
	s24 =	spop @p1 (v2sf)  }
0x177: {  	v11 =	vmov @p2 s19;
	s19 =	spop (v2sf)  }
0x178: {  	p0 =	por p0, p0;
	s30 =	spop @p6 (v2sf)  }
0x179: {  	[smem:$0x7EC] =	sst s6;
	v7 =	vnsel @p4 vm2, $0x0, v7;
	vm3 =	veq.s32 @p2 v11, v12;
	s6 =	sxor.u32 @p0 $0x80000000, s30  }
0x17a: {  	(xrf0) =	vadd.scan.msk.s32 @p4 $0xffff, v7;
	v7 =	vnsel @p2 vm3, $0x0, v10;
	v10 =	vmov @p0 s6;
	s6 =	sld [smem:$0x7F1];
	_ =	sdelay $0x2  }
0x17b: {  	p5 =	por p4, p4;
	v11 =	vnsel @p4 vm2, $0x0, v16;
	p1 =	seq.s32 s6, $0x1  }
0x17c: {  	(xrf0) =	vadd.scan.msk.s32 @p5 $0xffff, v11;
	v12, _, _ =	vpop @p1 (xrf2)  }
0x17d: {  	vm2 =	veq.s32 @p0 v10, v14;
	(xrf2) =	vadd.scan.msk.f32 @p2 $0xffff, v7;
	v7 =	vnsel @p2 vm3, $0x0, v9;
	v9, _, _ =	vpop (xrf2)  }
0x17e: {  	(xrf0) =	vadd.scan.msk.s32 @p2 $0xffff, v7;
	v7 =	vnsel @p0 vm2, $0x0, v9  }
0x17f: {  	p6 =	por p2, p2;
	(xrf2) =	vadd.scan.msk.f32 @p0 $0xffff, v7;
	v7 =	vnsel @p2 vm3, $0x0, v19  }
0x180: {  	v10, _, _ =	vpop @p1 (xrf0);
	(xrf0) =	vadd.scan.msk.s32 @p6 $0xffff, v7;
	v7 =	vnsel @p0 vm2, $0x0, v13;
	_ =	sdelay $0x1  }
0x181: {  	s6 =	simm.s32 @!p5 $0x0  }
0x182: {  	s6 =	simm.s32 @p5 $0x1;
	(xrf0) =	vadd.scan.msk.s32 @p0 $0xffff, v7;
	v7, _, _ =	vpop @p1 (xrf0);
	p1 =	por p0, p0  }
0x183: {  	[smem:$0x7F2] =	sst s6;
	s6 =	simm.s32 @!p1 $0x0  }
0x184: {  	s6 =	simm.s32 @p1 $0x1  }
0x185: {  	[smem:$0x7EE] =	sst s6  }
0x186: {  	s6 =	sld [smem:$0x7F3]  }
0x187: {  	(v2sf) =	vpush @p5 v10, $0xF  }
0x188: {  	(v2sf) =	vpush @p5 v12, $0xF  }
0x189: {  	(v2sf) =	vpush @p5 v7, $0xF;
	p5 =	seq.s32 s6, $0x1;
	s6 =	sld [smem:$0x7FC];
	_ =	sdelay $0x2  }
0x18a: {  	p3 =	seq.s32 s6, $0x1;
	s6 =	sld [smem:$0x7FD];
	_ =	sdelay $0x1  }
0x18b: {  	v7 =	vnsel @p0 vm2, $0x0, v8  }
0x18c: {  	(xrf0) =	vadd.scan.msk.s32 @p1 $0xffff, v7;
	s21 =	smov.u32 @p3 s5;
	s5 =	rddreg [dreg:$0x11];
	p1 =	seq.s32 s6, $0x1  }
0x18d: {  	s6 =	sld [smem:$0x7EC];
	p1 =	por p1, p1  }
0x18e: {  	s2 =	sadd.f32 @p1 s18, s2  }
0x18f: {  	s4 =	sadd.s32 $0x10, s4;
	s23 =	smov.u32 @p1 s10;
	s10 =	sld [smem:$0x7EE]  }
0x190: {  	s0 =	smov.u32 @p3 s5;
	s18 =	sld [smem:$0x7EF];
	p3 =	seq.s32 s6, $0x1  }
0x191: {  	s5 =	sadd.s32 @p3 s4, s9;
	s9 =	sld [smem:$0x7ED]  }
0x192: {  	(v2sf) =	vpush v9, $0xF;
	v8, _, _ =	vpop @p5 (xrf0);
	s0 =	smov.u32 @p1 s17;
	s17 =	rddreg [dreg:$0xd];
	s21 =	smov.u32 @p1 s2  }
0x193: {  	v7, _, _ =	vpop @p5 (xrf2);
	(v2sf) =	vpush @p6 v8, $0xF;
	s2 =	sadd.s32 $0x10, s4;
	s1 =	smov.u32 @p3 s5;
	p1 =	seq.s32 s18, $0x1  }
0x194: {  	(v2sf) =	vpush @p6 v7, $0xF;
	v7, _, _ =	vpop @p5 (xrf0);
	s5 =	sadd.s32 @p4 s2, s26;
	s26 =	sld [smem:$0x7F0];
	p5 =	seq.s32 s9, $0x1  }
0x195: {  	(v2sf) =	vpush @p6 v7, $0xF;
	s4 =	sadd.f32 s17, s8;
	p3 =	seq.s32 s10, $0x1;
	p1 =	por p1, p1;
	v7, _, _ =	vpop @p5 (xrf0)  }
0x196: {  	s2 =	sadd.s32 $0x10, s2;
	s1 =	smov.u32 @p4 s5;
	s3 =	sadd.f32 @p1 s3, s8;
	v8, _, _ =	vpop @p5 (xrf2);
	(v2sf) =	vpush @p3 v7, $0xF  }
0x197: {  	s23 =	smov.u32 @p1 s28;
	s0 =	smov.u32 @p1 s22;
	p4 =	seq.s32 s26, $0x1;
	(v2sf) =	vpush @p3 v8, $0xF  }
0x198: {  	s28 =	sld [smem:$0x7F1];
	v7, _, _ =	vpop @p5 (xrf0);
	p4 =	por p4, p4;
	s21 =	smov.u32 @p1 s3  }
0x199: {  	s3 =	sadd.s32 @p2 s2, s29;
	s2 =	sadd.s32 $0x10, s2;
	s29 =	sld [smem:$0x7F2];
	(v2sf) =	vpush @p3 v7, $0xF  }
0x19a: {  	s5 =	sadd.f32 @p4 s31, s4;
	s1 =	smov.u32 @p2 s3;
	s23 =	smov.u32 @p4 s25  }
0x19b: {  	s0 =	smov.u32 @p4 s24;
	s3 =	sadd.f32 s7, s4;
	s2 =	sadd.s32 @p0 s2, s30  }
0x19c: {  	p1 =	seq.s32 s28, $0x1;
	s21 =	smov.u32 @p4 s5;
	p4 =	seq.s32 s29, $0x1  }
0x19d: {  	s1 =	smov.u32 @p0 s2;
	s2 =	spop @p1 (v2sf);
	p0 =	por p4, p4  }
0x19e: {  	s23 =	smov.u32 @p0 s2;
	s2 =	sld [smem:$0x7F3]  }
0x19f: {  	s4 =	spop @p1 (v2sf);
	s5 =	sadd.f32 s20, s3  }
0x1a0: {  	s6 =	spop @p1 (v2sf);
	s3 =	sadd.f32 @p0 s4, s3  }
0x1a1: {  	s31 =	simm.s32 $0x10020;
	s30 =	spop (v2sf);
	p1 =	seq.s32 s2, $0x1  }
0x1a2: {  	[tilespmem:s31+$0xFFFFFFF0] =	vst v0;
	s21 =	smov.u32 @p0 s3;
	s3 =	spop @p1 (v2sf)  }
0x1a3: {  	s0 =	smov.u32 @p0 s6;
	[tilespmem:s31+$0x0] =	vst v0;
	s6 =	spop @p1 (v2sf)  }
0x1a4: {  	s8 =	sadd.f32 s19, s5;
	[tilespmem:s31+$0x10] =	vst v0;
	p0 =	por p6, p6;
	s7 =	spop @p1 (v2sf)  }
0x1a5: {  	[tilespmem:s31+$0xFFFFFFE0] =	vst v0;
	s2 =	simm.s32 $0x10820;
	s5 =	sadd.f32 @p0 s6, s5;
	s6 =	spop @p5 (v2sf)  }
0x1a6: {  	[tilespmem:s2+$0xFFFFFFF0] =	vst v1;
	s23 =	smov.u32 @p0 s3;
	p1 =	por p3, p3;
	s3 =	spop @p5 (v2sf)  }
0x1a7: {  	s4 =	simm.s32 $0x10060;
	[tilespmem:s2+$0x0] =	vst v1;
	s0 =	smov.u32 @p0 s7;
	s3 =	sadd.f32 @p1 s3, s8  }
0x1a8: {  	[tilespmem:s2+$0x10] =	vst v1;
	s21 =	smov.u32 @p0 s5;
	s23 =	smov.u32 @p1 s6;
	s5 =	spop @p5 (v2sf)  }
0x1a9: {  	[tilespmem:s2+$0xFFFFFFE0] =	vst v1;
	s0 =	smov.u32 @p1 s5;
	s21 =	smov.u32 @p1 s3;
	s3 =	simm.s32 $0x0  }
.LBB2_12:
0x1aa: {  	[tilespmem:s4+$0xFFFFFFF0] =	vst v0;
	s2 =	sadd.s32 $0x40, s2  }
0x1ab: {  	s3 =	sadd.s32 $0x4, s3;
	[tilespmem:s2+$0xFFFFFFF0] =	vst v1  }
0x1ac: {  	p0 =	slt.u32 s3, $0x7C;
	[tilespmem:s4+$0x0] =	vst v0  }
.Ltmp5:
0x1ad: {  	[tilespmem:s2+$0x0] =	vst v1;
	(pc) =	sbr.rel @p0 .LBB2_12-.Ltmp5, $4  }
0x1ae: {  	[tilespmem:s4+$0x10] =	vst v0  }
0x1af: {  	[tilespmem:s2+$0x10] =	vst v1  }
0x1b0: {  	[tilespmem:s4+$0xFFFFFFE0] =	vst v0  }
0x1b1: {  	s4 =	sadd.s32 $0x40, s4;
	[tilespmem:s2+$0xFFFFFFE0] =	vst v1  }
0x1b2: {  	s2 =	simm.s32 $0x40  }
0x1b3: {  	v7 =	vld [tilespmem:s2+$0x20]  }
0x1b4: {  	v13 =	vld [tilespmem:s2+$0x30]  }
0x1b5: {  	v8 =	vld [tilespmem:s2+$0xFFFFFFC0]  }
0x1b6: {  	s1 =	sadd.s32 $0xFFFFFC00, s1  }
0x1b7: {  	[dreg:$0xb] =	wrdreg s1  }
0x1b8: {  	v10 =	vld [tilespmem:s2+$0xFFFFFFE0]  }
0x1b9: {  	v11 =	vmov s1;
	v9 =	vld [tilespmem:s2+$0xFFFFFFD0];
	v12 =	vshra.s32 v7, $0x1F;
	v14 =	vshra.s32 v13, $0x1F  }
0x1ba: {  	v15 =	vshra.s32 v8, $0x1F;
	v12 =	vand.u32 $0x7FFFFFFF, v12;
	v14 =	vand.u32 $0x7FFFFFFF, v14  }
0x1bb: {  	v15 =	vand.u32 $0x7FFFFFFF, v15;
	v12 =	vxor.u32 v7, v12;
	v16 =	vxor.u32 v13, v14  }
0x1bc: {  	v14 =	vxor.u32 v8, v15;
	v15 =	vshrl.u32 v12, $0xA;
	v12 =	vshra.s32 v12, $0x15  }
0x1bd: {  	v20 =	vshra.s32 v10, $0x1F;
	v18 =	vshrl.u32 v14, $0xA;
	vm5 =	veq.s32 v12, v11  }
0x1be: {  	v14 =	vshra.s32 v14, $0x15;
	v12 =	vshra.s32 v9, $0x1F;
	v19 =	vand.u32 $0x7FF, v15  }
0x1bf: {  	v17 =	vshra.s32 v16, $0x15;
	v15 =	vld [tilespmem:s2+$0x10];
	vm6 =	veq.s32 v14, v11;
	v21 =	vand.u32 $0x7FFFFFFF, v12  }
0x1c0: {  	vm4 =	veq.s32 v17, v11;
	v12 =	vld [tilespmem:s2+$0x0];
	v17 =	vxor.u32 v9, v21;
	v21 =	vand.u32 $0x7FF, v18  }
0x1c1: {  	v16 =	vshrl.u32 v16, $0xA;
	v14 =	vld [tilespmem:s2+$0xFFFFFFF0];
	v18 =	vand.u32 $0x7FFFFFFF, v20;
	v20 =	vshra.s32 v17, $0x15  }
0x1c2: {  	v22 =	vxor.u32 v10, v18;
	v17 =	vshrl.u32 v17, $0xA;
	v18 =	vand.u32 $0x7FF, v16  }
0x1c3: {  	vm2 =	veq.s32 v20, v11;
	v16 =	vand.u32 $0x7FF, v17;
	v17 =	vshra.s32 v22, $0x15;
	[tilespmem:v19+s13+$0x0] =	vst.idx.add.s32.msk vm5, v2  }
0x1c4: {  	vm3 =	veq.s32 v17, v11;
	v17 =	vshrl.u32 v22, $0xA;
	v20 =	vshra.s32 v15, $0x1F;
	[tilespmem:v19+s14+$0x0] =	vst.idx.add.f32.msk vm5, v7  }
0x1c5: {  	v17 =	vand.u32 $0x7FF, v17;
	[tilespmem:v21+s13+$0x0] =	vst.idx.add.s32.msk vm6, v2;
	v7 =	vshra.s32 v12, $0x1F;
	v19 =	vand.u32 $0x7FFFFFFF, v20  }
0x1c6: {  	[tilespmem:v21+s14+$0x0] =	vst.idx.add.f32.msk vm6, v8;
	v8 =	vshra.s32 v14, $0x1F;
	v7 =	vand.u32 $0x7FFFFFFF, v7;
	v20 =	vxor.u32 v15, v19  }
0x1c7: {  	s4 =	simm.s32 $0x0;
	s5 =	simm.s32 $0xC0;
	s2 =	simm.s32 $0x11840;
	[tilespmem:v18+s13+$0x0] =	vst.idx.add.s32.msk vm4, v2;
	v21 =	vand.u32 $0x7FFFFFFF, v8;
	v22 =	vxor.u32 v12, v7;
	v19 =	vshra.s32 v20, $0x15  }
.LBB2_14:
0x1c8: {  	s4 =	sadd.s32 $0x8, s4;
	v7 =	vxor.u32 v14, v21;
	v8 =	vshra.s32 v22, $0x15;
	v21 =	vshrl.u32 v22, $0xA;
	[tilespmem:v18+s14+$0x0] =	vst.idx.add.f32.msk vm4, v13;
	s3 =	simm.s32 $0x11040  }
0x1c9: {  	v18 =	vshrl.u32 v20, $0xA;
	p0 =	slt.u32 s4, $0x7F8;
	[tilespmem:v16+s13+$0x0] =	vst.idx.add.s32.msk vm2, v2;
	v13 =	vshra.s32 v7, $0x15;
	v7 =	vshrl.u32 v7, $0xA  }
0x1ca: {  	vm6 =	veq.s32 v8, v11;
	v8 =	vand.u32 $0x7FF, v21;
	v20 =	vld [tilespmem:s5+$0x20];
	vm5 =	veq.s32 v13, v11  }
0x1cb: {  	vm7 =	veq.s32 v19, v11;
	v18 =	vand.u32 $0x7FF, v18;
	v7 =	vand.u32 $0x7FF, v7;
	v13 =	vld [tilespmem:s5+$0x30]  }
0x1cc: {  	v19 =	vld [tilespmem:s5+$0xFFFFFFC0]  }
0x1cd: {  	v21 =	vld [tilespmem:s5+$0xFFFFFFD0]  }
0x1ce: {  	v22 =	vld [tilespmem:s5+$0xFFFFFFE0]  }
0x1cf: {  	[tilespmem:v17+s13+$0x0] =	vst.idx.add.s32.msk vm3, v2  }
0x1d0: {  	v24 =	vshra.s32 v20, $0x1F;
	v23 =	vld [tilespmem:s5+$0xFFFFFFF0];
	v25 =	vshra.s32 v13, $0x1F  }
0x1d1: {  	v24 =	vand.u32 $0x7FFFFFFF, v24;
	v26 =	vshra.s32 v19, $0x1F;
	v27 =	vld [tilespmem:s5+$0x0];
	v25 =	vand.u32 $0x7FFFFFFF, v25  }
0x1d2: {  	v24 =	vxor.u32 v20, v24;
	v26 =	vand.u32 $0x7FFFFFFF, v26;
	v25 =	vxor.u32 v13, v25;
	[tilespmem:v8+s13+$0x0] =	vst.idx.add.s32.msk vm6, v2  }
0x1d3: {  	v29 =	vshrl.u32 v24, $0xA;
	v26 =	vxor.u32 v19, v26;
	v28 =	vld [tilespmem:s5+$0x10];
	v30 =	vshra.s32 v25, $0x15  }
0x1d4: {  	v24 =	vshra.s32 v24, $0x15;
	v32 =	vshra.s32 v22, $0x1F;
	v31 =	vshrl.u32 v26, $0xA;
	[tilespmem:v16+s14+$0x0] =	vst.idx.add.f32.msk vm2, v9;
	v9 =	vmovc v21  }
0x1d5: {  	vm8 =	veq.s32 v24, v11;
	vm4 =	veq.s32 v30, v11;
	v16 =	vshra.s32 v9, $0x1F;
	[tilespmem:v18+s13+$0x0] =	vst.idx.add.s32.msk vm7, v2  }
0x1d6: {  	v24 =	vand.u32 $0x7FF, v29;
	v21 =	vshra.s32 v26, $0x15;
	v16 =	vand.u32 $0x7FFFFFFF, v16;
	[tilespmem:v17+s14+$0x0] =	vst.idx.add.f32.msk vm3, v10;
	v10 =	vmovc v22  }
0x1d7: {  	vm9 =	veq.s32 v21, v11;
	v17 =	vand.u32 $0x7FFFFFFF, v32;
	v16 =	vxor.u32 v9, v16;
	[tilespmem:v18+s14+$0x0] =	vst.idx.add.f32.msk vm7, v15  }
0x1d8: {  	v21 =	vand.u32 $0x7FF, v31;
	v17 =	vxor.u32 v10, v17;
	v22 =	vshra.s32 v16, $0x15;
	[tilespmem:v8+s14+$0x0] =	vst.idx.add.f32.msk vm6, v12;
	v12 =	vmovc v27  }
0x1d9: {  	v18 =	vshrl.u32 v25, $0xA;
	v8 =	vshrl.u32 v16, $0xA;
	v15 =	vmovc v28;
	vm2 =	veq.s32 v22, v11;
	[tilespmem:v7+s13+$0x0] =	vst.idx.add.s32.msk vm5, v2  }
0x1da: {  	v18 =	vand.u32 $0x7FF, v18;
	v16 =	vand.u32 $0x7FF, v8;
	v8 =	vshra.s32 v17, $0x15;
	[tilespmem:v7+s14+$0x0] =	vst.idx.add.f32.msk vm5, v14;
	v14 =	vmovc v23  }
.Ltmp6:
0x1db: {  	v17 =	vshrl.u32 v17, $0xA;
	vm3 =	veq.s32 v8, v11;
	[tilespmem:v24+s13+$0x0] =	vst.idx.add.s32.msk vm8, v2;
	(pc) =	sbr.rel @p0 .LBB2_14-.Ltmp6, $4  }
0x1dc: {  	v22 =	vshra.s32 v15, $0x1F;
	v7 =	vimm.s32 $0x0;
	v8 =	vimm.f32 $0.0e+00;
	[tilespmem:v24+s14+$0x0] =	vst.idx.add.f32.msk vm8, v20  }
0x1dd: {  	v17 =	vand.u32 $0x7FF, v17;
	v22 =	vand.u32 $0x7FFFFFFF, v22;
	v20 =	vshra.s32 v12, $0x1F;
	[tilespmem:v21+s13+$0x0] =	vst.idx.add.s32.msk vm9, v2  }
0x1de: {  	v23 =	vand.u32 $0x7FFFFFFF, v20;
	v20 =	vxor.u32 v15, v22;
	[tilespmem:v21+s14+$0x0] =	vst.idx.add.f32.msk vm9, v19;
	v19 =	vshra.s32 v14, $0x1F  }
0x1df: {  	s5 =	sadd.s32 $0x80, s5;
	v22 =	vxor.u32 v12, v23;
	v21 =	vand.u32 $0x7FFFFFFF, v19;
	v19 =	vshra.s32 v20, $0x15;
	[tilespmem:v18+s13+$0x0] =	vst.idx.add.s32.msk vm4, v2  }
0x1e0: {  	_ =	sdelay $0x3  }
0x1e1: {  	v23 =	vshra.s32 v22, $0x15;
	v20 =	vshrl.u32 v20, $0xA;
	vm6 =	veq.s32 v19, v11  }
0x1e2: {  	v22 =	vshrl.u32 v22, $0xA;
	[tilespmem:v18+s14+$0x0] =	vst.idx.add.f32.msk vm4, v13;
	vm5 =	veq.s32 v23, v11;
	v13 =	vand.u32 $0x7FF, v20  }
0x1e3: {  	v18 =	vxor.u32 v14, v21;
	[tilespmem:v16+s13+$0x0] =	vst.idx.add.s32.msk vm2, v2;
	v22 =	vand.u32 $0x7FF, v22  }
0x1e4: {  	[tilespmem:v17+s13+$0x0] =	vst.idx.add.s32.msk vm3, v2;
	v19 =	vshra.s32 v18, $0x15  }
0x1e5: {  	v18 =	vshrl.u32 v18, $0xA;
	[tilespmem:v16+s14+$0x0] =	vst.idx.add.f32.msk vm2, v9;
	vm15 =	veq.s32 v19, v11  }
0x1e6: {  	[tilespmem:v17+s14+$0x0] =	vst.idx.add.f32.msk vm3, v10;
	v11 =	vand.u32 $0x7FF, v18  }
0x1e7: {  	[tilespmem:v13+s13+$0x0] =	vst.idx.add.s32.msk vm6, v2  }
0x1e8: {  	[tilespmem:v22+s13+$0x0] =	vst.idx.add.s32.msk vm5, v2  }
0x1e9: {  	[tilespmem:v13+s14+$0x0] =	vst.idx.add.f32.msk vm6, v15  }
0x1ea: {  	[tilespmem:v22+s14+$0x0] =	vst.idx.add.f32.msk vm5, v12  }
0x1eb: {  	[tilespmem:v11+s13+$0x0] =	vst.idx.add.s32.msk vm15, v2  }
0x1ec: {  	[tilespmem:v11+s14+$0x0] =	vst.idx.add.f32.msk vm15, v14  }
0x1ed: {  	v9 =	vld [tilespmem:s2+$0xFFFFFFC0];
	_ =	sdelay $0x1  }
0x1ee: {  	v10 =	vld [tilespmem:s2+$0xFFFFFFD0]  }
0x1ef: {  	v12 =	vld [tilespmem:s2+$0xFFFFFFE0]  }
0x1f0: {  	v13 =	vld [tilespmem:s3+$0x10]  }
0x1f1: {  	v14 =	vld [tilespmem:s2+$0xFFFFFFF0];
	v9 =	vadd.f32 $0.0e+00, v9  }
0x1f2: {  	v15 =	vld [tilespmem:s2+$0x0]  }
0x1f3: {  	v16 =	vld [tilespmem:s3+$0xFFFFFFC0];
	v9 =	vadd.f32 v10, v9  }
0x1f4: {  	v17 =	vld [tilespmem:s3+$0xFFFFFFD0]  }
0x1f5: {  	v18 =	vld [tilespmem:s3+$0xFFFFFFE0];
	v9 =	vadd.f32 v12, v9  }
0x1f6: {  	v12 =	vld [tilespmem:s2+$0x10]  }
0x1f7: {  	v19 =	vld [tilespmem:s3+$0x0];
	v9 =	vadd.f32 v14, v9  }
0x1f8: {  	v14 =	vld [tilespmem:s2+$0x20]  }
0x1f9: {  	v10 =	vld [tilespmem:s3+$0xFFFFFFF0];
	v9 =	vadd.f32 v15, v9  }
0x1fa: {  	s1 =	simm.s32 $0x118C0;
	v15 =	vld [tilespmem:s2+$0x30]  }
0x1fb: {  	v9 =	vadd.f32 v12, v9;
	v12 =	vld [tilespmem:s1+$0xFFFFFFC0]  }
0x1fc: {  	v20 =	vld [tilespmem:s1+$0xFFFFFFD0]  }
0x1fd: {  	v16 =	vadd.s32 v16, v17;
	v17 =	vld [tilespmem:s3+$0x20];
	v14 =	vadd.f32 v14, v9  }
0x1fe: {  	v11 =	vld [tilespmem:s3+$0x30];
	v16 =	vadd.s32 v18, v16  }
0x1ff: {  	v10 =	vadd.s32 v10, v16;
	v14 =	vadd.f32 v15, v14;
	v15 =	vld [tilespmem:s1+$0xFFFFFFE0]  }
0x200: {  	v16 =	vadd.s32 v19, v10;
	v12 =	vadd.f32 $0.0e+00, v12  }
0x201: {  	s4 =	simm.s32 $0x110C0;
	v13 =	vadd.s32 v13, v16;
	v16 =	vld [tilespmem:s1+$0xFFFFFFF0]  }
0x202: {  	v18 =	vld [tilespmem:s4+$0x0];
	v13 =	vadd.s32 v17, v13;
	(xrf2) =	vadd.scan.msk.f32 $0xffff, v14;
	v12 =	vadd.f32 v20, v12  }
0x203: {  	v11 =	vadd.s32 v11, v13;
	v13 =	vld [tilespmem:s1+$0x0]  }
0x204: {  	v10 =	vld [tilespmem:s4+$0x10];
	(xrf0) =	vadd.scan.msk.s32 $0xffff, v11;
	v11 =	vadd.f32 v15, v12  }
0x205: {  	v19 =	vld [tilespmem:s4+$0xFFFFFFD0]  }
0x206: {  	v17 =	vld [tilespmem:s4+$0xFFFFFFC0];
	v11 =	vadd.f32 v16, v11  }
0x207: {  	v15 =	vld [tilespmem:s1+$0x10]  }
0x208: {  	v14 =	vld [tilespmem:s4+$0xFFFFFFF0];
	v13 =	vadd.f32 v13, v11  }
0x209: {  	v12 =	vld [tilespmem:s1+$0x20]  }
0x20a: {  	v20 =	vld [tilespmem:s4+$0xFFFFFFE0]  }
0x20b: {  	v21, _, _ =	vpop (xrf0);
	v11 =	vld [tilespmem:s1+$0x30]  }
0x20c: {  	s6 =	simm.s32 $0x0;
	s2 =	simm.s32 $0x11940;
	v9 =	vld [tilespmem:s4+$0x30];
	v15 =	vadd.f32 v15, v13;
	v13, _, _ =	vpop (xrf2)  }
0x20d: {  	s5 =	simm.s32 $0x1;
	v22 =	vmov s6;
	s3 =	simm.s32 $0x2;
	v21 =	vbroadcast v21, $0xF;
	v16 =	vld [tilespmem:s2+$0xFFFFFFC0];
	s1 =	simm.s32 $0x3;
	v13 =	vbroadcast v13, $0xF  }
.LBB2_16:
0x20e: {  	p0 =	sne.s32 s1, $0xF;
	v17 =	vadd.s32 v17, v19;
	v19 =	vld [tilespmem:s4+$0x20];
	v12 =	vadd.f32 v12, v15;
	vm2 =	veq.s32 v22, v3  }
0x20f: {  	s4 =	sadd.s32 $0x80, s4;
	v15 =	vld [tilespmem:s2+$0xFFFFFFD0];
	v17 =	vadd.s32 v20, v17;
	v7 =	vsel vm2, v21, v7;
	v8 =	vsel vm2, v13, v8  }
0x210: {  	v13 =	vld [tilespmem:s4+$0x30];
	v14 =	vadd.s32 v14, v17;
	v11 =	vadd.f32 v11, v12  }
0x211: {  	v12 =	vld [tilespmem:s2+$0xFFFFFFE0];
	v14 =	vadd.s32 v18, v14  }
0x212: {  	v16 =	vadd.f32 $0.0e+00, v16;
	v14 =	vadd.s32 v10, v14;
	v10 =	vld [tilespmem:s4+$0x10];
	(xrf2) =	vadd.scan.msk.f32 $0xffff, v11  }
0x213: {  	v11 =	vld [tilespmem:s2+$0xFFFFFFF0];
	v17 =	vadd.s32 v19, v14  }
0x214: {  	v15 =	vadd.f32 v15, v16;
	v14 =	vld [tilespmem:s4+$0xFFFFFFF0];
	v17 =	vadd.s32 v9, v17  }
0x215: {  	v16 =	vld [tilespmem:s2+$0x0];
	(xrf0) =	vadd.scan.msk.s32 $0xffff, v17;
	v9 =	vmov v13  }
0x216: {  	v17 =	vld [tilespmem:s4+$0xFFFFFFC0];
	v12 =	vadd.f32 v12, v15  }
0x217: {  	v13 =	vld [tilespmem:s2+$0x10]  }
0x218: {  	v19 =	vld [tilespmem:s4+$0xFFFFFFD0];
	v11 =	vadd.f32 v11, v12  }
.Ltmp7:
0x219: {  	v12 =	vld [tilespmem:s2+$0x20];
	(pc) =	sbr.rel @p0 .LBB2_16-.Ltmp7, $4  }
0x21a: {  	v20 =	vld [tilespmem:s4+$0xFFFFFFE0];
	v15 =	vadd.f32 v16, v11  }
0x21b: {  	v11 =	vld [tilespmem:s2+$0x30];
	v21, _, _ =	vpop (xrf0)  }
0x21c: {  	s2 =	sadd.s32 $0x80, s2;
	v18 =	vld [tilespmem:s4+$0x0];
	v15 =	vadd.f32 v13, v15;
	v13, _, _ =	vpop (xrf2)  }
0x21d: {  	v22 =	vmov s5;
	s5 =	smov.u32 s3;
	s3 =	smov.u32 s1;
	s1 =	sadd.s32 $0x1, s1;
	v21 =	vbroadcast v21, $0xF;
	v16 =	vld [tilespmem:s2+$0xFFFFFFC0];
	v13 =	vbroadcast v13, $0xF  }
0x21e: {  	v23 =	vld [tilespmem:s4+$0x20];
	s1 =	sadd.s32 $0x80, s4  }
0x21f: {  	v24 =	vld [tilespmem:s1+$0xFFFFFFC0]  }
0x220: {  	v25 =	vld [tilespmem:s1+$0xFFFFFFD0]  }
0x221: {  	v26 =	vld [tilespmem:s1+$0xFFFFFFE0]  }
0x222: {  	v27 =	vld [tilespmem:s1+$0xFFFFFFF0]  }
0x223: {  	v28 =	vld [tilespmem:s1+$0x0]  }
0x224: {  	v17 =	vadd.s32 v17, v19;
	v19 =	vld [tilespmem:s1+$0x10]  }
0x225: {  	v17 =	vadd.s32 v20, v17;
	v20 =	vadd.s32 v24, v25;
	v24 =	vld [tilespmem:s1+$0x20]  }
0x226: {  	v14 =	vadd.s32 v14, v17;
	v17 =	vld [tilespmem:s1+$0x30];
	v20 =	vadd.s32 v26, v20  }
0x227: {  	v14 =	vadd.s32 v18, v14;
	v18 =	vadd.s32 v27, v20  }
0x228: {  	v10 =	vadd.s32 v10, v14;
	v14 =	vadd.s32 v28, v18  }
0x229: {  	v10 =	vadd.s32 v23, v10;
	v14 =	vadd.s32 v19, v14  }
0x22a: {  	(v2sf) =	vpush v6, $0xF;
	v9 =	vadd.s32 v9, v10;
	v10 =	vadd.s32 v24, v14  }
0x22b: {  	(xrf0) =	vadd.scan.msk.s32 $0xffff, v9;
	v6 =	vadd.s32 v17, v10  }
0x22c: {  	(xrf0) =	vadd.scan.msk.s32 $0xffff, v6;
	_ =	sdelay $0x2  }
0x22d: {  	v6 =	vld [tilespmem:s2+$0xFFFFFFD0]  }
0x22e: {  	vm2 =	veq.s32 v22, v3  }
0x22f: {  	v7 =	vsel vm2, v21, v7;
	v9 =	vld [tilespmem:s2+$0xFFFFFFE0];
	v10, _, _ =	vpop (xrf0)  }
0x230: {  	v14 =	vadd.f32 $0.0e+00, v16;
	v16 =	vmov s5;
	v10 =	vbroadcast v10, $0xF;
	v17, _, _ =	vpop (xrf0)  }
0x231: {  	v18 =	vld [tilespmem:s2+$0xFFFFFFF0];
	vm3 =	veq.s32 v16, v3;
	v16 =	vmov s3;
	v17 =	vbroadcast v17, $0xF  }
0x232: {  	vm4 =	veq.s32 v16, v3;
	v7 =	vsel vm3, v10, v7;
	v6 =	vadd.f32 v6, v14  }
0x233: {  	v10 =	vld [tilespmem:s2+$0x0];
	v14 =	vsel vm4, v17, v7  }
0x234: {  	v6 =	vadd.f32 v9, v6;
	(xrf0) =	vadd.scan.msk.s32 $0xffff, v14  }
0x235: {  	v7 =	vld [tilespmem:s2+$0x10]  }
0x236: {  	v6 =	vadd.f32 v18, v6  }
0x237: {  	s19 =	spop (v2sf);
	v9 =	vld [tilespmem:s2+$0x20]  }
0x238: {  	s0 =	ssub.s32 s19, s0;
	v6 =	vadd.f32 v10, v6  }
0x239: {  	[dreg:$0x8] =	wrdreg s0;
	s0 =	sadd.s32 s23, s0;
	v10 =	vld [tilespmem:s2+$0x30]  }
0x23a: {  	s7 =	sadd.s32 $0xFFFFF334, s0;
	v6 =	vadd.f32 v7, v6;
	v7, _, _ =	vpop (xrf0)  }
0x23b: {  	v12 =	vadd.f32 v12, v15;
	vm5 =	vlt.s32 v7, s7  }
0x23c: {  	v6 =	vadd.f32 v9, v6;
	v15 =	vsel vm5, $0x80000040, v4  }
0x23d: {  	v9 =	vadd.f32 v11, v12;
	(xrf0) =	vmin.scan.msk.u32 $0xffff, v15  }
0x23e: {  	v6 =	vadd.f32 v10, v6  }
0x23f: {  	(xrf2) =	vadd.scan.msk.f32 $0xffff, v9  }
0x240: {  	(xrf2) =	vadd.scan.msk.f32 $0xffff, v6;
	_ =	sdelay $0x2  }
0x241: {  	v6, _, _ =	vpop (xrf0)  }
0x242: {  	(v2sf) =	vpush v6, $0xF;
	_ =	sdelay $0x4  }
0x243: {  	v6, _, _ =	vpop (xrf2)  }
0x244: {  	v6 =	vbroadcast v6, $0xF;
	v9, _, _ =	vpop (xrf2)  }
0x245: {  	v8 =	vsel vm2, v13, v8;
	v9 =	vbroadcast v9, $0xF  }
0x246: {  	v6 =	vsel vm3, v6, v8  }
0x247: {  	v8 =	vsel vm4, v9, v6  }
0x248: {  	(xrf2) =	vadd.scan.msk.f32 $0xffff, v8;
	_ =	sdelay $0x4  }
0x249: {  	s0 =	spop (v2sf)  }
0x24a: {  	s20 =	sshll.u32 s0, $0x9  }
0x24b: {  	s1 =	sshra.s32 s20, $0x2  }
0x24c: {  	s22 =	sadd.s32 $0x11000, s1  }
0x24d: {  	v10 =	vmov s22  }
0x24e: {  	s23 =	sxor.u32 $0x80000000, s0;
	v6, _, _ =	vpop (xrf2)  }
0x24f: {  	v9 =	vmov s23;
	v8 =	vsub.f32 v6, v8  }
0x250: {  	vm2 =	veq.s32 v9, v3  }
0x251: {  	s24 =	simm.s32 $0x0;
	v8 =	vnsel vm2, $0x0, v8  }
0x252: {  	(xrf2) =	vadd.scan.msk.f32 $0xffff, v8;
	v11 =	vld.idx.msk [tilespmem:v10+s24+$0x0 ss:$0x1], $0xffff  }
0x253: {  	v8 =	vsub.s32 v7, v14  }
0x254: {  	v8 =	vnsel vm2, $0x0, v8  }
0x255: {  	(xrf0) =	vadd.scan.msk.s32 $0xffff, v8;
	_ =	sdelay $0x1  }
0x256: {  	(xrf0) =	vadd.scan.msk.s32 $0xffff, v11;
	_ =	sdelay $0x3  }
0x257: {  	v8, _, _ =	vpop (xrf0)  }
0x258: {  	(v2sf) =	vpush v8, $0xF;
	v8, _, _ =	vpop (xrf2)  }
0x259: {  	(v2sf) =	vpush v8, $0xF;
	v8, _, _ =	vpop (xrf0)  }
0x25a: {  	(v2sf) =	vpush v8, $0xF;
	_ =	sdelay $0x1  }
0x25b: {  	s25 =	simm.s32 $0x10  }
0x25c: {  	v15 =	vld.idx.msk [tilespmem:v10+s25+$0x0 ss:$0x1], $0xffff;
	_ =	sdelay $0x4  }
0x25d: {  	(xrf0) =	vadd.scan.msk.s32 $0xffff, v15;
	_ =	sdelay $0x4  }
0x25e: {  	s6 =	spop (v2sf)  }
0x25f: {  	s26 =	simm.s32 $0x20;
	v16, _, _ =	vpop (xrf0);
	s5 =	spop (v2sf)  }
0x260: {  	v13 =	vld.idx.msk [tilespmem:v10+s26+$0x0 ss:$0x1], $0xffff;
	(v2sf) =	vpush v16, $0xF;
	s8 =	spop (v2sf)  }
0x261: {  	s9 =	sadd.s32 s6, s8  }
0x262: {  	p0 =	por $0x1, $0x1;
	p1 =	sge.s32 s9, s7  }
0x263: {  	p0 =	por !p0, !p1  }
0x264: {  	p4 =	por !p0, !p0  }
0x265: {  	v9 =	vmov s7;
	(xrf0) =	vadd.scan.msk.s32 $0xffff, v13;
	v17 =	vadd.s32 @p4 s6, v8;
	v18 =	vlaneseq.u32 @p4  }
0x266: {  	vm2 =	vlt.s32 @p4 v17, v9;
	v8 =	vor.u32 @p4 $0x80000000, v18  }
0x267: {  	s1 =	sadd.s32 $0x11800, s1;
	v8 =	vsel @p4 vm2, $0x80000040, v8  }
0x268: {  	v14 =	vmov s1;
	(xrf0) =	vmin.scan.msk.u32 @p4 $0xffff, v8;
	_ =	sdelay $0x2  }
0x269: {  	v19, _, _ =	vpop (xrf0)  }
0x26a: {  	(v2sf) =	vpush v19, $0xF  }
0x26b: {  	v8 =	vld.idx.msk [tilespmem:v14+s24+$0x0 ss:$0x1], $0xffff  }
0x26c: {  	p0 =	por p4, p4;
	v12, _, _ =	vpop @p4 (xrf0)  }
0x26d: {  	s28 =	simm.s32 $0x30;
	s8 =	simm.s32 $0x0;
	s29 =	spop (v2sf);
	(v2sf) =	vpush @p0 v12, $0xF  }
0x26e: {  	s1 =	sadd.s32 s9, s29;
	s8 =	simm.s32 @p4 $0x1;
	v12 =	vld.idx.msk [tilespmem:v10+s28+$0x0 ss:$0x1], $0xffff  }
0x26f: {  	p2 =	sge.s32 s1, s7;
	p5 =	seq.s32 s8, $0x0  }
0x270: {  	p1 =	por !p5, !p2;
	(xrf2) =	vadd.scan.msk.f32 $0xffff, v8  }
0x271: {  	p5 =	por !p1, !p1  }
0x272: {  	v20 =	vadd.s32 @p5 s9, v16;
	v16 =	vlaneseq.u32 @p5  }
0x273: {  	vm2 =	vlt.s32 @p5 v20, v9;
	v8 =	vor.u32 @p5 $0x80000000, v16;
	(xrf0) =	vadd.scan.msk.s32 $0xffff, v12  }
0x274: {  	v8 =	vsel @p5 vm2, $0x80000040, v8  }
0x275: {  	(xrf0) =	vmin.scan.msk.u32 @p5 $0xffff, v8;
	_ =	sdelay $0x1  }
0x276: {  	v21 =	vld.idx.msk [tilespmem:v14+s25+$0x0 ss:$0x1], $0xffff  }
0x277: {  	s4 =	simm.s32 $0x40  }
0x278: {  	s30 =	spop (v2sf);
	s9 =	simm.s32 @!p5 $0x0;
	v8 =	vld.idx.msk [tilespmem:v10+s4+$0x0 ss:$0x1], $0xffff;
	v22, _, _ =	vpop (xrf0)  }
0x279: {  	s8 =	simm.s32 @p5 $0x1;
	p1 =	por p5, p5;
	s9 =	simm.s32 @p5 $0x1;
	v23, _, _ =	vpop (xrf2);
	(v2sf) =	vpush v22, $0xF  }
0x27a: {  	p6 =	seq.s32 s8, $0x0;
	[smem:$0x7E8] =	sst s9;
	s9 =	sadd.s32 s1, s30;
	v24, _, _ =	vpop @p5 (xrf0);
	(v2sf) =	vpush v23, $0xF  }
0x27b: {  	p3 =	sge.s32 s9, s7;
	(xrf2) =	vadd.scan.msk.f32 $0xffff, v21;
	p0 =	por p0, p0;
	(v2sf) =	vpush @p1 v24, $0xF;
	s10 =	spop @p4 (v2sf)  }
0x27c: {  	p2 =	por !p6, !p3;
	s6 =	sxor.u32 @p0 $0x80000000, s10  }
0x27d: {  	p2 =	por !p2, !p2;
	(xrf0) =	vadd.scan.msk.s32 $0xffff, v8;
	v21 =	vmov @p0 s6  }
0x27e: {  	v24 =	vadd.s32 @p2 s1, v19;
	v19 =	vlaneseq.u32 @p2;
	vm2 =	veq.s32 @p0 v21, v18  }
0x27f: {  	vm3 =	vlt.s32 @p2 v24, v9;
	v18 =	vor.u32 @p2 $0x80000000, v19;
	v21 =	vnsel @p0 vm2, $0x0, v23  }
0x280: {  	v18 =	vsel @p2 vm3, $0x80000040, v18;
	(xrf2) =	vadd.scan.msk.f32 @p0 $0xffff, v21;
	_ =	sdelay $0x1  }
0x281: {  	v11 =	vnsel @p0 vm2, $0x0, v11;
	(xrf0) =	vmin.scan.msk.u32 @p2 $0xffff, v18  }
0x282: {  	s0 =	sshll.u32 s0, $0x7;
	(xrf0) =	vadd.scan.msk.s32 @p0 $0xffff, v11;
	v18, _, _ =	vpop (xrf0)  }
0x283: {  	s31 =	simm.s32 $0x50;
	s0 =	sadd.s32 $0x80000000, s0;
	(v2sf) =	vpush v18, $0xF  }
0x284: {  	s29 =	sld [smem:$0x7E8];
	p3 =	por p2, p2;
	s2 =	simm.s32 @!p2 $0x0;
	v21, _, _ =	vpop (xrf2)  }
0x285: {  	p6 =	por p1, p1;
	s2 =	simm.s32 @p2 $0x1;
	s1 =	simm.s32 @!p3 $0x0;
	(v2sf) =	vpush v21, $0xF  }
0x286: {  	s8 =	simm.s32 @p2 $0x1;
	[smem:$0x7E5] =	sst s2;
	s1 =	simm.s32 @p3 $0x1;
	v23 =	vld.idx.msk [tilespmem:v14+s26+$0x0 ss:$0x1], $0xffff  }
0x287: {  	p1 =	seq.s32 s8, $0x0;
	[smem:$0x7E4] =	sst s1;
	v11, _, _ =	vpop @p2 (xrf0);
	s23 =	spop (v2sf)  }
0x288: {  	s26 =	simm.s32 $0x60;
	(v2sf) =	vpush @p3 v11, $0xF;
	p3 =	por p0, p0;
	v25, _, _ =	vpop @p4 (xrf0);
	s17 =	spop (v2sf)  }
0x289: {  	s1 =	sadd.s32 s9, s23;
	(v2sf) =	vpush @p3 v25, $0xF;
	s19 =	simm.s32 @!p3 $0x0;
	s3 =	spop @p5 (v2sf);
	v26, _, _ =	vpop @p4 (xrf2)  }
0x28a: {  	v11 =	vld.idx.msk [tilespmem:v10+s31+$0x0 ss:$0x1], $0xffff;
	p5 =	por p3, p3;
	s19 =	simm.s32 @p3 $0x1;
	(v2sf) =	vpush @p3 v26, $0xF;
	p3 =	sge.s32 s1, s7  }
0x28b: {  	v17 =	vnsel @p0 vm2, $0x0, v17;
	(xrf2) =	vadd.scan.msk.f32 $0xffff, v23;
	s23 =	simm.f32 $0.0e+00;
	s18 =	sxor.u32 @p6 $0x80000000, s3;
	p1 =	por !p1, !p3  }
0x28c: {  	[smem:$0x7E3] =	sst s19;
	(xrf0) =	vadd.scan.msk.s32 @p5 $0xffff, v17;
	v23 =	vmov @p6 s18;
	s18 =	simm.s32 $0x0;
	p5 =	por !p1, !p1  }
0x28d: {  	s25 =	sld [smem:$0x7E3];
	vm2 =	veq.s32 @p6 v23, v16;
	v16 =	vadd.s32 @p5 s9, v22;
	s9 =	sadd.s32 @p0 s0, s10;
	s10 =	sadd.s32 $0x10, s0  }
0x28e: {  	v17 =	vlaneseq.u32 @p5;
	s8 =	simm.s32 @p5 $0x1;
	s2 =	simm.s32 @!p5 $0x0;
	s18 =	smov.u32 @p0 s9  }
0x28f: {  	(xrf0) =	vadd.scan.msk.s32 $0xffff, v11;
	v23 =	vld.idx.msk [tilespmem:v14+s4+$0x0 ss:$0x1], $0xffff;
	v21 =	vnsel @p6 vm2, $0x0, v21;
	vm3 =	vlt.s32 @p5 v16, v9;
	v22 =	vor.u32 @p5 $0x80000000, v17;
	s9 =	sadd.s32 @p6 s10, s3;
	p0 =	por p6, p6;
	p3 =	seq.s32 s8, $0x0  }
0x290: {  	(xrf2) =	vadd.scan.msk.f32 @p6 $0xffff, v21;
	s2 =	simm.s32 @p5 $0x1;
	s4 =	sadd.s32 $0x10, s10;
	v21 =	vsel @p5 vm3, $0x80000040, v22;
	v22 =	vld.idx.msk [tilespmem:v14+s28+$0x0 ss:$0x1], $0xffff;
	s28 =	sld [smem:$0x7E4]  }
0x291: {  	s0 =	simm.s32 @!p0 $0x0;
	s18 =	smov.u32 @p6 s9;
	[smem:$0x7E6] =	sst s2  }
0x292: {  	v15 =	vnsel @p6 vm2, $0x0, v15;
	s2 =	sadd.f32 s17, s5;
	(xrf0) =	vmin.scan.msk.u32 @p5 $0xffff, v21;
	s0 =	simm.s32 @p0 $0x1;
	s24 =	spop (v2sf)  }
0x293: {  	(xrf0) =	vadd.scan.msk.s32 @p6 $0xffff, v15;
	[smem:$0x7EA] =	sst s0;
	s0 =	simm.s32 $0x0;
	s3 =	sadd.s32 s1, s24  }
0x294: {  	s20 =	spop (v2sf);
	s30 =	sld [smem:$0x7EA];
	p1 =	sge.s32 s3, s7  }
0x295: {  	v20 =	vnsel @p6 vm2, $0x0, v20;
	v15, _, _ =	vpop @p4 (xrf0);
	p6 =	por !p3, !p1;
	p3 =	seq.s32 s25, $0x1;
	p1 =	seq.s32 s28, $0x1  }
0x296: {  	v21, _, _ =	vpop (xrf0);
	(xrf0) =	vadd.scan.msk.s32 @p0 $0xffff, v20;
	s24 =	sadd.f32 s20, s2;
	(v2sf) =	vpush @p3 v15, $0xF;
	p0 =	por p1, p1;
	p1 =	por p5, p5  }
0x297: {  	v25, _, _ =	vpop (xrf2);
	s20 =	smov.u32 s3;
	s22 =	spop @p2 (v2sf);
	(v2sf) =	vpush v21, $0xF;
	s9 =	simm.s32 @!p1 $0x0  }
0x298: {  	p6 =	por !p6, !p6;
	v20, _, _ =	vpop @p5 (xrf0);
	p5 =	seq.s32 s29, $0x1;
	(v2sf) =	vpush v25, $0xF;
	s9 =	simm.s32 @p1 $0x1  }
0x299: {  	v15 =	vld.idx.msk [tilespmem:v10+s26+$0x0 ss:$0x1], $0xffff;
	[smem:$0x7E7] =	sst s9;
	(v2sf) =	vpush @p1 v20, $0xF;
	v20, _, _ =	vpop @p5 (xrf0);
	s9 =	sxor.u32 @p0 $0x80000000, s22;
	p1 =	seq.s32 s30, $0x1  }
0x29a: {  	p2 =	por p3, p3;
	p3 =	por p4, p4;
	s17 =	spop @p4 (v2sf);
	(v2sf) =	vpush @p1 v20, $0xF;
	v20 =	vmov @p0 s9  }
0x29b: {  	s10 =	sadd.s32 @p0 s4, s22;
	s6 =	simm.s32 @!p2 $0x0;
	vm2 =	veq.s32 @p0 v20, v19;
	v20 =	vld.idx.msk [tilespmem:v14+s31+$0x0 ss:$0x1], $0xffff;
	s31 =	sld [smem:$0x7EA]  }
0x29c: {  	v18 =	vadd.s32 @p6 s1, v18;
	s8 =	simm.s32 @p6 $0x1;
	s6 =	simm.s32 @p2 $0x1;
	s18 =	smov.u32 @p0 s10  }
0x29d: {  	(xrf2) =	vadd.scan.msk.f32 $0xffff, v22;
	v22 =	vlaneseq.u32 @p6;
	v26, _, _ =	vpop @p5 (xrf2);
	vm3 =	vlt.s32 @p6 v18, v9;
	[smem:$0x7E9] =	sst s6;
	s9 =	simm.s32 $0x0;
	s1 =	spop @p4 (v2sf)  }
0x29e: {  	v27 =	vor.u32 @p6 $0x80000000, v22;
	(v2sf) =	vpush @p1 v26, $0xF;
	s9 =	smov.u32 @p2 s17;
	v26, _, _ =	vpop @p5 (xrf0);
	(xrf0) =	vadd.scan.msk.s32 $0xffff, v15;
	s5 =	sadd.f32 @p2 s1, s5;
	v28 =	vnsel @p0 vm2, $0x0, v25;
	p2 =	seq.s32 s31, $0x1  }
0x29f: {  	s6 =	simm.s32 $0x1C0;
	p1 =	por p5, p5;
	v19 =	vld.idx.msk [tilespmem:v14+s26+$0x0 ss:$0x1], $0xffff;
	p5 =	por p6, p6;
	v25 =	vsel @p6 vm3, $0x80000040, v27;
	v24 =	vnsel @p0 vm2, $0x0, v24;
	(xrf2) =	vadd.scan.msk.f32 @p0 $0xffff, v28;
	(v2sf) =	vpush @p2 v26, $0xF  }
.LBB2_18:
0x2a0: {  	s30 =	sld [smem:$0x7E5]  }
0x2a1: {  	s31 =	sld [smem:$0x7E6]  }
0x2a2: {  	s10 =	sld [smem:$0x7E9]  }
0x2a3: {  	s1 =	simm.s32 @!p1 $0x0;
	s19 =	sld [smem:$0x7EA]  }
0x2a4: {  	s17 =	smov.u32 s6;
	s6 =	sadd.s32 $0x40, s6;
	s22 =	sld [smem:$0x7E7]  }
0x2a5: {  	s4 =	sadd.s32 $0x10, s4;
	s1 =	simm.s32 @p1 $0x1;
	p2 =	sne.s32 s6, $0x200  }
0x2a6: {  	s25 =	sshra.s32 s17, $0x2;
	[smem:$0x7E1] =	sst s1;
	p1 =	seq.s32 s31, $0x1  }
0x2a7: {  	p4 =	seq.s32 s30, $0x1;
	p6 =	seq.s32 s22, $0x1;
	s1 =	simm.s32 @!p1 $0x0  }
0x2a8: {  	s30 =	sld [smem:$0x7E1];
	s1 =	simm.s32 @p1 $0x1;
	p1 =	seq.s32 s10, $0x1  }
0x2a9: {  	s10 =	simm.s32 @!p2 $0x0;
	[smem:$0x7E5] =	sst s1;
	s23 =	smov.u32 @p1 s5  }
0x2aa: {  	(xrf0) =	vmin.scan.msk.u32 @p5 $0xffff, v25;
	s1 =	spop @p3 (v2sf);
	s10 =	simm.s32 @p2 $0x1;
	p3 =	seq.s32 s19, $0x1  }
0x2ab: {  	[smem:$0x7E2] =	sst s10;
	s0 =	smov.u32 @p1 s1;
	p2 =	por p3, p3  }
0x2ac: {  	v25 =	vnsel @p0 vm2, $0x0, v13;
	p1 =	por p5, p5;
	s26 =	spop (v2sf);
	s10 =	simm.s32 @!p5 $0x0  }
0x2ad: {  	(xrf0) =	vadd.scan.msk.s32 @p0 $0xffff, v25;
	p3 =	seq.s32 s8, $0x0;
	s29 =	sld [smem:$0x7E5];
	s1 =	simm.s32 @!p2 $0x0  }
0x2ae: {  	v28, _, _ =	vpop (xrf2);
	s10 =	simm.s32 @p5 $0x1;
	s1 =	simm.s32 @p2 $0x1;
	p2 =	por p0, p0  }
0x2af: {  	v25, _, _ =	vpop (xrf0);
	s3 =	sadd.s32 s3, s26;
	s28 =	spop (v2sf);
	s31 =	sld [smem:$0x7E2];
	(xrf0) =	vadd.scan.msk.s32 @p2 $0xffff, v24  }
0x2b0: {  	v26 =	vmov v16;
	v16 =	vmov v18;
	(v2sf) =	vpush v25, $0xF;
	v18, _, _ =	vpop @p5 (xrf0);
	p5 =	seq.s32 s30, $0x1;
	p0 =	por p6, p6;
	[smem:$0x7E6] =	sst s10  }
0x2b1: {  	(v2sf) =	vpush v28, $0xF;
	p6 =	sge.s32 s3, s7;
	[smem:$0x7E9] =	sst s1;
	s1 =	simm.s32 @!p1 $0x0  }
0x2b2: {  	v13 =	vmov v12;
	v12 =	vmov v8;
	(v2sf) =	vpush @p1 v18, $0xF;
	s1 =	simm.s32 @p1 $0x1;
	p1 =	seq.s32 s29, $0x1;
	s17 =	sld [smem:$0x7E9]  }
0x2b3: {  	v8 =	vmov v11;
	v11 =	vmov v15;
	v27 =	vmov v17;
	v18, _, _ =	vpop @p4 (xrf0);
	[smem:$0x7E7] =	sst s1;
	s5 =	spop @p1 (v2sf);
	s1 =	simm.s32 @!p2 $0x0  }
0x2b4: {  	v17 =	vmov v22;
	(xrf2) =	vadd.scan.msk.f32 $0xffff, v23;
	v23 =	vmov v20;
	v22, _, _ =	vpop @p4 (xrf2);
	(v2sf) =	vpush @p2 v18, $0xF;
	p1 =	por p4, p4;
	s10 =	sxor.u32 @p0 $0x80000000, s5;
	s1 =	simm.s32 @p2 $0x1  }
0x2b5: {  	v15 =	vld.idx.msk [tilespmem:v10+s25+$0x0 ss:$0x1], $0xffff;
	v20 =	vmov v19;
	(v2sf) =	vpush @p2 v22, $0xF;
	v24 =	vmov @p0 s10;
	s10 =	sadd.s32 @p0 s4, s5;
	s5 =	spop @p5 (v2sf);
	v19, _, _ =	vpop @p4 (xrf0);
	p4 =	seq.s32 s17, $0x1  }
0x2b6: {  	v29 =	vld.idx.msk [tilespmem:v14+s25+$0x0 ss:$0x1], $0xffff;
	s9 =	smov.u32 @p4 s5;
	s5 =	spop @p5 (v2sf);
	(v2sf) =	vpush @p2 v19, $0xF;
	p2 =	seq.s32 s31, $0x1  }
.Ltmp8:
0x2b7: {  	p3 =	por !p3, !p6;
	(pc) =	sbr.rel @p2 .LBB2_18-.Ltmp8, $4  }
0x2b8: {  	p6 =	por !p3, !p3  }
0x2b9: {  	p3 =	por p5, p5;
	v18 =	vadd.s32 @p6 s20, v21;
	s20 =	smov.u32 s3;
	v22 =	vlaneseq.u32 @p6;
	[smem:$0x7EA] =	sst s1;
	vm2 =	veq.s32 @p0 v24, v27  }
0x2ba: {  	s8 =	simm.s32 @p6 $0x1;
	vm3 =	vlt.s32 @p6 v18, v9;
	v24 =	vor.u32 @p6 $0x80000000, v22;
	s18 =	smov.u32 @p0 s10;
	(xrf0) =	vadd.scan.msk.s32 $0xffff, v15;
	v27 =	vnsel @p0 vm2, $0x0, v28;
	s5 =	sadd.f32 @p4 s5, s2  }
0x2bb: {  	v21 =	vmovc v25;
	v25 =	vsel @p6 vm3, $0x80000040, v24;
	v24 =	vnsel @p0 vm2, $0x0, v26;
	p5 =	por p6, p6;
	(xrf2) =	vadd.scan.msk.f32 @p0 $0xffff, v27;
	v19 =	vmov v29;
	s2 =	smov.u32 s24;
	s24 =	sadd.f32 s28, s24  }
0x2bc: {  	_ =	sdelay $0x3  }
0x2bd: {  	v10, _, _ =	vpop (xrf0)  }
0x2be: {  	(v2sf) =	vpush v10, $0xF;
	_ =	sdelay $0x4  }
0x2bf: {  	s6 =	sld [smem:$0x7E7];
	_ =	sdelay $0x1  }
0x2c0: {  	s1 =	spop @p3 (v2sf);
	s29 =	sld [smem:$0x7E6]  }
0x2c1: {  	p3 =	seq.s32 s8, $0x0;
	s26 =	spop (v2sf);
	p2 =	seq.s32 s6, $0x1  }
0x2c2: {  	[dreg:$0x12] =	wrdreg s1;
	p4 =	por p2, p2;
	s1 =	sadd.s32 s3, s26  }
0x2c3: {  	s28 =	spop (v2sf);
	p2 =	seq.s32 s29, $0x1;
	p6 =	sge.s32 s1, s7  }
0x2c4: {  	s31 =	sld [smem:$0x7E5];
	(xrf0) =	vmin.scan.msk.u32 @p5 $0xffff, v25;
	s10 =	spop @p2 (v2sf);
	p2 =	por !p3, !p6  }
0x2c5: {  	v13 =	vnsel @p0 vm2, $0x0, v13;
	s3 =	sxor.u32 @p4 $0x80000000, s10;
	p6 =	por p1, p1;
	s6 =	spop @p1 (v2sf)  }
0x2c6: {  	p3 =	por p0, p0;
	p1 =	por !p2, !p2;
	s22 =	spop @p6 (v2sf)  }
0x2c7: {  	(xrf2) =	vadd.scan.msk.f32 $0xffff, v23;
	v14 =	vmov @p4 s3;
	[dreg:$0x15] =	wrdreg s6;
	s6 =	simm.s32 @!p5 $0x0;
	s19 =	spop @p6 (v2sf)  }
0x2c8: {  	(xrf0) =	vadd.scan.msk.s32 @p0 $0xffff, v13;
	v13, _, _ =	vpop (xrf2);
	p0 =	por p5, p5;
	v21 =	vadd.s32 @p1 s20, v21;
	vm2 =	veq.s32 @p4 v14, v17;
	v14 =	vlaneseq.u32 @p1;
	s6 =	simm.s32 @p5 $0x1;
	s30 =	spop (v2sf)  }
0x2c9: {  	(xrf0) =	vadd.scan.msk.s32 @p3 $0xffff, v24;
	s8 =	simm.s32 @p1 $0x1;
	vm3 =	vlt.s32 @p1 v21, v9;
	v17 =	vor.u32 @p1 $0x80000000, v14;
	v23 =	vnsel @p4 vm2, $0x0, v13;
	[smem:$0x7DE] =	sst s6;
	s3 =	sadd.s32 s1, s30  }
0x2ca: {  	(v2sf) =	vpush v13, $0xF;
	v13, _, _ =	vpop @p5 (xrf0);
	v17 =	vsel @p1 vm3, $0x80000040, v17;
	(xrf2) =	vadd.scan.msk.f32 @p4 $0xffff, v23;
	s6 =	simm.s32 @!p0 $0x0;
	p5 =	seq.s32 s8, $0x0;
	p6 =	sge.s32 s3, s7  }
0x2cb: {  	v12 =	vnsel @p4 vm2, $0x0, v12;
	s6 =	simm.s32 @p0 $0x1;
	(v2sf) =	vpush @p0 v13, $0xF;
	(xrf0) =	vmin.scan.msk.u32 @p1 $0xffff, v17;
	p0 =	por !p5, !p6  }
0x2cc: {  	(xrf2) =	vadd.scan.msk.f32 $0xffff, v20;
	s3 =	simm.s32 @!p4 $0x0;
	p6 =	por !p0, !p0  }
0x2cd: {  	v13 =	vnsel @p4 vm2, $0x0, v16;
	(xrf0) =	vadd.scan.msk.s32 @p4 $0xffff, v12;
	s3 =	simm.s32 @p4 $0x1;
	p5 =	seq.s32 s31, $0x1;
	v10 =	vadd.s32 @p6 s1, v10;
	v16 =	vlaneseq.u32 @p6  }
0x2ce: {  	[smem:$0x7D9] =	sst s3;
	v12, _, _ =	vpop @p5 (xrf0);
	p0 =	por p4, p4;
	vm2 =	vlt.s32 @p6 v10, v9;
	v9 =	vor.u32 @p6 $0x80000000, v16  }
0x2cf: {  	v17, _, _ =	vpop @p5 (xrf2);
	s3 =	sld [smem:$0x7E6];
	s1 =	simm.s32 @!p3 $0x0;
	(v2sf) =	vpush @p3 v12, $0xF;
	(xrf0) =	vadd.scan.msk.s32 @p0 $0xffff, v13;
	v9 =	vsel @p6 vm2, $0x80000040, v9  }
0x2d0: {  	v12, _, _ =	vpop @p5 (xrf0);
	s1 =	simm.s32 @p3 $0x1;
	(v2sf) =	vpush @p3 v17, $0xF  }
0x2d1: {  	p2 =	por p1, p1;
	v13, _, _ =	vpop (xrf2);
	[smem:$0x7DC] =	sst s1;
	(v2sf) =	vpush @p3 v12, $0xF;
	s1 =	simm.s32 @!p1 $0x0;
	(xrf0) =	vmin.scan.msk.u32 @p6 $0xffff, v9  }
0x2d2: {  	p3 =	por p1, p1;
	(v2sf) =	vpush v13, $0xF;
	s1 =	simm.s32 @p1 $0x1;
	v9, _, _ =	vpop @p1 (xrf0);
	p1 =	seq.s32 s3, $0x1  }
0x2d3: {  	(v2sf) =	vpush @p3 v9, $0xF;
	v9, _, _ =	vpop @p1 (xrf0)  }
0x2d4: {  	v12, _, _ =	vpop @p1 (xrf2);
	(v2sf) =	vpush @p0 v9, $0xF  }
0x2d5: {  	v9, _, _ =	vpop @p1 (xrf0);
	(v2sf) =	vpush @p0 v12, $0xF  }
0x2d6: {  	[smem:$0x7E0] =	sst s1;
	s1 =	simm.s32 @!p0 $0x0;
	(v2sf) =	vpush @p0 v9, $0xF;
	v9, _, _ =	vpop (xrf2)  }
0x2d7: {  	[smem:$0x7D8] =	sst s6;
	s1 =	simm.s32 @p0 $0x1;
	v12, _, _ =	vpop @p6 (xrf0);
	p0 =	por p6, p6;
	(v2sf) =	vpush v9, $0xF  }
0x2d8: {  	s6 =	sld [smem:$0x7DE];
	(v2sf) =	vpush @p0 v12, $0xF;
	_ =	sdelay $0x1  }
0x2d9: {  	s8 =	sld [smem:$0x7D8]  }
0x2da: {  	s7 =	spop (v2sf);
	p4 =	seq.s32 s6, $0x1  }
0x2db: {  	s29 =	spop @p4 (v2sf)  }
0x2dc: {  	p4 =	seq.s32 s8, $0x1;
	[smem:$0x7DD] =	sst s1;
	s1 =	simm.s32 @!p6 $0x0  }
0x2dd: {  	p4 =	por p4, p4;
	s1 =	simm.s32 @p6 $0x1;
	s30 =	spop @p5 (v2sf)  }
0x2de: {  	[smem:$0x7DA] =	sst s1;
	s1 =	sxor.u32 @p4 $0x80000000, s29;
	s6 =	spop @p5 (v2sf)  }
0x2df: {  	v12 =	vmov @p4 s1;
	s25 =	spop @p5 (v2sf)  }
0x2e0: {  	vm2 =	veq.s32 @p4 v12, v22;
	s20 =	spop (v2sf)  }
0x2e1: {  	v12 =	vnsel @p4 vm2, $0x0, v13;
	s31 =	spop @p2 (v2sf)  }
0x2e2: {  	[dreg:$0xe] =	wrdreg s28;
	(xrf2) =	vadd.scan.msk.f32 @p4 $0xffff, v12;
	s28 =	spop @p1 (v2sf)  }
0x2e3: {  	(xrf2) =	vadd.scan.msk.f32 $0xffff, v19;
	s3 =	spop @p1 (v2sf)  }
0x2e4: {  	p2 =	por p3, p3;
	s26 =	spop @p1 (v2sf)  }
0x2e5: {  	s1 =	sxor.u32 @p2 $0x80000000, s31;
	s8 =	spop (v2sf)  }
0x2e6: {  	p0 =	por p0, p0;
	v12 =	vmov @p2 s1;
	s1 =	spop @p6 (v2sf)  }
0x2e7: {  	v8 =	vnsel @p4 vm2, $0x0, v8;
	vm3 =	veq.s32 @p2 v12, v14;
	s17 =	sxor.u32 @p0 $0x80000000, s1  }
0x2e8: {  	(xrf0) =	vadd.scan.msk.s32 @p4 $0xffff, v8;
	v8 =	vnsel @p2 vm3, $0x0, v9;
	v9 =	vmov @p0 s17;
	s17 =	sld [smem:$0x7DE];
	_ =	sdelay $0x2  }
0x2e9: {  	p5 =	por p4, p4;
	v12 =	vnsel @p4 vm2, $0x0, v18;
	p1 =	seq.s32 s17, $0x1  }
0x2ea: {  	(xrf0) =	vadd.scan.msk.s32 @p5 $0xffff, v12;
	v13, _, _ =	vpop @p1 (xrf2)  }
0x2eb: {  	vm2 =	veq.s32 @p0 v9, v16;
	(xrf2) =	vadd.scan.msk.f32 @p2 $0xffff, v8;
	v8 =	vnsel @p2 vm3, $0x0, v11;
	v11, _, _ =	vpop (xrf2)  }
0x2ec: {  	(xrf0) =	vadd.scan.msk.s32 @p2 $0xffff, v8;
	v8 =	vnsel @p0 vm2, $0x0, v11  }
0x2ed: {  	p6 =	por p2, p2;
	(xrf2) =	vadd.scan.msk.f32 @p0 $0xffff, v8;
	v8 =	vnsel @p2 vm3, $0x0, v21  }
0x2ee: {  	v9, _, _ =	vpop @p1 (xrf0);
	(xrf0) =	vadd.scan.msk.s32 @p6 $0xffff, v8;
	v8 =	vnsel @p0 vm2, $0x0, v15;
	_ =	sdelay $0x1  }
0x2ef: {  	s17 =	simm.s32 @!p5 $0x0  }
0x2f0: {  	s17 =	simm.s32 @p5 $0x1;
	(xrf0) =	vadd.scan.msk.s32 @p0 $0xffff, v8;
	v8, _, _ =	vpop @p1 (xrf0);
	p1 =	por p0, p0  }
0x2f1: {  	[smem:$0x7DF] =	sst s17;
	s17 =	simm.s32 @!p1 $0x0  }
0x2f2: {  	s17 =	simm.s32 @p1 $0x1  }
0x2f3: {  	[smem:$0x7DB] =	sst s17  }
0x2f4: {  	s17 =	sld [smem:$0x7E0]  }
0x2f5: {  	(v2sf) =	vpush @p5 v9, $0xF  }
0x2f6: {  	(v2sf) =	vpush @p5 v13, $0xF  }
0x2f7: {  	(v2sf) =	vpush @p5 v8, $0xF;
	p5 =	seq.s32 s17, $0x1;
	s17 =	sld [smem:$0x7E9];
	_ =	sdelay $0x2  }
0x2f8: {  	p3 =	seq.s32 s17, $0x1;
	s17 =	sld [smem:$0x7EA];
	_ =	sdelay $0x1  }
0x2f9: {  	v8 =	vnsel @p0 vm2, $0x0, v10  }
0x2fa: {  	(xrf0) =	vadd.scan.msk.s32 @p1 $0xffff, v8;
	p1 =	seq.s32 s17, $0x1  }
0x2fb: {  	p1 =	por p1, p1  }
0x2fc: {  	s2 =	sadd.f32 @p1 s22, s2  }
0x2fd: {  	s22 =	sld [smem:$0x7D9]  }
0x2fe: {  	s23 =	smov.u32 @p3 s5;
	s5 =	rddreg [dreg:$0x12]  }
0x2ff: {  	s4 =	sadd.s32 $0x10, s4;
	s0 =	smov.u32 @p3 s5;
	s17 =	sld [smem:$0x7DB]  }
0x300: {  	s0 =	smov.u32 @p1 s19;
	p3 =	seq.s32 s22, $0x1;
	s22 =	sld [smem:$0x7DC]  }
0x301: {  	s19 =	rddreg [dreg:$0xe];
	s23 =	smov.u32 @p1 s2;
	s5 =	sadd.s32 @p3 s4, s10  }
0x302: {  	s2 =	sadd.s32 $0x10, s4;
	s18 =	smov.u32 @p3 s5;
	s5 =	rddreg [dreg:$0x15]  }
0x303: {  	s10 =	sld [smem:$0x7DA];
	s9 =	smov.u32 @p1 s5;
	p1 =	seq.s32 s22, $0x1  }
0x304: {  	(v2sf) =	vpush v11, $0xF;
	v9, _, _ =	vpop @p5 (xrf0);
	s4 =	sadd.f32 s19, s24;
	s5 =	sadd.s32 @p4 s2, s29;
	p1 =	por p1, p1  }
0x305: {  	v8, _, _ =	vpop @p5 (xrf2);
	(v2sf) =	vpush @p6 v9, $0xF;
	s18 =	smov.u32 @p4 s5;
	s5 =	sadd.f32 @p1 s6, s24  }
0x306: {  	(v2sf) =	vpush @p6 v8, $0xF;
	v8, _, _ =	vpop @p5 (xrf0);
	p5 =	seq.s32 s10, $0x1;
	s24 =	sld [smem:$0x7DD]  }
0x307: {  	(v2sf) =	vpush @p6 v8, $0xF;
	p3 =	seq.s32 s17, $0x1;
	v8, _, _ =	vpop @p5 (xrf0)  }
0x308: {  	s2 =	sadd.s32 $0x10, s2;
	s29 =	sld [smem:$0x7DF];
	v9, _, _ =	vpop @p5 (xrf2);
	(v2sf) =	vpush @p3 v8, $0xF  }
0x309: {  	s9 =	smov.u32 @p1 s30;
	s0 =	smov.u32 @p1 s25;
	(v2sf) =	vpush @p3 v9, $0xF;
	p4 =	seq.s32 s24, $0x1  }
0x30a: {  	v8, _, _ =	vpop @p5 (xrf0);
	s23 =	smov.u32 @p1 s5;
	s5 =	sadd.s32 @p2 s2, s31;
	p4 =	por p4, p4  }
0x30b: {  	s2 =	sadd.s32 $0x10, s2;
	(v2sf) =	vpush @p3 v8, $0xF;
	s9 =	smov.u32 @p4 s28;
	s28 =	sld [smem:$0x7DE]  }
0x30c: {  	s18 =	smov.u32 @p2 s5;
	s1 =	sadd.s32 @p0 s2, s1;
	s3 =	sadd.f32 @p4 s3, s4  }
0x30d: {  	s18 =	smov.u32 @p0 s1;
	s0 =	smov.u32 @p4 s26  }
0x30e: {  	s23 =	smov.u32 @p4 s3;
	p4 =	seq.s32 s29, $0x1;
	p1 =	seq.s32 s28, $0x1  }
0x30f: {  	s3 =	sadd.f32 s7, s4;
	p0 =	por p4, p4;
	s1 =	spop @p1 (v2sf)  }
0x310: {  	s9 =	smov.u32 @p0 s1;
	s1 =	sld [smem:$0x7E0]  }
0x311: {  	s2 =	spop @p1 (v2sf)  }
0x312: {  	s5 =	spop @p1 (v2sf);
	s2 =	sadd.f32 @p0 s2, s3  }
0x313: {  	s31 =	simm.s32 $0x11020;
	s30 =	spop (v2sf);
	p1 =	seq.s32 s1, $0x1  }
0x314: {  	s4 =	sadd.f32 s20, s3;
	[tilespmem:s31+$0xFFFFFFF0] =	vst v0;
	s23 =	smov.u32 @p0 s2;
	s2 =	spop @p1 (v2sf)  }
0x315: {  	[tilespmem:s31+$0x0] =	vst v0;
	s0 =	smov.u32 @p0 s5;
	s5 =	spop @p1 (v2sf)  }
0x316: {  	[tilespmem:s31+$0x10] =	vst v0;
	s7 =	sadd.f32 s8, s4;
	p0 =	por p6, p6;
	s6 =	spop @p1 (v2sf)  }
0x317: {  	[tilespmem:s31+$0xFFFFFFE0] =	vst v0;
	s1 =	simm.s32 $0x11820;
	s4 =	sadd.f32 @p0 s5, s4;
	s5 =	spop @p5 (v2sf)  }
0x318: {  	[tilespmem:s1+$0xFFFFFFF0] =	vst v1;
	s9 =	smov.u32 @p0 s2;
	p1 =	por p3, p3;
	s2 =	spop @p5 (v2sf)  }
0x319: {  	s3 =	simm.s32 $0x11060;
	[tilespmem:s1+$0x0] =	vst v1;
	s0 =	smov.u32 @p0 s6;
	s2 =	sadd.f32 @p1 s2, s7  }
0x31a: {  	[tilespmem:s1+$0x10] =	vst v1;
	s23 =	smov.u32 @p0 s4;
	s9 =	smov.u32 @p1 s5;
	s4 =	spop @p5 (v2sf)  }
0x31b: {  	[tilespmem:s1+$0xFFFFFFE0] =	vst v1;
	s0 =	smov.u32 @p1 s4;
	s23 =	smov.u32 @p1 s2;
	s2 =	simm.s32 $0x0  }
.LBB2_20:
0x31c: {  	[tilespmem:s3+$0xFFFFFFF0] =	vst v0;
	s1 =	sadd.s32 $0x40, s1  }
0x31d: {  	s2 =	sadd.s32 $0x4, s2;
	[tilespmem:s1+$0xFFFFFFF0] =	vst v1  }
0x31e: {  	p0 =	slt.u32 s2, $0x7C;
	[tilespmem:s3+$0x0] =	vst v0  }
.Ltmp9:
0x31f: {  	[tilespmem:s1+$0x0] =	vst v1;
	(pc) =	sbr.rel @p0 .LBB2_20-.Ltmp9, $4  }
0x320: {  	[tilespmem:s3+$0x10] =	vst v0  }
0x321: {  	[tilespmem:s1+$0x10] =	vst v1  }
0x322: {  	[tilespmem:s3+$0xFFFFFFE0] =	vst v0  }
0x323: {  	s3 =	sadd.s32 $0x40, s3;
	[tilespmem:s1+$0xFFFFFFE0] =	vst v1  }
0x324: {  	s1 =	simm.s32 $0x40  }
0x325: {  	v16 =	vld [tilespmem:s1+$0xFFFFFFD0]  }
0x326: {  	v10 =	vld [tilespmem:s1+$0xFFFFFFF0];
	_ =	sdelay $0x1  }
0x327: {  	v14 =	vld [tilespmem:s1+$0x0]  }
0x328: {  	s2 =	rddreg [dreg:$0xb]  }
0x329: {  	s2 =	sshll.u32 s2, $0xB;
	v8 =	vshra.s32 v16, $0x1F  }
0x32a: {  	v9 =	vld [tilespmem:s1+$0xFFFFFFE0];
	s2 =	sor.u32 s2, s18;
	v11 =	vshra.s32 v10, $0x1F;
	v8 =	vand.u32 $0x7FFFFFFF, v8  }
0x32b: {  	v12 =	vld [tilespmem:s1+$0x20];
	v13 =	vmov s2;
	v15 =	vand.u32 $0x7FFFFFFF, v11;
	v8 =	vxor.u32 v16, v8  }
0x32c: {  	v18 =	vshra.s32 v14, $0x1F;
	v11 =	vld [tilespmem:s1+$0x10];
	v15 =	vxor.u32 v10, v15;
	v17 =	vshra.s32 v8, $0xA  }
0x32d: {  	v19 =	vshra.s32 v15, $0xA;
	vm3 =	veq.s32 v17, v13;
	v17 =	vand.u32 $0x7FFFFFFF, v18  }
0x32e: {  	v20 =	vand.u32 $0x3FF, v8;
	vm2 =	veq.s32 v19, v13;
	v8 =	vxor.u32 v14, v17  }
0x32f: {  	v18 =	vand.u32 $0x3FF, v15;
	v17 =	vshra.s32 v9, $0x1F;
	v23 =	vshra.s32 v8, $0xA  }
0x330: {  	v15 =	vand.u32 $0x7FFFFFFF, v17;
	v19 =	vand.u32 $0x3FF, v8;
	v8 =	vshra.s32 v12, $0x1F  }
0x331: {  	v17 =	vld [tilespmem:s1+$0xFFFFFFC0];
	v21 =	vxor.u32 v9, v15;
	v15 =	vshra.s32 v11, $0x1F;
	v8 =	vand.u32 $0x7FFFFFFF, v8  }
0x332: {  	vm6 =	veq.s32 v23, v13;
	v25 =	vand.u32 $0x7FFFFFFF, v15;
	v24 =	vxor.u32 v12, v8;
	v15 =	vld [tilespmem:s1+$0x30]  }
0x333: {  	s2 =	simm.s32 $0xC0;
	v22 =	vshra.s32 v21, $0xA;
	s1 =	simm.s32 $0x0;
	v23 =	vxor.u32 v11, v25;
	v25 =	vshra.s32 v24, $0xA;
	[tilespmem:v20+s15+$0x0] =	vst.idx.add.s32.msk vm3, v2  }
.LBB2_22:
0x334: {  	v8 =	vld [tilespmem:s2+$0xFFFFFFF0];
	s1 =	sadd.s32 $0x8, s1;
	v26 =	vshra.s32 v23, $0xA;
	vm7 =	veq.s32 v25, v13  }
0x335: {  	vm4 =	veq.s32 v22, v13;
	p0 =	slt.u32 s1, $0x7F8;
	[tilespmem:v20+s16+$0x0] =	vst.idx.add.f32.msk vm3, v16;
	vm5 =	veq.s32 v26, v13;
	v20 =	vand.u32 $0x3FF, v24  }
0x336: {  	v21 =	vand.u32 $0x3FF, v21;
	v22 =	vld [tilespmem:s2+$0xFFFFFFE0];
	v16 =	vshra.s32 v17, $0x1F  }
0x337: {  	v24 =	vld [tilespmem:s2+$0x10];
	v16 =	vand.u32 $0x7FFFFFFF, v16;
	v25 =	vshra.s32 v15, $0x1F  }
0x338: {  	v23 =	vand.u32 $0x3FF, v23;
	v26 =	vxor.u32 v17, v16;
	[tilespmem:v18+s15+$0x0] =	vst.idx.add.s32.msk vm2, v2;
	v16 =	vand.u32 $0x7FFFFFFF, v25  }
0x339: {  	v25 =	vshra.s32 v26, $0xA;
	[tilespmem:v19+s15+$0x0] =	vst.idx.add.s32.msk vm6, v2;
	v27 =	vxor.u32 v15, v16  }
0x33a: {  	vm3 =	veq.s32 v25, v13;
	[tilespmem:v19+s16+$0x0] =	vst.idx.add.f32.msk vm6, v14;
	v14 =	vshra.s32 v27, $0xA  }
0x33b: {  	v19 =	vand.u32 $0x3FF, v26;
	v16 =	vld [tilespmem:s2+$0xFFFFFFD0];
	vm6 =	veq.s32 v14, v13  }
0x33c: {  	v25 =	vld [tilespmem:s2+$0x20]  }
0x33d: {  	[tilespmem:v18+s16+$0x0] =	vst.idx.add.f32.msk vm2, v10;
	v10 =	vmov v8  }
0x33e: {  	[tilespmem:v20+s15+$0x0] =	vst.idx.add.s32.msk vm7, v2  }
0x33f: {  	v14 =	vld [tilespmem:s2+$0x0]  }
0x340: {  	v26 =	vand.u32 $0x3FF, v27;
	v8 =	vshra.s32 v10, $0x1F;
	[tilespmem:v19+s15+$0x0] =	vst.idx.add.s32.msk vm3, v2  }
0x341: {  	v8 =	vand.u32 $0x7FFFFFFF, v8;
	v18 =	vshra.s32 v16, $0x1F;
	[tilespmem:v20+s16+$0x0] =	vst.idx.add.f32.msk vm7, v12;
	v12 =	vmov v25  }
0x342: {  	v18 =	vand.u32 $0x7FFFFFFF, v18;
	v25 =	vxor.u32 v10, v8;
	[tilespmem:v23+s15+$0x0] =	vst.idx.add.s32.msk vm5, v2  }
0x343: {  	v18 =	vxor.u32 v16, v18;
	v27 =	vshra.s32 v25, $0xA;
	[tilespmem:v19+s16+$0x0] =	vst.idx.add.f32.msk vm3, v17  }
0x344: {  	v8 =	vshra.s32 v18, $0xA;
	v17 =	vshra.s32 v14, $0x1F;
	[tilespmem:v21+s15+$0x0] =	vst.idx.add.s32.msk vm4, v2  }
0x345: {  	vm3 =	veq.s32 v8, v13;
	v8 =	vimm.f32 $0.0e+00;
	v17 =	vand.u32 $0x7FFFFFFF, v17;
	[tilespmem:v23+s16+$0x0] =	vst.idx.add.f32.msk vm5, v11;
	v11 =	vmovc v24  }
0x346: {  	v20 =	vand.u32 $0x3FF, v18;
	vm2 =	veq.s32 v27, v13;
	v17 =	vxor.u32 v14, v17;
	[tilespmem:v26+s15+$0x0] =	vst.idx.add.s32.msk vm6, v2  }
.Ltmp10:
0x347: {  	v19 =	vshra.s32 v22, $0x1F;
	v18 =	vand.u32 $0x3FF, v25;
	v23 =	vshra.s32 v17, $0xA;
	[tilespmem:v26+s16+$0x0] =	vst.idx.add.f32.msk vm6, v15;
	(pc) =	sbr.rel @p0 .LBB2_22-.Ltmp10, $4  }
0x348: {  	v24 =	vshra.s32 v12, $0x1F;
	v15 =	vand.u32 $0x7FFFFFFF, v19;
	v19 =	vand.u32 $0x3FF, v17;
	[tilespmem:v21+s16+$0x0] =	vst.idx.add.f32.msk vm4, v9;
	v9 =	vmovc v22  }
0x349: {  	v24 =	vand.u32 $0x7FFFFFFF, v24;
	v17 =	vld [tilespmem:s2+$0xFFFFFFC0];
	v21 =	vxor.u32 v9, v15;
	v15 =	vshra.s32 v11, $0x1F  }
0x34a: {  	v24 =	vxor.u32 v12, v24;
	v22 =	vshra.s32 v21, $0xA;
	v25 =	vand.u32 $0x7FFFFFFF, v15;
	v15 =	vld [tilespmem:s2+$0x30]  }
0x34b: {  	s3 =	simm.s32 $0x12020;
	vm6 =	veq.s32 v23, v13;
	s2 =	sadd.s32 $0x80, s2;
	[tilespmem:v20+s15+$0x0] =	vst.idx.add.s32.msk vm3, v2;
	v23 =	vxor.u32 v11, v25;
	v25 =	vshra.s32 v24, $0xA  }
0x34c: {  	_ =	sdelay $0x4  }
0x34d: {  	vm4 =	veq.s32 v25, v13;
	[tilespmem:v20+s16+$0x0] =	vst.idx.add.f32.msk vm3, v16  }
0x34e: {  	v16 =	vand.u32 $0x3FF, v24;
	[tilespmem:v18+s15+$0x0] =	vst.idx.add.s32.msk vm2, v2;
	vm15 =	veq.s32 v22, v13  }
0x34f: {  	v20 =	vshra.s32 v23, $0xA;
	[tilespmem:v18+s16+$0x0] =	vst.idx.add.f32.msk vm2, v10;
	v10 =	vand.u32 $0x3FF, v21;
	v26 =	vshra.s32 v17, $0x1F  }
0x350: {  	vm5 =	veq.s32 v20, v13;
	v26 =	vand.u32 $0x7FFFFFFF, v26  }
0x351: {  	[tilespmem:v19+s15+$0x0] =	vst.idx.add.s32.msk vm6, v2;
	v62 =	vand.u32 $0x3FF, v23;
	v20 =	vshra.s32 v15, $0x1F;
	v26 =	vxor.u32 v17, v26  }
0x352: {  	[tilespmem:v19+s16+$0x0] =	vst.idx.add.f32.msk vm6, v14;
	v20 =	vand.u32 $0x7FFFFFFF, v20;
	v60 =	vshra.s32 v26, $0xA  }
0x353: {  	v14 =	vxor.u32 v15, v20;
	vm3 =	veq.s32 v60, v13;
	[tilespmem:v16+s15+$0x0] =	vst.idx.add.s32.msk vm4, v2  }
0x354: {  	v61 =	vand.u32 $0x3FF, v26;
	v18 =	vshra.s32 v14, $0xA;
	[tilespmem:v10+s15+$0x0] =	vst.idx.add.s32.msk vm15, v2  }
0x355: {  	vm2 =	veq.s32 v18, v13;
	[tilespmem:v16+s16+$0x0] =	vst.idx.add.f32.msk vm4, v12  }
0x356: {  	v13 =	vand.u32 $0x3FF, v14;
	[tilespmem:v62+s15+$0x0] =	vst.idx.add.s32.msk vm5, v2  }
0x357: {  	[tilespmem:v10+s16+$0x0] =	vst.idx.add.f32.msk vm15, v9  }
0x358: {  	[tilespmem:v62+s16+$0x0] =	vst.idx.add.f32.msk vm5, v11  }
0x359: {  	[tilespmem:v61+s15+$0x0] =	vst.idx.add.s32.msk vm3, v2  }
0x35a: {  	[tilespmem:v61+s16+$0x0] =	vst.idx.add.f32.msk vm3, v17  }
0x35b: {  	[tilespmem:v13+s15+$0x0] =	vst.idx.add.s32.msk vm2, v2  }
0x35c: {  	s1 =	simm.s32 $0x12420;
	[tilespmem:v13+s16+$0x0] =	vst.idx.add.f32.msk vm2, v15  }
0x35d: {  	v9 =	vld [tilespmem:s1+$0xFFFFFFE0];
	_ =	sdelay $0x1  }
0x35e: {  	v10 =	vld [tilespmem:s1+$0xFFFFFFF0]  }
0x35f: {  	v11 =	vld [tilespmem:s3+$0x10]  }
0x360: {  	v12 =	vld [tilespmem:s1+$0x0]  }
0x361: {  	v13 =	vld [tilespmem:s3+$0xFFFFFFE0];
	v9 =	vadd.f32 $0.0e+00, v9  }
0x362: {  	v14 =	vld [tilespmem:s1+$0x10]  }
0x363: {  	s30 =	simm.s32 $0x12460;
	v15 =	vld [tilespmem:s3+$0xFFFFFFF0];
	v9 =	vadd.f32 v10, v9  }
0x364: {  	v10 =	vld [tilespmem:s30+$0xFFFFFFE0]  }
0x365: {  	v16 =	vld [tilespmem:s3+$0x0];
	v9 =	vadd.f32 v12, v9  }
0x366: {  	s2 =	simm.s32 $0x12060;
	v12 =	vld [tilespmem:s30+$0xFFFFFFF0]  }
0x367: {  	v18 =	vld [tilespmem:s2+$0x10];
	v9 =	vadd.f32 v14, v9  }
0x368: {  	v14 =	vld [tilespmem:s30+$0x0]  }
0x369: {  	v17 =	vld [tilespmem:s2+$0xFFFFFFE0];
	v13 =	vadd.s32 v13, v15;
	v10 =	vadd.f32 $0.0e+00, v10;
	(xrf2) =	vadd.scan.msk.f32 $0xffff, v9  }
0x36a: {  	v13 =	vadd.s32 v16, v13;
	v9 =	vld [tilespmem:s30+$0x10]  }
0x36b: {  	s31 =	simm.s32 $0x124A0;
	v19 =	vld [tilespmem:s2+$0xFFFFFFF0];
	v11 =	vadd.s32 v11, v13;
	v10 =	vadd.f32 v12, v10  }
0x36c: {  	v13 =	vld [tilespmem:s31+$0xFFFFFFE0];
	(xrf0) =	vadd.scan.msk.s32 $0xffff, v11  }
0x36d: {  	v11 =	vld [tilespmem:s2+$0x0];
	v14 =	vadd.f32 v14, v10  }
0x36e: {  	s4 =	simm.s32 $0x120A0;
	v12 =	vld [tilespmem:s31+$0xFFFFFFF0]  }
0x36f: {  	v15 =	vld [tilespmem:s4+$0xFFFFFFE0];
	v14 =	vadd.f32 v9, v14  }
0x370: {  	v10 =	vld [tilespmem:s31+$0x0]  }
0x371: {  	v17 =	vadd.s32 v17, v19;
	v16 =	vld [tilespmem:s4+$0x10];
	v13 =	vadd.f32 $0.0e+00, v13;
	(xrf2) =	vadd.scan.msk.f32 $0xffff, v14  }
0x372: {  	v19 =	vadd.s32 v11, v17;
	v20, _, _ =	vpop (xrf0);
	v9 =	vld [tilespmem:s31+$0x10]  }
0x373: {  	s7 =	simm.s32 $0x0;
	s5 =	simm.s32 $0x1;
	s1 =	simm.s32 $0x124E0;
	v11 =	vimm.s32 $0x0;
	v17 =	vld [tilespmem:s4+$0xFFFFFFF0];
	v13 =	vadd.f32 v12, v13;
	v12 =	vadd.s32 v18, v19;
	v63, _, _ =	vpop (xrf2)  }
0x374: {  	s6 =	simm.s32 $0x4;
	s3 =	simm.s32 $0x2;
	s2 =	simm.s32 $0x3;
	v19 =	vmov s7;
	v18 =	vbroadcast v20, $0xF;
	v14 =	vld [tilespmem:s1+$0xFFFFFFE0];
	(xrf0) =	vadd.scan.msk.s32 $0xffff, v12;
	v12 =	vbroadcast v63, $0xF  }
.LBB2_24:
0x375: {  	p0 =	sne.s32 s6, $0xF;
	v20 =	vld [tilespmem:s4+$0x0];
	v10 =	vadd.f32 v10, v13;
	vm2 =	veq.s32 v19, v3;
	s7 =	smov.u32 s2;
	s2 =	smov.u32 s6  }
0x376: {  	s4 =	sadd.s32 $0x40, s4;
	v13 =	vld [tilespmem:s1+$0xFFFFFFF0];
	v11 =	vsel vm2, v18, v11;
	v8 =	vsel vm2, v12, v8  }
0x377: {  	v21 =	vld [tilespmem:s4+$0x10];
	v9 =	vadd.f32 v9, v10  }
.Ltmp11:
0x378: {  	v10 =	vld [tilespmem:s1+$0x0];
	(pc) =	sbr.rel @p0 .LBB2_24-.Ltmp11, $4  }
0x379: {  	v12 =	vadd.f32 $0.0e+00, v14;
	v14 =	vadd.s32 v15, v17;
	v15 =	vld [tilespmem:s4+$0xFFFFFFE0];
	(xrf2) =	vadd.scan.msk.f32 $0xffff, v9  }
0x37a: {  	v9 =	vld [tilespmem:s1+$0x10];
	v14 =	vadd.s32 v20, v14;
	v18, _, _ =	vpop (xrf0)  }
0x37b: {  	s1 =	sadd.s32 $0x40, s1;
	v17 =	vld [tilespmem:s4+$0xFFFFFFF0];
	v13 =	vadd.f32 v13, v12;
	v12 =	vadd.s32 v16, v14;
	v16, _, _ =	vpop (xrf2)  }
0x37c: {  	s6 =	sadd.s32 $0x1, s6;
	v19 =	vmov s5;
	s5 =	smov.u32 s3;
	s3 =	smov.u32 s7;
	v18 =	vbroadcast v18, $0xF;
	v14 =	vld [tilespmem:s1+$0xFFFFFFE0];
	(xrf0) =	vadd.scan.msk.s32 $0xffff, v12;
	v12 =	vbroadcast v16, $0xF;
	v16 =	vmovc v21  }
0x37d: {  	v20 =	vld [tilespmem:s4+$0x0];
	s17 =	sadd.s32 $0x40, s4  }
0x37e: {  	v21 =	vld [tilespmem:s17+$0xFFFFFFE0]  }
0x37f: {  	v22 =	vld [tilespmem:s17+$0xFFFFFFF0]  }
0x380: {  	v23 =	vld [tilespmem:s17+$0x0]  }
0x381: {  	v24 =	vld [tilespmem:s17+$0x10];
	_ =	sdelay $0x1  }
0x382: {  	v15 =	vadd.s32 v15, v17  }
0x383: {  	(v2sf) =	vpush v7, $0xF;
	v15 =	vadd.s32 v20, v15;
	v17 =	vadd.s32 v21, v22  }
0x384: {  	v7 =	vadd.s32 v16, v15;
	v15 =	vadd.s32 v23, v17  }
0x385: {  	(xrf0) =	vadd.scan.msk.s32 $0xffff, v7;
	v7 =	vadd.s32 v24, v15  }
0x386: {  	(xrf0) =	vadd.scan.msk.s32 $0xffff, v7;
	_ =	sdelay $0x1  }
0x387: {  	v15 =	vmov s5  }
0x388: {  	v7, _, _ =	vpop (xrf0)  }
0x389: {  	vm2 =	veq.s32 v19, v3;
	v7 =	vbroadcast v7, $0xF  }
0x38a: {  	v11 =	vsel vm2, v18, v11;
	vm3 =	veq.s32 v15, v3;
	v15, _, _ =	vpop (xrf0)  }
0x38b: {  	v7 =	vsel vm3, v7, v11;
	v11 =	vmov s3;
	v15 =	vbroadcast v15, $0xF;
	v16, _, _ =	vpop (xrf0)  }
0x38c: {  	vm4 =	veq.s32 v11, v3;
	v11 =	vmov s2;
	v16 =	vbroadcast v16, $0xF  }
0x38d: {  	v7 =	vsel vm4, v15, v7;
	vm5 =	veq.s32 v11, v3  }
0x38e: {  	v11 =	vsel vm5, v16, v7  }
0x38f: {  	(xrf0) =	vadd.scan.msk.s32 $0xffff, v11  }
0x390: {  	v7 =	vld [tilespmem:s1+$0xFFFFFFF0]  }
0x391: {  	s18 =	spop (v2sf)  }
0x392: {  	s19 =	rddreg [dreg:$0x8];
	v15 =	vld [tilespmem:s1+$0x0];
	s2 =	ssub.s32 s18, s0  }
0x393: {  	v14 =	vadd.f32 $0.0e+00, v14;
	s0 =	sadd.s32 s2, s19  }
0x394: {  	v16 =	vld [tilespmem:s1+$0x10];
	s0 =	sadd.s32 s9, s0  }
0x395: {  	s0 =	sadd.s32 $0xFFFFF334, s0;
	v14 =	vadd.f32 v7, v14;
	v7, _, _ =	vpop (xrf0)  }
0x396: {  	v10 =	vadd.f32 v10, v13;
	vm6 =	vlt.s32 v7, s0  }
0x397: {  	v14 =	vadd.f32 v15, v14;
	v13 =	vsel vm6, $0x80000040, v4  }
0x398: {  	v9 =	vadd.f32 v9, v10;
	(xrf0) =	vmin.scan.msk.u32 $0xffff, v13  }
0x399: {  	v10 =	vadd.f32 v16, v14  }
0x39a: {  	(xrf2) =	vadd.scan.msk.f32 $0xffff, v9  }
0x39b: {  	(xrf2) =	vadd.scan.msk.f32 $0xffff, v10;
	_ =	sdelay $0x2  }
0x39c: {  	v9, _, _ =	vpop (xrf0)  }
0x39d: {  	(v2sf) =	vpush v9, $0xF;
	_ =	sdelay $0x3  }
0x39e: {  	v9, _, _ =	vpop (xrf2)  }
0x39f: {  	v9 =	vbroadcast v9, $0xF;
	v10, _, _ =	vpop (xrf2)  }
0x3a0: {  	v8 =	vsel vm2, v12, v8;
	v10 =	vbroadcast v10, $0xF;
	v12, _, _ =	vpop (xrf2)  }
0x3a1: {  	v8 =	vsel vm3, v9, v8;
	v9 =	vbroadcast v12, $0xF  }
0x3a2: {  	v8 =	vsel vm4, v10, v8  }
0x3a3: {  	v10 =	vsel vm5, v9, v8  }
0x3a4: {  	(xrf2) =	vadd.scan.msk.f32 $0xffff, v10;
	_ =	sdelay $0x4  }
0x3a5: {  	s20 =	spop (v2sf)  }
0x3a6: {  	s22 =	sshll.u32 s20, $0x8  }
0x3a7: {  	s24 =	sshra.s32 s22, $0x2  }
0x3a8: {  	[dreg:$0x9] =	wrdreg s2;
	s2 =	sadd.s32 $0x12000, s24  }
0x3a9: {  	v9 =	vmov s2  }
0x3aa: {  	s1 =	sxor.u32 $0x80000000, s20;
	v8, _, _ =	vpop (xrf2)  }
0x3ab: {  	v12 =	vmov s1;
	v10 =	vsub.f32 v8, v10  }
0x3ac: {  	vm2 =	veq.s32 v12, v3  }
0x3ad: {  	s25 =	simm.s32 $0x0;
	v10 =	vnsel vm2, $0x0, v10  }
0x3ae: {  	(xrf2) =	vadd.scan.msk.f32 $0xffff, v10;
	v13 =	vld.idx.msk [tilespmem:v9+s25+$0x0 ss:$0x1], $0xffff  }
0x3af: {  	v10 =	vsub.s32 v7, v11  }
0x3b0: {  	v10 =	vnsel vm2, $0x0, v10  }
0x3b1: {  	(xrf0) =	vadd.scan.msk.s32 $0xffff, v10;
	_ =	sdelay $0x1  }
0x3b2: {  	(xrf0) =	vadd.scan.msk.s32 $0xffff, v13;
	_ =	sdelay $0x3  }
0x3b3: {  	v10, _, _ =	vpop (xrf0)  }
0x3b4: {  	(v2sf) =	vpush v10, $0xF;
	v10, _, _ =	vpop (xrf2)  }
0x3b5: {  	(v2sf) =	vpush v10, $0xF;
	v10, _, _ =	vpop (xrf0)  }
0x3b6: {  	(v2sf) =	vpush v10, $0xF;
	_ =	sdelay $0xc  }
0x3b7: {  	s4 =	spop (v2sf)  }
0x3b8: {  	s2 =	spop (v2sf)  }
0x3b9: {  	s26 =	spop (v2sf)  }
0x3ba: {  	s5 =	sadd.s32 s4, s26  }
0x3bb: {  	p0 =	por $0x1, $0x1;
	p1 =	sge.s32 s5, s0  }
0x3bc: {  	p0 =	por !p0, !p1  }
0x3bd: {  	p0 =	por !p0, !p0  }
0x3be: {  	s6 =	simm.s32 $0x10;
	v11 =	vmov s0;
	v14 =	vadd.s32 @p0 s4, v10;
	v15 =	vlaneseq.u32 @p0  }
0x3bf: {  	v12 =	vld.idx.msk [tilespmem:v9+s6+$0x0 ss:$0x1], $0xffff;
	vm2 =	vlt.s32 @p0 v14, v11;
	v10 =	vor.u32 @p0 $0x80000000, v15  }
0x3c0: {  	v10 =	vsel @p0 vm2, $0x80000040, v10  }
0x3c1: {  	(xrf0) =	vmin.scan.msk.u32 @p0 $0xffff, v10;
	_ =	sdelay $0x2  }
0x3c2: {  	(xrf0) =	vadd.scan.msk.s32 $0xffff, v12;
	_ =	sdelay $0x2  }
0x3c3: {  	s3 =	sadd.s32 $0x12400, s24;
	v16, _, _ =	vpop @p0 (xrf0)  }
0x3c4: {  	v10 =	vmov s3;
	(v2sf) =	vpush @p0 v16, $0xF;
	_ =	sdelay $0x1  }
0x3c5: {  	v16, _, _ =	vpop (xrf0)  }
0x3c6: {  	(v2sf) =	vpush v16, $0xF;
	_ =	sdelay $0x1  }
0x3c7: {  	v17 =	vld.idx.msk [tilespmem:v10+s25+$0x0 ss:$0x1], $0xffff;
	_ =	sdelay $0x4  }
0x3c8: {  	(xrf2) =	vadd.scan.msk.f32 $0xffff, v17;
	_ =	sdelay $0x4  }
0x3c9: {  	s1 =	spop @p0 (v2sf)  }
0x3ca: {  	s1 =	sxor.u32 @p0 $0x80000000, s1  }
0x3cb: {  	v18 =	vmov @p0 s1  }
0x3cc: {  	s3 =	simm.s32 $0x0;
	s30 =	spop (v2sf)  }
0x3cd: {  	s3 =	simm.s32 @p0 $0x1;
	s4 =	sadd.s32 s5, s30  }
0x3ce: {  	p6 =	seq.s32 s3, $0x0;
	vm2 =	veq.s32 @p0 v18, v15;
	p2 =	sge.s32 s4, s0;
	v18, _, _ =	vpop (xrf2)  }
0x3cf: {  	p1 =	por !p6, !p2;
	v15 =	vnsel @p0 vm2, $0x0, v18  }
0x3d0: {  	v13 =	vnsel @p0 vm2, $0x0, v13;
	p2 =	por !p1, !p1;
	p1 =	por p0, p0;
	(xrf2) =	vadd.scan.msk.f32 @p0 $0xffff, v15  }
0x3d1: {  	(xrf0) =	vadd.scan.msk.s32 @p1 $0xffff, v13  }
0x3d2: {  	v19 =	vnsel @p0 vm2, $0x0, v14;
	v14 =	vadd.s32 @p2 s5, v16;
	v15 =	vlaneseq.u32 @p2  }
0x3d3: {  	vm3 =	vlt.s32 @p2 v14, v11;
	(xrf0) =	vadd.scan.msk.s32 @p1 $0xffff, v19;
	v13 =	vor.u32 @p2 $0x80000000, v15  }
0x3d4: {  	v13 =	vsel @p2 vm3, $0x80000040, v13  }
0x3d5: {  	(xrf0) =	vmin.scan.msk.u32 @p2 $0xffff, v13;
	_ =	sdelay $0x1  }
0x3d6: {  	(v2sf) =	vpush v18, $0xF;
	v13, _, _ =	vpop @p0 (xrf0)  }
0x3d7: {  	(v2sf) =	vpush @p1 v13, $0xF  }
0x3d8: {  	v16, _, _ =	vpop @p0 (xrf0)  }
0x3d9: {  	s5 =	simm.s32 $0x20;
	(v2sf) =	vpush @p1 v16, $0xF;
	v13, _, _ =	vpop @p0 (xrf2)  }
0x3da: {  	v16, _, _ =	vpop @p2 (xrf0);
	(v2sf) =	vpush @p1 v13, $0xF;
	v13 =	vld.idx.msk [tilespmem:v9+s5+$0x0 ss:$0x1], $0xffff  }
0x3db: {  	(v2sf) =	vpush @p2 v16, $0xF;
	v16 =	vnsel @p0 vm2, $0x0, v17  }
0x3dc: {  	(xrf2) =	vadd.scan.msk.f32 @p1 $0xffff, v16;
	_ =	sdelay $0x2  }
0x3dd: {  	(xrf0) =	vadd.scan.msk.s32 $0xffff, v13;
	_ =	sdelay $0x5  }
0x3de: {  	s31 =	spop (v2sf);
	v17, _, _ =	vpop (xrf0)  }
0x3df: {  	v16 =	vld.idx.msk [tilespmem:v10+s6+$0x0 ss:$0x1], $0xffff;
	s6 =	spop @p0 (v2sf);
	(v2sf) =	vpush v17, $0xF;
	v18, _, _ =	vpop @p0 (xrf2)  }
0x3e0: {  	(v2sf) =	vpush @p1 v18, $0xF;
	_ =	sdelay $0x5  }
0x3e1: {  	(xrf2) =	vadd.scan.msk.f32 $0xffff, v16;
	_ =	sdelay $0x1  }
0x3e2: {  	s28 =	simm.s32 $0x0;
	s29 =	simm.s32 $0x0;
	s7 =	simm.s32 $0xC0  }
0x3e3: {  	s26 =	simm.f32 $0.0e+00;
	s28 =	smov.u32 @p1 s6;
	s6 =	spop @p0 (v2sf)  }
0x3e4: {  	s1 =	sadd.f32 s31, s2;
	s29 =	smov.u32 @p1 s6;
	s6 =	spop @p0 (v2sf)  }
0x3e5: {  	s25 =	simm.f32 $0.0e+00;
	s3 =	simm.s32 @p2 $0x1;
	s9 =	spop @p2 (v2sf)  }
0x3e6: {  	s8 =	sadd.f32 @p1 s6, s2;
	s6 =	smov.u32 s4;
	s2 =	smov.u32 s1  }
.LBB2_26:
0x3e7: {  	p3 =	por p0, p0;
	p0 =	por p2, p2;
	s9 =	sxor.u32 @p2 $0x80000000, s9  }
0x3e8: {  	s17 =	smov.u32 s7;
	s7 =	sadd.s32 $0x40, s7;
	s10 =	spop (v2sf)  }
0x3e9: {  	v18 =	vmov @p2 s9;
	s25 =	smov.u32 @p1 s8;
	s4 =	sadd.s32 s4, s10;
	s8 =	spop @p3 (v2sf)  }
0x3ea: {  	p2 =	seq.s32 s3, $0x0;
	vm2 =	veq.s32 @p0 v18, v15;
	p4 =	sge.s32 s4, s0;
	v15, _, _ =	vpop (xrf2);
	s26 =	smov.u32 @p1 s8  }
0x3eb: {  	p3 =	sne.s32 s7, $0x100;
	s8 =	sshra.s32 s17, $0x2;
	v18 =	vnsel @p0 vm2, $0x0, v14;
	v16 =	vnsel @p0 vm2, $0x0, v16;
	p2 =	por !p2, !p4;
	v14 =	vnsel @p0 vm2, $0x0, v15  }
0x3ec: {  	v19 =	vnsel @p0 vm2, $0x0, v12;
	v12 =	vmovc v13;
	p1 =	por p0, p0;
	(v2sf) =	vpush v15, $0xF;
	(xrf2) =	vadd.scan.msk.f32 @p0 $0xffff, v14;
	v13 =	vld.idx.msk [tilespmem:v9+s8+$0x0 ss:$0x1], $0xffff;
	p2 =	por !p2, !p2  }
0x3ed: {  	s3 =	simm.s32 @p2 $0x1;
	v14 =	vadd.s32 @p2 s6, v17;
	v15 =	vlaneseq.u32 @p2;
	(xrf0) =	vadd.scan.msk.s32 @p1 $0xffff, v19;
	s6 =	smov.u32 s4  }
0x3ee: {  	vm2 =	vlt.s32 @p2 v14, v11;
	v17 =	vor.u32 @p2 $0x80000000, v15;
	(xrf0) =	vadd.scan.msk.s32 @p1 $0xffff, v18  }
0x3ef: {  	v17 =	vsel @p2 vm2, $0x80000040, v17;
	(xrf2) =	vadd.scan.msk.f32 @p1 $0xffff, v16;
	_ =	sdelay $0x1  }
0x3f0: {  	(xrf0) =	vmin.scan.msk.u32 @p2 $0xffff, v17  }
0x3f1: {  	(xrf0) =	vadd.scan.msk.s32 $0xffff, v13  }
0x3f2: {  	v16, _, _ =	vpop @p0 (xrf0)  }
0x3f3: {  	v17, _, _ =	vpop @p0 (xrf0);
	(v2sf) =	vpush @p1 v16, $0xF  }
0x3f4: {  	(v2sf) =	vpush @p1 v17, $0xF  }
0x3f5: {  	v16, _, _ =	vpop @p0 (xrf2)  }
0x3f6: {  	v18, _, _ =	vpop @p2 (xrf0);
	(v2sf) =	vpush @p1 v16, $0xF  }
0x3f7: {  	v17, _, _ =	vpop (xrf0);
	(v2sf) =	vpush @p2 v18, $0xF  }
0x3f8: {  	(v2sf) =	vpush v17, $0xF;
	v18, _, _ =	vpop @p0 (xrf2)  }
0x3f9: {  	v16 =	vld.idx.msk [tilespmem:v10+s5+$0x0 ss:$0x1], $0xffff;
	(v2sf) =	vpush @p1 v18, $0xF;
	s5 =	smov.u32 s8  }
0x3fa: {  	s8 =	spop (v2sf)  }
0x3fb: {  	s1 =	sadd.f32 s8, s1;
	_ =	sdelay $0x3  }
0x3fc: {  	(xrf2) =	vadd.scan.msk.f32 $0xffff, v16;
	_ =	sdelay $0x2  }
.Ltmp12:
0x3fd: {  	s8 =	spop @p0 (v2sf);
	(pc) =	sbr.rel @p3 .LBB2_26-.Ltmp12, $4  }
0x3fe: {  	s28 =	smov.u32 @p1 s8;
	s8 =	spop @p0 (v2sf)  }
0x3ff: {  	s29 =	smov.u32 @p1 s8  }
0x400: {  	s8 =	spop @p0 (v2sf)  }
0x401: {  	s9 =	spop @p2 (v2sf);
	s8 =	sadd.f32 @p1 s8, s2;
	s2 =	smov.u32 s1  }
0x402: {  	s7 =	sxor.u32 @p2 $0x80000000, s9  }
0x403: {  	v9 =	vmov @p2 s7;
	_ =	sdelay $0x1  }
0x404: {  	s22 =	spop (v2sf)  }
0x405: {  	s4 =	sadd.s32 s4, s22;
	vm2 =	veq.s32 @p2 v9, v15;
	v9, _, _ =	vpop (xrf2)  }
0x406: {  	p3 =	seq.s32 s3, $0x0;
	p4 =	sge.s32 s4, s0;
	v15 =	vnsel @p2 vm2, $0x0, v9  }
0x407: {  	p3 =	por !p3, !p4;
	(xrf2) =	vadd.scan.msk.f32 @p2 $0xffff, v15  }
0x408: {  	v12 =	vnsel @p2 vm2, $0x0, v12;
	p4 =	por p2, p2;
	p3 =	por !p3, !p3  }
0x409: {  	v14 =	vnsel @p2 vm2, $0x0, v14;
	(xrf0) =	vadd.scan.msk.s32 @p4 $0xffff, v12;
	v15 =	vadd.s32 @p3 s6, v17;
	v17 =	vlaneseq.u32 @p3  }
0x40a: {  	(xrf0) =	vadd.scan.msk.s32 @p4 $0xffff, v14;
	vm3 =	vlt.s32 @p3 v15, v11;
	v11 =	vor.u32 @p3 $0x80000000, v17  }
0x40b: {  	v11 =	vsel @p3 vm3, $0x80000040, v11  }
0x40c: {  	(xrf0) =	vmin.scan.msk.u32 @p3 $0xffff, v11;
	_ =	sdelay $0x2  }
0x40d: {  	(v2sf) =	vpush v9, $0xF;
	v9, _, _ =	vpop @p2 (xrf0)  }
0x40e: {  	v11, _, _ =	vpop @p2 (xrf0);
	(v2sf) =	vpush @p4 v9, $0xF  }
0x40f: {  	(v2sf) =	vpush @p4 v11, $0xF;
	v9, _, _ =	vpop @p2 (xrf2)  }
0x410: {  	v11, _, _ =	vpop @p3 (xrf0);
	(v2sf) =	vpush @p4 v9, $0xF  }
0x411: {  	(v2sf) =	vpush @p3 v11, $0xF;
	_ =	sdelay $0x4  }
0x412: {  	v9 =	vld.idx.msk [tilespmem:v10+s5+$0x0 ss:$0x1], $0xffff;
	_ =	sdelay $0x2  }
0x413: {  	v10 =	vnsel @p2 vm2, $0x0, v16  }
0x414: {  	(xrf2) =	vadd.scan.msk.f32 @p4 $0xffff, v10  }
0x415: {  	s0 =	spop @p0 (v2sf);
	(xrf2) =	vadd.scan.msk.f32 $0xffff, v9  }
0x416: {  	s24 =	spop (v2sf)  }
0x417: {  	s4 =	spop @p2 (v2sf)  }
0x418: {  	s5 =	spop @p2 (v2sf)  }
0x419: {  	s6 =	spop @p2 (v2sf)  }
0x41a: {  	s7 =	spop @p3 (v2sf)  }
0x41b: {  	s7 =	sxor.u32 @p3 $0x80000000, s7  }
0x41c: {  	v11 =	vmov @p3 s7;
	_ =	sdelay $0x1  }
0x41d: {  	v10, _, _ =	vpop @p2 (xrf2)  }
0x41e: {  	vm2 =	veq.s32 @p3 v11, v17;
	v11, _, _ =	vpop (xrf2)  }
0x41f: {  	v12 =	vnsel @p3 vm2, $0x0, v11  }
0x420: {  	p0 =	por p3, p3;
	v13 =	vnsel @p3 vm2, $0x0, v13;
	(xrf2) =	vadd.scan.msk.f32 @p3 $0xffff, v12  }
0x421: {  	(xrf0) =	vadd.scan.msk.s32 @p0 $0xffff, v13;
	v12 =	vnsel @p3 vm2, $0x0, v15  }
0x422: {  	v9 =	vnsel @p3 vm2, $0x0, v9;
	(xrf0) =	vadd.scan.msk.s32 @p0 $0xffff, v12  }
0x423: {  	(xrf2) =	vadd.scan.msk.f32 @p0 $0xffff, v9;
	_ =	sdelay $0x3  }
0x424: {  	(v2sf) =	vpush @p4 v10, $0xF  }
0x425: {  	(v2sf) =	vpush v11, $0xF;
	v9, _, _ =	vpop @p3 (xrf0)  }
0x426: {  	(v2sf) =	vpush @p0 v9, $0xF;
	v10, _, _ =	vpop @p3 (xrf0)  }
0x427: {  	(v2sf) =	vpush @p0 v10, $0xF;
	v9, _, _ =	vpop @p3 (xrf2)  }
0x428: {  	(v2sf) =	vpush @p0 v9, $0xF;
	_ =	sdelay $0x1  }
0x429: {  	v9, _, _ =	vpop @p3 (xrf2)  }
0x42a: {  	(v2sf) =	vpush @p0 v9, $0xF;
	_ =	sdelay $0x7  }
0x42b: {  	s30 =	simm.s32 $0x12020;
	s3 =	spop @p2 (v2sf)  }
0x42c: {  	s25 =	smov.u32 @p1 s8;
	s26 =	smov.u32 @p1 s0;
	[tilespmem:s30+$0xFFFFFFF0] =	vst v0;
	s31 =	spop (v2sf)  }
0x42d: {  	[tilespmem:s30+$0x0] =	vst v0;
	s28 =	smov.u32 @p4 s4;
	s2 =	sadd.f32 @p4 s6, s2;
	s4 =	spop @p3 (v2sf)  }
0x42e: {  	[tilespmem:s30+$0x10] =	vst v0;
	s1 =	sadd.f32 s24, s1;
	s29 =	smov.u32 @p4 s5;
	s5 =	spop @p3 (v2sf)  }
0x42f: {  	s0 =	simm.s32 $0x12420;
	[tilespmem:s30+$0xFFFFFFE0] =	vst v0;
	s25 =	smov.u32 @p4 s2;
	s2 =	spop @p3 (v2sf)  }
0x430: {  	[tilespmem:s0+$0xFFFFFFF0] =	vst v1;
	s1 =	sadd.f32 @p0 s2, s1  }
0x431: {  	[tilespmem:s0+$0x0] =	vst v1;
	s26 =	smov.u32 @p4 s3;
	s28 =	smov.u32 @p0 s4  }
0x432: {  	[tilespmem:s0+$0x10] =	vst v1;
	s29 =	smov.u32 @p0 s5;
	s25 =	smov.u32 @p0 s1;
	s1 =	spop @p3 (v2sf)  }
0x433: {  	[tilespmem:s0+$0xFFFFFFE0] =	vst v1;
	s2 =	simm.s32 $0x12060;
	s26 =	smov.u32 @p0 s1;
	s1 =	simm.s32 $0x0  }
.LBB2_28:
0x434: {  	[tilespmem:s2+$0xFFFFFFF0] =	vst v0;
	s0 =	sadd.s32 $0x40, s0  }
0x435: {  	s1 =	sadd.s32 $0x4, s1;
	[tilespmem:s0+$0xFFFFFFF0] =	vst v1  }
0x436: {  	p0 =	slt.u32 s1, $0x3C;
	[tilespmem:s2+$0x0] =	vst v0  }
.Ltmp13:
0x437: {  	[tilespmem:s0+$0x0] =	vst v1;
	(pc) =	sbr.rel @p0 .LBB2_28-.Ltmp13, $4  }
0x438: {  	[tilespmem:s2+$0x10] =	vst v0  }
0x439: {  	[tilespmem:s0+$0x10] =	vst v1  }
0x43a: {  	[tilespmem:s2+$0xFFFFFFE0] =	vst v0  }
0x43b: {  	s2 =	sadd.s32 $0x40, s2;
	[tilespmem:s0+$0xFFFFFFE0] =	vst v1  }
0x43c: {  	s0 =	simm.s32 $0x2  }
0x43d: {  	_ =	swait.ge [sflag:s0], $0x8000  }
0x43e: {  	[sflag:s0] =	ssyncset.done $0x0  }
0x43f: {  	s31 =	simm.s32 $0x8040;
	[sflag:s0] =	ssyncadd.s32 $0xFFFF8000  }
0x440: {  	v9 =	vld [tilespmem:s31+$0x30]  }
0x441: {  	v14 =	vld [tilespmem:s31+$0xFFFFFFD0]  }
0x442: {  	v13 =	vld [tilespmem:s31+$0xFFFFFFE0]  }
0x443: {  	v16 =	vld [tilespmem:s31+$0xFFFFFFF0]  }
0x444: {  	v10 =	vld [tilespmem:s31+$0xFFFFFFC0]  }
0x445: {  	v11 =	vld [tilespmem:s31+$0x0]  }
0x446: {  	v12 =	vld [tilespmem:s31+$0x10];
	_ =	sdelay $0x1  }
0x447: {  	v15 =	vshra.s32 v9, $0x1F  }
0x448: {  	v17 =	vshra.s32 v14, $0x1F;
	v19 =	vshra.s32 v13, $0x1F;
	v20 =	vshra.s32 v16, $0x1F  }
0x449: {  	v21 =	vshra.s32 v10, $0x1F;
	v22 =	vshra.s32 v11, $0x1F;
	v18 =	vand.u32 $0x7FE00000, v15  }
0x44a: {  	v23 =	vshra.s32 v12, $0x1F;
	v15 =	vld [tilespmem:s31+$0x20];
	v17 =	vand.u32 $0x7FE00000, v17;
	v18 =	vxor.u32 v9, v18  }
0x44b: {  	v19 =	vand.u32 $0x7FE00000, v19;
	v21 =	vand.u32 $0x7FE00000, v21;
	v18 =	vshra.s32 v18, $0x15  }
0x44c: {  	v20 =	vand.u32 $0x7FE00000, v20;
	v21 =	vxor.u32 v10, v21;
	v18 =	vadd.s32 $0x400, v18  }
0x44d: {  	v22 =	vand.u32 $0x7FE00000, v22;
	v17 =	vxor.u32 v14, v17;
	v21 =	vshra.s32 v21, $0x15  }
0x44e: {  	v19 =	vxor.u32 v13, v19;
	v20 =	vxor.u32 v16, v20;
	v25 =	vadd.s32 $0x400, v21  }
0x44f: {  	v22 =	vxor.u32 v11, v22;
	v17 =	vshra.s32 v17, $0x15;
	v24 =	vshra.s32 v15, $0x1F  }
0x450: {  	v20 =	vshra.s32 v20, $0x15;
	v21 =	vand.u32 $0x7FE00000, v23;
	v23 =	vand.u32 $0x7FE00000, v24  }
0x451: {  	v19 =	vshra.s32 v19, $0x15;
	v20 =	vadd.s32 $0x400, v20;
	v23 =	vxor.u32 v15, v23;
	[tilespmem:v18+s11+$0x0] =	vst.idx.add.s32.msk $0xffff, v2  }
0x452: {  	v21 =	vxor.u32 v12, v21;
	v23 =	vshra.s32 v23, $0x15;
	[tilespmem:v18+s12+$0x0] =	vst.idx.add.f32.msk $0xffff, v9;
	v9 =	vshra.s32 v22, $0x15  }
0x453: {  	[tilespmem:v25+s11+$0x0] =	vst.idx.add.s32.msk $0xffff, v2;
	v18 =	vshra.s32 v21, $0x15;
	v22 =	vadd.s32 $0x400, v17;
	v21 =	vadd.s32 $0x400, v19  }
0x454: {  	s2 =	simm.s32 $0x80C0;
	s0 =	simm.s32 $0x0;
	v17 =	vadd.s32 $0x400, v23;
	[tilespmem:v25+s12+$0x0] =	vst.idx.add.f32.msk $0xffff, v10;
	v19 =	vadd.s32 $0x400, v9;
	v18 =	vadd.s32 $0x400, v18  }
.LBB2_30:
0x455: {  	v23 =	vld [tilespmem:s2+$0x30]  }
0x456: {  	s0 =	sadd.s32 $0x8, s0;
	v24 =	vld [tilespmem:s2+$0xFFFFFFD0]  }
0x457: {  	p0 =	slt.u32 s0, $0x7F8;
	v25 =	vld [tilespmem:s2+$0xFFFFFFE0]  }
0x458: {  	v26 =	vld [tilespmem:s2+$0xFFFFFFF0]  }
0x459: {  	v27 =	vld [tilespmem:s2+$0x0]  }
0x45a: {  	v9 =	vimm.f32 $0.0e+00;
	v28 =	vld [tilespmem:s2+$0x10];
	v29 =	vshra.s32 v23, $0x1F  }
0x45b: {  	v10 =	vimm.s32 $0x0;
	v30 =	vshra.s32 v24, $0x1F;
	v31 =	vld [tilespmem:s2+$0x20];
	v29 =	vand.u32 $0x7FE00000, v29  }
0x45c: {  	v32 =	vld [tilespmem:s2+$0xFFFFFFC0];
	v30 =	vand.u32 $0x7FE00000, v30;
	v33 =	vshra.s32 v25, $0x1F;
	v29 =	vxor.u32 v23, v29  }
0x45d: {  	v33 =	vand.u32 $0x7FE00000, v33;
	v34 =	vshra.s32 v26, $0x1F;
	v29 =	vshra.s32 v29, $0x15;
	[tilespmem:v22+s11+$0x0] =	vst.idx.add.s32.msk $0xffff, v2  }
0x45e: {  	v34 =	vand.u32 $0x7FE00000, v34;
	v35 =	vshra.s32 v27, $0x1F;
	v29 =	vadd.s32 $0x400, v29;
	[tilespmem:v22+s12+$0x0] =	vst.idx.add.f32.msk $0xffff, v14;
	v14 =	vmovc v24  }
0x45f: {  	v22 =	vxor.u32 v14, v30;
	v24 =	vand.u32 $0x7FE00000, v35;
	v30 =	vshra.s32 v28, $0x1F;
	[tilespmem:v21+s11+$0x0] =	vst.idx.add.s32.msk $0xffff, v2  }
0x460: {  	v33 =	vxor.u32 v25, v33;
	v30 =	vand.u32 $0x7FE00000, v30;
	v35 =	vshra.s32 v31, $0x1F;
	[tilespmem:v21+s12+$0x0] =	vst.idx.add.f32.msk $0xffff, v13;
	v13 =	vmovc v25  }
0x461: {  	v25 =	vxor.u32 v26, v34;
	v21 =	vshra.s32 v32, $0x1F;
	v34 =	vand.u32 $0x7FE00000, v35;
	[tilespmem:v20+s11+$0x0] =	vst.idx.add.s32.msk $0xffff, v2  }
0x462: {  	v24 =	vxor.u32 v27, v24;
	v30 =	vxor.u32 v28, v30;
	v21 =	vand.u32 $0x7FE00000, v21;
	[tilespmem:v20+s12+$0x0] =	vst.idx.add.f32.msk $0xffff, v16  }
0x463: {  	v20 =	vshra.s32 v22, $0x15;
	v35 =	vxor.u32 v32, v21;
	v21 =	vxor.u32 v31, v34;
	[tilespmem:v29+s11+$0x0] =	vst.idx.add.s32.msk $0xffff, v2  }
0x464: {  	s1 =	simm.s32 $0x0;
	s3 =	simm.s32 $0x10040;
	s4 =	simm.s32 $0x10840;
	v33 =	vshra.s32 v33, $0x15;
	v25 =	vshra.s32 v25, $0x15;
	v16 =	vmovc v26;
	v22 =	vshra.s32 v35, $0x15;
	[tilespmem:v29+s12+$0x0] =	vst.idx.add.f32.msk $0xffff, v23  }
0x465: {  	v23 =	vshra.s32 v24, $0x15;
	v24 =	vshra.s32 v30, $0x15;
	v26 =	vshra.s32 v21, $0x15;
	[tilespmem:v19+s11+$0x0] =	vst.idx.add.s32.msk $0xffff, v2  }
0x466: {  	v21 =	vadd.s32 $0x400, v33;
	v29 =	vadd.s32 $0x400, v22;
	v22 =	vadd.s32 $0x400, v20;
	[tilespmem:v19+s12+$0x0] =	vst.idx.add.f32.msk $0xffff, v11;
	v11 =	vmovc v27  }
0x467: {  	v20 =	vadd.s32 $0x400, v25;
	v19 =	vadd.s32 $0x400, v23;
	v23 =	vadd.s32 $0x400, v24;
	[tilespmem:v18+s11+$0x0] =	vst.idx.add.s32.msk $0xffff, v2  }
.Ltmp14:
0x468: {  	v24 =	vadd.s32 $0x400, v26;
	[tilespmem:v18+s12+$0x0] =	vst.idx.add.f32.msk $0xffff, v12;
	v12 =	vmov v28;
	v18 =	vmov v23;
	(pc) =	sbr.rel @p0 .LBB2_30-.Ltmp14, $4  }
0x469: {  	[tilespmem:v17+s11+$0x0] =	vst.idx.add.s32.msk $0xffff, v2  }
0x46a: {  	[tilespmem:v17+s12+$0x0] =	vst.idx.add.f32.msk $0xffff, v15;
	v15 =	vmov v31;
	v17 =	vmov v24  }
0x46b: {  	[tilespmem:v29+s11+$0x0] =	vst.idx.add.s32.msk $0xffff, v2  }
0x46c: {  	s2 =	sadd.s32 $0x80, s2;
	[tilespmem:v29+s12+$0x0] =	vst.idx.add.f32.msk $0xffff, v32  }
0x46d: {  	_ =	sdelay $0x3  }
0x46e: {  	[tilespmem:v22+s11+$0x0] =	vst.idx.add.s32.msk $0xffff, v2  }
0x46f: {  	[tilespmem:v21+s11+$0x0] =	vst.idx.add.s32.msk $0xffff, v2  }
0x470: {  	[tilespmem:v20+s11+$0x0] =	vst.idx.add.s32.msk $0xffff, v2  }
0x471: {  	[tilespmem:v19+s11+$0x0] =	vst.idx.add.s32.msk $0xffff, v2  }
0x472: {  	[tilespmem:v18+s11+$0x0] =	vst.idx.add.s32.msk $0xffff, v2  }
0x473: {  	[tilespmem:v17+s11+$0x0] =	vst.idx.add.s32.msk $0xffff, v2  }
0x474: {  	[tilespmem:v22+s12+$0x0] =	vst.idx.add.f32.msk $0xffff, v14  }
0x475: {  	[tilespmem:v21+s12+$0x0] =	vst.idx.add.f32.msk $0xffff, v13  }
0x476: {  	[tilespmem:v20+s12+$0x0] =	vst.idx.add.f32.msk $0xffff, v16  }
0x477: {  	[tilespmem:v19+s12+$0x0] =	vst.idx.add.f32.msk $0xffff, v11  }
0x478: {  	[tilespmem:v18+s12+$0x0] =	vst.idx.add.f32.msk $0xffff, v12  }
0x479: {  	[tilespmem:v17+s12+$0x0] =	vst.idx.add.f32.msk $0xffff, v15  }
0x47a: {  	v11 =	vld [tilespmem:s4+$0xFFFFFFC0];
	_ =	sdelay $0x1  }
0x47b: {  	v12 =	vld [tilespmem:s4+$0xFFFFFFD0]  }
0x47c: {  	v14 =	vld [tilespmem:s4+$0xFFFFFFE0]  }
0x47d: {  	v15 =	vld [tilespmem:s3+$0x10]  }
0x47e: {  	v16 =	vld [tilespmem:s4+$0xFFFFFFF0];
	v11 =	vadd.f32 $0.0e+00, v11  }
0x47f: {  	v17 =	vld [tilespmem:s4+$0x0]  }
0x480: {  	v18 =	vld [tilespmem:s3+$0xFFFFFFC0];
	v11 =	vadd.f32 v12, v11  }
0x481: {  	v19 =	vld [tilespmem:s3+$0xFFFFFFD0]  }
0x482: {  	v20 =	vld [tilespmem:s3+$0xFFFFFFE0];
	v11 =	vadd.f32 v14, v11  }
0x483: {  	v14 =	vld [tilespmem:s4+$0x10]  }
0x484: {  	v21 =	vld [tilespmem:s3+$0x0];
	v11 =	vadd.f32 v16, v11  }
0x485: {  	v16 =	vld [tilespmem:s4+$0x20]  }
0x486: {  	v12 =	vld [tilespmem:s3+$0xFFFFFFF0];
	v11 =	vadd.f32 v17, v11  }
0x487: {  	s0 =	simm.s32 $0x108C0;
	v17 =	vld [tilespmem:s4+$0x30]  }
0x488: {  	v11 =	vadd.f32 v14, v11;
	v14 =	vld [tilespmem:s0+$0xFFFFFFC0]  }
0x489: {  	v22 =	vld [tilespmem:s0+$0xFFFFFFD0]  }
0x48a: {  	v18 =	vadd.s32 v18, v19;
	v19 =	vld [tilespmem:s3+$0x20];
	v16 =	vadd.f32 v16, v11  }
0x48b: {  	v13 =	vld [tilespmem:s3+$0x30];
	v18 =	vadd.s32 v20, v18  }
0x48c: {  	v12 =	vadd.s32 v12, v18;
	v16 =	vadd.f32 v17, v16;
	v17 =	vld [tilespmem:s0+$0xFFFFFFE0]  }
0x48d: {  	v18 =	vadd.s32 v21, v12;
	v14 =	vadd.f32 $0.0e+00, v14  }
0x48e: {  	s3 =	simm.s32 $0x100C0;
	v15 =	vadd.s32 v15, v18;
	(xrf2) =	vadd.scan.msk.f32 $0xffff, v16;
	v16 =	vld [tilespmem:s0+$0xFFFFFFF0]  }
0x48f: {  	v20 =	vld [tilespmem:s3+$0x0];
	v18 =	vadd.s32 v19, v15;
	v14 =	vadd.f32 v22, v14  }
0x490: {  	v13 =	vadd.s32 v13, v18;
	v18 =	vld [tilespmem:s0+$0x0]  }
0x491: {  	v12 =	vld [tilespmem:s3+$0x10];
	(xrf0) =	vadd.scan.msk.s32 $0xffff, v13;
	v13 =	vadd.f32 v17, v14  }
0x492: {  	v21 =	vld [tilespmem:s3+$0xFFFFFFD0]  }
0x493: {  	v15 =	vld [tilespmem:s3+$0xFFFFFFF0];
	v13 =	vadd.f32 v16, v13  }
0x494: {  	v17 =	vld [tilespmem:s0+$0x10]  }
0x495: {  	v19 =	vld [tilespmem:s3+$0xFFFFFFC0];
	v16 =	vadd.f32 v18, v13  }
0x496: {  	v14 =	vld [tilespmem:s0+$0x20]  }
0x497: {  	v22 =	vld [tilespmem:s3+$0xFFFFFFE0]  }
0x498: {  	v23, _, _ =	vpop (xrf0);
	v13 =	vld [tilespmem:s0+$0x30]  }
0x499: {  	v11 =	vld [tilespmem:s3+$0x30];
	s0 =	simm.s32 $0x10940;
	v17 =	vadd.f32 v17, v16;
	v16, _, _ =	vpop (xrf2)  }
0x49a: {  	s2 =	simm.s32 $0x2;
	s5 =	simm.s32 $0x3;
	v24 =	vmov s1;
	s4 =	simm.s32 $0x1;
	v23 =	vbroadcast v23, $0xF;
	v18 =	vld [tilespmem:s0+$0xFFFFFFC0];
	v16 =	vbroadcast v16, $0xF  }
.LBB2_32:
0x49b: {  	p0 =	sne.s32 s5, $0xF;
	v19 =	vadd.s32 v19, v21;
	v21 =	vld [tilespmem:s3+$0x20];
	v14 =	vadd.f32 v14, v17;
	vm2 =	veq.s32 v24, v3  }
0x49c: {  	s3 =	sadd.s32 $0x80, s3;
	v17 =	vld [tilespmem:s0+$0xFFFFFFD0];
	v19 =	vadd.s32 v22, v19;
	v10 =	vsel vm2, v23, v10;
	v9 =	vsel vm2, v16, v9  }
0x49d: {  	v16 =	vld [tilespmem:s3+$0x30];
	v15 =	vadd.s32 v15, v19;
	v13 =	vadd.f32 v13, v14  }
0x49e: {  	v14 =	vld [tilespmem:s0+$0xFFFFFFE0];
	v15 =	vadd.s32 v20, v15  }
0x49f: {  	v18 =	vadd.f32 $0.0e+00, v18;
	v15 =	vadd.s32 v12, v15;
	v12 =	vld [tilespmem:s3+$0x10];
	(xrf2) =	vadd.scan.msk.f32 $0xffff, v13  }
0x4a0: {  	v13 =	vld [tilespmem:s0+$0xFFFFFFF0];
	v19 =	vadd.s32 v21, v15  }
0x4a1: {  	v17 =	vadd.f32 v17, v18;
	v15 =	vld [tilespmem:s3+$0xFFFFFFF0];
	v19 =	vadd.s32 v11, v19  }
0x4a2: {  	v18 =	vld [tilespmem:s0+$0x0];
	(xrf0) =	vadd.scan.msk.s32 $0xffff, v19;
	v11 =	vmov v16  }
0x4a3: {  	v19 =	vld [tilespmem:s3+$0xFFFFFFC0];
	v14 =	vadd.f32 v14, v17  }
0x4a4: {  	v16 =	vld [tilespmem:s0+$0x10]  }
0x4a5: {  	v21 =	vld [tilespmem:s3+$0xFFFFFFD0];
	v13 =	vadd.f32 v13, v14  }
.Ltmp15:
0x4a6: {  	v14 =	vld [tilespmem:s0+$0x20];
	(pc) =	sbr.rel @p0 .LBB2_32-.Ltmp15, $4  }
0x4a7: {  	v22 =	vld [tilespmem:s3+$0xFFFFFFE0];
	v17 =	vadd.f32 v18, v13  }
0x4a8: {  	v13 =	vld [tilespmem:s0+$0x30];
	v23, _, _ =	vpop (xrf0)  }
0x4a9: {  	s0 =	sadd.s32 $0x80, s0;
	v20 =	vld [tilespmem:s3+$0x0];
	v17 =	vadd.f32 v16, v17;
	v16, _, _ =	vpop (xrf2)  }
0x4aa: {  	v24 =	vmov s4;
	s4 =	smov.u32 s2;
	s2 =	smov.u32 s5;
	s5 =	sadd.s32 $0x1, s5;
	v23 =	vbroadcast v23, $0xF;
	v18 =	vld [tilespmem:s0+$0xFFFFFFC0];
	v16 =	vbroadcast v16, $0xF  }
0x4ab: {  	v25 =	vld [tilespmem:s3+$0x20];
	s1 =	sadd.s32 $0x80, s3  }
0x4ac: {  	v26 =	vld [tilespmem:s1+$0xFFFFFFC0]  }
0x4ad: {  	v27 =	vld [tilespmem:s1+$0xFFFFFFD0]  }
0x4ae: {  	v28 =	vld [tilespmem:s1+$0xFFFFFFE0]  }
0x4af: {  	v29 =	vld [tilespmem:s1+$0xFFFFFFF0]  }
0x4b0: {  	v30 =	vld [tilespmem:s1+$0x0]  }
0x4b1: {  	v19 =	vadd.s32 v19, v21;
	v21 =	vld [tilespmem:s1+$0x10]  }
0x4b2: {  	v19 =	vadd.s32 v22, v19;
	v22 =	vadd.s32 v26, v27;
	v26 =	vld [tilespmem:s1+$0x20]  }
0x4b3: {  	v15 =	vadd.s32 v15, v19;
	v19 =	vld [tilespmem:s1+$0x30];
	v22 =	vadd.s32 v28, v22  }
0x4b4: {  	v15 =	vadd.s32 v20, v15;
	v20 =	vadd.s32 v29, v22  }
0x4b5: {  	v12 =	vadd.s32 v12, v15;
	v15 =	vadd.s32 v30, v20  }
0x4b6: {  	v12 =	vadd.s32 v25, v12;
	v15 =	vadd.s32 v21, v15  }
0x4b7: {  	v11 =	vadd.s32 v11, v12;
	v12 =	vadd.s32 v26, v15  }
0x4b8: {  	(xrf0) =	vadd.scan.msk.s32 $0xffff, v11;
	v11 =	vadd.s32 v19, v12  }
0x4b9: {  	(xrf0) =	vadd.scan.msk.s32 $0xffff, v11;
	_ =	sdelay $0x1  }
0x4ba: {  	v11 =	vld [tilespmem:s0+$0xFFFFFFD0];
	_ =	sdelay $0x1  }
0x4bb: {  	v12 =	vld [tilespmem:s0+$0xFFFFFFE0]  }
0x4bc: {  	vm2 =	veq.s32 v24, v3;
	v18 =	vadd.f32 $0.0e+00, v18;
	v19 =	vmov s4;
	v15, _, _ =	vpop (xrf0)  }
0x4bd: {  	v10 =	vsel vm2, v23, v10;
	v21 =	vld [tilespmem:s0+$0xFFFFFFF0];
	vm3 =	veq.s32 v19, v3;
	v15 =	vbroadcast v15, $0xF;
	v20, _, _ =	vpop (xrf0)  }
0x4be: {  	v19 =	vmov s2;
	v11 =	vadd.f32 v11, v18;
	v20 =	vbroadcast v20, $0xF  }
0x4bf: {  	vm4 =	veq.s32 v19, v3;
	v10 =	vsel vm3, v15, v10;
	v15 =	vld [tilespmem:s0+$0x0]  }
0x4c0: {  	v18 =	vsel vm4, v20, v10;
	v10 =	vadd.f32 v12, v11;
	_ =	sdelay $0x1  }
0x4c1: {  	(xrf0) =	vadd.scan.msk.s32 $0xffff, v18;
	v10 =	vadd.f32 v21, v10  }
0x4c2: {  	v11 =	vld [tilespmem:s0+$0x10]  }
0x4c3: {  	v10 =	vadd.f32 v15, v10  }
0x4c4: {  	v12 =	vld [tilespmem:s0+$0x20];
	_ =	sdelay $0x1  }
0x4c5: {  	v15 =	vld [tilespmem:s0+$0x30]  }
0x4c6: {  	v11 =	vadd.f32 v11, v10;
	v10, _, _ =	vpop (xrf0)  }
0x4c7: {  	v14 =	vadd.f32 v14, v17;
	vm5 =	vgt.s32 v10, $0x7333  }
0x4c8: {  	v11 =	vadd.f32 v12, v11;
	v17 =	vnsel vm5, $0x80000040, v4  }
0x4c9: {  	v12 =	vadd.f32 v13, v14;
	(xrf0) =	vmin.scan.msk.u32 $0xffff, v17  }
0x4ca: {  	v11 =	vadd.f32 v15, v11  }
0x4cb: {  	(xrf2) =	vadd.scan.msk.f32 $0xffff, v12  }
0x4cc: {  	(xrf2) =	vadd.scan.msk.f32 $0xffff, v11;
	_ =	sdelay $0x2  }
0x4cd: {  	v11, _, _ =	vpop (xrf0)  }
0x4ce: {  	(v2sf) =	vpush v11, $0xF;
	_ =	sdelay $0x4  }
0x4cf: {  	v11, _, _ =	vpop (xrf2)  }
0x4d0: {  	v11 =	vbroadcast v11, $0xF;
	v12, _, _ =	vpop (xrf2)  }
0x4d1: {  	v9 =	vsel vm2, v16, v9;
	v12 =	vbroadcast v12, $0xF  }
0x4d2: {  	v9 =	vsel vm3, v11, v9  }
0x4d3: {  	v11 =	vsel vm4, v12, v9  }
0x4d4: {  	(xrf2) =	vadd.scan.msk.f32 $0xffff, v11;
	_ =	sdelay $0x4  }
0x4d5: {  	s0 =	spop (v2sf)  }
0x4d6: {  	s17 =	sshll.u32 s0, $0x9  }
0x4d7: {  	s1 =	sshra.s32 s17, $0x2  }
0x4d8: {  	s18 =	sadd.s32 $0x10000, s1  }
0x4d9: {  	v12 =	vmov s18  }
0x4da: {  	s19 =	sxor.u32 $0x80000000, s0;
	v9, _, _ =	vpop (xrf2)  }
0x4db: {  	v13 =	vmov s19;
	v11 =	vsub.f32 v9, v11  }
0x4dc: {  	vm2 =	veq.s32 v13, v3  }
0x4dd: {  	s20 =	simm.s32 $0x0;
	v11 =	vnsel vm2, $0x0, v11  }
0x4de: {  	(xrf2) =	vadd.scan.msk.f32 $0xffff, v11;
	v13 =	vld.idx.msk [tilespmem:v12+s20+$0x0 ss:$0x1], $0xffff  }
0x4df: {  	v11 =	vsub.s32 v10, v18  }
0x4e0: {  	v11 =	vnsel vm2, $0x0, v11  }
0x4e1: {  	(xrf0) =	vadd.scan.msk.s32 $0xffff, v11;
	_ =	sdelay $0x1  }
0x4e2: {  	(xrf0) =	vadd.scan.msk.s32 $0xffff, v13;
	_ =	sdelay $0x3  }
0x4e3: {  	v11, _, _ =	vpop (xrf0)  }
0x4e4: {  	(v2sf) =	vpush v11, $0xF;
	v11, _, _ =	vpop (xrf2)  }
0x4e5: {  	(v2sf) =	vpush v11, $0xF;
	v11, _, _ =	vpop (xrf0)  }
0x4e6: {  	(v2sf) =	vpush v11, $0xF;
	_ =	sdelay $0x1  }
0x4e7: {  	s22 =	simm.s32 $0x10  }
0x4e8: {  	v17 =	vld.idx.msk [tilespmem:v12+s22+$0x0 ss:$0x1], $0xffff;
	_ =	sdelay $0x4  }
0x4e9: {  	(xrf0) =	vadd.scan.msk.s32 $0xffff, v17;
	_ =	sdelay $0x4  }
0x4ea: {  	s6 =	spop (v2sf)  }
0x4eb: {  	s24 =	simm.s32 $0x20;
	v18, _, _ =	vpop (xrf0);
	s5 =	spop (v2sf)  }
0x4ec: {  	v15 =	vld.idx.msk [tilespmem:v12+s24+$0x0 ss:$0x1], $0xffff;
	(v2sf) =	vpush v18, $0xF;
	s7 =	spop (v2sf)  }
0x4ed: {  	s8 =	sadd.s32 s6, s7  }
0x4ee: {  	p0 =	por $0x1, $0x1;
	p1 =	sgt.s32 s8, $0x7333  }
0x4ef: {  	p0 =	por !p0, !p1  }
0x4f0: {  	p4 =	por !p0, !p0  }
0x4f1: {  	(xrf0) =	vadd.scan.msk.s32 $0xffff, v15;
	v19 =	vadd.s32 @p4 s6, v11;
	v20 =	vlaneseq.u32 @p4  }
0x4f2: {  	vm2 =	vgt.s32 @p4 v19, $0x7333;
	v11 =	vor.u32 @p4 $0x80000000, v20  }
0x4f3: {  	s1 =	sadd.s32 $0x10800, s1;
	v11 =	vnsel @p4 vm2, $0x80000040, v11  }
0x4f4: {  	v16 =	vmov s1;
	(xrf0) =	vmin.scan.msk.u32 @p4 $0xffff, v11;
	_ =	sdelay $0x2  }
0x4f5: {  	v21, _, _ =	vpop (xrf0)  }
0x4f6: {  	(v2sf) =	vpush v21, $0xF  }
0x4f7: {  	v11 =	vld.idx.msk [tilespmem:v16+s20+$0x0 ss:$0x1], $0xffff  }
0x4f8: {  	p0 =	por p4, p4;
	v14, _, _ =	vpop @p4 (xrf0)  }
0x4f9: {  	s31 =	simm.s32 $0x30;
	s7 =	simm.s32 $0x0;
	s18 =	spop (v2sf);
	(v2sf) =	vpush @p0 v14, $0xF  }
0x4fa: {  	s3 =	sadd.s32 s8, s18;
	s7 =	simm.s32 @p4 $0x1;
	v14 =	vld.idx.msk [tilespmem:v12+s31+$0x0 ss:$0x1], $0xffff  }
0x4fb: {  	p2 =	sgt.s32 s3, $0x7333;
	p5 =	seq.s32 s7, $0x0  }
0x4fc: {  	p1 =	por !p5, !p2;
	(xrf2) =	vadd.scan.msk.f32 $0xffff, v11  }
0x4fd: {  	p5 =	por !p1, !p1  }
0x4fe: {  	v22 =	vadd.s32 @p5 s8, v18;
	v18 =	vlaneseq.u32 @p5  }
0x4ff: {  	vm2 =	vgt.s32 @p5 v22, $0x7333;
	v11 =	vor.u32 @p5 $0x80000000, v18;
	(xrf0) =	vadd.scan.msk.s32 $0xffff, v14  }
0x500: {  	v11 =	vnsel @p5 vm2, $0x80000040, v11  }
0x501: {  	(xrf0) =	vmin.scan.msk.u32 @p5 $0xffff, v11;
	_ =	sdelay $0x2  }
0x502: {  	s4 =	simm.s32 $0x40;
	v23 =	vld.idx.msk [tilespmem:v16+s22+$0x0 ss:$0x1], $0xffff  }
0x503: {  	s19 =	spop (v2sf);
	v11 =	vld.idx.msk [tilespmem:v12+s4+$0x0 ss:$0x1], $0xffff;
	v24, _, _ =	vpop (xrf0)  }
0x504: {  	s9 =	sadd.s32 s3, s19;
	v25, _, _ =	vpop (xrf2);
	(v2sf) =	vpush v24, $0xF  }
0x505: {  	p3 =	sgt.s32 s9, $0x7333;
	s7 =	simm.s32 @p5 $0x1;
	p1 =	por p5, p5;
	v26, _, _ =	vpop @p5 (xrf0);
	(v2sf) =	vpush v25, $0xF  }
0x506: {  	p6 =	seq.s32 s7, $0x0;
	p0 =	por p0, p0;
	(v2sf) =	vpush @p1 v26, $0xF;
	s10 =	spop @p4 (v2sf)  }
0x507: {  	p2 =	por !p6, !p3;
	(xrf2) =	vadd.scan.msk.f32 $0xffff, v23;
	s6 =	sxor.u32 @p0 $0x80000000, s10  }
0x508: {  	p2 =	por !p2, !p2;
	(xrf0) =	vadd.scan.msk.s32 $0xffff, v11;
	v23 =	vmov @p0 s6  }
0x509: {  	v26 =	vadd.s32 @p2 s3, v21;
	v21 =	vlaneseq.u32 @p2;
	vm2 =	veq.s32 @p0 v23, v20  }
0x50a: {  	vm3 =	vgt.s32 @p2 v26, $0x7333;
	v20 =	vor.u32 @p2 $0x80000000, v21;
	v23 =	vnsel @p0 vm2, $0x0, v25  }
0x50b: {  	v20 =	vnsel @p2 vm3, $0x80000040, v20;
	(xrf2) =	vadd.scan.msk.f32 @p0 $0xffff, v23;
	_ =	sdelay $0x1  }
0x50c: {  	v13 =	vnsel @p0 vm2, $0x0, v13;
	(xrf0) =	vmin.scan.msk.u32 @p2 $0xffff, v20  }
0x50d: {  	(xrf0) =	vadd.scan.msk.s32 @p0 $0xffff, v13;
	v20, _, _ =	vpop (xrf0)  }
0x50e: {  	s30 =	simm.f32 $0.0e+00;
	s8 =	simm.s32 @!p5 $0x0;
	p3 =	por p2, p2;
	(v2sf) =	vpush v20, $0xF  }
0x50f: {  	s0 =	sshll.u32 s0, $0x7;
	s8 =	simm.s32 @p5 $0x1;
	s2 =	simm.s32 @!p3 $0x0  }
0x510: {  	s1 =	simm.s32 $0x0;
	[smem:$0x7D5] =	sst s8;
	s2 =	simm.s32 @p3 $0x1;
	v23, _, _ =	vpop (xrf2)  }
0x511: {  	p6 =	por p1, p1;
	s7 =	simm.s32 @p2 $0x1;
	[smem:$0x7D1] =	sst s2;
	v25 =	vld.idx.msk [tilespmem:v16+s24+$0x0 ss:$0x1], $0xffff;
	(v2sf) =	vpush v23, $0xF  }
0x512: {  	p1 =	seq.s32 s7, $0x0;
	s6 =	simm.s32 $0x50;
	v13, _, _ =	vpop @p2 (xrf0);
	s20 =	spop (v2sf)  }
0x513: {  	(v2sf) =	vpush @p3 v13, $0xF;
	p3 =	por p0, p0;
	v27, _, _ =	vpop @p4 (xrf0);
	s17 =	spop (v2sf);
	s8 =	sadd.s32 s9, s20  }
0x514: {  	(v2sf) =	vpush @p3 v27, $0xF;
	s18 =	simm.s32 @!p3 $0x0;
	s20 =	sld [smem:$0x7D1];
	s2 =	spop @p5 (v2sf);
	v28, _, _ =	vpop @p4 (xrf2)  }
0x515: {  	p5 =	por p3, p3;
	s18 =	simm.s32 @p3 $0x1;
	(v2sf) =	vpush @p3 v28, $0xF;
	p3 =	sgt.s32 s8, $0x7333  }
0x516: {  	v19 =	vnsel @p0 vm2, $0x0, v19;
	(xrf2) =	vadd.scan.msk.f32 $0xffff, v25;
	s3 =	sxor.u32 @p6 $0x80000000, s2;
	[smem:$0x7D0] =	sst s18;
	p1 =	por !p1, !p3  }
0x517: {  	v13 =	vld.idx.msk [tilespmem:v12+s6+$0x0 ss:$0x1], $0xffff;
	(xrf0) =	vadd.scan.msk.s32 @p5 $0xffff, v19;
	v25 =	vmov @p6 s3;
	s3 =	sadd.s32 $0x80000000, s0;
	s0 =	simm.s32 $0x0;
	p5 =	por !p1, !p1  }
0x518: {  	s24 =	sld [smem:$0x7D0];
	vm2 =	veq.s32 @p6 v25, v18;
	v18 =	vadd.s32 @p5 s9, v24;
	s9 =	sadd.s32 @p0 s3, s10;
	s10 =	sadd.s32 $0x10, s3  }
0x519: {  	s7 =	simm.s32 @p5 $0x1;
	s0 =	smov.u32 @p0 s9;
	p0 =	por p6, p6  }
0x51a: {  	s2 =	sadd.s32 @p6 s10, s2;
	p3 =	seq.s32 s7, $0x0;
	s9 =	simm.s32 @!p0 $0x0  }
0x51b: {  	v19 =	vlaneseq.u32 @p5;
	s0 =	smov.u32 @p6 s2;
	s2 =	simm.s32 @!p2 $0x0;
	s9 =	simm.s32 @p0 $0x1  }
0x51c: {  	(xrf0) =	vadd.scan.msk.s32 $0xffff, v13;
	v25 =	vld.idx.msk [tilespmem:v16+s4+$0x0 ss:$0x1], $0xffff;
	v23 =	vnsel @p6 vm2, $0x0, v23;
	vm3 =	vgt.s32 @p5 v18, $0x7333;
	v24 =	vor.u32 @p5 $0x80000000, v19;
	s4 =	sadd.s32 $0x10, s10;
	s2 =	simm.s32 @p2 $0x1;
	[smem:$0x7D7] =	sst s9  }
0x51d: {  	(xrf2) =	vadd.scan.msk.f32 @p6 $0xffff, v23;
	v23 =	vnsel @p5 vm3, $0x80000040, v24;
	s22 =	spop (v2sf);
	[smem:$0x7D2] =	sst s2;
	s2 =	simm.s32 @!p5 $0x0  }
0x51e: {  	v17 =	vnsel @p6 vm2, $0x0, v17;
	(xrf0) =	vmin.scan.msk.u32 @p5 $0xffff, v23;
	s3 =	sadd.s32 s8, s22;
	s2 =	simm.s32 @p5 $0x1;
	s22 =	sld [smem:$0x7D5]  }
0x51f: {  	v24 =	vld.idx.msk [tilespmem:v16+s31+$0x0 ss:$0x1], $0xffff;
	s31 =	simm.s32 $0x60;
	(xrf0) =	vadd.scan.msk.s32 @p6 $0xffff, v17;
	p1 =	sgt.s32 s3, $0x7333;
	[smem:$0x7D3] =	sst s2  }
0x520: {  	v22 =	vnsel @p6 vm2, $0x0, v22;
	s19 =	spop (v2sf);
	s2 =	sadd.f32 s17, s5;
	p6 =	por !p3, !p1  }
0x521: {  	v17, _, _ =	vpop @p4 (xrf0);
	p3 =	seq.s32 s24, $0x1;
	p1 =	seq.s32 s20, $0x1;
	s24 =	sld [smem:$0x7D7]  }
0x522: {  	v23, _, _ =	vpop (xrf0);
	(xrf0) =	vadd.scan.msk.s32 @p0 $0xffff, v22;
	(v2sf) =	vpush @p3 v17, $0xF;
	p0 =	por p1, p1;
	s20 =	spop @p2 (v2sf);
	p1 =	por p5, p5  }
0x523: {  	v27, _, _ =	vpop (xrf2);
	p6 =	por !p6, !p6;
	p2 =	por p3, p3;
	(v2sf) =	vpush v23, $0xF;
	s9 =	simm.s32 @!p1 $0x0  }
0x524: {  	p3 =	por p4, p4;
	v22, _, _ =	vpop @p5 (xrf0);
	p5 =	seq.s32 s22, $0x1;
	(v2sf) =	vpush v27, $0xF;
	s9 =	simm.s32 @p1 $0x1  }
0x525: {  	v17 =	vld.idx.msk [tilespmem:v12+s31+$0x0 ss:$0x1], $0xffff;
	[smem:$0x7D4] =	sst s9;
	(v2sf) =	vpush @p1 v22, $0xF;
	v22, _, _ =	vpop @p5 (xrf0);
	s9 =	sxor.u32 @p0 $0x80000000, s20;
	p1 =	seq.s32 s24, $0x1  }
0x526: {  	s17 =	spop @p4 (v2sf);
	s10 =	sadd.s32 @p0 s4, s20;
	s7 =	simm.s32 @p6 $0x1;
	(v2sf) =	vpush @p1 v22, $0xF;
	v22 =	vmov @p0 s9  }
0x527: {  	s0 =	smov.u32 @p0 s10;
	s9 =	simm.s32 $0x0;
	vm2 =	veq.s32 @p0 v22, v21;
	v21 =	vld.idx.msk [tilespmem:v16+s31+$0x0 ss:$0x1], $0xffff;
	s31 =	sld [smem:$0x7D7]  }
0x528: {  	v20 =	vadd.s32 @p6 s8, v20;
	v28, _, _ =	vpop @p5 (xrf2);
	s20 =	smov.u32 s3;
	s8 =	spop @p4 (v2sf);
	s9 =	smov.u32 @p2 s17  }
0x529: {  	(xrf2) =	vadd.scan.msk.f32 $0xffff, v24;
	v24 =	vlaneseq.u32 @p6;
	(v2sf) =	vpush @p1 v28, $0xF;
	v22 =	vld.idx.msk [tilespmem:v16+s6+$0x0 ss:$0x1], $0xffff;
	p1 =	por p5, p5;
	s6 =	simm.s32 @!p2 $0x0;
	s5 =	sadd.f32 @p2 s8, s5  }
0x52a: {  	vm3 =	vgt.s32 @p6 v20, $0x7333;
	v29 =	vor.u32 @p6 $0x80000000, v24;
	v28, _, _ =	vpop @p5 (xrf0);
	(xrf0) =	vadd.scan.msk.s32 $0xffff, v17;
	s8 =	sadd.f32 s19, s2;
	v30 =	vnsel @p0 vm2, $0x0, v27;
	s6 =	simm.s32 @p2 $0x1;
	p2 =	seq.s32 s31, $0x1  }
0x52b: {  	p5 =	por p6, p6;
	v27 =	vnsel @p6 vm3, $0x80000040, v29;
	v26 =	vnsel @p0 vm2, $0x0, v26;
	[smem:$0x7D6] =	sst s6;
	s6 =	simm.s32 $0x1C0;
	(xrf2) =	vadd.scan.msk.f32 @p0 $0xffff, v30;
	(v2sf) =	vpush @p2 v28, $0xF  }
.LBB2_34:
0x52c: {  	s17 =	sld [smem:$0x7D2]  }
0x52d: {  	s18 =	sld [smem:$0x7D3]  }
0x52e: {  	s19 =	sld [smem:$0x7D6]  }
0x52f: {  	s10 =	simm.s32 @!p1 $0x0;
	s24 =	sld [smem:$0x7D7]  }
0x530: {  	s22 =	smov.u32 s6;
	s6 =	sadd.s32 $0x40, s6;
	s31 =	sld [smem:$0x7D4]  }
0x531: {  	s4 =	sadd.s32 $0x10, s4;
	s10 =	simm.s32 @p1 $0x1;
	p2 =	sne.s32 s6, $0x200  }
0x532: {  	p4 =	seq.s32 s17, $0x1;
	p1 =	seq.s32 s18, $0x1;
	s17 =	simm.s32 @!p2 $0x0  }
0x533: {  	[smem:$0x7CE] =	sst s10;
	s10 =	simm.s32 @!p1 $0x0;
	s17 =	simm.s32 @p2 $0x1  }
0x534: {  	p6 =	seq.s32 s31, $0x1;
	s10 =	simm.s32 @p1 $0x1;
	[smem:$0x7CF] =	sst s17  }
0x535: {  	p1 =	seq.s32 s19, $0x1;
	s17 =	simm.s32 @!p5 $0x0;
	[smem:$0x7D2] =	sst s10  }
0x536: {  	s30 =	smov.u32 @p1 s5;
	s5 =	spop @p3 (v2sf);
	p3 =	seq.s32 s24, $0x1  }
0x537: {  	(xrf0) =	vmin.scan.msk.u32 @p5 $0xffff, v27;
	s10 =	sshra.s32 s22, $0x2;
	s17 =	simm.s32 @p5 $0x1;
	s24 =	sld [smem:$0x7CE]  }
0x538: {  	v27 =	vnsel @p0 vm2, $0x0, v15;
	s31 =	sld [smem:$0x7CF];
	s1 =	smov.u32 @p1 s5;
	p2 =	por p3, p3  }
0x539: {  	(xrf0) =	vadd.scan.msk.s32 @p0 $0xffff, v27;
	p1 =	por p5, p5;
	s18 =	spop (v2sf);
	s5 =	simm.s32 @!p2 $0x0  }
0x53a: {  	[smem:$0x7D3] =	sst s17;
	s5 =	simm.s32 @p2 $0x1;
	p2 =	por p0, p0  }
0x53b: {  	v27, _, _ =	vpop (xrf0);
	p3 =	seq.s32 s7, $0x0;
	s22 =	sld [smem:$0x7D2];
	s3 =	sadd.s32 s3, s18;
	(xrf0) =	vadd.scan.msk.s32 @p2 $0xffff, v26  }
0x53c: {  	v30, _, _ =	vpop (xrf2);
	(v2sf) =	vpush v27, $0xF;
	s19 =	spop (v2sf);
	p0 =	por p6, p6;
	p6 =	sgt.s32 s3, $0x7333  }
0x53d: {  	v28 =	vmov v18;
	v18 =	vmov v20;
	v20, _, _ =	vpop @p5 (xrf0);
	(v2sf) =	vpush v30, $0xF;
	p5 =	seq.s32 s24, $0x1;
	[smem:$0x7D6] =	sst s5;
	s5 =	simm.s32 @!p1 $0x0  }
0x53e: {  	v15 =	vmovc v14;
	v14 =	vmovc v11;
	v11 =	vmov v13;
	v13 =	vmov v17;
	v17 =	vld.idx.msk [tilespmem:v12+s10+$0x0 ss:$0x1], $0xffff;
	(v2sf) =	vpush @p1 v20, $0xF;
	s5 =	simm.s32 @p1 $0x1;
	p1 =	seq.s32 s22, $0x1;
	s18 =	sld [smem:$0x7D6]  }
0x53f: {  	v29 =	vmov v19;
	v31 =	vld.idx.msk [tilespmem:v16+s10+$0x0 ss:$0x1], $0xffff;
	v20, _, _ =	vpop @p4 (xrf0);
	s10 =	simm.s32 @!p2 $0x0;
	[smem:$0x7D4] =	sst s5;
	s5 =	spop @p1 (v2sf)  }
0x540: {  	v19 =	vmov v24;
	(xrf2) =	vadd.scan.msk.f32 $0xffff, v25;
	v25 =	vmov v22;
	v24, _, _ =	vpop @p4 (xrf2);
	s10 =	simm.s32 @p2 $0x1;
	(v2sf) =	vpush @p2 v20, $0xF;
	p1 =	por p4, p4;
	s17 =	sxor.u32 @p0 $0x80000000, s5  }
0x541: {  	v22 =	vmov v21;
	(v2sf) =	vpush @p2 v24, $0xF;
	v26 =	vmov @p0 s17;
	s17 =	sadd.s32 @p0 s4, s5;
	s5 =	spop @p5 (v2sf);
	v21, _, _ =	vpop @p4 (xrf0);
	p4 =	seq.s32 s18, $0x1  }
0x542: {  	s9 =	smov.u32 @p4 s5;
	s5 =	spop @p5 (v2sf);
	(v2sf) =	vpush @p2 v21, $0xF;
	p2 =	seq.s32 s31, $0x1  }
.Ltmp16:
0x543: {  	p3 =	por !p3, !p6;
	(pc) =	sbr.rel @p2 .LBB2_34-.Ltmp16, $4  }
0x544: {  	p6 =	por !p3, !p3  }
0x545: {  	p3 =	por p5, p5;
	v20 =	vadd.s32 @p6 s20, v23;
	s20 =	smov.u32 s3;
	[smem:$0x7D7] =	sst s10;
	v24 =	vlaneseq.u32 @p6;
	vm2 =	veq.s32 @p0 v26, v29  }
0x546: {  	s7 =	simm.s32 @p6 $0x1;
	vm3 =	vgt.s32 @p6 v20, $0x7333;
	v26 =	vor.u32 @p6 $0x80000000, v24;
	s0 =	smov.u32 @p0 s17;
	(xrf0) =	vadd.scan.msk.s32 $0xffff, v17;
	v29 =	vnsel @p0 vm2, $0x0, v30;
	s5 =	sadd.f32 @p4 s5, s2  }
0x547: {  	v23 =	vmovc v27;
	v27 =	vnsel @p6 vm3, $0x80000040, v26;
	v26 =	vnsel @p0 vm2, $0x0, v28;
	p5 =	por p6, p6;
	(xrf2) =	vadd.scan.msk.f32 @p0 $0xffff, v29;
	v21 =	vmov v31;
	s2 =	smov.u32 s8;
	s8 =	sadd.f32 s19, s8  }
0x548: {  	_ =	sdelay $0x3  }
0x549: {  	v12, _, _ =	vpop (xrf0)  }
0x54a: {  	(v2sf) =	vpush v12, $0xF;
	_ =	sdelay $0x3  }
0x54b: {  	s10 =	sld [smem:$0x7D4];
	_ =	sdelay $0x1  }
0x54c: {  	s22 =	sld [smem:$0x7D3]  }
0x54d: {  	s6 =	spop @p3 (v2sf);
	p3 =	seq.s32 s7, $0x0;
	p2 =	seq.s32 s10, $0x1  }
0x54e: {  	s31 =	sld [smem:$0x7D2];
	s18 =	spop (v2sf);
	p4 =	por p2, p2  }
0x54f: {  	s3 =	sadd.s32 s3, s18;
	s19 =	spop (v2sf);
	p2 =	seq.s32 s22, $0x1  }
0x550: {  	[dreg:$0x13] =	wrdreg s6;
	s22 =	spop @p2 (v2sf);
	p6 =	sgt.s32 s3, $0x7333  }
0x551: {  	v15 =	vnsel @p0 vm2, $0x0, v15;
	(xrf0) =	vmin.scan.msk.u32 @p5 $0xffff, v27;
	p2 =	por !p3, !p6;
	s6 =	sxor.u32 @p4 $0x80000000, s22;
	p6 =	por p1, p1  }
0x552: {  	(xrf0) =	vadd.scan.msk.s32 @p0 $0xffff, v15;
	p3 =	por p0, p0;
	p0 =	por p5, p5;
	s10 =	spop @p1 (v2sf)  }
0x553: {  	p1 =	por !p2, !p2;
	v16 =	vmov @p4 s6;
	[dreg:$0x16] =	wrdreg s10;
	s6 =	spop @p6 (v2sf)  }
0x554: {  	(xrf2) =	vadd.scan.msk.f32 $0xffff, v25;
	s10 =	simm.s32 @!p5 $0x0;
	[dreg:$0x1b] =	wrdreg s6;
	s6 =	spop @p6 (v2sf)  }
0x555: {  	v15, _, _ =	vpop (xrf2);
	v23 =	vadd.s32 @p1 s20, v23;
	vm2 =	veq.s32 @p4 v16, v19;
	v16 =	vlaneseq.u32 @p1;
	s10 =	simm.s32 @p5 $0x1;
	[dreg:$0x18] =	wrdreg s6;
	s24 =	spop (v2sf)  }
0x556: {  	(xrf0) =	vadd.scan.msk.s32 @p3 $0xffff, v26;
	s7 =	simm.s32 @p1 $0x1;
	vm3 =	vgt.s32 @p1 v23, $0x7333;
	v19 =	vor.u32 @p1 $0x80000000, v16;
	v25 =	vnsel @p4 vm2, $0x0, v15;
	[smem:$0x7CA] =	sst s10;
	s6 =	sadd.s32 s3, s24  }
0x557: {  	(v2sf) =	vpush v15, $0xF;
	v14 =	vnsel @p4 vm2, $0x0, v14;
	v15, _, _ =	vpop @p5 (xrf0);
	v19 =	vnsel @p1 vm3, $0x80000040, v19;
	(xrf2) =	vadd.scan.msk.f32 @p4 $0xffff, v25;
	s10 =	simm.s32 @!p0 $0x0;
	p5 =	seq.s32 s7, $0x0;
	p6 =	sgt.s32 s6, $0x7333  }
0x558: {  	s10 =	simm.s32 @p0 $0x1;
	(v2sf) =	vpush @p0 v15, $0xF;
	(xrf0) =	vmin.scan.msk.u32 @p1 $0xffff, v19;
	p0 =	por !p5, !p6  }
0x559: {  	(xrf2) =	vadd.scan.msk.f32 $0xffff, v22;
	p5 =	seq.s32 s31, $0x1;
	p6 =	por !p0, !p0  }
0x55a: {  	v15 =	vnsel @p4 vm2, $0x0, v18;
	(xrf0) =	vadd.scan.msk.s32 @p4 $0xffff, v14;
	v14, _, _ =	vpop @p5 (xrf0);
	v12 =	vadd.s32 @p6 s3, v12;
	v18 =	vlaneseq.u32 @p6  }
0x55b: {  	p0 =	por p4, p4;
	(v2sf) =	vpush @p3 v14, $0xF;
	vm2 =	vgt.s32 @p6 v12, $0x7333;
	v14 =	vor.u32 @p6 $0x80000000, v18  }
0x55c: {  	s7 =	sld [smem:$0x7D3];
	v19, _, _ =	vpop @p5 (xrf2);
	s3 =	simm.s32 @!p3 $0x0;
	(xrf0) =	vadd.scan.msk.s32 @p0 $0xffff, v15;
	v14 =	vnsel @p6 vm2, $0x80000040, v14  }
0x55d: {  	v15, _, _ =	vpop @p5 (xrf0);
	s3 =	simm.s32 @p3 $0x1;
	(v2sf) =	vpush @p3 v19, $0xF  }
0x55e: {  	p2 =	por p1, p1;
	v19, _, _ =	vpop (xrf2);
	[smem:$0x7C8] =	sst s3;
	(v2sf) =	vpush @p3 v15, $0xF;
	s3 =	simm.s32 @!p1 $0x0;
	(xrf0) =	vmin.scan.msk.u32 @p6 $0xffff, v14  }
0x55f: {  	p3 =	por p1, p1;
	(v2sf) =	vpush v19, $0xF;
	s3 =	simm.s32 @p1 $0x1;
	v14, _, _ =	vpop @p1 (xrf0);
	p1 =	seq.s32 s7, $0x1  }
0x560: {  	(v2sf) =	vpush @p3 v14, $0xF;
	v14, _, _ =	vpop @p1 (xrf0)  }
0x561: {  	v15, _, _ =	vpop @p1 (xrf2);
	(v2sf) =	vpush @p0 v14, $0xF  }
0x562: {  	v14, _, _ =	vpop @p1 (xrf0);
	(v2sf) =	vpush @p0 v15, $0xF  }
0x563: {  	[smem:$0x7CD] =	sst s3;
	s3 =	simm.s32 @!p0 $0x0;
	(v2sf) =	vpush @p0 v14, $0xF;
	v14, _, _ =	vpop (xrf2)  }
0x564: {  	s3 =	simm.s32 @p0 $0x1;
	v15, _, _ =	vpop @p6 (xrf0);
	p0 =	por p6, p6;
	(v2sf) =	vpush v14, $0xF  }
0x565: {  	s17 =	sld [smem:$0x7CA];
	(v2sf) =	vpush @p0 v15, $0xF  }
0x566: {  	[smem:$0x7C4] =	sst s10  }
0x567: {  	s18 =	sld [smem:$0x7C4];
	s6 =	simm.s32 @!p4 $0x0  }
0x568: {  	s10 =	spop (v2sf);
	s6 =	simm.s32 @p4 $0x1;
	p4 =	seq.s32 s17, $0x1  }
0x569: {  	s7 =	spop @p4 (v2sf)  }
0x56a: {  	p4 =	seq.s32 s18, $0x1;
	[smem:$0x7C9] =	sst s3;
	s3 =	simm.s32 @!p6 $0x0  }
0x56b: {  	p4 =	por p4, p4;
	s3 =	simm.s32 @p6 $0x1;
	s18 =	spop @p5 (v2sf)  }
0x56c: {  	[smem:$0x7C6] =	sst s3;
	s3 =	sxor.u32 @p4 $0x80000000, s7;
	s17 =	spop @p5 (v2sf)  }
0x56d: {  	v15 =	vmov @p4 s3;
	s24 =	spop @p5 (v2sf)  }
0x56e: {  	[dreg:$0xf] =	wrdreg s19;
	vm2 =	veq.s32 @p4 v15, v24;
	s19 =	spop (v2sf)  }
0x56f: {  	[smem:$0x7C5] =	sst s6;
	v15 =	vnsel @p4 vm2, $0x0, v19;
	s6 =	spop @p2 (v2sf)  }
0x570: {  	(xrf2) =	vadd.scan.msk.f32 @p4 $0xffff, v15;
	[smem:$0x7CB] =	sst s19;
	s19 =	spop @p1 (v2sf)  }
0x571: {  	[dreg:$0x1d] =	wrdreg s10;
	(xrf2) =	vadd.scan.msk.f32 $0xffff, v21;
	s10 =	spop @p1 (v2sf)  }
0x572: {  	p2 =	por p3, p3;
	s31 =	spop @p1 (v2sf)  }
0x573: {  	s3 =	sxor.u32 @p2 $0x80000000, s6;
	s20 =	spop (v2sf)  }
0x574: {  	p0 =	por p0, p0;
	v15 =	vmov @p2 s3;
	s3 =	spop @p6 (v2sf)  }
0x575: {  	v11 =	vnsel @p4 vm2, $0x0, v11;
	vm3 =	veq.s32 @p2 v15, v16;
	[dreg:$0x1f] =	wrdreg s20;
	s20 =	sxor.u32 @p0 $0x80000000, s3  }
0x576: {  	(xrf0) =	vadd.scan.msk.s32 @p4 $0xffff, v11;
	v11 =	vnsel @p2 vm3, $0x0, v14;
	v14 =	vmov @p0 s20;
	s20 =	sld [smem:$0x7CA];
	_ =	sdelay $0x2  }
0x577: {  	p5 =	por p4, p4;
	v15 =	vnsel @p4 vm2, $0x0, v20;
	p1 =	seq.s32 s20, $0x1  }
0x578: {  	(xrf0) =	vadd.scan.msk.s32 @p5 $0xffff, v15;
	v16, _, _ =	vpop @p1 (xrf2)  }
0x579: {  	vm2 =	veq.s32 @p0 v14, v18;
	(xrf2) =	vadd.scan.msk.f32 @p2 $0xffff, v11;
	v11 =	vnsel @p2 vm3, $0x0, v13;
	v13, _, _ =	vpop (xrf2)  }
0x57a: {  	(xrf0) =	vadd.scan.msk.s32 @p2 $0xffff, v11;
	v11 =	vnsel @p0 vm2, $0x0, v13  }
0x57b: {  	p6 =	por p2, p2;
	(xrf2) =	vadd.scan.msk.f32 @p0 $0xffff, v11;
	v11 =	vnsel @p2 vm3, $0x0, v23  }
0x57c: {  	v14, _, _ =	vpop @p1 (xrf0);
	(xrf0) =	vadd.scan.msk.s32 @p6 $0xffff, v11;
	v11 =	vnsel @p0 vm2, $0x0, v17;
	_ =	sdelay $0x1  }
0x57d: {  	s20 =	simm.s32 @!p5 $0x0  }
0x57e: {  	s20 =	simm.s32 @p5 $0x1;
	(xrf0) =	vadd.scan.msk.s32 @p0 $0xffff, v11;
	v11, _, _ =	vpop @p1 (xrf0);
	p1 =	por p0, p0  }
0x57f: {  	[smem:$0x7CC] =	sst s20;
	s20 =	simm.s32 @!p1 $0x0  }
0x580: {  	s20 =	simm.s32 @p1 $0x1  }
0x581: {  	[smem:$0x7C7] =	sst s20  }
0x582: {  	s20 =	sld [smem:$0x7CD]  }
0x583: {  	(v2sf) =	vpush @p5 v14, $0xF  }
0x584: {  	(v2sf) =	vpush @p5 v16, $0xF  }
0x585: {  	(v2sf) =	vpush @p5 v11, $0xF;
	p5 =	seq.s32 s20, $0x1;
	s20 =	sld [smem:$0x7D6];
	_ =	sdelay $0x2  }
0x586: {  	p3 =	seq.s32 s20, $0x1;
	s20 =	sld [smem:$0x7D7];
	_ =	sdelay $0x1  }
0x587: {  	v11 =	vnsel @p0 vm2, $0x0, v12  }
0x588: {  	(xrf0) =	vadd.scan.msk.s32 @p1 $0xffff, v11;
	p1 =	seq.s32 s20, $0x1;
	s20 =	sld [smem:$0x7C5]  }
0x589: {  	s30 =	smov.u32 @p3 s5;
	s5 =	rddreg [dreg:$0x13]  }
0x58a: {  	s1 =	smov.u32 @p3 s5;
	s5 =	rddreg [dreg:$0x1b];
	p1 =	por p1, p1  }
0x58b: {  	s4 =	sadd.s32 $0x10, s4;
	s2 =	sadd.f32 @p1 s5, s2;
	p3 =	seq.s32 s20, $0x1  }
0x58c: {  	s5 =	sadd.s32 @p3 s4, s22;
	s22 =	sld [smem:$0x7C6]  }
0x58d: {  	(v2sf) =	vpush v13, $0xF;
	v12, _, _ =	vpop @p5 (xrf0);
	s30 =	smov.u32 @p1 s2;
	s2 =	rddreg [dreg:$0x18]  }
0x58e: {  	v11, _, _ =	vpop @p5 (xrf2);
	(v2sf) =	vpush @p6 v12, $0xF;
	s0 =	smov.u32 @p3 s5;
	s5 =	rddreg [dreg:$0x16]  }
0x58f: {  	(v2sf) =	vpush @p6 v11, $0xF;
	v11, _, _ =	vpop @p5 (xrf0);
	p5 =	seq.s32 s22, $0x1;
	s22 =	sld [smem:$0x7C8]  }
0x590: {  	s9 =	smov.u32 @p1 s5;
	s5 =	sld [smem:$0x7C7]  }
0x591: {  	s20 =	rddreg [dreg:$0xf];
	s1 =	smov.u32 @p1 s2  }
0x592: {  	s2 =	sadd.s32 $0x10, s4;
	s4 =	sadd.f32 s20, s8;
	p1 =	seq.s32 s22, $0x1  }
0x593: {  	p3 =	seq.s32 s5, $0x1;
	s5 =	sadd.s32 @p4 s2, s7;
	p1 =	por p1, p1  }
0x594: {  	s0 =	smov.u32 @p4 s5;
	s5 =	sadd.f32 @p1 s17, s8  }
0x595: {  	(v2sf) =	vpush @p6 v11, $0xF;
	v11, _, _ =	vpop @p5 (xrf0);
	s8 =	sld [smem:$0x7C9]  }
0x596: {  	s20 =	sld [smem:$0x7CC];
	v12, _, _ =	vpop @p5 (xrf2);
	s2 =	sadd.s32 $0x10, s2;
	(v2sf) =	vpush @p3 v11, $0xF  }
0x597: {  	(v2sf) =	vpush @p3 v12, $0xF;
	s9 =	smov.u32 @p1 s18;
	s1 =	smov.u32 @p1 s24;
	s17 =	rddreg [dreg:$0x1d]  }
0x598: {  	v11, _, _ =	vpop @p5 (xrf0);
	s18 =	sld [smem:$0x7CA];
	s30 =	smov.u32 @p1 s5;
	p4 =	seq.s32 s8, $0x1  }
0x599: {  	(v2sf) =	vpush @p3 v11, $0xF;
	s5 =	sadd.s32 @p2 s2, s6;
	s2 =	sadd.s32 $0x10, s2;
	p4 =	por p4, p4  }
0x59a: {  	s0 =	smov.u32 @p2 s5;
	s2 =	sadd.s32 @p0 s2, s3;
	s6 =	sadd.f32 @p4 s10, s4  }
0x59b: {  	p1 =	seq.s32 s18, $0x1;
	s0 =	smov.u32 @p0 s2;
	s9 =	smov.u32 @p4 s19  }
0x59c: {  	s1 =	smov.u32 @p4 s31;
	s30 =	smov.u32 @p4 s6;
	p4 =	seq.s32 s20, $0x1  }
0x59d: {  	s2 =	spop @p1 (v2sf);
	s4 =	sadd.f32 s17, s4;
	p0 =	por p4, p4  }
0x59e: {  	s9 =	smov.u32 @p0 s2;
	s2 =	sld [smem:$0x7CD]  }
0x59f: {  	s3 =	spop @p1 (v2sf);
	s19 =	sld [smem:$0x7CB]  }
0x5a0: {  	s6 =	spop @p1 (v2sf);
	s3 =	sadd.f32 @p0 s3, s4  }
0x5a1: {  	s24 =	simm.s32 $0x10020;
	s22 =	spop (v2sf);
	p1 =	seq.s32 s2, $0x1  }
0x5a2: {  	s5 =	sadd.f32 s19, s4;
	[tilespmem:s24+$0xFFFFFFF0] =	vst v0;
	s30 =	smov.u32 @p0 s3;
	s3 =	spop @p1 (v2sf)  }
0x5a3: {  	s1 =	smov.u32 @p0 s6;
	s31 =	rddreg [dreg:$0x1f];
	[tilespmem:s24+$0x0] =	vst v0;
	s6 =	spop @p1 (v2sf)  }
0x5a4: {  	[tilespmem:s24+$0x10] =	vst v0;
	s8 =	sadd.f32 s31, s5;
	p0 =	por p6, p6;
	s7 =	spop @p1 (v2sf)  }
0x5a5: {  	[tilespmem:s24+$0xFFFFFFE0] =	vst v0;
	s2 =	simm.s32 $0x10820;
	s5 =	sadd.f32 @p0 s6, s5;
	s6 =	spop @p5 (v2sf)  }
0x5a6: {  	[tilespmem:s2+$0xFFFFFFF0] =	vst v1;
	s9 =	smov.u32 @p0 s3;
	p1 =	por p3, p3;
	s3 =	spop @p5 (v2sf)  }
0x5a7: {  	s4 =	simm.s32 $0x10060;
	[tilespmem:s2+$0x0] =	vst v1;
	s1 =	smov.u32 @p0 s7;
	s3 =	sadd.f32 @p1 s3, s8  }
0x5a8: {  	[tilespmem:s2+$0x10] =	vst v1;
	s30 =	smov.u32 @p0 s5;
	s9 =	smov.u32 @p1 s6;
	s5 =	spop @p5 (v2sf)  }
0x5a9: {  	[tilespmem:s2+$0xFFFFFFE0] =	vst v1;
	s1 =	smov.u32 @p1 s5;
	s30 =	smov.u32 @p1 s3;
	s3 =	simm.s32 $0x0  }
.LBB2_36:
0x5aa: {  	[tilespmem:s4+$0xFFFFFFF0] =	vst v0;
	s2 =	sadd.s32 $0x40, s2  }
0x5ab: {  	s3 =	sadd.s32 $0x4, s3;
	[tilespmem:s2+$0xFFFFFFF0] =	vst v1  }
0x5ac: {  	p0 =	slt.u32 s3, $0x7C;
	[tilespmem:s4+$0x0] =	vst v0  }
.Ltmp17:
0x5ad: {  	[tilespmem:s2+$0x0] =	vst v1;
	(pc) =	sbr.rel @p0 .LBB2_36-.Ltmp17, $4  }
0x5ae: {  	[tilespmem:s4+$0x10] =	vst v0  }
0x5af: {  	[tilespmem:s2+$0x10] =	vst v1  }
0x5b0: {  	[tilespmem:s4+$0xFFFFFFE0] =	vst v0  }
0x5b1: {  	s4 =	sadd.s32 $0x40, s4;
	[tilespmem:s2+$0xFFFFFFE0] =	vst v1  }
0x5b2: {  	s2 =	simm.s32 $0x8040  }
0x5b3: {  	v11 =	vld [tilespmem:s2+$0x20]  }
0x5b4: {  	v16 =	vld [tilespmem:s2+$0x30]  }
0x5b5: {  	v12 =	vld [tilespmem:s2+$0xFFFFFFC0]  }
0x5b6: {  	s0 =	sadd.s32 $0xFFFFFC00, s0  }
0x5b7: {  	[dreg:$0xc] =	wrdreg s0  }
0x5b8: {  	v14 =	vld [tilespmem:s2+$0xFFFFFFE0]  }
0x5b9: {  	v15 =	vmov s0;
	v13 =	vld [tilespmem:s2+$0xFFFFFFD0];
	v17 =	vshra.s32 v11, $0x1F;
	v18 =	vshra.s32 v16, $0x1F  }
0x5ba: {  	v19 =	vshra.s32 v12, $0x1F;
	v17 =	vand.u32 $0x7FFFFFFF, v17;
	v18 =	vand.u32 $0x7FFFFFFF, v18  }
0x5bb: {  	v19 =	vand.u32 $0x7FFFFFFF, v19;
	v17 =	vxor.u32 v11, v17;
	v20 =	vxor.u32 v16, v18  }
0x5bc: {  	v18 =	vxor.u32 v12, v19;
	v19 =	vshrl.u32 v17, $0xA;
	v17 =	vshra.s32 v17, $0x15  }
0x5bd: {  	v24 =	vshra.s32 v14, $0x1F;
	v22 =	vshrl.u32 v18, $0xA;
	vm5 =	veq.s32 v17, v15  }
0x5be: {  	v18 =	vshra.s32 v18, $0x15;
	v17 =	vshra.s32 v13, $0x1F;
	v23 =	vand.u32 $0x7FF, v19  }
0x5bf: {  	v21 =	vshra.s32 v20, $0x15;
	v19 =	vld [tilespmem:s2+$0x10];
	vm6 =	veq.s32 v18, v15;
	v25 =	vand.u32 $0x7FFFFFFF, v17  }
0x5c0: {  	vm4 =	veq.s32 v21, v15;
	v17 =	vld [tilespmem:s2+$0x0];
	v21 =	vxor.u32 v13, v25;
	v25 =	vand.u32 $0x7FF, v22  }
0x5c1: {  	v20 =	vshrl.u32 v20, $0xA;
	v18 =	vld [tilespmem:s2+$0xFFFFFFF0];
	v22 =	vand.u32 $0x7FFFFFFF, v24;
	v24 =	vshra.s32 v21, $0x15  }
0x5c2: {  	v26 =	vxor.u32 v14, v22;
	v21 =	vshrl.u32 v21, $0xA;
	v22 =	vand.u32 $0x7FF, v20  }
0x5c3: {  	vm2 =	veq.s32 v24, v15;
	v20 =	vand.u32 $0x7FF, v21;
	v21 =	vshra.s32 v26, $0x15;
	[tilespmem:v23+s13+$0x0] =	vst.idx.add.s32.msk vm5, v2  }
0x5c4: {  	vm3 =	veq.s32 v21, v15;
	v21 =	vshrl.u32 v26, $0xA;
	v24 =	vshra.s32 v19, $0x1F;
	[tilespmem:v23+s14+$0x0] =	vst.idx.add.f32.msk vm5, v11  }
0x5c5: {  	v21 =	vand.u32 $0x7FF, v21;
	[tilespmem:v25+s13+$0x0] =	vst.idx.add.s32.msk vm6, v2;
	v11 =	vshra.s32 v17, $0x1F;
	v23 =	vand.u32 $0x7FFFFFFF, v24  }
0x5c6: {  	[tilespmem:v25+s14+$0x0] =	vst.idx.add.f32.msk vm6, v12;
	v12 =	vshra.s32 v18, $0x1F;
	v11 =	vand.u32 $0x7FFFFFFF, v11;
	v24 =	vxor.u32 v19, v23  }
0x5c7: {  	s0 =	simm.s32 $0x80C0;
	s2 =	simm.s32 $0x0;
	[tilespmem:v22+s13+$0x0] =	vst.idx.add.s32.msk vm4, v2;
	v25 =	vand.u32 $0x7FFFFFFF, v12;
	v26 =	vxor.u32 v17, v11;
	v23 =	vshra.s32 v24, $0x15  }
.LBB2_38:
0x5c8: {  	s2 =	sadd.s32 $0x8, s2;
	v11 =	vxor.u32 v18, v25;
	v12 =	vshra.s32 v26, $0x15;
	v25 =	vshrl.u32 v26, $0xA;
	[tilespmem:v22+s14+$0x0] =	vst.idx.add.f32.msk vm4, v16  }
0x5c9: {  	v22 =	vshrl.u32 v24, $0xA;
	p0 =	slt.u32 s2, $0x7F8;
	[tilespmem:v20+s13+$0x0] =	vst.idx.add.s32.msk vm2, v2;
	v16 =	vshra.s32 v11, $0x15;
	v11 =	vshrl.u32 v11, $0xA  }
0x5ca: {  	vm6 =	veq.s32 v12, v15;
	v12 =	vand.u32 $0x7FF, v25;
	v24 =	vld [tilespmem:s0+$0x20];
	vm5 =	veq.s32 v16, v15  }
0x5cb: {  	vm7 =	veq.s32 v23, v15;
	v22 =	vand.u32 $0x7FF, v22;
	v11 =	vand.u32 $0x7FF, v11;
	v16 =	vld [tilespmem:s0+$0x30]  }
0x5cc: {  	v23 =	vld [tilespmem:s0+$0xFFFFFFC0]  }
0x5cd: {  	v25 =	vld [tilespmem:s0+$0xFFFFFFD0]  }
0x5ce: {  	v26 =	vld [tilespmem:s0+$0xFFFFFFE0]  }
0x5cf: {  	[tilespmem:v21+s13+$0x0] =	vst.idx.add.s32.msk vm3, v2  }
0x5d0: {  	v28 =	vshra.s32 v24, $0x1F;
	v27 =	vld [tilespmem:s0+$0xFFFFFFF0];
	v29 =	vshra.s32 v16, $0x1F  }
0x5d1: {  	v28 =	vand.u32 $0x7FFFFFFF, v28;
	v30 =	vshra.s32 v23, $0x1F;
	v31 =	vld [tilespmem:s0+$0x0];
	v29 =	vand.u32 $0x7FFFFFFF, v29  }
0x5d2: {  	v28 =	vxor.u32 v24, v28;
	v30 =	vand.u32 $0x7FFFFFFF, v30;
	v29 =	vxor.u32 v16, v29;
	[tilespmem:v12+s13+$0x0] =	vst.idx.add.s32.msk vm6, v2  }
0x5d3: {  	v33 =	vshrl.u32 v28, $0xA;
	v30 =	vxor.u32 v23, v30;
	v32 =	vld [tilespmem:s0+$0x10];
	v34 =	vshra.s32 v29, $0x15  }
0x5d4: {  	v28 =	vshra.s32 v28, $0x15;
	v36 =	vshra.s32 v26, $0x1F;
	v35 =	vshrl.u32 v30, $0xA;
	[tilespmem:v20+s14+$0x0] =	vst.idx.add.f32.msk vm2, v13;
	v13 =	vmovc v25  }
0x5d5: {  	vm8 =	veq.s32 v28, v15;
	vm4 =	veq.s32 v34, v15;
	v20 =	vshra.s32 v13, $0x1F;
	[tilespmem:v22+s13+$0x0] =	vst.idx.add.s32.msk vm7, v2  }
0x5d6: {  	v28 =	vand.u32 $0x7FF, v33;
	v25 =	vshra.s32 v30, $0x15;
	v20 =	vand.u32 $0x7FFFFFFF, v20;
	[tilespmem:v21+s14+$0x0] =	vst.idx.add.f32.msk vm3, v14;
	v14 =	vmovc v26  }
0x5d7: {  	vm9 =	veq.s32 v25, v15;
	v21 =	vand.u32 $0x7FFFFFFF, v36;
	v20 =	vxor.u32 v13, v20;
	[tilespmem:v22+s14+$0x0] =	vst.idx.add.f32.msk vm7, v19  }
0x5d8: {  	v25 =	vand.u32 $0x7FF, v35;
	v21 =	vxor.u32 v14, v21;
	v26 =	vshra.s32 v20, $0x15;
	[tilespmem:v12+s14+$0x0] =	vst.idx.add.f32.msk vm6, v17;
	v17 =	vmovc v31  }
0x5d9: {  	v22 =	vshrl.u32 v29, $0xA;
	v12 =	vshrl.u32 v20, $0xA;
	v19 =	vmovc v32;
	vm2 =	veq.s32 v26, v15;
	[tilespmem:v11+s13+$0x0] =	vst.idx.add.s32.msk vm5, v2  }
0x5da: {  	v22 =	vand.u32 $0x7FF, v22;
	v20 =	vand.u32 $0x7FF, v12;
	v12 =	vshra.s32 v21, $0x15;
	[tilespmem:v11+s14+$0x0] =	vst.idx.add.f32.msk vm5, v18;
	v18 =	vmovc v27  }
.Ltmp18:
0x5db: {  	v21 =	vshrl.u32 v21, $0xA;
	vm3 =	veq.s32 v12, v15;
	[tilespmem:v28+s13+$0x0] =	vst.idx.add.s32.msk vm8, v2;
	(pc) =	sbr.rel @p0 .LBB2_38-.Ltmp18, $4  }
0x5dc: {  	v26 =	vshra.s32 v19, $0x1F;
	v11 =	vimm.s32 $0x0;
	v12 =	vimm.f32 $0.0e+00;
	[tilespmem:v28+s14+$0x0] =	vst.idx.add.f32.msk vm8, v24  }
0x5dd: {  	v21 =	vand.u32 $0x7FF, v21;
	v26 =	vand.u32 $0x7FFFFFFF, v26;
	v24 =	vshra.s32 v17, $0x1F;
	[tilespmem:v25+s13+$0x0] =	vst.idx.add.s32.msk vm9, v2  }
0x5de: {  	v27 =	vand.u32 $0x7FFFFFFF, v24;
	v24 =	vxor.u32 v19, v26;
	[tilespmem:v25+s14+$0x0] =	vst.idx.add.f32.msk vm9, v23;
	v23 =	vshra.s32 v18, $0x1F  }
0x5df: {  	s3 =	simm.s32 $0x11840;
	s0 =	sadd.s32 $0x80, s0;
	v26 =	vxor.u32 v17, v27;
	v25 =	vand.u32 $0x7FFFFFFF, v23;
	v23 =	vshra.s32 v24, $0x15;
	[tilespmem:v22+s13+$0x0] =	vst.idx.add.s32.msk vm4, v2  }
0x5e0: {  	_ =	sdelay $0x3  }
0x5e1: {  	v27 =	vshra.s32 v26, $0x15;
	v24 =	vshrl.u32 v24, $0xA;
	vm6 =	veq.s32 v23, v15  }
0x5e2: {  	v26 =	vshrl.u32 v26, $0xA;
	[tilespmem:v22+s14+$0x0] =	vst.idx.add.f32.msk vm4, v16;
	vm5 =	veq.s32 v27, v15;
	v16 =	vand.u32 $0x7FF, v24  }
0x5e3: {  	v22 =	vxor.u32 v18, v25;
	[tilespmem:v20+s13+$0x0] =	vst.idx.add.s32.msk vm2, v2;
	v26 =	vand.u32 $0x7FF, v26  }
0x5e4: {  	[tilespmem:v21+s13+$0x0] =	vst.idx.add.s32.msk vm3, v2;
	v23 =	vshra.s32 v22, $0x15  }
0x5e5: {  	v22 =	vshrl.u32 v22, $0xA;
	[tilespmem:v20+s14+$0x0] =	vst.idx.add.f32.msk vm2, v13;
	vm15 =	veq.s32 v23, v15  }
0x5e6: {  	[tilespmem:v21+s14+$0x0] =	vst.idx.add.f32.msk vm3, v14;
	v15 =	vand.u32 $0x7FF, v22  }
0x5e7: {  	[tilespmem:v16+s13+$0x0] =	vst.idx.add.s32.msk vm6, v2  }
0x5e8: {  	[tilespmem:v26+s13+$0x0] =	vst.idx.add.s32.msk vm5, v2  }
0x5e9: {  	[tilespmem:v16+s14+$0x0] =	vst.idx.add.f32.msk vm6, v19  }
0x5ea: {  	[tilespmem:v26+s14+$0x0] =	vst.idx.add.f32.msk vm5, v17  }
0x5eb: {  	[tilespmem:v15+s13+$0x0] =	vst.idx.add.s32.msk vm15, v2  }
0x5ec: {  	[tilespmem:v15+s14+$0x0] =	vst.idx.add.f32.msk vm15, v18  }
0x5ed: {  	v13 =	vld [tilespmem:s3+$0xFFFFFFC0];
	_ =	sdelay $0x1  }
0x5ee: {  	v14 =	vld [tilespmem:s3+$0xFFFFFFD0]  }
0x5ef: {  	s0 =	simm.s32 $0x11040;
	v16 =	vld [tilespmem:s3+$0xFFFFFFE0]  }
0x5f0: {  	v17 =	vld [tilespmem:s0+$0x10]  }
0x5f1: {  	v18 =	vld [tilespmem:s3+$0xFFFFFFF0];
	v13 =	vadd.f32 $0.0e+00, v13  }
0x5f2: {  	v19 =	vld [tilespmem:s3+$0x0]  }
0x5f3: {  	v20 =	vld [tilespmem:s0+$0xFFFFFFC0];
	v13 =	vadd.f32 v14, v13  }
0x5f4: {  	v21 =	vld [tilespmem:s0+$0xFFFFFFD0]  }
0x5f5: {  	v22 =	vld [tilespmem:s0+$0xFFFFFFE0];
	v13 =	vadd.f32 v16, v13  }
0x5f6: {  	v16 =	vld [tilespmem:s3+$0x10]  }
0x5f7: {  	v23 =	vld [tilespmem:s0+$0x0];
	v13 =	vadd.f32 v18, v13  }
0x5f8: {  	v18 =	vld [tilespmem:s3+$0x20]  }
0x5f9: {  	v14 =	vld [tilespmem:s0+$0xFFFFFFF0];
	v13 =	vadd.f32 v19, v13  }
0x5fa: {  	s2 =	simm.s32 $0x118C0;
	v19 =	vld [tilespmem:s3+$0x30]  }
0x5fb: {  	v13 =	vadd.f32 v16, v13;
	v16 =	vld [tilespmem:s2+$0xFFFFFFC0]  }
0x5fc: {  	v24 =	vld [tilespmem:s2+$0xFFFFFFD0]  }
0x5fd: {  	v20 =	vadd.s32 v20, v21;
	v21 =	vld [tilespmem:s0+$0x20];
	v18 =	vadd.f32 v18, v13  }
0x5fe: {  	v15 =	vld [tilespmem:s0+$0x30];
	v20 =	vadd.s32 v22, v20  }
0x5ff: {  	v14 =	vadd.s32 v14, v20;
	v18 =	vadd.f32 v19, v18;
	v19 =	vld [tilespmem:s2+$0xFFFFFFE0]  }
0x600: {  	v20 =	vadd.s32 v23, v14;
	v16 =	vadd.f32 $0.0e+00, v16  }
0x601: {  	s3 =	simm.s32 $0x110C0;
	v17 =	vadd.s32 v17, v20;
	v20 =	vld [tilespmem:s2+$0xFFFFFFF0]  }
0x602: {  	v14 =	vld [tilespmem:s3+$0x10];
	v17 =	vadd.s32 v21, v17;
	(xrf2) =	vadd.scan.msk.f32 $0xffff, v18;
	v16 =	vadd.f32 v24, v16  }
0x603: {  	v15 =	vadd.s32 v15, v17;
	v17 =	vld [tilespmem:s2+$0x0]  }
0x604: {  	v23 =	vld [tilespmem:s3+$0xFFFFFFD0];
	(xrf0) =	vadd.scan.msk.s32 $0xffff, v15;
	v15 =	vadd.f32 v19, v16  }
0x605: {  	v22 =	vld [tilespmem:s3+$0x0]  }
0x606: {  	v21 =	vld [tilespmem:s3+$0xFFFFFFC0];
	v15 =	vadd.f32 v20, v15  }
0x607: {  	v19 =	vld [tilespmem:s2+$0x10]  }
0x608: {  	v18 =	vld [tilespmem:s3+$0xFFFFFFF0];
	v17 =	vadd.f32 v17, v15  }
0x609: {  	v16 =	vld [tilespmem:s2+$0x20]  }
0x60a: {  	v24 =	vld [tilespmem:s3+$0xFFFFFFE0]  }
0x60b: {  	v25, _, _ =	vpop (xrf0);
	v15 =	vld [tilespmem:s2+$0x30]  }
0x60c: {  	s6 =	simm.s32 $0x0;
	v13 =	vld [tilespmem:s3+$0x30];
	s2 =	simm.s32 $0x11940;
	v19 =	vadd.f32 v19, v17;
	v17, _, _ =	vpop (xrf2)  }
0x60d: {  	s4 =	simm.s32 $0x1;
	s5 =	simm.s32 $0x3;
	v26 =	vmov s6;
	s0 =	simm.s32 $0x2;
	v25 =	vbroadcast v25, $0xF;
	v20 =	vld [tilespmem:s2+$0xFFFFFFC0];
	v17 =	vbroadcast v17, $0xF  }
.LBB2_40:
0x60e: {  	p0 =	sne.s32 s5, $0xF;
	v21 =	vadd.s32 v21, v23;
	v23 =	vld [tilespmem:s3+$0x20];
	v16 =	vadd.f32 v16, v19;
	vm2 =	veq.s32 v26, v3  }
0x60f: {  	s3 =	sadd.s32 $0x80, s3;
	v19 =	vld [tilespmem:s2+$0xFFFFFFD0];
	v21 =	vadd.s32 v24, v21;
	v11 =	vsel vm2, v25, v11;
	v12 =	vsel vm2, v17, v12  }
0x610: {  	v17 =	vld [tilespmem:s3+$0x30];
	v18 =	vadd.s32 v18, v21;
	v15 =	vadd.f32 v15, v16  }
0x611: {  	v16 =	vld [tilespmem:s2+$0xFFFFFFE0];
	v18 =	vadd.s32 v22, v18  }
0x612: {  	v20 =	vadd.f32 $0.0e+00, v20;
	v18 =	vadd.s32 v14, v18;
	v14 =	vld [tilespmem:s3+$0x10];
	(xrf2) =	vadd.scan.msk.f32 $0xffff, v15  }
0x613: {  	v15 =	vld [tilespmem:s2+$0xFFFFFFF0];
	v21 =	vadd.s32 v23, v18  }
0x614: {  	v19 =	vadd.f32 v19, v20;
	v18 =	vld [tilespmem:s3+$0xFFFFFFF0];
	v21 =	vadd.s32 v13, v21  }
0x615: {  	v20 =	vld [tilespmem:s2+$0x0];
	(xrf0) =	vadd.scan.msk.s32 $0xffff, v21;
	v13 =	vmov v17  }
0x616: {  	v21 =	vld [tilespmem:s3+$0xFFFFFFC0];
	v16 =	vadd.f32 v16, v19  }
0x617: {  	v17 =	vld [tilespmem:s2+$0x10]  }
0x618: {  	v23 =	vld [tilespmem:s3+$0xFFFFFFD0];
	v15 =	vadd.f32 v15, v16  }
.Ltmp19:
0x619: {  	v16 =	vld [tilespmem:s2+$0x20];
	(pc) =	sbr.rel @p0 .LBB2_40-.Ltmp19, $4  }
0x61a: {  	v24 =	vld [tilespmem:s3+$0xFFFFFFE0];
	v19 =	vadd.f32 v20, v15  }
0x61b: {  	v15 =	vld [tilespmem:s2+$0x30];
	v25, _, _ =	vpop (xrf0)  }
0x61c: {  	s2 =	sadd.s32 $0x80, s2;
	v22 =	vld [tilespmem:s3+$0x0];
	v19 =	vadd.f32 v17, v19;
	v17, _, _ =	vpop (xrf2)  }
0x61d: {  	v26 =	vmov s4;
	s4 =	smov.u32 s0;
	s0 =	smov.u32 s5;
	s5 =	sadd.s32 $0x1, s5;
	v25 =	vbroadcast v25, $0xF;
	v20 =	vld [tilespmem:s2+$0xFFFFFFC0];
	v17 =	vbroadcast v17, $0xF  }
0x61e: {  	v27 =	vld [tilespmem:s3+$0x20];
	s22 =	sadd.s32 $0x80, s3  }
0x61f: {  	v28 =	vld [tilespmem:s22+$0xFFFFFFC0]  }
0x620: {  	v29 =	vld [tilespmem:s22+$0xFFFFFFD0]  }
0x621: {  	v30 =	vld [tilespmem:s22+$0xFFFFFFE0]  }
0x622: {  	v31 =	vld [tilespmem:s22+$0xFFFFFFF0]  }
0x623: {  	v32 =	vld [tilespmem:s22+$0x0]  }
0x624: {  	v21 =	vadd.s32 v21, v23;
	v23 =	vld [tilespmem:s22+$0x10]  }
0x625: {  	v21 =	vadd.s32 v24, v21;
	v24 =	vadd.s32 v28, v29;
	v28 =	vld [tilespmem:s22+$0x20]  }
0x626: {  	v18 =	vadd.s32 v18, v21;
	v21 =	vld [tilespmem:s22+$0x30];
	v24 =	vadd.s32 v30, v24  }
0x627: {  	v18 =	vadd.s32 v22, v18;
	v22 =	vadd.s32 v31, v24  }
0x628: {  	v14 =	vadd.s32 v14, v18;
	v18 =	vadd.s32 v32, v22  }
0x629: {  	v14 =	vadd.s32 v27, v14;
	v18 =	vadd.s32 v23, v18  }
0x62a: {  	(v2sf) =	vpush v10, $0xF;
	v13 =	vadd.s32 v13, v14;
	v14 =	vadd.s32 v28, v18  }
0x62b: {  	(xrf0) =	vadd.scan.msk.s32 $0xffff, v13;
	v10 =	vadd.s32 v21, v14  }
0x62c: {  	(xrf0) =	vadd.scan.msk.s32 $0xffff, v10;
	_ =	sdelay $0x2  }
0x62d: {  	v10 =	vld [tilespmem:s2+$0xFFFFFFD0]  }
0x62e: {  	vm2 =	veq.s32 v26, v3  }
0x62f: {  	v11 =	vsel vm2, v25, v11;
	v13 =	vld [tilespmem:s2+$0xFFFFFFE0];
	v14, _, _ =	vpop (xrf0)  }
0x630: {  	v18 =	vadd.f32 $0.0e+00, v20;
	v20 =	vmov s4;
	v14 =	vbroadcast v14, $0xF;
	v21, _, _ =	vpop (xrf0)  }
0x631: {  	v22 =	vld [tilespmem:s2+$0xFFFFFFF0];
	vm3 =	veq.s32 v20, v3;
	v20 =	vmov s0;
	v21 =	vbroadcast v21, $0xF  }
0x632: {  	vm4 =	veq.s32 v20, v3;
	v11 =	vsel vm3, v14, v11;
	v10 =	vadd.f32 v10, v18  }
0x633: {  	v14 =	vld [tilespmem:s2+$0x0];
	v18 =	vsel vm4, v21, v11  }
0x634: {  	v10 =	vadd.f32 v13, v10;
	(xrf0) =	vadd.scan.msk.s32 $0xffff, v18  }
0x635: {  	v11 =	vld [tilespmem:s2+$0x10]  }
0x636: {  	v10 =	vadd.f32 v22, v10  }
0x637: {  	s24 =	spop (v2sf);
	v13 =	vld [tilespmem:s2+$0x20]  }
0x638: {  	s0 =	ssub.s32 s24, s1;
	v10 =	vadd.f32 v14, v10  }
0x639: {  	[dreg:$0xa] =	wrdreg s0;
	s0 =	sadd.s32 s9, s0;
	v14 =	vld [tilespmem:s2+$0x30]  }
0x63a: {  	s8 =	sadd.s32 $0xFFFFF334, s0;
	v10 =	vadd.f32 v11, v10;
	v11, _, _ =	vpop (xrf0)  }
0x63b: {  	v16 =	vadd.f32 v16, v19;
	vm5 =	vlt.s32 v11, s8  }
0x63c: {  	v10 =	vadd.f32 v13, v10;
	v19 =	vsel vm5, $0x80000040, v4  }
0x63d: {  	v13 =	vadd.f32 v15, v16;
	(xrf0) =	vmin.scan.msk.u32 $0xffff, v19  }
0x63e: {  	v10 =	vadd.f32 v14, v10  }
0x63f: {  	(xrf2) =	vadd.scan.msk.f32 $0xffff, v13  }
0x640: {  	(xrf2) =	vadd.scan.msk.f32 $0xffff, v10;
	_ =	sdelay $0x2  }
0x641: {  	v10, _, _ =	vpop (xrf0)  }
0x642: {  	(v2sf) =	vpush v10, $0xF;
	_ =	sdelay $0x4  }
0x643: {  	v10, _, _ =	vpop (xrf2)  }
0x644: {  	v10 =	vbroadcast v10, $0xF;
	v13, _, _ =	vpop (xrf2)  }
0x645: {  	v12 =	vsel vm2, v17, v12;
	v13 =	vbroadcast v13, $0xF  }
0x646: {  	v10 =	vsel vm3, v10, v12  }
0x647: {  	v12 =	vsel vm4, v13, v10  }
0x648: {  	(xrf2) =	vadd.scan.msk.f32 $0xffff, v12;
	_ =	sdelay $0x4  }
0x649: {  	s31 =	spop (v2sf)  }
0x64a: {  	s9 =	sshll.u32 s31, $0x9  }
0x64b: {  	s0 =	sshra.s32 s9, $0x2  }
0x64c: {  	s10 =	sadd.s32 $0x11000, s0  }
0x64d: {  	v14 =	vmov s10  }
0x64e: {  	s17 =	sxor.u32 $0x80000000, s31;
	v10, _, _ =	vpop (xrf2)  }
0x64f: {  	v13 =	vmov s17;
	v12 =	vsub.f32 v10, v12  }
0x650: {  	vm2 =	veq.s32 v13, v3  }
0x651: {  	s18 =	simm.s32 $0x0;
	v12 =	vnsel vm2, $0x0, v12  }
0x652: {  	(xrf2) =	vadd.scan.msk.f32 $0xffff, v12;
	v15 =	vld.idx.msk [tilespmem:v14+s18+$0x0 ss:$0x1], $0xffff  }
0x653: {  	v12 =	vsub.s32 v11, v18  }
0x654: {  	v12 =	vnsel vm2, $0x0, v12  }
0x655: {  	(xrf0) =	vadd.scan.msk.s32 $0xffff, v12;
	_ =	sdelay $0x1  }
0x656: {  	(xrf0) =	vadd.scan.msk.s32 $0xffff, v15;
	_ =	sdelay $0x3  }
0x657: {  	v12, _, _ =	vpop (xrf0)  }
0x658: {  	(v2sf) =	vpush v12, $0xF;
	v12, _, _ =	vpop (xrf2)  }
0x659: {  	(v2sf) =	vpush v12, $0xF;
	v12, _, _ =	vpop (xrf0)  }
0x65a: {  	(v2sf) =	vpush v12, $0xF;
	_ =	sdelay $0x2  }
0x65b: {  	s5 =	simm.s32 $0x10  }
0x65c: {  	v19 =	vld.idx.msk [tilespmem:v14+s5+$0x0 ss:$0x1], $0xffff;
	_ =	sdelay $0x4  }
0x65d: {  	(xrf0) =	vadd.scan.msk.s32 $0xffff, v19;
	_ =	sdelay $0x3  }
0x65e: {  	s3 =	spop (v2sf)  }
0x65f: {  	s19 =	simm.s32 $0x20;
	s6 =	spop (v2sf)  }
0x660: {  	v17 =	vld.idx.msk [tilespmem:v14+s19+$0x0 ss:$0x1], $0xffff;
	v20, _, _ =	vpop (xrf0);
	s7 =	spop (v2sf)  }
0x661: {  	(v2sf) =	vpush v20, $0xF;
	s7 =	sadd.s32 s3, s7  }
0x662: {  	p0 =	por $0x1, $0x1;
	p1 =	sge.s32 s7, s8  }
0x663: {  	p0 =	por !p0, !p1  }
0x664: {  	p4 =	por !p0, !p0  }
0x665: {  	v13 =	vmov s8;
	(xrf0) =	vadd.scan.msk.s32 $0xffff, v17;
	v21 =	vadd.s32 @p4 s3, v12;
	v22 =	vlaneseq.u32 @p4  }
0x666: {  	vm2 =	vlt.s32 @p4 v21, v13;
	v12 =	vor.u32 @p4 $0x80000000, v22  }
0x667: {  	v12 =	vsel @p4 vm2, $0x80000040, v12  }
0x668: {  	s0 =	sadd.s32 $0x11800, s0;
	(xrf0) =	vmin.scan.msk.u32 @p4 $0xffff, v12  }
0x669: {  	v18 =	vmov s0;
	_ =	sdelay $0x1  }
0x66a: {  	v23, _, _ =	vpop (xrf0)  }
0x66b: {  	(v2sf) =	vpush v23, $0xF;
	_ =	sdelay $0x1  }
0x66c: {  	p0 =	por p4, p4;
	v12 =	vld.idx.msk [tilespmem:v18+s18+$0x0 ss:$0x1], $0xffff;
	v16, _, _ =	vpop @p4 (xrf0)  }
0x66d: {  	(v2sf) =	vpush @p0 v16, $0xF  }
0x66e: {  	s2 =	simm.s32 $0x0;
	s20 =	spop (v2sf);
	s3 =	simm.s32 $0x30  }
0x66f: {  	s9 =	sadd.s32 s7, s20;
	s2 =	simm.s32 @p4 $0x1;
	v16 =	vld.idx.msk [tilespmem:v14+s3+$0x0 ss:$0x1], $0xffff  }
0x670: {  	p2 =	sge.s32 s9, s8;
	p5 =	seq.s32 s2, $0x0  }
0x671: {  	p1 =	por !p5, !p2;
	(xrf2) =	vadd.scan.msk.f32 $0xffff, v12  }
0x672: {  	p5 =	por !p1, !p1  }
0x673: {  	v24 =	vadd.s32 @p5 s7, v20;
	v20 =	vlaneseq.u32 @p5  }
0x674: {  	vm2 =	vlt.s32 @p5 v24, v13;
	v12 =	vor.u32 @p5 $0x80000000, v20;
	(xrf0) =	vadd.scan.msk.s32 $0xffff, v16  }
0x675: {  	v12 =	vsel @p5 vm2, $0x80000040, v12  }
0x676: {  	(xrf0) =	vmin.scan.msk.u32 @p5 $0xffff, v12  }
0x677: {  	s0 =	simm.s32 $0x40  }
0x678: {  	s7 =	simm.s32 @!p5 $0x0;
	v12 =	vld.idx.msk [tilespmem:v14+s0+$0x0 ss:$0x1], $0xffff  }
0x679: {  	v25 =	vld.idx.msk [tilespmem:v18+s5+$0x0 ss:$0x1], $0xffff;
	s22 =	spop (v2sf);
	s7 =	simm.s32 @p5 $0x1  }
0x67a: {  	s2 =	simm.s32 @p5 $0x1;
	[smem:$0x7C1] =	sst s7;
	s7 =	sadd.s32 s9, s22;
	v26, _, _ =	vpop (xrf0)  }
0x67b: {  	p1 =	por p5, p5;
	p6 =	seq.s32 s2, $0x0;
	p3 =	sge.s32 s7, s8;
	v27, _, _ =	vpop (xrf2);
	(v2sf) =	vpush v26, $0xF  }
0x67c: {  	p2 =	por !p6, !p3;
	p0 =	por p0, p0;
	v28, _, _ =	vpop @p5 (xrf0);
	(v2sf) =	vpush v27, $0xF;
	s10 =	spop @p4 (v2sf)  }
0x67d: {  	p2 =	por !p2, !p2;
	(xrf0) =	vadd.scan.msk.s32 $0xffff, v12;
	(v2sf) =	vpush @p1 v28, $0xF;
	s5 =	sxor.u32 @p0 $0x80000000, s10  }
0x67e: {  	(xrf2) =	vadd.scan.msk.f32 $0xffff, v25;
	v28 =	vadd.s32 @p2 s9, v23;
	v23 =	vlaneseq.u32 @p2;
	v25 =	vmov @p0 s5  }
0x67f: {  	vm3 =	vlt.s32 @p2 v28, v13;
	vm2 =	veq.s32 @p0 v25, v22;
	v22 =	vor.u32 @p2 $0x80000000, v23  }
0x680: {  	v22 =	vsel @p2 vm3, $0x80000040, v22  }
0x681: {  	v25 =	vnsel @p0 vm2, $0x0, v27  }
0x682: {  	(xrf2) =	vadd.scan.msk.f32 @p0 $0xffff, v25  }
0x683: {  	(xrf0) =	vmin.scan.msk.u32 @p2 $0xffff, v22;
	v22, _, _ =	vpop (xrf0)  }
0x684: {  	v15 =	vnsel @p0 vm2, $0x0, v15;
	(v2sf) =	vpush v22, $0xF  }
0x685: {  	(xrf0) =	vadd.scan.msk.s32 @p0 $0xffff, v15;
	_ =	sdelay $0x1  }
0x686: {  	s1 =	sshll.u32 s31, $0x7;
	s17 =	simm.s32 $0x50;
	p3 =	por p2, p2  }
0x687: {  	s1 =	sadd.s32 $0x80000000, s1;
	s20 =	simm.s32 $0x60;
	s4 =	simm.s32 @!p3 $0x0;
	v25, _, _ =	vpop (xrf2)  }
0x688: {  	p6 =	por p1, p1;
	s2 =	simm.s32 @p2 $0x1;
	s4 =	simm.s32 @p3 $0x1;
	v27 =	vld.idx.msk [tilespmem:v18+s19+$0x0 ss:$0x1], $0xffff;
	(v2sf) =	vpush v25, $0xF  }
0x689: {  	[smem:$0x7BD] =	sst s4;
	p1 =	seq.s32 s2, $0x0;
	v15, _, _ =	vpop @p2 (xrf0);
	s24 =	spop (v2sf)  }
0x68a: {  	(v2sf) =	vpush @p3 v15, $0xF;
	p3 =	por p0, p0;
	v29, _, _ =	vpop @p4 (xrf0);
	s18 =	spop (v2sf);
	s5 =	sadd.s32 s7, s24  }
0x68b: {  	(v2sf) =	vpush @p3 v29, $0xF;
	s19 =	simm.s32 @!p3 $0x0;
	s24 =	sld [smem:$0x7C1];
	s4 =	spop @p5 (v2sf);
	v30, _, _ =	vpop @p4 (xrf2)  }
0x68c: {  	p5 =	por p3, p3;
	s19 =	simm.s32 @p3 $0x1;
	(v2sf) =	vpush @p3 v30, $0xF;
	p3 =	sge.s32 s5, s8  }
0x68d: {  	v21 =	vnsel @p0 vm2, $0x0, v21;
	(xrf2) =	vadd.scan.msk.f32 $0xffff, v27;
	s9 =	sxor.u32 @p6 $0x80000000, s4;
	[smem:$0x7BC] =	sst s19;
	p1 =	por !p1, !p3  }
0x68e: {  	v15 =	vld.idx.msk [tilespmem:v14+s17+$0x0 ss:$0x1], $0xffff;
	(xrf0) =	vadd.scan.msk.s32 @p5 $0xffff, v21;
	s19 =	sadd.s32 $0x10, s1;
	v27 =	vmov @p6 s9;
	s9 =	sadd.s32 @p0 s1, s10;
	p5 =	por !p1, !p1  }
0x68f: {  	s4 =	sadd.s32 @p6 s19, s4;
	vm2 =	veq.s32 @p6 v27, v20;
	v20 =	vadd.s32 @p5 s7, v26;
	v21 =	vlaneseq.u32 @p5;
	s7 =	simm.s32 $0x0;
	s2 =	simm.s32 @p5 $0x1  }
0x690: {  	v25 =	vnsel @p6 vm2, $0x0, v25;
	vm3 =	vlt.s32 @p5 v20, v13;
	v26 =	vor.u32 @p5 $0x80000000, v21;
	s7 =	smov.u32 @p0 s9;
	p0 =	por p6, p6;
	p3 =	seq.s32 s2, $0x0  }
0x691: {  	(xrf2) =	vadd.scan.msk.f32 @p6 $0xffff, v25;
	v25 =	vsel @p5 vm3, $0x80000040, v26;
	s1 =	simm.s32 @!p0 $0x0;
	s7 =	smov.u32 @p6 s4;
	v26 =	vld.idx.msk [tilespmem:v18+s3+$0x0 ss:$0x1], $0xffff;
	s3 =	sld [smem:$0x7BC]  }
0x692: {  	s4 =	sld [smem:$0x7BD];
	s1 =	simm.s32 @p0 $0x1;
	s31 =	spop (v2sf)  }
0x693: {  	(xrf0) =	vadd.scan.msk.s32 $0xffff, v15;
	s9 =	simm.s32 $0x0;
	[smem:$0x7C3] =	sst s1;
	s10 =	sadd.s32 s5, s31  }
0x694: {  	v19 =	vnsel @p6 vm2, $0x0, v19;
	(xrf0) =	vmin.scan.msk.u32 @p5 $0xffff, v25;
	s1 =	simm.f32 $0.0e+00;
	s31 =	sld [smem:$0x7C3];
	p1 =	sge.s32 s10, s8  }
0x695: {  	v24 =	vnsel @p6 vm2, $0x0, v24;
	(xrf0) =	vadd.scan.msk.s32 @p6 $0xffff, v19;
	p6 =	por !p3, !p1;
	p3 =	seq.s32 s3, $0x1;
	s3 =	simm.s32 @!p2 $0x0  }
0x696: {  	p1 =	seq.s32 s4, $0x1;
	s4 =	simm.s32 @!p5 $0x0;
	s3 =	simm.s32 @p2 $0x1  }
0x697: {  	s22 =	spop (v2sf);
	s4 =	simm.s32 @p5 $0x1;
	[smem:$0x7BE] =	sst s3  }
0x698: {  	v19, _, _ =	vpop @p4 (xrf0);
	(xrf0) =	vadd.scan.msk.s32 @p0 $0xffff, v24;
	p0 =	por p1, p1;
	p1 =	por p5, p5;
	[smem:$0x7BF] =	sst s4  }
0x699: {  	v25, _, _ =	vpop (xrf0);
	p6 =	por !p6, !p6;
	s3 =	spop @p2 (v2sf);
	s4 =	sadd.f32 s18, s6  }
0x69a: {  	v24, _, _ =	vpop @p5 (xrf0);
	s18 =	simm.s32 @!p1 $0x0;
	p5 =	seq.s32 s24, $0x1;
	p2 =	por p3, p3  }
0x69b: {  	(v2sf) =	vpush @p3 v19, $0xF;
	s24 =	sld [smem:$0x7C3];
	v22 =	vadd.s32 @p6 s5, v22;
	s5 =	sadd.s32 $0x10, s19;
	p3 =	por p4, p4  }
0x69c: {  	v29, _, _ =	vpop (xrf2);
	v19 =	vld.idx.msk [tilespmem:v14+s20+$0x0 ss:$0x1], $0xffff;
	(v2sf) =	vpush v25, $0xF;
	s2 =	simm.s32 @p6 $0x1;
	s18 =	simm.s32 @p1 $0x1;
	s19 =	sadd.s32 @p0 s5, s3  }
0x69d: {  	(v2sf) =	vpush v29, $0xF;
	[smem:$0x7C0] =	sst s18;
	s18 =	sxor.u32 @p0 $0x80000000, s3;
	s3 =	simm.s32 @!p2 $0x0  }
0x69e: {  	(v2sf) =	vpush @p1 v24, $0xF;
	v24, _, _ =	vpop @p5 (xrf0);
	s7 =	smov.u32 @p0 s19;
	p1 =	seq.s32 s24, $0x1;
	s24 =	spop @p4 (v2sf)  }
0x69f: {  	v27 =	vld.idx.msk [tilespmem:v18+s0+$0x0 ss:$0x1], $0xffff;
	v30, _, _ =	vpop @p5 (xrf2);
	s3 =	simm.s32 @p2 $0x1;
	(v2sf) =	vpush @p1 v24, $0xF;
	v24 =	vmov @p0 s18;
	s18 =	simm.s32 $0x0;
	s0 =	spop @p4 (v2sf)  }
0x6a0: {  	(xrf2) =	vadd.scan.msk.f32 $0xffff, v26;
	v26 =	vlaneseq.u32 @p6;
	[smem:$0x7C2] =	sst s3;
	(v2sf) =	vpush @p1 v30, $0xF;
	vm2 =	veq.s32 @p0 v24, v23;
	s18 =	smov.u32 @p2 s24;
	p1 =	por p5, p5  }
0x6a1: {  	vm3 =	vlt.s32 @p6 v22, v13;
	v31 =	vor.u32 @p6 $0x80000000, v26;
	v24 =	vld.idx.msk [tilespmem:v18+s17+$0x0 ss:$0x1], $0xffff;
	v30, _, _ =	vpop @p5 (xrf0);
	(xrf0) =	vadd.scan.msk.s32 $0xffff, v19;
	s3 =	sadd.f32 @p2 s0, s6;
	s17 =	simm.s32 $0x1C0;
	p2 =	seq.s32 s31, $0x1;
	v32 =	vnsel @p0 vm2, $0x0, v29  }
0x6a2: {  	v23 =	vld.idx.msk [tilespmem:v18+s20+$0x0 ss:$0x1], $0xffff;
	p5 =	por p6, p6;
	s6 =	sadd.f32 s22, s4;
	s0 =	smov.u32 s10;
	v29 =	vsel @p6 vm3, $0x80000040, v31;
	v28 =	vnsel @p0 vm2, $0x0, v28;
	(v2sf) =	vpush @p2 v30, $0xF;
	(xrf2) =	vadd.scan.msk.f32 @p0 $0xffff, v32  }
.LBB2_42:
0x6a3: {  	s19 =	simm.s32 @!p1 $0x0;
	s20 =	sld [smem:$0x7BF]  }
0x6a4: {  	s31 =	sld [smem:$0x7BE];
	s24 =	smov.u32 s17;
	s17 =	sadd.s32 $0x40, s17  }
0x6a5: {  	s22 =	sld [smem:$0x7C2];
	s19 =	simm.s32 @p1 $0x1;
	p2 =	sne.s32 s17, $0x200  }
0x6a6: {  	[smem:$0x7BA] =	sst s19;
	p1 =	seq.s32 s20, $0x1;
	s20 =	simm.s32 @!p2 $0x0  }
0x6a7: {  	p4 =	seq.s32 s31, $0x1;
	s31 =	sld [smem:$0x7C3];
	s20 =	simm.s32 @p2 $0x1  }
0x6a8: {  	s19 =	simm.s32 @!p1 $0x0;
	[smem:$0x7BB] =	sst s20  }
0x6a9: {  	s19 =	simm.s32 @p1 $0x1;
	s20 =	sld [smem:$0x7C0]  }
0x6aa: {  	p1 =	seq.s32 s22, $0x1;
	s22 =	sshra.s32 s24, $0x2;
	[smem:$0x7BE] =	sst s19  }
0x6ab: {  	(xrf0) =	vmin.scan.msk.u32 @p5 $0xffff, v29;
	s1 =	smov.u32 @p1 s3;
	s3 =	spop @p3 (v2sf);
	p3 =	seq.s32 s31, $0x1  }
0x6ac: {  	v29 =	vnsel @p0 vm2, $0x0, v17;
	p2 =	por p3, p3;
	p6 =	seq.s32 s20, $0x1;
	s20 =	simm.s32 @!p5 $0x0  }
0x6ad: {  	(xrf0) =	vadd.scan.msk.s32 @p0 $0xffff, v29;
	s9 =	smov.u32 @p1 s3;
	s3 =	simm.s32 @!p2 $0x0;
	s20 =	simm.s32 @p5 $0x1  }
0x6ae: {  	v17 =	vmov v16;
	s3 =	simm.s32 @p2 $0x1;
	p2 =	por p0, p0;
	[smem:$0x7BF] =	sst s20  }
0x6af: {  	v16 =	vmov v12;
	v12 =	vmov v15;
	v15 =	vmov v19;
	s5 =	sadd.s32 $0x10, s5;
	v29, _, _ =	vpop (xrf0);
	v19 =	vld.idx.msk [tilespmem:v14+s22+$0x0 ss:$0x1], $0xffff;
	s24 =	spop (v2sf);
	(xrf0) =	vadd.scan.msk.s32 @p2 $0xffff, v28;
	s20 =	sld [smem:$0x7BE]  }
0x6b0: {  	v32, _, _ =	vpop (xrf2);
	(v2sf) =	vpush v29, $0xF;
	v33 =	vld.idx.msk [tilespmem:v18+s22+$0x0 ss:$0x1], $0xffff;
	s22 =	sld [smem:$0x7BA];
	p1 =	por p5, p5;
	s10 =	sadd.s32 s10, s24  }
0x6b1: {  	v30 =	vmov v20;
	v20 =	vmov v22;
	v22, _, _ =	vpop @p5 (xrf0);
	(v2sf) =	vpush v32, $0xF;
	s31 =	spop (v2sf);
	[smem:$0x7C2] =	sst s3;
	s3 =	simm.s32 @!p1 $0x0  }
0x6b2: {  	(v2sf) =	vpush @p1 v22, $0xF;
	s3 =	simm.s32 @p1 $0x1;
	s24 =	sld [smem:$0x7C2];
	p1 =	seq.s32 s20, $0x1  }
0x6b3: {  	v22, _, _ =	vpop @p4 (xrf0);
	p0 =	por p6, p6;
	[smem:$0x7C0] =	sst s3;
	s3 =	spop @p1 (v2sf)  }
0x6b4: {  	v31 =	vmov v21;
	v21 =	vmov v26;
	p5 =	seq.s32 s22, $0x1;
	v26, _, _ =	vpop @p4 (xrf2);
	p1 =	por p4, p4;
	s20 =	sxor.u32 @p0 $0x80000000, s3  }
0x6b5: {  	(xrf2) =	vadd.scan.msk.f32 $0xffff, v27;
	v27 =	vmov v24;
	v24 =	vmov v23;
	v28 =	vmov @p0 s20;
	s20 =	sadd.s32 @p0 s5, s3;
	s3 =	spop @p5 (v2sf);
	v23, _, _ =	vpop @p4 (xrf0);
	p4 =	seq.s32 s24, $0x1  }
0x6b6: {  	s18 =	smov.u32 @p4 s3;
	s3 =	spop @p5 (v2sf)  }
0x6b7: {  	s3 =	sadd.f32 @p4 s3, s4  }
0x6b8: {  	s4 =	smov.u32 s6;
	s6 =	sadd.f32 s31, s6  }
0x6b9: {  	s31 =	sld [smem:$0x7BB]  }
0x6ba: {  	(v2sf) =	vpush @p2 v22, $0xF  }
0x6bb: {  	p3 =	seq.s32 s2, $0x0;
	s19 =	simm.s32 @!p2 $0x0;
	(v2sf) =	vpush @p2 v26, $0xF  }
0x6bc: {  	p6 =	sge.s32 s10, s8;
	s19 =	simm.s32 @p2 $0x1;
	(v2sf) =	vpush @p2 v23, $0xF;
	p2 =	seq.s32 s31, $0x1  }
.Ltmp20:
0x6bd: {  	p3 =	por !p3, !p6;
	(pc) =	sbr.rel @p2 .LBB2_42-.Ltmp20, $4  }
0x6be: {  	p6 =	por !p3, !p3  }
0x6bf: {  	v22 =	vadd.s32 @p6 s0, v25;
	v26 =	vlaneseq.u32 @p6;
	vm2 =	veq.s32 @p0 v28, v31  }
0x6c0: {  	p3 =	por p5, p5;
	s2 =	simm.s32 @p6 $0x1;
	[smem:$0x7C3] =	sst s19;
	vm3 =	vlt.s32 @p6 v22, v13;
	(xrf0) =	vadd.scan.msk.s32 $0xffff, v19;
	v28 =	vor.u32 @p6 $0x80000000, v26;
	v31 =	vnsel @p0 vm2, $0x0, v32  }
0x6c1: {  	s0 =	smov.u32 s10;
	v25 =	vmovc v29;
	p5 =	por p6, p6;
	s7 =	smov.u32 @p0 s20;
	v23 =	vmov v33;
	v29 =	vsel @p6 vm3, $0x80000040, v28;
	v28 =	vnsel @p0 vm2, $0x0, v30;
	(xrf2) =	vadd.scan.msk.f32 @p0 $0xffff, v31  }
0x6c2: {  	_ =	sdelay $0x3  }
0x6c3: {  	v14, _, _ =	vpop (xrf0)  }
0x6c4: {  	(v2sf) =	vpush v14, $0xF;
	_ =	sdelay $0x4  }
0x6c5: {  	s19 =	sld [smem:$0x7C0]  }
0x6c6: {  	s17 =	spop @p3 (v2sf);
	s24 =	sld [smem:$0x7BF]  }
0x6c7: {  	p3 =	seq.s32 s2, $0x0;
	[dreg:$0x14] =	wrdreg s17;
	s20 =	spop (v2sf)  }
0x6c8: {  	s10 =	sadd.s32 s10, s20;
	s22 =	spop (v2sf);
	p2 =	seq.s32 s19, $0x1  }
0x6c9: {  	p6 =	sge.s32 s10, s8;
	p4 =	por p2, p2;
	p2 =	seq.s32 s24, $0x1  }
0x6ca: {  	v17 =	vnsel @p0 vm2, $0x0, v17;
	(xrf0) =	vmin.scan.msk.u32 @p5 $0xffff, v29;
	s17 =	spop @p2 (v2sf);
	p2 =	por !p3, !p6;
	p6 =	por p1, p1  }
0x6cb: {  	[dreg:$0x1a] =	wrdreg s17;
	s17 =	sxor.u32 @p4 $0x80000000, s17;
	s19 =	spop @p1 (v2sf)  }
0x6cc: {  	p3 =	por p0, p0;
	v18 =	vmov @p4 s17;
	s17 =	spop @p6 (v2sf)  }
0x6cd: {  	(xrf0) =	vadd.scan.msk.s32 @p0 $0xffff, v17;
	v17, _, _ =	vpop (xrf2);
	p0 =	por p5, p5;
	[dreg:$0x1c] =	wrdreg s17;
	s17 =	spop @p6 (v2sf)  }
0x6ce: {  	(xrf2) =	vadd.scan.msk.f32 $0xffff, v27;
	(v2sf) =	vpush v17, $0xF;
	p1 =	por !p2, !p2;
	[dreg:$0x19] =	wrdreg s17;
	s17 =	simm.s32 @!p5 $0x0  }
0x6cf: {  	v25 =	vadd.s32 @p1 s0, v25;
	vm2 =	veq.s32 @p4 v18, v21;
	v18 =	vlaneseq.u32 @p1;
	s2 =	simm.s32 @p1 $0x1;
	s17 =	simm.s32 @p5 $0x1;
	s31 =	spop (v2sf)  }
0x6d0: {  	(xrf0) =	vadd.scan.msk.s32 @p3 $0xffff, v28;
	vm3 =	vlt.s32 @p1 v25, v13;
	v21 =	vor.u32 @p1 $0x80000000, v18;
	v27 =	vnsel @p4 vm2, $0x0, v17;
	v17, _, _ =	vpop @p5 (xrf0);
	p5 =	seq.s32 s2, $0x0;
	[smem:$0x7B5] =	sst s17;
	s0 =	sadd.s32 s10, s31  }
0x6d1: {  	v21 =	vsel @p1 vm3, $0x80000040, v21;
	(xrf2) =	vadd.scan.msk.f32 @p4 $0xffff, v27;
	s17 =	simm.s32 @!p0 $0x0;
	p6 =	sge.s32 s0, s8;
	s8 =	sld [smem:$0x7BE]  }
0x6d2: {  	v16 =	vnsel @p4 vm2, $0x0, v16;
	(v2sf) =	vpush @p0 v17, $0xF;
	(xrf0) =	vmin.scan.msk.u32 @p1 $0xffff, v21;
	s17 =	simm.s32 @p0 $0x1;
	p0 =	por !p5, !p6  }
0x6d3: {  	(xrf2) =	vadd.scan.msk.f32 $0xffff, v24;
	s0 =	simm.s32 @!p4 $0x0;
	p6 =	por !p0, !p0  }
0x6d4: {  	v17 =	vnsel @p4 vm2, $0x0, v20;
	(xrf0) =	vadd.scan.msk.s32 @p4 $0xffff, v16;
	s0 =	simm.s32 @p4 $0x1;
	p5 =	seq.s32 s8, $0x1;
	v14 =	vadd.s32 @p6 s10, v14;
	v20 =	vlaneseq.u32 @p6  }
0x6d5: {  	[smem:$0x7B0] =	sst s0;
	p0 =	por p4, p4;
	v16, _, _ =	vpop @p5 (xrf0);
	vm2 =	vlt.s32 @p6 v14, v13;
	v13 =	vor.u32 @p6 $0x80000000, v20  }
0x6d6: {  	s0 =	simm.s32 @!p3 $0x0;
	s10 =	sld [smem:$0x7BF];
	v21, _, _ =	vpop @p5 (xrf2);
	(xrf0) =	vadd.scan.msk.s32 @p0 $0xffff, v17;
	(v2sf) =	vpush @p3 v16, $0xF;
	v13 =	vsel @p6 vm2, $0x80000040, v13  }
0x6d7: {  	s0 =	simm.s32 @p3 $0x1;
	v16, _, _ =	vpop @p5 (xrf0);
	(v2sf) =	vpush @p3 v21, $0xF  }
0x6d8: {  	p2 =	por p1, p1;
	[smem:$0x7B3] =	sst s0;
	s0 =	simm.s32 @!p1 $0x0;
	v17, _, _ =	vpop (xrf2);
	(xrf0) =	vmin.scan.msk.u32 @p6 $0xffff, v13;
	(v2sf) =	vpush @p3 v16, $0xF  }
0x6d9: {  	s0 =	simm.s32 @p1 $0x1;
	p3 =	por p1, p1;
	v13, _, _ =	vpop @p1 (xrf0);
	(v2sf) =	vpush v17, $0xF;
	p1 =	seq.s32 s10, $0x1  }
0x6da: {  	(v2sf) =	vpush @p3 v13, $0xF;
	v13, _, _ =	vpop @p1 (xrf0)  }
0x6db: {  	v16, _, _ =	vpop @p1 (xrf2);
	(v2sf) =	vpush @p0 v13, $0xF  }
0x6dc: {  	v13, _, _ =	vpop @p1 (xrf0);
	(v2sf) =	vpush @p0 v16, $0xF  }
0x6dd: {  	[smem:$0x7B8] =	sst s0;
	s0 =	simm.s32 @!p0 $0x0;
	(v2sf) =	vpush @p0 v13, $0xF;
	v13, _, _ =	vpop (xrf2)  }
0x6de: {  	[dreg:$0x17] =	wrdreg s19;
	s0 =	simm.s32 @p0 $0x1;
	v16, _, _ =	vpop @p6 (xrf0);
	p0 =	por p6, p6;
	(v2sf) =	vpush v13, $0xF  }
0x6df: {  	s19 =	sld [smem:$0x7B5];
	(v2sf) =	vpush @p0 v16, $0xF  }
0x6e0: {  	[smem:$0x7AF] =	sst s17  }
0x6e1: {  	s20 =	sld [smem:$0x7AF]  }
0x6e2: {  	s17 =	spop (v2sf);
	p4 =	seq.s32 s19, $0x1  }
0x6e3: {  	[dreg:$0x1e] =	wrdreg s17;
	s8 =	spop @p4 (v2sf)  }
0x6e4: {  	p4 =	seq.s32 s20, $0x1;
	[smem:$0x7B4] =	sst s0;
	s0 =	simm.s32 @!p6 $0x0  }
0x6e5: {  	p4 =	por p4, p4;
	s0 =	simm.s32 @p6 $0x1;
	s19 =	spop @p5 (v2sf)  }
0x6e6: {  	[smem:$0x7B1] =	sst s0;
	s0 =	sxor.u32 @p4 $0x80000000, s8;
	s17 =	spop @p5 (v2sf)  }
0x6e7: {  	v16 =	vmov @p4 s0;
	s31 =	spop @p5 (v2sf)  }
0x6e8: {  	[dreg:$0x10] =	wrdreg s22;
	vm2 =	veq.s32 @p4 v16, v26;
	s22 =	spop (v2sf)  }
0x6e9: {  	v16 =	vnsel @p4 vm2, $0x0, v17;
	s2 =	spop @p2 (v2sf)  }
0x6ea: {  	(xrf2) =	vadd.scan.msk.f32 @p4 $0xffff, v16;
	[smem:$0x7B6] =	sst s22;
	s22 =	spop @p1 (v2sf)  }
0x6eb: {  	(xrf2) =	vadd.scan.msk.f32 $0xffff, v23;
	s10 =	spop @p1 (v2sf)  }
0x6ec: {  	p2 =	por p3, p3;
	s20 =	spop @p1 (v2sf)  }
0x6ed: {  	s0 =	sxor.u32 @p2 $0x80000000, s2;
	s24 =	spop (v2sf)  }
0x6ee: {  	p0 =	por p0, p0;
	v16 =	vmov @p2 s0;
	s0 =	spop @p6 (v2sf)  }
0x6ef: {  	v12 =	vnsel @p4 vm2, $0x0, v12;
	vm3 =	veq.s32 @p2 v16, v18;
	[smem:$0x7B9] =	sst s24;
	s24 =	sxor.u32 @p0 $0x80000000, s0  }
0x6f0: {  	(xrf0) =	vadd.scan.msk.s32 @p4 $0xffff, v12;
	v12 =	vnsel @p2 vm3, $0x0, v13;
	v13 =	vmov @p0 s24;
	s24 =	sld [smem:$0x7B5];
	_ =	sdelay $0x2  }
0x6f1: {  	p5 =	por p4, p4;
	v16 =	vnsel @p4 vm2, $0x0, v22;
	p1 =	seq.s32 s24, $0x1  }
0x6f2: {  	(xrf0) =	vadd.scan.msk.s32 @p5 $0xffff, v16;
	v17, _, _ =	vpop @p1 (xrf2)  }
0x6f3: {  	vm2 =	veq.s32 @p0 v13, v20;
	(xrf2) =	vadd.scan.msk.f32 @p2 $0xffff, v12;
	v12 =	vnsel @p2 vm3, $0x0, v15;
	v15, _, _ =	vpop (xrf2)  }
0x6f4: {  	(xrf0) =	vadd.scan.msk.s32 @p2 $0xffff, v12;
	v12 =	vnsel @p0 vm2, $0x0, v15  }
0x6f5: {  	p6 =	por p2, p2;
	(xrf2) =	vadd.scan.msk.f32 @p0 $0xffff, v12;
	v12 =	vnsel @p2 vm3, $0x0, v25  }
0x6f6: {  	v13, _, _ =	vpop @p1 (xrf0);
	(xrf0) =	vadd.scan.msk.s32 @p6 $0xffff, v12;
	v12 =	vnsel @p0 vm2, $0x0, v19;
	_ =	sdelay $0x1  }
0x6f7: {  	s24 =	simm.s32 @!p5 $0x0  }
0x6f8: {  	s24 =	simm.s32 @p5 $0x1;
	(xrf0) =	vadd.scan.msk.s32 @p0 $0xffff, v12;
	v12, _, _ =	vpop @p1 (xrf0);
	p1 =	por p0, p0  }
0x6f9: {  	[smem:$0x7B7] =	sst s24;
	s24 =	simm.s32 @!p1 $0x0  }
0x6fa: {  	s24 =	simm.s32 @p1 $0x1  }
0x6fb: {  	[smem:$0x7B2] =	sst s24  }
0x6fc: {  	s24 =	sld [smem:$0x7B8]  }
0x6fd: {  	(v2sf) =	vpush @p5 v13, $0xF  }
0x6fe: {  	(v2sf) =	vpush @p5 v17, $0xF  }
0x6ff: {  	(v2sf) =	vpush @p5 v12, $0xF;
	p5 =	seq.s32 s24, $0x1;
	s24 =	sld [smem:$0x7C2];
	_ =	sdelay $0x2  }
0x700: {  	p3 =	seq.s32 s24, $0x1;
	s24 =	sld [smem:$0x7C3];
	_ =	sdelay $0x1  }
0x701: {  	v12 =	vnsel @p0 vm2, $0x0, v14;
	s1 =	smov.u32 @p3 s3;
	s3 =	sadd.s32 $0x10, s5;
	s5 =	rddreg [dreg:$0x14]  }
0x702: {  	(xrf0) =	vadd.scan.msk.s32 @p1 $0xffff, v12;
	p1 =	seq.s32 s24, $0x1;
	s24 =	sld [smem:$0x7B0]  }
0x703: {  	s9 =	smov.u32 @p3 s5;
	s5 =	rddreg [dreg:$0x1c];
	p1 =	por p1, p1  }
0x704: {  	s4 =	sadd.f32 @p1 s5, s4  }
0x705: {  	p3 =	seq.s32 s24, $0x1;
	s24 =	sld [smem:$0x7B1]  }
0x706: {  	(v2sf) =	vpush v15, $0xF;
	v13, _, _ =	vpop @p5 (xrf0);
	s5 =	rddreg [dreg:$0x1a]  }
0x707: {  	v12, _, _ =	vpop @p5 (xrf2);
	(v2sf) =	vpush @p6 v13, $0xF;
	s1 =	smov.u32 @p1 s4;
	s4 =	rddreg [dreg:$0x19]  }
0x708: {  	(v2sf) =	vpush @p6 v12, $0xF;
	v12, _, _ =	vpop @p5 (xrf0);
	s5 =	sadd.s32 @p3 s3, s5;
	p5 =	seq.s32 s24, $0x1;
	s24 =	sld [smem:$0x7B2]  }
0x709: {  	s7 =	smov.u32 @p3 s5;
	s5 =	rddreg [dreg:$0x17]  }
0x70a: {  	s18 =	smov.u32 @p1 s5;
	s5 =	rddreg [dreg:$0x10]  }
0x70b: {  	p3 =	seq.s32 s24, $0x1;
	s24 =	sld [smem:$0x7B3]  }
0x70c: {  	s3 =	sadd.s32 $0x10, s3;
	s9 =	smov.u32 @p1 s4;
	s4 =	sadd.f32 s5, s6  }
0x70d: {  	s5 =	sadd.s32 @p4 s3, s8;
	s8 =	sld [smem:$0x7B4];
	s3 =	sadd.s32 $0x10, s3  }
0x70e: {  	(v2sf) =	vpush @p6 v12, $0xF;
	v12, _, _ =	vpop @p5 (xrf0);
	s7 =	smov.u32 @p4 s5;
	s2 =	sadd.s32 @p2 s3, s2;
	p1 =	seq.s32 s24, $0x1  }
0x70f: {  	v13, _, _ =	vpop @p5 (xrf2);
	s7 =	smov.u32 @p2 s2;
	(v2sf) =	vpush @p3 v12, $0xF;
	p1 =	por p1, p1  }
0x710: {  	s2 =	sadd.s32 $0x10, s3;
	p4 =	seq.s32 s8, $0x1;
	(v2sf) =	vpush @p3 v13, $0xF;
	s5 =	sadd.f32 @p1 s17, s6  }
0x711: {  	v12, _, _ =	vpop @p5 (xrf0);
	p4 =	por p4, p4;
	s9 =	smov.u32 @p1 s31;
	s17 =	sld [smem:$0x7B5]  }
0x712: {  	s0 =	sadd.s32 @p0 s2, s0;
	(v2sf) =	vpush @p3 v12, $0xF;
	s9 =	smov.u32 @p4 s20;
	s20 =	sld [smem:$0x7B7]  }
0x713: {  	s18 =	smov.u32 @p1 s19;
	s1 =	smov.u32 @p1 s5;
	s5 =	sadd.f32 @p4 s10, s4  }
0x714: {  	s7 =	smov.u32 @p0 s0;
	s18 =	smov.u32 @p4 s22;
	s10 =	rddreg [dreg:$0x1e]  }
0x715: {  	p1 =	seq.s32 s17, $0x1;
	s1 =	smov.u32 @p4 s5;
	p4 =	seq.s32 s20, $0x1  }
0x716: {  	s3 =	sadd.f32 s10, s4;
	s0 =	spop @p1 (v2sf);
	p0 =	por p4, p4  }
0x717: {  	s18 =	smov.u32 @p0 s0;
	s0 =	sld [smem:$0x7B8]  }
0x718: {  	s24 =	simm.s32 $0x11020;
	s19 =	sld [smem:$0x7B6];
	s2 =	spop @p1 (v2sf)  }
0x719: {  	s5 =	spop @p1 (v2sf);
	s2 =	sadd.f32 @p0 s2, s3;
	[tilespmem:s24+$0xFFFFFFF0] =	vst v0  }
0x71a: {  	s22 =	spop (v2sf);
	s31 =	sld [smem:$0x7B9];
	p1 =	seq.s32 s0, $0x1  }
0x71b: {  	s4 =	sadd.f32 s19, s3;
	s1 =	smov.u32 @p0 s2;
	s2 =	spop @p1 (v2sf)  }
0x71c: {  	s9 =	smov.u32 @p0 s5;
	[tilespmem:s24+$0x0] =	vst v0;
	s5 =	spop @p1 (v2sf)  }
0x71d: {  	[tilespmem:s24+$0x10] =	vst v0;
	p0 =	por p6, p6;
	s8 =	sadd.f32 s31, s4;
	s6 =	spop @p1 (v2sf)  }
0x71e: {  	[tilespmem:s24+$0xFFFFFFE0] =	vst v0;
	s0 =	simm.s32 $0x11820;
	s4 =	sadd.f32 @p0 s5, s4;
	s5 =	spop @p5 (v2sf)  }
0x71f: {  	[tilespmem:s0+$0xFFFFFFF0] =	vst v1;
	s18 =	smov.u32 @p0 s2;
	p1 =	por p3, p3;
	s2 =	spop @p5 (v2sf)  }
0x720: {  	s3 =	simm.s32 $0x11060;
	[tilespmem:s0+$0x0] =	vst v1;
	s9 =	smov.u32 @p0 s6;
	s2 =	sadd.f32 @p1 s2, s8  }
0x721: {  	[tilespmem:s0+$0x10] =	vst v1;
	s1 =	smov.u32 @p0 s4;
	s18 =	smov.u32 @p1 s5;
	s4 =	spop @p5 (v2sf)  }
0x722: {  	[tilespmem:s0+$0xFFFFFFE0] =	vst v1;
	s9 =	smov.u32 @p1 s4;
	s1 =	smov.u32 @p1 s2;
	s2 =	simm.s32 $0x0  }
.LBB2_44:
0x723: {  	[tilespmem:s3+$0xFFFFFFF0] =	vst v0;
	s0 =	sadd.s32 $0x40, s0  }
0x724: {  	s2 =	sadd.s32 $0x4, s2;
	[tilespmem:s0+$0xFFFFFFF0] =	vst v1  }
0x725: {  	p0 =	slt.u32 s2, $0x7C;
	[tilespmem:s3+$0x0] =	vst v0  }
.Ltmp21:
0x726: {  	[tilespmem:s0+$0x0] =	vst v1;
	(pc) =	sbr.rel @p0 .LBB2_44-.Ltmp21, $4  }
0x727: {  	[tilespmem:s3+$0x10] =	vst v0  }
0x728: {  	[tilespmem:s0+$0x10] =	vst v1  }
0x729: {  	[tilespmem:s3+$0xFFFFFFE0] =	vst v0  }
0x72a: {  	s3 =	sadd.s32 $0x40, s3;
	[tilespmem:s0+$0xFFFFFFE0] =	vst v1  }
0x72b: {  	s0 =	simm.s32 $0x8040  }
0x72c: {  	v20 =	vld [tilespmem:s0+$0xFFFFFFD0]  }
0x72d: {  	v14 =	vld [tilespmem:s0+$0xFFFFFFF0];
	_ =	sdelay $0x1  }
0x72e: {  	v18 =	vld [tilespmem:s0+$0x0]  }
0x72f: {  	s2 =	rddreg [dreg:$0xc]  }
0x730: {  	s2 =	sshll.u32 s2, $0xB;
	v12 =	vshra.s32 v20, $0x1F  }
0x731: {  	v13 =	vld [tilespmem:s0+$0xFFFFFFE0];
	s2 =	sor.u32 s2, s7;
	v15 =	vshra.s32 v14, $0x1F;
	v12 =	vand.u32 $0x7FFFFFFF, v12  }
0x732: {  	v16 =	vld [tilespmem:s0+$0x20];
	v17 =	vmov s2;
	v19 =	vand.u32 $0x7FFFFFFF, v15;
	v12 =	vxor.u32 v20, v12  }
0x733: {  	v22 =	vshra.s32 v18, $0x1F;
	v15 =	vld [tilespmem:s0+$0x10];
	v19 =	vxor.u32 v14, v19;
	v21 =	vshra.s32 v12, $0xA  }
0x734: {  	v23 =	vshra.s32 v19, $0xA;
	vm3 =	veq.s32 v21, v17;
	v21 =	vand.u32 $0x7FFFFFFF, v22  }
0x735: {  	v24 =	vand.u32 $0x3FF, v12;
	vm2 =	veq.s32 v23, v17;
	v12 =	vxor.u32 v18, v21  }
0x736: {  	v22 =	vand.u32 $0x3FF, v19;
	v21 =	vshra.s32 v13, $0x1F;
	v27 =	vshra.s32 v12, $0xA  }
0x737: {  	v19 =	vand.u32 $0x7FFFFFFF, v21;
	v23 =	vand.u32 $0x3FF, v12;
	v12 =	vshra.s32 v16, $0x1F  }
0x738: {  	v21 =	vld [tilespmem:s0+$0xFFFFFFC0];
	v25 =	vxor.u32 v13, v19;
	v19 =	vshra.s32 v15, $0x1F;
	v12 =	vand.u32 $0x7FFFFFFF, v12  }
0x739: {  	vm6 =	veq.s32 v27, v17;
	v29 =	vand.u32 $0x7FFFFFFF, v19;
	v28 =	vxor.u32 v16, v12;
	v19 =	vld [tilespmem:s0+$0x30]  }
0x73a: {  	s2 =	simm.s32 $0x80C0;
	v26 =	vshra.s32 v25, $0xA;
	s0 =	simm.s32 $0x0;
	v27 =	vxor.u32 v15, v29;
	v29 =	vshra.s32 v28, $0xA;
	[tilespmem:v24+s15+$0x0] =	vst.idx.add.s32.msk vm3, v2  }
.LBB2_46:
0x73b: {  	v12 =	vld [tilespmem:s2+$0xFFFFFFF0];
	s0 =	sadd.s32 $0x8, s0;
	v30 =	vshra.s32 v27, $0xA;
	vm7 =	veq.s32 v29, v17  }
0x73c: {  	vm4 =	veq.s32 v26, v17;
	p0 =	slt.u32 s0, $0x7F8;
	[tilespmem:v24+s16+$0x0] =	vst.idx.add.f32.msk vm3, v20;
	vm5 =	veq.s32 v30, v17;
	v24 =	vand.u32 $0x3FF, v28  }
0x73d: {  	v25 =	vand.u32 $0x3FF, v25;
	v26 =	vld [tilespmem:s2+$0xFFFFFFE0];
	v20 =	vshra.s32 v21, $0x1F  }
0x73e: {  	v28 =	vld [tilespmem:s2+$0x10];
	v20 =	vand.u32 $0x7FFFFFFF, v20;
	v29 =	vshra.s32 v19, $0x1F  }
0x73f: {  	v27 =	vand.u32 $0x3FF, v27;
	v30 =	vxor.u32 v21, v20;
	[tilespmem:v22+s15+$0x0] =	vst.idx.add.s32.msk vm2, v2;
	v20 =	vand.u32 $0x7FFFFFFF, v29  }
0x740: {  	v29 =	vshra.s32 v30, $0xA;
	[tilespmem:v23+s15+$0x0] =	vst.idx.add.s32.msk vm6, v2;
	v31 =	vxor.u32 v19, v20  }
0x741: {  	vm3 =	veq.s32 v29, v17;
	[tilespmem:v23+s16+$0x0] =	vst.idx.add.f32.msk vm6, v18;
	v18 =	vshra.s32 v31, $0xA  }
0x742: {  	v23 =	vand.u32 $0x3FF, v30;
	v20 =	vld [tilespmem:s2+$0xFFFFFFD0];
	vm6 =	veq.s32 v18, v17  }
0x743: {  	v29 =	vld [tilespmem:s2+$0x20]  }
0x744: {  	[tilespmem:v22+s16+$0x0] =	vst.idx.add.f32.msk vm2, v14;
	v14 =	vmov v12  }
0x745: {  	[tilespmem:v24+s15+$0x0] =	vst.idx.add.s32.msk vm7, v2  }
0x746: {  	v18 =	vld [tilespmem:s2+$0x0]  }
0x747: {  	v30 =	vand.u32 $0x3FF, v31;
	v12 =	vshra.s32 v14, $0x1F;
	[tilespmem:v23+s15+$0x0] =	vst.idx.add.s32.msk vm3, v2  }
0x748: {  	v12 =	vand.u32 $0x7FFFFFFF, v12;
	v22 =	vshra.s32 v20, $0x1F;
	[tilespmem:v24+s16+$0x0] =	vst.idx.add.f32.msk vm7, v16;
	v16 =	vmov v29  }
0x749: {  	v22 =	vand.u32 $0x7FFFFFFF, v22;
	v29 =	vxor.u32 v14, v12;
	[tilespmem:v27+s15+$0x0] =	vst.idx.add.s32.msk vm5, v2  }
0x74a: {  	v22 =	vxor.u32 v20, v22;
	v31 =	vshra.s32 v29, $0xA;
	[tilespmem:v23+s16+$0x0] =	vst.idx.add.f32.msk vm3, v21  }
0x74b: {  	v12 =	vshra.s32 v22, $0xA;
	v21 =	vshra.s32 v18, $0x1F;
	[tilespmem:v25+s15+$0x0] =	vst.idx.add.s32.msk vm4, v2  }
0x74c: {  	vm3 =	veq.s32 v12, v17;
	v12 =	vimm.f32 $0.0e+00;
	v21 =	vand.u32 $0x7FFFFFFF, v21;
	[tilespmem:v27+s16+$0x0] =	vst.idx.add.f32.msk vm5, v15;
	v15 =	vmovc v28  }
0x74d: {  	v24 =	vand.u32 $0x3FF, v22;
	vm2 =	veq.s32 v31, v17;
	v21 =	vxor.u32 v18, v21;
	[tilespmem:v30+s15+$0x0] =	vst.idx.add.s32.msk vm6, v2  }
.Ltmp22:
0x74e: {  	v23 =	vshra.s32 v26, $0x1F;
	v22 =	vand.u32 $0x3FF, v29;
	v27 =	vshra.s32 v21, $0xA;
	[tilespmem:v30+s16+$0x0] =	vst.idx.add.f32.msk vm6, v19;
	(pc) =	sbr.rel @p0 .LBB2_46-.Ltmp22, $4  }
0x74f: {  	v28 =	vshra.s32 v16, $0x1F;
	v19 =	vand.u32 $0x7FFFFFFF, v23;
	v23 =	vand.u32 $0x3FF, v21;
	[tilespmem:v25+s16+$0x0] =	vst.idx.add.f32.msk vm4, v13;
	v13 =	vmovc v26  }
0x750: {  	v28 =	vand.u32 $0x7FFFFFFF, v28;
	v21 =	vld [tilespmem:s2+$0xFFFFFFC0];
	v25 =	vxor.u32 v13, v19;
	v19 =	vshra.s32 v15, $0x1F  }
0x751: {  	v28 =	vxor.u32 v16, v28;
	v26 =	vshra.s32 v25, $0xA;
	v29 =	vand.u32 $0x7FFFFFFF, v19;
	v19 =	vld [tilespmem:s2+$0x30]  }
0x752: {  	s3 =	simm.s32 $0x12020;
	vm6 =	veq.s32 v27, v17;
	s2 =	sadd.s32 $0x80, s2;
	[tilespmem:v24+s15+$0x0] =	vst.idx.add.s32.msk vm3, v2;
	v27 =	vxor.u32 v15, v29;
	v29 =	vshra.s32 v28, $0xA  }
0x753: {  	_ =	sdelay $0x4  }
0x754: {  	vm4 =	veq.s32 v29, v17;
	[tilespmem:v24+s16+$0x0] =	vst.idx.add.f32.msk vm3, v20  }
0x755: {  	v20 =	vand.u32 $0x3FF, v28;
	[tilespmem:v22+s15+$0x0] =	vst.idx.add.s32.msk vm2, v2;
	vm15 =	veq.s32 v26, v17  }
0x756: {  	v58 =	vshra.s32 v27, $0xA;
	[tilespmem:v22+s16+$0x0] =	vst.idx.add.f32.msk vm2, v14;
	v14 =	vand.u32 $0x3FF, v25;
	v30 =	vshra.s32 v21, $0x1F  }
0x757: {  	vm5 =	veq.s32 v58, v17;
	v30 =	vand.u32 $0x7FFFFFFF, v30  }
0x758: {  	[tilespmem:v23+s15+$0x0] =	vst.idx.add.s32.msk vm6, v2;
	v61 =	vand.u32 $0x3FF, v27;
	v60 =	vshra.s32 v19, $0x1F;
	v30 =	vxor.u32 v21, v30  }
0x759: {  	[tilespmem:v23+s16+$0x0] =	vst.idx.add.f32.msk vm6, v18;
	v24 =	vand.u32 $0x7FFFFFFF, v60;
	v57 =	vshra.s32 v30, $0xA  }
0x75a: {  	v18 =	vxor.u32 v19, v24;
	vm3 =	veq.s32 v57, v17;
	[tilespmem:v20+s15+$0x0] =	vst.idx.add.s32.msk vm4, v2  }
0x75b: {  	v59 =	vand.u32 $0x3FF, v30;
	v22 =	vshra.s32 v18, $0xA;
	[tilespmem:v14+s15+$0x0] =	vst.idx.add.s32.msk vm15, v2  }
0x75c: {  	vm2 =	veq.s32 v22, v17;
	[tilespmem:v20+s16+$0x0] =	vst.idx.add.f32.msk vm4, v16  }
0x75d: {  	v17 =	vand.u32 $0x3FF, v18;
	[tilespmem:v61+s15+$0x0] =	vst.idx.add.s32.msk vm5, v2  }
0x75e: {  	[tilespmem:v14+s16+$0x0] =	vst.idx.add.f32.msk vm15, v13  }
0x75f: {  	[tilespmem:v61+s16+$0x0] =	vst.idx.add.f32.msk vm5, v15  }
0x760: {  	[tilespmem:v59+s15+$0x0] =	vst.idx.add.s32.msk vm3, v2  }
0x761: {  	[tilespmem:v59+s16+$0x0] =	vst.idx.add.f32.msk vm3, v21  }
0x762: {  	[tilespmem:v17+s15+$0x0] =	vst.idx.add.s32.msk vm2, v2  }
0x763: {  	s0 =	simm.s32 $0x12420;
	[tilespmem:v17+s16+$0x0] =	vst.idx.add.f32.msk vm2, v19  }
0x764: {  	v13 =	vld [tilespmem:s0+$0xFFFFFFE0];
	_ =	sdelay $0x1  }
0x765: {  	v14 =	vld [tilespmem:s0+$0xFFFFFFF0]  }
0x766: {  	v15 =	vld [tilespmem:s3+$0x10]  }
0x767: {  	v16 =	vld [tilespmem:s0+$0x0]  }
0x768: {  	v17 =	vld [tilespmem:s3+$0xFFFFFFE0];
	v13 =	vadd.f32 $0.0e+00, v13  }
0x769: {  	v18 =	vld [tilespmem:s0+$0x10]  }
0x76a: {  	s24 =	simm.s32 $0x12460;
	v19 =	vld [tilespmem:s3+$0xFFFFFFF0];
	v13 =	vadd.f32 v14, v13  }
0x76b: {  	v14 =	vld [tilespmem:s24+$0xFFFFFFE0]  }
0x76c: {  	v20 =	vld [tilespmem:s3+$0x0];
	v13 =	vadd.f32 v16, v13  }
0x76d: {  	s2 =	simm.s32 $0x12060;
	v16 =	vld [tilespmem:s24+$0xFFFFFFF0]  }
0x76e: {  	v22 =	vld [tilespmem:s2+$0x10];
	v13 =	vadd.f32 v18, v13  }
0x76f: {  	v18 =	vld [tilespmem:s24+$0x0]  }
0x770: {  	v21 =	vld [tilespmem:s2+$0xFFFFFFE0];
	v17 =	vadd.s32 v17, v19;
	v14 =	vadd.f32 $0.0e+00, v14;
	(xrf2) =	vadd.scan.msk.f32 $0xffff, v13  }
0x771: {  	v17 =	vadd.s32 v20, v17;
	v13 =	vld [tilespmem:s24+$0x10]  }
0x772: {  	s31 =	simm.s32 $0x124A0;
	v23 =	vld [tilespmem:s2+$0xFFFFFFF0];
	v15 =	vadd.s32 v15, v17;
	v14 =	vadd.f32 v16, v14  }
0x773: {  	v17 =	vld [tilespmem:s31+$0xFFFFFFE0];
	(xrf0) =	vadd.scan.msk.s32 $0xffff, v15  }
0x774: {  	v15 =	vld [tilespmem:s2+$0x0];
	v18 =	vadd.f32 v18, v14  }
0x775: {  	s4 =	simm.s32 $0x120A0;
	v16 =	vld [tilespmem:s31+$0xFFFFFFF0]  }
0x776: {  	v19 =	vld [tilespmem:s4+$0xFFFFFFE0];
	v18 =	vadd.f32 v13, v18  }
0x777: {  	v14 =	vld [tilespmem:s31+$0x0]  }
0x778: {  	v21 =	vadd.s32 v21, v23;
	v20 =	vld [tilespmem:s4+$0x10];
	v17 =	vadd.f32 $0.0e+00, v17;
	(xrf2) =	vadd.scan.msk.f32 $0xffff, v18  }
0x779: {  	v23 =	vadd.s32 v15, v21;
	v62, _, _ =	vpop (xrf0);
	v13 =	vld [tilespmem:s31+$0x10]  }
0x77a: {  	s7 =	simm.s32 $0x0;
	s5 =	simm.s32 $0x1;
	s2 =	simm.s32 $0x124E0;
	v15 =	vimm.s32 $0x0;
	v21 =	vld [tilespmem:s4+$0xFFFFFFF0];
	v17 =	vadd.f32 v16, v17;
	v16 =	vadd.s32 v22, v23;
	v63, _, _ =	vpop (xrf2)  }
0x77b: {  	s6 =	simm.s32 $0x4;
	s3 =	simm.s32 $0x2;
	s0 =	simm.s32 $0x3;
	v23 =	vmov s7;
	v22 =	vbroadcast v62, $0xF;
	v18 =	vld [tilespmem:s2+$0xFFFFFFE0];
	(xrf0) =	vadd.scan.msk.s32 $0xffff, v16;
	v16 =	vbroadcast v63, $0xF  }
.LBB2_48:
0x77c: {  	p0 =	sne.s32 s6, $0xF;
	v24 =	vld [tilespmem:s4+$0x0];
	v14 =	vadd.f32 v14, v17;
	vm2 =	veq.s32 v23, v3;
	s7 =	smov.u32 s0;
	s0 =	smov.u32 s6  }
0x77d: {  	s4 =	sadd.s32 $0x40, s4;
	v17 =	vld [tilespmem:s2+$0xFFFFFFF0];
	v15 =	vsel vm2, v22, v15;
	v12 =	vsel vm2, v16, v12  }
0x77e: {  	v25 =	vld [tilespmem:s4+$0x10];
	v13 =	vadd.f32 v13, v14  }
.Ltmp23:
0x77f: {  	v14 =	vld [tilespmem:s2+$0x0];
	(pc) =	sbr.rel @p0 .LBB2_48-.Ltmp23, $4  }
0x780: {  	v16 =	vadd.f32 $0.0e+00, v18;
	v18 =	vadd.s32 v19, v21;
	v19 =	vld [tilespmem:s4+$0xFFFFFFE0];
	(xrf2) =	vadd.scan.msk.f32 $0xffff, v13  }
0x781: {  	v13 =	vld [tilespmem:s2+$0x10];
	v18 =	vadd.s32 v24, v18;
	v22, _, _ =	vpop (xrf0)  }
0x782: {  	s2 =	sadd.s32 $0x40, s2;
	v21 =	vld [tilespmem:s4+$0xFFFFFFF0];
	v17 =	vadd.f32 v17, v16;
	v16 =	vadd.s32 v20, v18;
	v20, _, _ =	vpop (xrf2)  }
0x783: {  	s6 =	sadd.s32 $0x1, s6;
	v23 =	vmov s5;
	s5 =	smov.u32 s3;
	s3 =	smov.u32 s7;
	v22 =	vbroadcast v22, $0xF;
	v18 =	vld [tilespmem:s2+$0xFFFFFFE0];
	(xrf0) =	vadd.scan.msk.s32 $0xffff, v16;
	v16 =	vbroadcast v20, $0xF;
	v20 =	vmovc v25  }
0x784: {  	v24 =	vld [tilespmem:s4+$0x0];
	s7 =	sadd.s32 $0x40, s4  }
0x785: {  	v25 =	vld [tilespmem:s7+$0xFFFFFFE0]  }
0x786: {  	v26 =	vld [tilespmem:s7+$0xFFFFFFF0]  }
0x787: {  	v27 =	vld [tilespmem:s7+$0x0]  }
0x788: {  	v28 =	vld [tilespmem:s7+$0x10];
	_ =	sdelay $0x1  }
0x789: {  	v19 =	vadd.s32 v19, v21  }
0x78a: {  	(v2sf) =	vpush v11, $0xF;
	v19 =	vadd.s32 v24, v19;
	v21 =	vadd.s32 v25, v26  }
0x78b: {  	v11 =	vadd.s32 v20, v19;
	v19 =	vadd.s32 v27, v21  }
0x78c: {  	(xrf0) =	vadd.scan.msk.s32 $0xffff, v11;
	v11 =	vadd.s32 v28, v19  }
0x78d: {  	(xrf0) =	vadd.scan.msk.s32 $0xffff, v11;
	_ =	sdelay $0x1  }
0x78e: {  	v19 =	vmov s5  }
0x78f: {  	v11, _, _ =	vpop (xrf0)  }
0x790: {  	vm2 =	veq.s32 v23, v3;
	v11 =	vbroadcast v11, $0xF  }
0x791: {  	v15 =	vsel vm2, v22, v15;
	vm3 =	veq.s32 v19, v3;
	v19, _, _ =	vpop (xrf0)  }
0x792: {  	v11 =	vsel vm3, v11, v15;
	v15 =	vmov s3;
	v19 =	vbroadcast v19, $0xF;
	v20, _, _ =	vpop (xrf0)  }
0x793: {  	vm4 =	veq.s32 v15, v3;
	v15 =	vmov s0;
	v20 =	vbroadcast v20, $0xF  }
0x794: {  	v11 =	vsel vm4, v19, v11;
	vm5 =	veq.s32 v15, v3  }
0x795: {  	v15 =	vsel vm5, v20, v11  }
0x796: {  	(xrf0) =	vadd.scan.msk.s32 $0xffff, v15  }
0x797: {  	v11 =	vld [tilespmem:s2+$0xFFFFFFF0]  }
0x798: {  	s8 =	spop (v2sf)  }
0x799: {  	s10 =	rddreg [dreg:$0xa];
	v19 =	vld [tilespmem:s2+$0x0];
	s0 =	ssub.s32 s8, s9  }
0x79a: {  	v18 =	vadd.f32 $0.0e+00, v18;
	s3 =	sadd.s32 s0, s10  }
0x79b: {  	v20 =	vld [tilespmem:s2+$0x10];
	s17 =	sadd.s32 s18, s3  }
0x79c: {  	s6 =	sadd.s32 $0xFFFFF334, s17;
	v18 =	vadd.f32 v11, v18;
	v11, _, _ =	vpop (xrf0)  }
0x79d: {  	v14 =	vadd.f32 v14, v17;
	vm6 =	vlt.s32 v11, s6  }
0x79e: {  	v18 =	vadd.f32 v19, v18;
	v17 =	vsel vm6, $0x80000040, v4  }
0x79f: {  	v13 =	vadd.f32 v13, v14;
	(xrf0) =	vmin.scan.msk.u32 $0xffff, v17  }
0x7a0: {  	v14 =	vadd.f32 v20, v18  }
0x7a1: {  	(xrf2) =	vadd.scan.msk.f32 $0xffff, v13  }
0x7a2: {  	(xrf2) =	vadd.scan.msk.f32 $0xffff, v14;
	_ =	sdelay $0x2  }
0x7a3: {  	v13, _, _ =	vpop (xrf0)  }
0x7a4: {  	(v2sf) =	vpush v13, $0xF;
	_ =	sdelay $0x3  }
0x7a5: {  	v13, _, _ =	vpop (xrf2)  }
0x7a6: {  	v13 =	vbroadcast v13, $0xF;
	v14, _, _ =	vpop (xrf2)  }
0x7a7: {  	v12 =	vsel vm2, v16, v12;
	v14 =	vbroadcast v14, $0xF;
	v16, _, _ =	vpop (xrf2)  }
0x7a8: {  	v12 =	vsel vm3, v13, v12;
	v13 =	vbroadcast v16, $0xF  }
0x7a9: {  	v12 =	vsel vm4, v14, v12  }
0x7aa: {  	v14 =	vsel vm5, v13, v12  }
0x7ab: {  	(xrf2) =	vadd.scan.msk.f32 $0xffff, v14;
	_ =	sdelay $0x4  }
0x7ac: {  	s18 =	spop (v2sf)  }
0x7ad: {  	s19 =	sshll.u32 s18, $0x8  }
0x7ae: {  	s3 =	sshra.s32 s19, $0x2  }
0x7af: {  	s20 =	sadd.s32 $0x12000, s3  }
0x7b0: {  	v13 =	vmov s20  }
0x7b1: {  	s2 =	sxor.u32 $0x80000000, s18;
	v12, _, _ =	vpop (xrf2)  }
0x7b2: {  	v16 =	vmov s2;
	v14 =	vsub.f32 v12, v14  }
0x7b3: {  	vm2 =	veq.s32 v16, v3  }
0x7b4: {  	s22 =	simm.s32 $0x0;
	v14 =	vnsel vm2, $0x0, v14  }
0x7b5: {  	(xrf2) =	vadd.scan.msk.f32 $0xffff, v14;
	v17 =	vld.idx.msk [tilespmem:v13+s22+$0x0 ss:$0x1], $0xffff  }
0x7b6: {  	v14 =	vsub.s32 v11, v15  }
0x7b7: {  	v14 =	vnsel vm2, $0x0, v14  }
0x7b8: {  	(xrf0) =	vadd.scan.msk.s32 $0xffff, v14;
	_ =	sdelay $0x1  }
0x7b9: {  	(xrf0) =	vadd.scan.msk.s32 $0xffff, v17;
	_ =	sdelay $0x3  }
0x7ba: {  	v14, _, _ =	vpop (xrf0)  }
0x7bb: {  	(v2sf) =	vpush v14, $0xF;
	v14, _, _ =	vpop (xrf2)  }
0x7bc: {  	(v2sf) =	vpush v14, $0xF;
	v14, _, _ =	vpop (xrf0)  }
0x7bd: {  	(v2sf) =	vpush v14, $0xF;
	_ =	sdelay $0xc  }
0x7be: {  	s5 =	spop (v2sf)  }
0x7bf: {  	s4 =	spop (v2sf)  }
0x7c0: {  	s7 =	spop (v2sf)  }
0x7c1: {  	s7 =	sadd.s32 s5, s7  }
0x7c2: {  	p0 =	por $0x1, $0x1;
	p1 =	sge.s32 s7, s6  }
0x7c3: {  	p0 =	por !p0, !p1  }
0x7c4: {  	p0 =	por !p0, !p0  }
0x7c5: {  	s8 =	simm.s32 $0x10;
	v15 =	vmov s6;
	v18 =	vadd.s32 @p0 s5, v14;
	v19 =	vlaneseq.u32 @p0  }
0x7c6: {  	v16 =	vld.idx.msk [tilespmem:v13+s8+$0x0 ss:$0x1], $0xffff;
	vm2 =	vlt.s32 @p0 v18, v15;
	v14 =	vor.u32 @p0 $0x80000000, v19  }
0x7c7: {  	v14 =	vsel @p0 vm2, $0x80000040, v14  }
0x7c8: {  	(xrf0) =	vmin.scan.msk.u32 @p0 $0xffff, v14;
	_ =	sdelay $0x2  }
0x7c9: {  	(xrf0) =	vadd.scan.msk.s32 $0xffff, v16;
	_ =	sdelay $0x2  }
0x7ca: {  	s3 =	sadd.s32 $0x12400, s3;
	v20, _, _ =	vpop @p0 (xrf0)  }
0x7cb: {  	v14 =	vmov s3;
	(v2sf) =	vpush @p0 v20, $0xF;
	_ =	sdelay $0x1  }
0x7cc: {  	v20, _, _ =	vpop (xrf0)  }
0x7cd: {  	(v2sf) =	vpush v20, $0xF;
	_ =	sdelay $0x1  }
0x7ce: {  	v21 =	vld.idx.msk [tilespmem:v14+s22+$0x0 ss:$0x1], $0xffff;
	_ =	sdelay $0x4  }
0x7cf: {  	(xrf2) =	vadd.scan.msk.f32 $0xffff, v21;
	_ =	sdelay $0x4  }
0x7d0: {  	s2 =	spop @p0 (v2sf)  }
0x7d1: {  	s2 =	sxor.u32 @p0 $0x80000000, s2  }
0x7d2: {  	v22 =	vmov @p0 s2  }
0x7d3: {  	s3 =	simm.s32 $0x0;
	s24 =	spop (v2sf)  }
0x7d4: {  	s3 =	simm.s32 @p0 $0x1;
	s10 =	sadd.s32 s7, s24  }
0x7d5: {  	p6 =	seq.s32 s3, $0x0;
	vm2 =	veq.s32 @p0 v22, v19;
	p2 =	sge.s32 s10, s6;
	v22, _, _ =	vpop (xrf2)  }
0x7d6: {  	p1 =	por !p6, !p2;
	v19 =	vnsel @p0 vm2, $0x0, v22  }
0x7d7: {  	v17 =	vnsel @p0 vm2, $0x0, v17;
	p2 =	por !p1, !p1;
	p1 =	por p0, p0;
	(xrf2) =	vadd.scan.msk.f32 @p0 $0xffff, v19  }
0x7d8: {  	(xrf0) =	vadd.scan.msk.s32 @p1 $0xffff, v17  }
0x7d9: {  	v23 =	vnsel @p0 vm2, $0x0, v18;
	v18 =	vadd.s32 @p2 s7, v20;
	v19 =	vlaneseq.u32 @p2  }
0x7da: {  	vm3 =	vlt.s32 @p2 v18, v15;
	(xrf0) =	vadd.scan.msk.s32 @p1 $0xffff, v23;
	v17 =	vor.u32 @p2 $0x80000000, v19  }
0x7db: {  	v17 =	vsel @p2 vm3, $0x80000040, v17  }
0x7dc: {  	(xrf0) =	vmin.scan.msk.u32 @p2 $0xffff, v17;
	_ =	sdelay $0x1  }
0x7dd: {  	(v2sf) =	vpush v22, $0xF;
	v17, _, _ =	vpop @p0 (xrf0)  }
0x7de: {  	(v2sf) =	vpush @p1 v17, $0xF  }
0x7df: {  	v20, _, _ =	vpop @p0 (xrf0)  }
0x7e0: {  	s18 =	simm.s32 $0x20;
	(v2sf) =	vpush @p1 v20, $0xF;
	v17, _, _ =	vpop @p0 (xrf2)  }
0x7e1: {  	v20, _, _ =	vpop @p2 (xrf0);
	(v2sf) =	vpush @p1 v17, $0xF;
	v17 =	vld.idx.msk [tilespmem:v13+s18+$0x0 ss:$0x1], $0xffff  }
0x7e2: {  	(v2sf) =	vpush @p2 v20, $0xF;
	v20 =	vnsel @p0 vm2, $0x0, v21  }
0x7e3: {  	(xrf2) =	vadd.scan.msk.f32 @p1 $0xffff, v20;
	_ =	sdelay $0x2  }
0x7e4: {  	(xrf0) =	vadd.scan.msk.s32 $0xffff, v17;
	_ =	sdelay $0x5  }
0x7e5: {  	s31 =	spop (v2sf);
	v21, _, _ =	vpop (xrf0)  }
0x7e6: {  	s9 =	spop @p0 (v2sf);
	(v2sf) =	vpush v21, $0xF;
	v22, _, _ =	vpop @p0 (xrf2)  }
0x7e7: {  	(v2sf) =	vpush @p1 v22, $0xF  }
0x7e8: {  	v20 =	vld.idx.msk [tilespmem:v14+s8+$0x0 ss:$0x1], $0xffff;
	_ =	sdelay $0x4  }
0x7e9: {  	(xrf2) =	vadd.scan.msk.f32 $0xffff, v20;
	_ =	sdelay $0x1  }
0x7ea: {  	s19 =	simm.s32 $0xC0;
	s5 =	simm.s32 $0x0;
	s7 =	simm.s32 $0x0  }
0x7eb: {  	s2 =	simm.f32 $0.0e+00;
	s7 =	smov.u32 @p1 s9;
	s9 =	spop @p0 (v2sf)  }
0x7ec: {  	s8 =	sadd.f32 s31, s4;
	s5 =	smov.u32 @p1 s9;
	s9 =	spop @p0 (v2sf)  }
0x7ed: {  	s17 =	smov.u32 s10;
	s3 =	simm.s32 @p2 $0x1;
	s22 =	spop @p2 (v2sf)  }
0x7ee: {  	s20 =	sadd.f32 @p1 s9, s4;
	s4 =	simm.f32 $0.0e+00;
	s9 =	smov.u32 s8  }
.LBB2_50:
0x7ef: {  	p3 =	por p0, p0;
	p0 =	por p2, p2;
	s22 =	sxor.u32 @p2 $0x80000000, s22  }
0x7f0: {  	s31 =	smov.u32 s19;
	s19 =	sadd.s32 $0x40, s19;
	s24 =	spop (v2sf)  }
0x7f1: {  	v22 =	vmov @p2 s22;
	s2 =	smov.u32 @p1 s20;
	s10 =	sadd.s32 s10, s24;
	s20 =	spop @p3 (v2sf)  }
0x7f2: {  	p2 =	seq.s32 s3, $0x0;
	vm2 =	veq.s32 @p0 v22, v19;
	p4 =	sge.s32 s10, s6;
	v19, _, _ =	vpop (xrf2);
	s4 =	smov.u32 @p1 s20  }
0x7f3: {  	p3 =	sne.s32 s19, $0x100;
	s20 =	sshra.s32 s31, $0x2;
	v22 =	vnsel @p0 vm2, $0x0, v18;
	v20 =	vnsel @p0 vm2, $0x0, v20;
	p2 =	por !p2, !p4;
	v18 =	vnsel @p0 vm2, $0x0, v19  }
0x7f4: {  	v23 =	vnsel @p0 vm2, $0x0, v16;
	v16 =	vmovc v17;
	p1 =	por p0, p0;
	(v2sf) =	vpush v19, $0xF;
	(xrf2) =	vadd.scan.msk.f32 @p0 $0xffff, v18;
	v17 =	vld.idx.msk [tilespmem:v13+s20+$0x0 ss:$0x1], $0xffff;
	p2 =	por !p2, !p2  }
0x7f5: {  	s3 =	simm.s32 @p2 $0x1;
	v18 =	vadd.s32 @p2 s17, v21;
	v19 =	vlaneseq.u32 @p2;
	(xrf0) =	vadd.scan.msk.s32 @p1 $0xffff, v23;
	s17 =	smov.u32 s10  }
0x7f6: {  	vm2 =	vlt.s32 @p2 v18, v15;
	v21 =	vor.u32 @p2 $0x80000000, v19;
	(xrf0) =	vadd.scan.msk.s32 @p1 $0xffff, v22  }
0x7f7: {  	v21 =	vsel @p2 vm2, $0x80000040, v21;
	(xrf2) =	vadd.scan.msk.f32 @p1 $0xffff, v20;
	_ =	sdelay $0x1  }
0x7f8: {  	(xrf0) =	vmin.scan.msk.u32 @p2 $0xffff, v21  }
0x7f9: {  	(xrf0) =	vadd.scan.msk.s32 $0xffff, v17  }
0x7fa: {  	v20, _, _ =	vpop @p0 (xrf0)  }
0x7fb: {  	v21, _, _ =	vpop @p0 (xrf0);
	(v2sf) =	vpush @p1 v20, $0xF  }
0x7fc: {  	(v2sf) =	vpush @p1 v21, $0xF  }
0x7fd: {  	v20, _, _ =	vpop @p0 (xrf2)  }
0x7fe: {  	v22, _, _ =	vpop @p2 (xrf0);
	(v2sf) =	vpush @p1 v20, $0xF  }
0x7ff: {  	v21, _, _ =	vpop (xrf0);
	(v2sf) =	vpush @p2 v22, $0xF  }
0x800: {  	(v2sf) =	vpush v21, $0xF;
	v22, _, _ =	vpop @p0 (xrf2)  }
0x801: {  	v20 =	vld.idx.msk [tilespmem:v14+s18+$0x0 ss:$0x1], $0xffff;
	(v2sf) =	vpush @p1 v22, $0xF;
	s18 =	smov.u32 s20  }
0x802: {  	s20 =	spop (v2sf)  }
0x803: {  	s8 =	sadd.f32 s20, s8;
	_ =	sdelay $0x3  }
0x804: {  	(xrf2) =	vadd.scan.msk.f32 $0xffff, v20;
	_ =	sdelay $0x2  }
.Ltmp24:
0x805: {  	s20 =	spop @p0 (v2sf);
	(pc) =	sbr.rel @p3 .LBB2_50-.Ltmp24, $4  }
0x806: {  	s7 =	smov.u32 @p1 s20;
	s20 =	spop @p0 (v2sf)  }
0x807: {  	s5 =	smov.u32 @p1 s20  }
0x808: {  	s20 =	spop @p0 (v2sf)  }
0x809: {  	s22 =	spop @p2 (v2sf);
	s20 =	sadd.f32 @p1 s20, s9;
	s9 =	smov.u32 s8  }
0x80a: {  	s19 =	sxor.u32 @p2 $0x80000000, s22  }
0x80b: {  	v13 =	vmov @p2 s19;
	_ =	sdelay $0x1  }
0x80c: {  	s31 =	spop (v2sf)  }
0x80d: {  	s10 =	sadd.s32 s10, s31;
	vm2 =	veq.s32 @p2 v13, v19;
	v13, _, _ =	vpop (xrf2)  }
0x80e: {  	p3 =	seq.s32 s3, $0x0;
	p4 =	sge.s32 s10, s6;
	v19 =	vnsel @p2 vm2, $0x0, v13  }
0x80f: {  	p3 =	por !p3, !p4;
	(xrf2) =	vadd.scan.msk.f32 @p2 $0xffff, v19  }
0x810: {  	v16 =	vnsel @p2 vm2, $0x0, v16;
	p4 =	por p2, p2;
	p3 =	por !p3, !p3  }
0x811: {  	v18 =	vnsel @p2 vm2, $0x0, v18;
	(xrf0) =	vadd.scan.msk.s32 @p4 $0xffff, v16;
	v19 =	vadd.s32 @p3 s17, v21;
	v21 =	vlaneseq.u32 @p3  }
0x812: {  	(xrf0) =	vadd.scan.msk.s32 @p4 $0xffff, v18;
	vm3 =	vlt.s32 @p3 v19, v15;
	v15 =	vor.u32 @p3 $0x80000000, v21  }
0x813: {  	v15 =	vsel @p3 vm3, $0x80000040, v15  }
0x814: {  	(xrf0) =	vmin.scan.msk.u32 @p3 $0xffff, v15;
	_ =	sdelay $0x2  }
0x815: {  	(v2sf) =	vpush v13, $0xF;
	v13, _, _ =	vpop @p2 (xrf0)  }
0x816: {  	v15, _, _ =	vpop @p2 (xrf0);
	(v2sf) =	vpush @p4 v13, $0xF  }
0x817: {  	(v2sf) =	vpush @p4 v15, $0xF;
	v13, _, _ =	vpop @p2 (xrf2)  }
0x818: {  	v15, _, _ =	vpop @p3 (xrf0);
	(v2sf) =	vpush @p4 v13, $0xF  }
0x819: {  	(v2sf) =	vpush @p3 v15, $0xF;
	_ =	sdelay $0x4  }
0x81a: {  	v13 =	vld.idx.msk [tilespmem:v14+s18+$0x0 ss:$0x1], $0xffff;
	_ =	sdelay $0x2  }
0x81b: {  	v14 =	vnsel @p2 vm2, $0x0, v20  }
0x81c: {  	(xrf2) =	vadd.scan.msk.f32 @p4 $0xffff, v14  }
0x81d: {  	s3 =	spop @p0 (v2sf);
	(xrf2) =	vadd.scan.msk.f32 $0xffff, v13  }
0x81e: {  	s22 =	spop (v2sf)  }
0x81f: {  	s10 =	spop @p2 (v2sf)  }
0x820: {  	s17 =	spop @p2 (v2sf)  }
0x821: {  	s18 =	spop @p2 (v2sf)  }
0x822: {  	s19 =	spop @p3 (v2sf)  }
0x823: {  	s19 =	sxor.u32 @p3 $0x80000000, s19  }
0x824: {  	v15 =	vmov @p3 s19;
	_ =	sdelay $0x1  }
0x825: {  	v14, _, _ =	vpop @p2 (xrf2)  }
0x826: {  	vm2 =	veq.s32 @p3 v15, v21;
	v15, _, _ =	vpop (xrf2)  }
0x827: {  	v16 =	vnsel @p3 vm2, $0x0, v15  }
0x828: {  	p0 =	por p3, p3;
	v17 =	vnsel @p3 vm2, $0x0, v17;
	(xrf2) =	vadd.scan.msk.f32 @p3 $0xffff, v16  }
0x829: {  	(xrf0) =	vadd.scan.msk.s32 @p0 $0xffff, v17;
	v16 =	vnsel @p3 vm2, $0x0, v19  }
0x82a: {  	v13 =	vnsel @p3 vm2, $0x0, v13;
	(xrf0) =	vadd.scan.msk.s32 @p0 $0xffff, v16  }
0x82b: {  	(xrf2) =	vadd.scan.msk.f32 @p0 $0xffff, v13;
	_ =	sdelay $0x3  }
0x82c: {  	(v2sf) =	vpush @p4 v14, $0xF  }
0x82d: {  	(v2sf) =	vpush v15, $0xF;
	v13, _, _ =	vpop @p3 (xrf0)  }
0x82e: {  	(v2sf) =	vpush @p0 v13, $0xF;
	v14, _, _ =	vpop @p3 (xrf0)  }
0x82f: {  	(v2sf) =	vpush @p0 v14, $0xF;
	v13, _, _ =	vpop @p3 (xrf2)  }
0x830: {  	(v2sf) =	vpush @p0 v13, $0xF;
	_ =	sdelay $0x1  }
0x831: {  	v13, _, _ =	vpop @p3 (xrf2)  }
0x832: {  	(v2sf) =	vpush @p0 v13, $0xF;
	_ =	sdelay $0x7  }
0x833: {  	s24 =	simm.s32 $0x12020;
	s6 =	sadd.f32 s22, s8;
	s8 =	spop @p2 (v2sf)  }
0x834: {  	s2 =	smov.u32 @p1 s20;
	[tilespmem:s24+$0xFFFFFFF0] =	vst v0;
	s31 =	spop (v2sf)  }
0x835: {  	[tilespmem:s24+$0x0] =	vst v0;
	s7 =	smov.u32 @p4 s10;
	s9 =	sadd.f32 @p4 s18, s9;
	s10 =	spop @p3 (v2sf)  }
0x836: {  	s4 =	smov.u32 @p1 s3;
	[tilespmem:s24+$0x10] =	vst v0;
	s5 =	smov.u32 @p4 s17;
	s17 =	spop @p3 (v2sf)  }
0x837: {  	s3 =	simm.s32 $0x12420;
	[tilespmem:s24+$0xFFFFFFE0] =	vst v0;
	s2 =	smov.u32 @p4 s9;
	s9 =	spop @p3 (v2sf)  }
0x838: {  	[tilespmem:s3+$0xFFFFFFF0] =	vst v1;
	s6 =	sadd.f32 @p0 s9, s6  }
0x839: {  	[tilespmem:s3+$0x0] =	vst v1;
	s4 =	smov.u32 @p4 s8;
	s8 =	simm.s32 $0x12060  }
0x83a: {  	[tilespmem:s3+$0x10] =	vst v1;
	s7 =	smov.u32 @p0 s10;
	s2 =	smov.u32 @p0 s6;
	s6 =	spop @p3 (v2sf)  }
0x83b: {  	[tilespmem:s3+$0xFFFFFFE0] =	vst v1;
	s5 =	smov.u32 @p0 s17;
	s4 =	smov.u32 @p0 s6;
	s6 =	simm.s32 $0x0  }
.LBB2_52:
0x83c: {  	[tilespmem:s8+$0xFFFFFFF0] =	vst v0;
	s3 =	sadd.s32 $0x40, s3  }
0x83d: {  	s6 =	sadd.s32 $0x4, s6;
	[tilespmem:s3+$0xFFFFFFF0] =	vst v1  }
0x83e: {  	p0 =	slt.u32 s6, $0x3C;
	[tilespmem:s8+$0x0] =	vst v0  }
.Ltmp25:
0x83f: {  	[tilespmem:s3+$0x0] =	vst v1;
	(pc) =	sbr.rel @p0 .LBB2_52-.Ltmp25, $4  }
0x840: {  	[tilespmem:s8+$0x10] =	vst v0  }
0x841: {  	[tilespmem:s3+$0x10] =	vst v1  }
0x842: {  	[tilespmem:s8+$0xFFFFFFE0] =	vst v0  }
0x843: {  	s8 =	sadd.s32 $0x40, s8;
	[tilespmem:s3+$0xFFFFFFE0] =	vst v1  }
0x844: {  	(v2sf) =	vpush v5, $0xF  }
0x845: {  	(v2sf) =	vpush v6, $0xF  }
0x846: {  	(v2sf) =	vpush v7, $0xF  }
0x847: {  	(v2sf) =	vpush v8, $0xF  }
0x848: {  	(v2sf) =	vpush v9, $0xF  }
0x849: {  	(v2sf) =	vpush v10, $0xF  }
0x84a: {  	(v2sf) =	vpush v11, $0xF;
	_ =	sdelay $0x8  }
0x84b: {  	s3 =	spop (v2sf)  }
0x84c: {  	(v2sf) =	vpush v12, $0xF;
	s6 =	spop (v2sf)  }
0x84d: {  	s8 =	spop (v2sf)  }
0x84e: {  	s17 =	rddreg [dreg:$0x8];
	s9 =	spop (v2sf)  }
0x84f: {  	s18 =	rddreg [dreg:$0x9];
	s10 =	spop (v2sf)  }
0x850: {  	s17 =	sadd.s32 s17, s18;
	s8 =	ssub.s32 s8, s29;
	s29 =	spop (v2sf)  }
0x851: {  	s19 =	rddreg [dreg:$0xa];
	s8 =	sadd.s32 s8, s17;
	s31 =	spop (v2sf)  }
0x852: {  	s0 =	sadd.s32 s19, s0;
	s17 =	sadd.s32 s28, s8;
	s5 =	ssub.s32 s31, s5  }
0x853: {  	s3 =	ssub.f32 s3, s21;
	p0 =	sgt.s32 s17, $0xCCD;
	s0 =	sadd.s32 s5, s0  }
0x854: {  	s20 =	ssub.f32 s6, s23;
	s17 =	smov.u32 @p0 s8;
	s6 =	sadd.s32 s7, s0  }
0x855: {  	s21 =	scvt.s32.f32 s17;
	p1 =	sgt.s32 s6, $0xCCD  }
0x856: {  	s3 =	sadd.f32 s20, s3;
	s6 =	smov.u32 @p1 s0  }
0x857: {  	s24 =	ssub.f32 s10, s30;
	v5 =	vmov s21;
	s23 =	scvt.s32.f32 s6  }
0x858: {  	s1 =	ssub.f32 s29, s1;
	v5 =	vnsel vm0, $0x3F800000, v5  }
0x859: {  	s22 =	ssub.f32 s9, s25;
	v5 =	vsel vm1, s23, v5  }
0x85a: {  	s1 =	sadd.f32 s1, s24;
	(erf) = vrcp.f32 v5  }
0x85b: {  	s0 =	sadd.f32 s22, s3;
	s25 =	spop (v2sf)  }
0x85c: {  	s2 =	ssub.f32 s25, s2  }
0x85d: {  	s3 =	sadd.f32 s26, s0  }
0x85e: {  	s1 =	sadd.f32 s2, s1;
	_ =	sdelay $0x1  }
0x85f: {  	s3 =	smov.u32 @p0 s0;
	s0 =	sadd.f32 s4, s1  }
0x860: {  	v5 =	vmov s3  }
0x861: {  	v5 =	vnsel vm0, $0x0, v5;
	s0 =	smov.u32 @p1 s1  }
0x862: {  	v5 =	vsel vm1, s0, v5;
	v6 =	vpop (erf)  }
0x863: {  	v5 =	vmul.f32 v6, v5  }
0x864: {  	s28 =	simm.s32 $0x12800  }
0x865: {  	s29 =	simm.s32 $0x3;
	s7 =	simm.s32 $0x0;
	s26 =	rddreg [dreg:$0x5];
	[tilespmem:$0x12800] =	vst v5  }
0x866: {  	[hbm4b:s26+s7] =	stream.linear.scatter [tilespmem:s28], [sflag:$0x3], $0x80, $0x38;
	[tilespmem:$0x12880] =	vst v63  }
0x867: {  	_ =	swait.ge [sflag:s29], $0x80  }
0x868: {  	s30 =	rddreg [dreg:$0x7]  }
0x869: {  	s31 =	rddreg [dreg:$0x6];
	s2 =	sadd.s32 $0x1, s30  }
0x86a: {  	p0 =	sne.s32 s2, s31  }
.Ltmp26:
0x86b: {  	_ = 	snop;
	(pc) =	sbr.rel @p0 .LBB2_1-.Ltmp26, $3  }
0x86c: {  	_ =	sdelay $0x1  }
0x86d: {  	[sflag:s29] =	ssyncset.done $0x0  }
0x86e: {  	[sflag:s29] =	ssyncadd.s32 $0xFFFFFF80  }
0x86f: {  	_ =	sfence.sel $0x180000  }
0x870: {  	[bflag:$0x0] =	sbarrier.arrive $0xFFFF  }
0x871: {  	_ =	strace $0x90000047  }
0x872: {  	s0 =	stileid.u32;
	[bflag:$0x2] =	sbarrier.arrive $0xFFFF  }
0x873: {  	p0 =	sne.s32 s0, $0x0;
	s0 =	rddreg [dreg:$0x2]  }
0x874: {  	s0 =	sadd.s32 @!p0 $0x100000, s0  }
0x875: {  	[sflag:s0] =	ssyncadd.tile.s32 @!p0 $0x1;
	_ =	shalt  }
.Lfunc_end2:
_tile_overlayer_lowered:
.L_overlay_start_2:
0x876: {  	(tag) =	ssettag $0x2  }
0x877: {  	s0 =	rddreg [dreg:$0x0];
	s2 =	stileid.u32  }
0x878: {  	s1 =	rddreg [dreg:$0x1];
	p0 =	sne.s32 s2, $0x0  }
0x879: {  	s3 =	rddreg [dreg:$0x2];
	[bflag:$0x3] =	sbarrier.arrive $0xFFFF;
	s2 =	simm.s32 @!p0 $0x1C03  }
0x87a: {  	[timem:s3], [sflag:s2] =	dma.local @!p0 [hbm:s0], s1  }
0x87b: {  	s0 =	simm.s32 @!p0 $0x3  }
0x87c: {  	_ =	swait.ge @!p0 [sflag:s0], s1  }
0x87d: {  	s1 =	ssub.s32 @!p0 $0x0, s1;
	[sflag:s0] =	ssyncset.done @!p0 $0x0  }
0x87e: {  	[sflag:s0] =	ssyncadd.s32 @!p0 s1  }
0x87f: {  	[bflag:$0x3] =	sbarrier.arrive $0xFFFF  }
0x880: {  	_ =	shalt  }

</sc_bundles>
